<compile_context>
chip_gen: v7x
topology: tpu7x:2x2x1
jax: 0.10.2.dev20260603
libtpu: 0.0.44.dev20260713+nightly
codegen_flags: <defaults>
</compile_context>

<pallas_src>
import functools
import jax
import jax.numpy as jnp
from jax import lax
from jax.experimental import pallas as pl
from jax.experimental.pallas import tpu as pltpu
from jax.experimental.pallas import tpu_sc as plsc

B = 4
N0 = 4096
N1 = 2048
N2 = 1024
C = 128
K = 16


def _z_body(f_ref, p_ref, w10f_ref, w1p_ref, z_ref):
    z_ref[0] = (jnp.dot(f_ref[0], w10f_ref[...], preferred_element_type=jnp.float32, precision=lax.Precision.HIGHEST)
                + jnp.dot(p_ref[0], w1p_ref[...], preferred_element_type=jnp.float32, precision=lax.Precision.HIGHEST))


def _call_z(feat, pos8, w10f, w1p8):
    return pl.pallas_call(
        _z_body,
        grid=(B, N0 // 512),
        in_specs=[
            pl.BlockSpec((1, 512, C), lambda b, j: (b, j, 0)),
            pl.BlockSpec((1, 512, 8), lambda b, j: (b, j, 0)),
            pl.BlockSpec((C, C), lambda b, j: (0, 0)),
            pl.BlockSpec((8, C), lambda b, j: (0, 0)),
        ],
        out_specs=pl.BlockSpec((1, 512, C), lambda b, j: (b, j, 0)),
        out_shape=jax.ShapeDtypeStruct((B, N0, C), jnp.float32),
    )(feat, pos8, w10f, w1p8)


def _d_body(ctr_ref, candT_ref, d_ref):
    p = ctr_ref[0]
    nT = candT_ref[0]
    d = jnp.zeros(d_ref.shape[1:], jnp.float32)
    for c in range(3):
        diff = p[:, c:c + 1] - nT[c:c + 1, :]
        d = d + diff * diff
    d_ref[0] = d


def _call_d(ctr8, candT8, nctr, ncand):
    return pl.pallas_call(
        _d_body,
        grid=(B, nctr // 512),
        in_specs=[
            pl.BlockSpec((1, 512, 8), lambda b, j: (b, j, 0)),
            pl.BlockSpec((1, 8, ncand), lambda b, j: (b, 0, 0)),
        ],
        out_specs=pl.BlockSpec((1, 512, ncand), lambda b, j: (b, j, 0)),
        out_shape=jax.ShapeDtypeStruct((B, nctr, ncand), jnp.float32),
    )(ctr8, candT8)


def _p_body(pos8_ref, feat1_ref, wres1_ref, bres1_ref, w1p_ref,
            b10_ref, w2p_ref, b20_ref, c1_ref, res1_ref, np2_ref, c2_ref):
    jb = pl.program_id(1)
    p = pos8_ref[0]
    c1_ref[0] = b10_ref[...] - jnp.dot(p, w1p_ref[...], preferred_element_type=jnp.float32, precision=lax.Precision.HIGHEST)
    res1_ref[0] = jnp.dot(feat1_ref[0], wres1_ref[...], preferred_element_type=jnp.float32, precision=lax.Precision.HIGHEST) + bres1_ref[...]
    np2 = jnp.dot(p, w2p_ref[...], preferred_element_type=jnp.float32, precision=lax.Precision.HIGHEST)
    np2_ref[0] = np2

    @pl.when(jb == 0)
    def _():
        c2_ref[0] = b20_ref[...] - np2


def _call_p(pos2_8, feat1, wres1, bres1, w1p8, b10, w2p8, b20):
    return pl.pallas_call(
        _p_body,
        grid=(B, 2),
        in_specs=[
            pl.BlockSpec((1, 1024, 8), lambda b, j: (b, j, 0)),
            pl.BlockSpec((1, 1024, C), lambda b, j: (b, j, 0)),
            pl.BlockSpec((C, C), lambda b, j: (0, 0)),
            pl.BlockSpec((1, C), lambda b, j: (0, 0)),
            pl.BlockSpec((8, C), lambda b, j: (0, 0)),
            pl.BlockSpec((1, C), lambda b, j: (0, 0)),
            pl.BlockSpec((8, C), lambda b, j: (0, 0)),
            pl.BlockSpec((1, C), lambda b, j: (0, 0)),
        ],
        out_specs=[
            pl.BlockSpec((1, 1024, C), lambda b, j: (b, j, 0)),
            pl.BlockSpec((1, 1024, C), lambda b, j: (b, j, 0)),
            pl.BlockSpec((1, 1024, C), lambda b, j: (b, j, 0)),
            pl.BlockSpec((1, 1024, C), lambda b, j: (b, 0, 0)),
        ],
        out_shape=[
            jax.ShapeDtypeStruct((B, N1, C), jnp.float32),
            jax.ShapeDtypeStruct((B, N1, C), jnp.float32),
            jax.ShapeDtypeStruct((B, N1, C), jnp.float32),
            jax.ShapeDtypeStruct((B, N2, C), jnp.float32),
        ],
    )(pos2_8, feat1, wres1, bres1, w1p8, b10, w2p8, b20)


def _mlp_body(g_ref, c_ref, w_ref, b_ref, lng_ref, lnb_ref, out_ref):
    cb = c_ref[0]
    w = w_ref[...]
    bb = b_ref[...]
    acc = jnp.zeros(out_ref.shape[1:], jnp.float32)
    for k in range(K):
        hk = jnp.maximum(g_ref[0][:, k * C:(k + 1) * C] + cb, 0.0)
        acc = jnp.maximum(acc, jnp.maximum(jnp.dot(hk, w, preferred_element_type=jnp.float32, precision=lax.Precision.HIGHEST) + bb, 0.0))
    mu = jnp.mean(acc, axis=1, keepdims=True)
    xc = acc - mu
    var = jnp.mean(xc * xc, axis=1, keepdims=True)
    ln = xc * lax.rsqrt(var + 1e-5) * lng_ref[...] + lnb_ref[...]
    out_ref[0] = ln * jax.nn.sigmoid(ln)


def _call_mlp(g, c, w, b, lng, lnb, n_rows, blk):
    return pl.pallas_call(
        _mlp_body,
        grid=(B, n_rows // blk),
        in_specs=[
            pl.BlockSpec((1, blk, K * C), lambda b_, i: (b_, i, 0)),
            pl.BlockSpec((1, blk, C), lambda b_, i: (b_, i, 0)),
            pl.BlockSpec((C, C), lambda b_, i: (0, 0)),
            pl.BlockSpec((1, C), lambda b_, i: (0, 0)),
            pl.BlockSpec((1, C), lambda b_, i: (0, 0)),
            pl.BlockSpec((1, C), lambda b_, i: (0, 0)),
        ],
        out_specs=pl.BlockSpec((1, blk, C), lambda b_, i: (b_, i, 0)),
        out_shape=jax.ShapeDtypeStruct((B, n_rows, C), jnp.float32),
    )(g, c, w, b, lng, lnb)


def _b2_body(och_ref, np2_ref, w2f_ref, wres2_ref, bres2_ref, res1_ref,
             z2_ref, res2_ref):
    och = och_ref[0]
    z2_ref[0] = jnp.dot(och, w2f_ref[...], preferred_element_type=jnp.float32, precision=lax.Precision.HIGHEST) + np2_ref[0]
    res2_ref[0] = (jnp.dot(och[:N2], wres2_ref[...], preferred_element_type=jnp.float32, precision=lax.Precision.HIGHEST)
                   + bres2_ref[...] + res1_ref[0])


def _call_b2(och, np2, w2f, wres2, bres2, res1):
    return pl.pallas_call(
        _b2_body,
        grid=(B,),
        in_specs=[
            pl.BlockSpec((1, N1, C), lambda b: (b, 0, 0)),
            pl.BlockSpec((1, N1, C), lambda b: (b, 0, 0)),
            pl.BlockSpec((C, C), lambda b: (0, 0)),
            pl.BlockSpec((C, C), lambda b: (0, 0)),
            pl.BlockSpec((1, C), lambda b: (0, 0)),
            pl.BlockSpec((1, N2, C), lambda b: (b, 0, 0)),
        ],
        out_specs=[
            pl.BlockSpec((1, N1, C), lambda b: (b, 0, 0)),
            pl.BlockSpec((1, N2, C), lambda b: (b, 0, 0)),
        ],
        out_shape=[
            jax.ShapeDtypeStruct((B, N1, C), jnp.float32),
            jax.ShapeDtypeStruct((B, N2, C), jnp.float32),
        ],
    )(och, np2, w2f, wres2, bres2, res1)


def _c_body(g_ref, c_ref, w_ref, b_ref, lng_ref, lnb_ref, res2_ref, out_ref):
    cb = c_ref[0]
    w = w_ref[...]
    bb = b_ref[...]
    acc = jnp.zeros(out_ref.shape[1:], jnp.float32)
    for k in range(K):
        hk = jnp.maximum(g_ref[0][:, k * C:(k + 1) * C] + cb, 0.0)
        acc = jnp.maximum(acc, jnp.maximum(jnp.dot(hk, w, preferred_element_type=jnp.float32, precision=lax.Precision.HIGHEST) + bb, 0.0))
    mu = jnp.mean(acc, axis=1, keepdims=True)
    xc = acc - mu
    var = jnp.mean(xc * xc, axis=1, keepdims=True)
    ln = xc * lax.rsqrt(var + 1e-5) * lng_ref[...] + lnb_ref[...]
    out_ref[0] = ln * jax.nn.sigmoid(ln) + res2_ref[0]


def _call_c(g2, c2, w21, b21, lng, lnb, res2):
    return pl.pallas_call(
        _c_body,
        grid=(B, 2),
        in_specs=[
            pl.BlockSpec((1, 512, K * C), lambda b_, i: (b_, i, 0)),
            pl.BlockSpec((1, 512, C), lambda b_, i: (b_, i, 0)),
            pl.BlockSpec((C, C), lambda b_, i: (0, 0)),
            pl.BlockSpec((1, C), lambda b_, i: (0, 0)),
            pl.BlockSpec((1, C), lambda b_, i: (0, 0)),
            pl.BlockSpec((1, C), lambda b_, i: (0, 0)),
            pl.BlockSpec((1, 512, C), lambda b_, i: (b_, i, 0)),
        ],
        out_specs=pl.BlockSpec((1, 512, C), lambda b_, i: (b_, i, 0)),
        out_shape=jax.ShapeDtypeStruct((B, N2, C), jnp.float32),
    )(g2, c2, w21, b21, lng, lnb, res2)


_SC_MESH = lambda: plsc.VectorSubcoreMesh(core_axis_name="c", subcore_axis_name="s")
_NW = 32
_GCH = 128


def _sc_gather(table, idx):
    M = idx.shape[0]
    m_per_w = M // _NW
    nch = m_per_w // _GCH

    @functools.partial(
        pl.kernel,
        mesh=_SC_MESH(),
        out_type=jax.ShapeDtypeStruct((M, C), jnp.float32),
        scratch_types=[
            pltpu.VMEM((_GCH,), jnp.int32),
            pltpu.VMEM((_GCH, C), jnp.float32),
            pltpu.SemaphoreType.DMA,
        ],
    )
    def k(table_hbm, idx_hbm, out_hbm, idx_v, rows_v, sem):
        wid = lax.axis_index("s") * 2 + lax.axis_index("c")
        base = wid * m_per_w

        def chunk(i, carry):
            off = base + i * _GCH
            pltpu.sync_copy(idx_hbm.at[pl.ds(off, _GCH)], idx_v)
            pltpu.async_copy(table_hbm.at[idx_v], rows_v, sem).wait()
            pltpu.sync_copy(rows_v, out_hbm.at[pl.ds(off, _GCH)])
            return carry

        lax.fori_loop(0, nch, chunk, 0)

    return k(table, idx)


_CAP = 512


def _sc_topk(d, nctr, ncand):
    rpg = 8
    gpb = nctr // rpg
    groups = B * gpb
    gpw = groups // _NW
    gshift = {256: 8, 128: 7}[gpb]

    @functools.partial(
        pl.kernel,
        mesh=_SC_MESH(),
        compiler_params=pltpu.CompilerParams(needs_layout_passes=False),
        out_type=jax.ShapeDtypeStruct((B * nctr, K), jnp.int32),
        scratch_types=[
            pltpu.VMEM((2, rpg, ncand), jnp.float32),
            pltpu.VMEM((ncand + 16,), jnp.int32),
            pltpu.VMEM((rpg, K), jnp.int32),
            pltpu.SemaphoreType.DMA,
        ],
    )
    def k(d_hbm, out_hbm, dbuf2, ibuf, obuf, sem):
        wid = lax.axis_index("s") * 2 + lax.axis_index("c")
        lane = lax.iota(jnp.int32, 16)
        inf_v = jnp.full((16,), jnp.inf, jnp.float32)
        zero_i = jnp.zeros((16,), jnp.int32)

        def dma(gi, par):
            g = wid * gpw + gi
            b = lax.shift_right_logical(g, gshift)
            i0 = jnp.bitwise_and(g, gpb - 1) * rpg
            return pltpu.make_async_copy(
                d_hbm.at[b, pl.ds(i0, rpg), :], dbuf2.at[par], sem)

        dma(0, 0).start()

        def group_body(gi, carry):
            g = wid * gpw + gi
            b = lax.shift_right_logical(g, gshift)
            par = jnp.bitwise_and(gi, 1)
            dma(gi, par).wait()

            @pl.when(gi + 1 < gpw)
            def _():
                dma(gi + 1, 1 - par).start()

            dbuf = dbuf2.at[par]
            joff = b * ncand

            def center_body(l, carry2):
                def min_body(i, ms):
                    m0, m1 = ms
                    for u in range(2):
                        m0 = jnp.minimum(m0, dbuf[l, pl.ds((i * 2 + u) * 32, 16)])
                        m1 = jnp.minimum(m1, dbuf[l, pl.ds((i * 2 + u) * 32 + 16, 16)])
                    return (m0, m1)

                m0, m1 = lax.fori_loop(0, ncand // 64, min_body, (inf_v, inf_v))
                sm0 = lax.sort(m0)
                sm1 = lax.sort(m1)
                t = jnp.max(jnp.minimum(sm0, lax.rev(sm1, (0,))))

                def scan_body(i, fill):
                    f = fill
                    for u in range(8):
                        jj = i * 8 + u
                        v = dbuf[l, pl.ds(jj * 16, 16)]
                        msk = v <= t
                        iv = lane + (jj * 16 + joff)
                        plsc.store_compressed(ibuf.at[pl.ds(f, 16)], iv, mask=msk)
                        pc = plsc.all_reduce_population_count(msk)
                        f = f + pc[0]
                    return f

                fill = lax.fori_loop(0, ncand // 128, scan_body, jnp.int32(0))

                nch = lax.shift_right_logical(jnp.minimum(fill, _CAP) + 15, 4)
                par_s = zero_i + par
                l_s = zero_i + l

                def ch_body(cc, bvbi):
                    bv, bi = bvbi
                    ci = ibuf[pl.ds(cc * 16, 16)]
                    jl = jnp.bitwise_and(ci - joff, ncand - 1)
                    valid = (cc * 16 + lane) < fill
                    cv = plsc.load_gather(dbuf2, [par_s, l_s, jl], mask=valid)
                    cv = jnp.where(valid, cv, jnp.inf)
                    cvs, cis = plsc.sort_key_val(cv, ci)
                    bvr = lax.rev(bv, (0,))
                    bir = lax.rev(bi, (0,))
                    take = cvs <= bvr
                    nv = jnp.where(take, cvs, bvr)
                    ni = jnp.where(take, cis, bir)
                    r = plsc.sort_key_val(nv, ni)
                    return (r[0], r[1])

                bv, bi = lax.fori_loop(0, nch, ch_body, (inf_v, zero_i))
                obuf[l] = bi
                return carry2

            lax.fori_loop(0, rpg, center_body, 0)
            pltpu.sync_copy(obuf, out_hbm.at[pl.ds(g * rpg, rpg)])
            return carry

        lax.fori_loop(0, gpw, group_body, 0)

    return k(d)


def kernel(position_matrix, channel_matrix, n_select_0, n_select_1, n_select_2, W1_0, b1_0, W1_1, b1_1, Wres1, bres1, ln1_g, ln1_b, W2_0, b2_0, W2_1, b2_1, Wres2, bres2, ln2_g, ln2_b):
    pos = position_matrix
    feat = channel_matrix

    pos8 = jnp.pad(pos, ((0, 0), (0, 0), (0, 5)))
    pos8T = jnp.transpose(pos8, (0, 2, 1))
    pos2_8 = pos8[:, :N1]
    pos2_8T = pos8T[:, :, :N1]
    npos2_8 = pos8[:, :N2]
    w1p8 = jnp.pad(W1_0[C:], ((0, 5), (0, 0)))
    w2p8 = jnp.pad(W2_0[C:], ((0, 5), (0, 0)))
    w2f = W2_0[:C]
    r1 = lambda v: v.reshape(1, C)
    feat1 = feat[:, :N1]

    z1 = _call_z(feat, pos8, W1_0[:C], w1p8)
    d1 = _call_d(pos2_8, pos8T, N1, N0)
    d2 = _call_d(npos2_8, pos2_8T, N2, N1)
    c1, res1, np2, c2 = _call_p(
        pos2_8, feat1, Wres1, r1(bres1), w1p8, r1(b1_0), w2p8, r1(b2_0))

    idx1 = _sc_topk(d1, N1, N0).reshape(-1)
    g1 = _sc_gather(z1.reshape(B * N0, C), idx1).reshape(B, N1, K * C)

    och = _call_mlp(g1, c1, W1_1, r1(b1_1), r1(ln1_g), r1(ln1_b), N1, 512)

    z2, res2 = _call_b2(och, np2, w2f, Wres2, r1(bres2), res1)

    idx2 = _sc_topk(d2, N2, N1).reshape(-1)
    g2 = _sc_gather(z2.reshape(B * N1, C), idx2).reshape(B, N2, K * C)

    out_ch = _call_c(g2, c2, W2_1, r1(b2_1), r1(ln2_g), r1(ln2_b), res2)
    return (pos[:, :N2], out_ch)

# --- scband reference (transcript-rebuilt; emitter-appended) ---
"""Pipeline reference for scband-resnet-block-8512625180760 (READ-ONLY COPY).

The authoritative reference and input builder live on the scoring server;
editing this copy changes nothing except your own understanding.
"""

import jax, jax.numpy as jnp
import numpy as np

B = 4
N_PTS = 4096
C_IN = 128
C_OUT = 128
K = 16

def _he(k, shape):
    return jax.random.normal(k, shape, dtype=jnp.float32) * jnp.sqrt(2.0 / shape[0])

def setup_inputs(seed: int = 0):
    key = jax.random.key(seed)
    ks = jax.random.split(key, 10)
    inp = {}
    inp['position_matrix'] = jax.random.normal(ks[0], (B, N_PTS, 3), dtype=jnp.float32)
    inp['channel_matrix'] = jax.random.normal(ks[1], (B, N_PTS, C_IN), dtype=jnp.float32)
    inp['n_select_0'] = 4096
    inp['n_select_1'] = 2048
    inp['n_select_2'] = 1024
    inp['W1_0'] = _he(ks[2], (C_IN + 3, C_OUT))
    inp['b1_0'] = jnp.full((C_OUT,), 0.01, dtype=jnp.float32)
    inp['W1_1'] = _he(ks[3], (C_OUT, C_OUT))
    inp['b1_1'] = jnp.full((C_OUT,), 0.01, dtype=jnp.float32)
    inp['Wres1'] = _he(ks[4], (C_IN, C_OUT))
    inp['bres1'] = jnp.full((C_OUT,), 0.01, dtype=jnp.float32)
    inp['ln1_g'] = jnp.ones((C_OUT,), dtype=jnp.float32)
    inp['ln1_b'] = jnp.full((C_OUT,), 0.01, dtype=jnp.float32)
    inp['W2_0'] = _he(ks[5], (C_OUT + 3, C_OUT))
    inp['b2_0'] = jnp.full((C_OUT,), 0.01, dtype=jnp.float32)
    inp['W2_1'] = _he(ks[6], (C_OUT, C_OUT))
    inp['b2_1'] = jnp.full((C_OUT,), 0.01, dtype=jnp.float32)
    inp['Wres2'] = _he(ks[7], (C_OUT, C_OUT))
    inp['bres2'] = jnp.full((C_OUT,), 0.01, dtype=jnp.float32)
    inp['ln2_g'] = jnp.ones((C_OUT,), dtype=jnp.float32)
    inp['ln2_b'] = jnp.full((C_OUT,), 0.01, dtype=jnp.float32)
    return inp

def _dcconv3d(pos, feat, n_out, n_out_static, Ws, bs, Wres, bres, res_in):
    # Distance-contained conv: select n_out centroids, KNN-gather K neighbors,
    # relative-position-augmented MLP over neighborhoods, max-pool over K.
    Bn = pos.shape[0]
    start = n_out - n_out_static
    new_pos = jax.lax.dynamic_slice_in_dim(pos, start, n_out_static, axis=1)
    d = jnp.sum((new_pos[:, :, None, :] - pos[:, None, :, :]) ** 2, axis=-1)
    _, idx = jax.lax.top_k(-d, K)
    bidx = jnp.arange(Bn)[:, None, None]
    grouped_feat = feat[bidx, idx]
    grouped_pos = pos[bidx, idx]
    rel = grouped_pos - new_pos[:, :, None, :]
    x = jnp.concatenate([grouped_feat, rel], axis=-1)
    for W, b in zip(Ws, bs):
        x = jax.nn.relu(x @ W + b)
    out = jnp.max(x, axis=2)
    res = jax.lax.dynamic_slice_in_dim(feat, start, n_out_static, axis=1) @ Wres + bres
    if res_in is not None:
        res = res + jax.lax.dynamic_slice_in_dim(res_in, start, n_out_static, axis=1)
    return new_pos, out, res

def _layernorm(x, g, b):
    mu = jnp.mean(x, axis=-1, keepdims=True)
    var = jnp.var(x, axis=-1, keepdims=True)
    return (x - mu) / jnp.sqrt(var + 1e-5) * g + b

def reference(position_matrix, channel_matrix, n_select_0, n_select_1, n_select_2, W1_0, b1_0, W1_1, b1_1, Wres1, bres1, ln1_g, ln1_b, W2_0, b2_0, W2_1, b2_1, Wres2, bres2, ln2_g, ln2_b):
    n0_static = position_matrix.shape[1]
    n1_static = n0_static // 2
    n2_static = n0_static // 4
    pos = jax.lax.dynamic_slice_in_dim(position_matrix, n_select_0 - n0_static, n0_static, axis=1)
    feat = jax.lax.dynamic_slice_in_dim(channel_matrix, n_select_0 - n0_static, n0_static, axis=1)
    out_pos, out_ch, res_ch = _dcconv3d(pos, feat, n_select_1, n1_static, (W1_0, W1_1), (b1_0, b1_1), Wres1, bres1, None)
    out_ch = _layernorm(out_ch, ln1_g, ln1_b)
    out_ch = jax.nn.silu(out_ch)
    # dropout(0.1) is identity in eval mode
    out_pos, out_ch, res_ch = _dcconv3d(out_pos, out_ch, n_select_2, n2_static, (W2_0, W2_1), (b2_0, b2_1), Wres2, bres2, res_ch)
    out_ch = _layernorm(out_ch, ln2_g, ln2_b)
    out_ch = jax.nn.silu(out_ch)
    # dropout(0.2) is identity in eval mode
    out_ch = out_ch + res_ch
    return (out_pos, out_ch)

if __name__ == "__main__":
    import jax
    _d = setup_inputs()
    print(jax.jit(kernel)(*tuple(_d.values())))

</pallas_src>

<mosaic_0001>
#map = affine_map<(d0, d1) -> (0, 0)>
#map1 = affine_map<(d0, d1) -> (0)>
module attributes {stable_mosaic.version = 14 : i64} {
  func.func @k(%arg0: i32, %arg1: i32, %arg2: memref<8192x128xf32, #tpu.memory_space<hbm>>, %arg3: memref<65536xi32, #tpu.memory_space<hbm>>, %arg4: memref<65536x128xf32, #tpu.memory_space<hbm>>, %arg5: memref<128xi32, #tpu.memory_space<vmem>>, %arg6: memref<128x128xf32, #tpu.memory_space<vmem>>, %arg7: memref<!tpu.dma_semaphore, #tpu.memory_space<semaphore_mem>>) attributes {dimension_semantics = [#tpu.dimension_semantics<core_parallel>, #tpu.dimension_semantics<subcore_parallel>], iteration_bounds = array<i64: 2, 16>, scalar_prefetch = 0 : i64, scratch_operands = 3 : i64, tpu.core_type = #tpu.core_type<sc_vector_subcore>, window_params = [{transform_indices = #map}, {transform_indices = #map1}, {transform_indices = #map}]} {
    %mul3A = arith.constant 2 : i32
    %mul3A_0 = arith.muli %arg1, %mul3A : i32
    %add3A = arith.addi %mul3A_0, %arg0 : i32
    %mul3A_1 = arith.constant 2048 : i32
    %mul3A_2 = arith.muli %add3A, %mul3A_1 : i32
    %scan3A = arith.constant 0 : i32
    %scan3A_3 = arith.constant 0 : i32
    %scan3A_4 = arith.constant 16 : i32
    %scan3A_5 = arith.addi %scan3A_3, %scan3A_4 : i32
    %scan3A_6 = arith.constant 1 : i32
    scf.for %scan3A_8 = %scan3A_3 to %scan3A_5 step %scan3A_6  : i32 {
      %mul3A_9 = arith.constant 128 : i32
      %mul3A_10 = arith.muli %scan3A_8, %mul3A_9 : i32
      %add3A_11 = arith.addi %mul3A_2, %mul3A_10 : i32
      "tpu.region"() ({
        %run_scoped3A = tpu.sem_alloc : memref<!tpu.dma_semaphore, #tpu.memory_space<semaphore_mem>>
        %dma_start3A_16 = tpu.memref_slice %arg3[%add3A_11] : memref<65536xi32, #tpu.memory_space<hbm>> -> memref<128xi32, #tpu.memory_space<hbm>>
        %dma_start3A_17 = tpu.memref_slice %arg3[%add3A_11] : memref<65536xi32, #tpu.memory_space<hbm>> -> memref<128xi32, #tpu.memory_space<hbm>>
        tpu.enqueue_dma source(%dma_start3A_17 : memref<128xi32, #tpu.memory_space<hbm>>) target(%arg5 : memref<128xi32, #tpu.memory_space<vmem>>) target_semaphore(%run_scoped3A : memref<!tpu.dma_semaphore, #tpu.memory_space<semaphore_mem>>)
        %dma_wait3A_18 = tpu.memref_slice %arg3[%add3A_11] : memref<65536xi32, #tpu.memory_space<hbm>> -> memref<128xi32, #tpu.memory_space<hbm>>
        %dma_wait3A_19 = tpu.memref_slice %arg3[%add3A_11] : memref<65536xi32, #tpu.memory_space<hbm>> -> memref<128xi32, #tpu.memory_space<hbm>>
        tpu.wait_dma2 semaphore(%run_scoped3A : memref<!tpu.dma_semaphore, #tpu.memory_space<semaphore_mem>>) src(%dma_wait3A_19 : memref<128xi32, #tpu.memory_space<hbm>>) dst(%arg5 : memref<128xi32, #tpu.memory_space<vmem>>)
        tpu.yield
      }) : () -> ()
      %dma_start3A = arith.constant 0 : i32
      %dma_start3A_12 = arith.constant 0 : i32
      %dma_start3A_13 = tpu.memref_slice %arg2[%dma_start3A, %dma_start3A_12] : memref<8192x128xf32, #tpu.memory_space<hbm>> -> memref<8192x128xf32, #tpu.memory_space<hbm>>
      tpu.enqueue_indirect_dma source(%dma_start3A_13 : memref<8192x128xf32, #tpu.memory_space<hbm>>) target(%arg6 : memref<128x128xf32, #tpu.memory_space<vmem>>) offsets(%arg5 : memref<128xi32, #tpu.memory_space<vmem>>) semaphore(%arg7 : memref<!tpu.dma_semaphore, #tpu.memory_space<semaphore_mem>>)
      %dma_wait3A = arith.constant 0 : i32
      %dma_wait3A_14 = arith.constant 0 : i32
      %dma_wait3A_15 = tpu.memref_slice %arg2[%dma_wait3A, %dma_wait3A_14] : memref<8192x128xf32, #tpu.memory_space<hbm>> -> memref<8192x128xf32, #tpu.memory_space<hbm>>
      tpu.wait_indirect_dma semaphore(%arg7 : memref<!tpu.dma_semaphore, #tpu.memory_space<semaphore_mem>>) src(%dma_wait3A_15 : memref<8192x128xf32, #tpu.memory_space<hbm>>) dst(%arg6 : memref<128x128xf32, #tpu.memory_space<vmem>>)
      "tpu.region"() ({
        %run_scoped3A = tpu.sem_alloc : memref<!tpu.dma_semaphore, #tpu.memory_space<semaphore_mem>>
        %dma_start3A_16 = arith.constant 0 : i32
        %dma_start3A_17 = tpu.memref_slice %arg4[%add3A_11, %dma_start3A_16] : memref<65536x128xf32, #tpu.memory_space<hbm>> -> memref<128x128xf32, #tpu.memory_space<hbm>>
        %dma_start3A_18 = arith.constant 0 : i32
        %dma_start3A_19 = tpu.memref_slice %arg4[%add3A_11, %dma_start3A_18] : memref<65536x128xf32, #tpu.memory_space<hbm>> -> memref<128x128xf32, #tpu.memory_space<hbm>>
        tpu.enqueue_dma source(%arg6 : memref<128x128xf32, #tpu.memory_space<vmem>>) target(%dma_start3A_19 : memref<128x128xf32, #tpu.memory_space<hbm>>) target_semaphore(%run_scoped3A : memref<!tpu.dma_semaphore, #tpu.memory_space<semaphore_mem>>)
        %dma_wait3A_20 = arith.constant 0 : i32
        %dma_wait3A_21 = tpu.memref_slice %arg4[%add3A_11, %dma_wait3A_20] : memref<65536x128xf32, #tpu.memory_space<hbm>> -> memref<128x128xf32, #tpu.memory_space<hbm>>
        %dma_wait3A_22 = arith.constant 0 : i32
        %dma_wait3A_23 = tpu.memref_slice %arg4[%add3A_11, %dma_wait3A_22] : memref<65536x128xf32, #tpu.memory_space<hbm>> -> memref<128x128xf32, #tpu.memory_space<hbm>>
        tpu.wait_dma2 semaphore(%run_scoped3A : memref<!tpu.dma_semaphore, #tpu.memory_space<semaphore_mem>>) src(%arg6 : memref<128x128xf32, #tpu.memory_space<vmem>>) dst(%dma_wait3A_23 : memref<128x128xf32, #tpu.memory_space<hbm>>)
        tpu.yield
      }) : () -> ()
    }
    %scan3A_7 = arith.constant 16 : i32
    return
  }
}

#map = affine_map<(d0, d1) -> (0, 0, 0)>
#map1 = affine_map<(d0, d1) -> (0, 0)>
module attributes {stable_mosaic.version = 14 : i64} {
  func.func @k(%arg0: i32, %arg1: i32, %arg2: memref<4x2048x4096xf32, #tpu.memory_space<hbm>>, %arg3: memref<8192x16xi32, #tpu.memory_space<hbm>>, %arg4: memref<2x8x4096xf32, #tpu.memory_space<vmem>>, %arg5: memref<4112xi32, #tpu.memory_space<vmem>>, %arg6: memref<8x16xi32, #tpu.memory_space<vmem>>, %arg7: memref<!tpu.dma_semaphore, #tpu.memory_space<semaphore_mem>>) attributes {dimension_semantics = [#tpu.dimension_semantics<core_parallel>, #tpu.dimension_semantics<subcore_parallel>], iteration_bounds = array<i64: 2, 16>, scalar_prefetch = 0 : i64, scratch_operands = 4 : i64, tpu.core_type = #tpu.core_type<sc_vector_subcore>, window_params = [{transform_indices = #map}, {transform_indices = #map1}]} {
    %mul3A = arith.constant 2 : i32
    %mul3A_0 = arith.muli %arg1, %mul3A : i32
    %add3A = arith.addi %mul3A_0, %arg0 : i32
    %iota3A = tpu.iota {dimensions = array<i32: 0>} : vector<16xi32>
    %broadcast_in_dim3A = arith.constant 0x7F800000 : f32
    %broadcast_in_dim3A_1 = vector.broadcast %broadcast_in_dim3A : f32 to vector<16xf32>
    %broadcast_in_dim3A_2 = arith.constant 0 : i32
    %broadcast_in_dim3A_3 = vector.broadcast %broadcast_in_dim3A_2 : i32 to vector<16xi32>
    %mul3A_4 = arith.constant 32 : i32
    %mul3A_5 = arith.muli %add3A, %mul3A_4 : i32
    %add3A_6 = arith.constant 0 : i32
    %add3A_7 = arith.addi %mul3A_5, %add3A_6 : i32
    %shift_right_logical3A = arith.constant 8 : i32
    %shift_right_logical3A_8 = arith.shrui %add3A_7, %shift_right_logical3A : i32
    %and3A = arith.constant 255 : i32
    %and3A_9 = arith.andi %add3A_7, %and3A : i32
    %mul3A_10 = arith.constant 8 : i32
    %mul3A_11 = arith.muli %and3A_9, %mul3A_10 : i32
    %dma_start3A = arith.constant 0 : i32
    %dma_start3A_12 = arith.constant 0 : i32
    %dma_start3A_13 = arith.constant 0 : i32
    %dma_start3A_14 = tpu.memref_slice %arg4[%dma_start3A, %dma_start3A_12, %dma_start3A_13] : memref<2x8x4096xf32, #tpu.memory_space<vmem>> -> memref<1x8x4096xf32, #tpu.memory_space<vmem>>
    %dma_start3A_15 = tpu.memref_squeeze %dma_start3A_14 : memref<1x8x4096xf32, #tpu.memory_space<vmem>> -> memref<8x4096xf32, #tpu.memory_space<vmem>>
    %dma_start3A_16 = arith.constant 0 : i32
    %dma_start3A_17 = tpu.memref_slice %arg2[%shift_right_logical3A_8, %mul3A_11, %dma_start3A_16] : memref<4x2048x4096xf32, #tpu.memory_space<hbm>> -> memref<1x8x4096xf32, #tpu.memory_space<hbm>>
    %dma_start3A_18 = tpu.memref_squeeze %dma_start3A_17 : memref<1x8x4096xf32, #tpu.memory_space<hbm>> -> memref<8x4096xf32, #tpu.memory_space<hbm>>
    %dma_start3A_19 = arith.constant 0 : i32
    %dma_start3A_20 = arith.constant 0 : i32
    %dma_start3A_21 = tpu.memref_slice %arg4[%dma_start3A, %dma_start3A_19, %dma_start3A_20] : memref<2x8x4096xf32, #tpu.memory_space<vmem>> -> memref<1x8x4096xf32, #tpu.memory_space<vmem>>
    %dma_start3A_22 = tpu.memref_squeeze %dma_start3A_21 : memref<1x8x4096xf32, #tpu.memory_space<vmem>> -> memref<8x4096xf32, #tpu.memory_space<vmem>>
    %dma_start3A_23 = arith.constant 0 : i32
    %dma_start3A_24 = tpu.memref_slice %arg2[%shift_right_logical3A_8, %mul3A_11, %dma_start3A_23] : memref<4x2048x4096xf32, #tpu.memory_space<hbm>> -> memref<1x8x4096xf32, #tpu.memory_space<hbm>>
    %dma_start3A_25 = tpu.memref_squeeze %dma_start3A_24 : memref<1x8x4096xf32, #tpu.memory_space<hbm>> -> memref<8x4096xf32, #tpu.memory_space<hbm>>
    tpu.enqueue_dma source(%dma_start3A_25 : memref<8x4096xf32, #tpu.memory_space<hbm>>) target(%dma_start3A_22 : memref<8x4096xf32, #tpu.memory_space<vmem>>) target_semaphore(%arg7 : memref<!tpu.dma_semaphore, #tpu.memory_space<semaphore_mem>>)
    %scan3A = arith.constant 0 : i32
    %scan3A_26 = arith.constant 0 : i32
    %scan3A_27 = arith.constant 32 : i32
    %scan3A_28 = arith.addi %scan3A_26, %scan3A_27 : i32
    %scan3A_29 = arith.constant 1 : i32
    scf.for %scan3A_31 = %scan3A_26 to %scan3A_28 step %scan3A_29  : i32 {
      %mul3A_32 = arith.constant 32 : i32
      %mul3A_33 = arith.muli %add3A, %mul3A_32 : i32
      %add3A_34 = arith.addi %mul3A_33, %scan3A_31 : i32
      %shift_right_logical3A_35 = arith.constant 8 : i32
      %shift_right_logical3A_36 = arith.shrui %add3A_34, %shift_right_logical3A_35 : i32
      %and3A_37 = arith.constant 1 : i32
      %and3A_38 = arith.andi %scan3A_31, %and3A_37 : i32
      %mul3A_39 = arith.constant 32 : i32
      %mul3A_40 = arith.muli %add3A, %mul3A_39 : i32
      %add3A_41 = arith.addi %mul3A_40, %scan3A_31 : i32
      %shift_right_logical3A_42 = arith.constant 8 : i32
      %shift_right_logical3A_43 = arith.shrui %add3A_41, %shift_right_logical3A_42 : i32
      %and3A_44 = arith.constant 255 : i32
      %and3A_45 = arith.andi %add3A_41, %and3A_44 : i32
      %mul3A_46 = arith.constant 8 : i32
      %mul3A_47 = arith.muli %and3A_45, %mul3A_46 : i32
      %dma_wait3A = arith.constant 0 : i32
      %dma_wait3A_48 = arith.constant 0 : i32
      %dma_wait3A_49 = tpu.memref_slice %arg4[%and3A_38, %dma_wait3A, %dma_wait3A_48] : memref<2x8x4096xf32, #tpu.memory_space<vmem>> -> memref<1x8x4096xf32, #tpu.memory_space<vmem>>
      %dma_wait3A_50 = tpu.memref_squeeze %dma_wait3A_49 : memref<1x8x4096xf32, #tpu.memory_space<vmem>> -> memref<8x4096xf32, #tpu.memory_space<vmem>>
      %dma_wait3A_51 = arith.constant 0 : i32
      %dma_wait3A_52 = tpu.memref_slice %arg2[%shift_right_logical3A_43, %mul3A_47, %dma_wait3A_51] : memref<4x2048x4096xf32, #tpu.memory_space<hbm>> -> memref<1x8x4096xf32, #tpu.memory_space<hbm>>
      %dma_wait3A_53 = tpu.memref_squeeze %dma_wait3A_52 : memref<1x8x4096xf32, #tpu.memory_space<hbm>> -> memref<8x4096xf32, #tpu.memory_space<hbm>>
      %dma_wait3A_54 = arith.constant 0 : i32
      %dma_wait3A_55 = arith.constant 0 : i32
      %dma_wait3A_56 = tpu.memref_slice %arg4[%and3A_38, %dma_wait3A_54, %dma_wait3A_55] : memref<2x8x4096xf32, #tpu.memory_space<vmem>> -> memref<1x8x4096xf32, #tpu.memory_space<vmem>>
      %dma_wait3A_57 = tpu.memref_squeeze %dma_wait3A_56 : memref<1x8x4096xf32, #tpu.memory_space<vmem>> -> memref<8x4096xf32, #tpu.memory_space<vmem>>
      %dma_wait3A_58 = arith.constant 0 : i32
      %dma_wait3A_59 = tpu.memref_slice %arg2[%shift_right_logical3A_43, %mul3A_47, %dma_wait3A_58] : memref<4x2048x4096xf32, #tpu.memory_space<hbm>> -> memref<1x8x4096xf32, #tpu.memory_space<hbm>>
      %dma_wait3A_60 = tpu.memref_squeeze %dma_wait3A_59 : memref<1x8x4096xf32, #tpu.memory_space<hbm>> -> memref<8x4096xf32, #tpu.memory_space<hbm>>
      tpu.wait_dma2 semaphore(%arg7 : memref<!tpu.dma_semaphore, #tpu.memory_space<semaphore_mem>>) src(%dma_wait3A_60 : memref<8x4096xf32, #tpu.memory_space<hbm>>) dst(%dma_wait3A_57 : memref<8x4096xf32, #tpu.memory_space<vmem>>)
      %add3A_61 = arith.constant 1 : i32
      %add3A_62 = arith.addi %scan3A_31, %add3A_61 : i32
      %lt3A = arith.constant 32 : i32
      %lt3A_63 = arith.cmpi slt, %add3A_62, %lt3A : i32
      %convert_element_type3A = arith.extui %lt3A_63 : i1 to i32
      %cond3A = arith.constant 0 : i32
      %cond3A_64 = arith.cmpi ne, %convert_element_type3A, %cond3A : i32
      scf.if %cond3A_64 {
        %add3A_75 = arith.constant 1 : i32
        %add3A_76 = arith.addi %scan3A_31, %add3A_75 : i32
        %sub3A = arith.constant 1 : i32
        %sub3A_77 = arith.subi %sub3A, %and3A_38 : i32
        %mul3A_78 = arith.constant 32 : i32
        %mul3A_79 = arith.muli %add3A, %mul3A_78 : i32
        %add3A_80 = arith.addi %mul3A_79, %add3A_76 : i32
        %shift_right_logical3A_81 = arith.constant 8 : i32
        %shift_right_logical3A_82 = arith.shrui %add3A_80, %shift_right_logical3A_81 : i32
        %and3A_83 = arith.constant 255 : i32
        %and3A_84 = arith.andi %add3A_80, %and3A_83 : i32
        %mul3A_85 = arith.constant 8 : i32
        %mul3A_86 = arith.muli %and3A_84, %mul3A_85 : i32
        %dma_start3A_87 = arith.constant 0 : i32
        %dma_start3A_88 = arith.constant 0 : i32
        %dma_start3A_89 = tpu.memref_slice %arg4[%sub3A_77, %dma_start3A_87, %dma_start3A_88] : memref<2x8x4096xf32, #tpu.memory_space<vmem>> -> memref<1x8x4096xf32, #tpu.memory_space<vmem>>
        %dma_start3A_90 = tpu.memref_squeeze %dma_start3A_89 : memref<1x8x4096xf32, #tpu.memory_space<vmem>> -> memref<8x4096xf32, #tpu.memory_space<vmem>>
        %dma_start3A_91 = arith.constant 0 : i32
        %dma_start3A_92 = tpu.memref_slice %arg2[%shift_right_logical3A_82, %mul3A_86, %dma_start3A_91] : memref<4x2048x4096xf32, #tpu.memory_space<hbm>> -> memref<1x8x4096xf32, #tpu.memory_space<hbm>>
        %dma_start3A_93 = tpu.memref_squeeze %dma_start3A_92 : memref<1x8x4096xf32, #tpu.memory_space<hbm>> -> memref<8x4096xf32, #tpu.memory_space<hbm>>
        %dma_start3A_94 = arith.constant 0 : i32
        %dma_start3A_95 = arith.constant 0 : i32
        %dma_start3A_96 = tpu.memref_slice %arg4[%sub3A_77, %dma_start3A_94, %dma_start3A_95] : memref<2x8x4096xf32, #tpu.memory_space<vmem>> -> memref<1x8x4096xf32, #tpu.memory_space<vmem>>
        %dma_start3A_97 = tpu.memref_squeeze %dma_start3A_96 : memref<1x8x4096xf32, #tpu.memory_space<vmem>> -> memref<8x4096xf32, #tpu.memory_space<vmem>>
        %dma_start3A_98 = arith.constant 0 : i32
        %dma_start3A_99 = tpu.memref_slice %arg2[%shift_right_logical3A_82, %mul3A_86, %dma_start3A_98] : memref<4x2048x4096xf32, #tpu.memory_space<hbm>> -> memref<1x8x4096xf32, #tpu.memory_space<hbm>>
        %dma_start3A_100 = tpu.memref_squeeze %dma_start3A_99 : memref<1x8x4096xf32, #tpu.memory_space<hbm>> -> memref<8x4096xf32, #tpu.memory_space<hbm>>
        tpu.enqueue_dma source(%dma_start3A_100 : memref<8x4096xf32, #tpu.memory_space<hbm>>) target(%dma_start3A_97 : memref<8x4096xf32, #tpu.memory_space<vmem>>) target_semaphore(%arg7 : memref<!tpu.dma_semaphore, #tpu.memory_space<semaphore_mem>>)
      } else {
      }
      %mul3A_65 = arith.constant 4096 : i32
      %mul3A_66 = arith.muli %shift_right_logical3A_36, %mul3A_65 : i32
      %scan3A_67 = arith.constant 0 : i32
      %scan3A_68 = arith.constant 0 : i32
      %scan3A_69 = arith.constant 8 : i32
      %scan3A_70 = arith.addi %scan3A_68, %scan3A_69 : i32
      %scan3A_71 = arith.constant 1 : i32
      scf.for %scan3A_75 = %scan3A_68 to %scan3A_70 step %scan3A_71  : i32 {
        %scan3A_76 = arith.constant 0 : i32
        %scan3A_77 = arith.constant 64 : i32
        %scan3A_78 = arith.addi %scan3A_76, %scan3A_77 : i32
        %scan3A_79 = arith.constant 1 : i32
        %scan3A_80:2 = scf.for %scan3A_125 = %scan3A_76 to %scan3A_78 step %scan3A_79 iter_args(%scan3A_126 = %broadcast_in_dim3A_1, %scan3A_127 = %broadcast_in_dim3A_1) -> (vector<16xf32>, vector<16xf32>)  : i32 {
          %mul3A_128 = arith.constant 2 : i32
          %mul3A_129 = arith.muli %scan3A_125, %mul3A_128 : i32
          %add3A_130 = arith.constant 0 : i32
          %add3A_131 = arith.addi %mul3A_129, %add3A_130 : i32
          %mul3A_132 = arith.constant 32 : i32
          %mul3A_133 = arith.muli %add3A_131, %mul3A_132 : i32
          %get3A = arith.constant 0 : i32
          %get3A_134 = arith.constant 0 : i32
          %get3A_135 = tpu.memref_slice %arg4[%and3A_38, %get3A, %get3A_134] : memref<2x8x4096xf32, #tpu.memory_space<vmem>> -> memref<1x8x4096xf32, #tpu.memory_space<vmem>>
          %get3A_136 = tpu.memref_squeeze %get3A_135 : memref<1x8x4096xf32, #tpu.memory_space<vmem>> -> memref<8x4096xf32, #tpu.memory_space<vmem>>
          %get3A_137 = arith.index_cast %scan3A_75 : i32 to index
          %get3A_138 = arith.index_cast %mul3A_133 : i32 to index
          %get3A_139 = tpu.vector_load %get3A_136[%get3A_137, %get3A_138] {strides = array<i32>} : memref<8x4096xf32, #tpu.memory_space<vmem>>, vector<16xf32>,
          %min3A_140 = arith.minimumf %scan3A_126, %get3A_139 : vector<16xf32>
          %mul3A_141 = arith.constant 2 : i32
          %mul3A_142 = arith.muli %scan3A_125, %mul3A_141 : i32
          %add3A_143 = arith.constant 0 : i32
          %add3A_144 = arith.addi %mul3A_142, %add3A_143 : i32
          %mul3A_145 = arith.constant 32 : i32
          %mul3A_146 = arith.muli %add3A_144, %mul3A_145 : i32
          %add3A_147 = arith.constant 16 : i32
          %add3A_148 = arith.addi %mul3A_146, %add3A_147 : i32
          %get3A_149 = arith.constant 0 : i32
          %get3A_150 = arith.constant 0 : i32
          %get3A_151 = tpu.memref_slice %arg4[%and3A_38, %get3A_149, %get3A_150] : memref<2x8x4096xf32, #tpu.memory_space<vmem>> -> memref<1x8x4096xf32, #tpu.memory_space<vmem>>
          %get3A_152 = tpu.memref_squeeze %get3A_151 : memref<1x8x4096xf32, #tpu.memory_space<vmem>> -> memref<8x4096xf32, #tpu.memory_space<vmem>>
          %get3A_153 = arith.index_cast %scan3A_75 : i32 to index
          %get3A_154 = arith.index_cast %add3A_148 : i32 to index
          %get3A_155 = tpu.vector_load %get3A_152[%get3A_153, %get3A_154] {strides = array<i32>} : memref<8x4096xf32, #tpu.memory_space<vmem>>, vector<16xf32>,
          %min3A_156 = arith.minimumf %scan3A_127, %get3A_155 : vector<16xf32>
          %mul3A_157 = arith.constant 2 : i32
          %mul3A_158 = arith.muli %scan3A_125, %mul3A_157 : i32
          %add3A_159 = arith.constant 1 : i32
          %add3A_160 = arith.addi %mul3A_158, %add3A_159 : i32
          %mul3A_161 = arith.constant 32 : i32
          %mul3A_162 = arith.muli %add3A_160, %mul3A_161 : i32
          %get3A_163 = arith.constant 0 : i32
          %get3A_164 = arith.constant 0 : i32
          %get3A_165 = tpu.memref_slice %arg4[%and3A_38, %get3A_163, %get3A_164] : memref<2x8x4096xf32, #tpu.memory_space<vmem>> -> memref<1x8x4096xf32, #tpu.memory_space<vmem>>
          %get3A_166 = tpu.memref_squeeze %get3A_165 : memref<1x8x4096xf32, #tpu.memory_space<vmem>> -> memref<8x4096xf32, #tpu.memory_space<vmem>>
          %get3A_167 = arith.index_cast %scan3A_75 : i32 to index
          %get3A_168 = arith.index_cast %mul3A_162 : i32 to index
          %get3A_169 = tpu.vector_load %get3A_166[%get3A_167, %get3A_168] {strides = array<i32>} : memref<8x4096xf32, #tpu.memory_space<vmem>>, vector<16xf32>,
          %min3A_170 = arith.minimumf %min3A_140, %get3A_169 : vector<16xf32>
          %mul3A_171 = arith.constant 2 : i32
          %mul3A_172 = arith.muli %scan3A_125, %mul3A_171 : i32
          %add3A_173 = arith.constant 1 : i32
          %add3A_174 = arith.addi %mul3A_172, %add3A_173 : i32
          %mul3A_175 = arith.constant 32 : i32
          %mul3A_176 = arith.muli %add3A_174, %mul3A_175 : i32
          %add3A_177 = arith.constant 16 : i32
          %add3A_178 = arith.addi %mul3A_176, %add3A_177 : i32
          %get3A_179 = arith.constant 0 : i32
          %get3A_180 = arith.constant 0 : i32
          %get3A_181 = tpu.memref_slice %arg4[%and3A_38, %get3A_179, %get3A_180] : memref<2x8x4096xf32, #tpu.memory_space<vmem>> -> memref<1x8x4096xf32, #tpu.memory_space<vmem>>
          %get3A_182 = tpu.memref_squeeze %get3A_181 : memref<1x8x4096xf32, #tpu.memory_space<vmem>> -> memref<8x4096xf32, #tpu.memory_space<vmem>>
          %get3A_183 = arith.index_cast %scan3A_75 : i32 to index
          %get3A_184 = arith.index_cast %add3A_178 : i32 to index
          %get3A_185 = tpu.vector_load %get3A_182[%get3A_183, %get3A_184] {strides = array<i32>} : memref<8x4096xf32, #tpu.memory_space<vmem>>, vector<16xf32>,
          %min3A_186 = arith.minimumf %min3A_156, %get3A_185 : vector<16xf32>
          scf.yield %min3A_170, %min3A_186 : vector<16xf32>, vector<16xf32>
        }
        %scan3A_81 = arith.constant 64 : i32
        %sort3A = arith.constant dense<true> : vector<16xi1>
        %sort3A_82, %sort3A_83, %sort3A_84 = tpu.sort %scan3A_80#0, %scan3A_80#0 masked %sort3A : (vector<16xf32>, vector<16xf32>, vector<16xi1>) -> (vector<16xi1>, vector<16xf32>, vector<16xf32>)
        %sort3A_85 = arith.constant dense<true> : vector<16xi1>
        %sort3A_86, %sort3A_87, %sort3A_88 = tpu.sort %scan3A_80#1, %scan3A_80#1 masked %sort3A_85 : (vector<16xf32>, vector<16xf32>, vector<16xi1>) -> (vector<16xi1>, vector<16xf32>, vector<16xf32>)
        %rev3A = arith.constant 15 : i32
        %rev3A_89 = vector.broadcast %rev3A : i32 to vector<16xi32>
        %rev3A_90 = tpu.iota {dimensions = array<i32: 0>} : vector<16xi32>
        %rev3A_91 = arith.subi %rev3A_89, %rev3A_90 : vector<16xi32>
        %rev3A_92 = tpu.dynamic_gather %sort3A_87[%rev3A_91] in [0] : vector<16xf32>, vector<16xi32> -> vector<16xf32>
        %min3A = arith.minimumf %sort3A_83, %rev3A_92 : vector<16xf32>
        %reduce_max3A = arith.constant true
        %reduce_max3A_93 = vector.broadcast %reduce_max3A : i1 to vector<16xi1>
        %reduce_max3A_94 = tpu.scan <max>, %min3A masked %reduce_max3A_93 : vector<16xf32>, vector<16xi1> -> vector<16xf32>
        %reduce_max3A_95 = vector.extract %reduce_max3A_94[15] : f32 from vector<16xf32>
        %scan3A_96 = arith.constant 0 : i32
        %scan3A_97 = arith.constant 0 : i32
        %scan3A_98 = arith.constant 32 : i32
        %scan3A_99 = arith.addi %scan3A_97, %scan3A_98 : i32
        %scan3A_100 = arith.constant 1 : i32
        %scan3A_101 = scf.for %scan3A_125 = %scan3A_97 to %scan3A_99 step %scan3A_100 iter_args(%scan3A_126 = %scan3A_96) -> (i32)  : i32 {
          %mul3A_127 = arith.constant 8 : i32
          %mul3A_128 = arith.muli %scan3A_125, %mul3A_127 : i32
          %add3A_129 = arith.constant 0 : i32
          %add3A_130 = arith.addi %mul3A_128, %add3A_129 : i32
          %mul3A_131 = arith.constant 16 : i32
          %mul3A_132 = arith.muli %add3A_130, %mul3A_131 : i32
          %get3A = arith.constant 0 : i32
          %get3A_133 = arith.constant 0 : i32
          %get3A_134 = tpu.memref_slice %arg4[%and3A_38, %get3A, %get3A_133] : memref<2x8x4096xf32, #tpu.memory_space<vmem>> -> memref<1x8x4096xf32, #tpu.memory_space<vmem>>
          %get3A_135 = tpu.memref_squeeze %get3A_134 : memref<1x8x4096xf32, #tpu.memory_space<vmem>> -> memref<8x4096xf32, #tpu.memory_space<vmem>>
          %get3A_136 = arith.index_cast %scan3A_75 : i32 to index
          %get3A_137 = arith.index_cast %mul3A_132 : i32 to index
          %get3A_138 = tpu.vector_load %get3A_135[%get3A_136, %get3A_137] {strides = array<i32>} : memref<8x4096xf32, #tpu.memory_space<vmem>>, vector<16xf32>,
          %le3A = vector.broadcast %reduce_max3A_95 : f32 to vector<16xf32>
          %le3A_139 = arith.cmpf ole, %get3A_138, %le3A : vector<16xf32>
          %mul3A_140 = arith.constant 16 : i32
          %mul3A_141 = arith.muli %add3A_130, %mul3A_140 : i32
          %add3A_142 = arith.addi %mul3A_141, %mul3A_66 : i32
          %add3A_143 = vector.broadcast %add3A_142 : i32 to vector<16xi32>
          %add3A_144 = arith.addi %iota3A, %add3A_143 : vector<16xi32>
          %swap3A_145 = arith.index_cast %scan3A_126 : i32 to index
          %swap3A_146 = tpu.vector_load %arg5[%swap3A_145] masked %le3A_139 {strides = array<i32>} : memref<4112xi32, #tpu.memory_space<vmem>>, vector<16xi32>, vector<16xi1>
          tpu.vector_store %arg5[%swap3A_145], %add3A_144 masked %le3A_139 {strides = array<i32>} : memref<4112xi32, #tpu.memory_space<vmem>>, vector<16xi32>, vector<16xi1>
          %all_reduce_population_count3A = tpu.all_reduce %le3A_139 {dim = 0 : i64, kind = #tpu.reduction_kind<sum>} : vector<16xi1> -> vector<16xi32>
          %slice3A = vector.extract_strided_slice %all_reduce_population_count3A {offsets = [0], sizes = [1], strides = [1]} : vector<16xi32> to vector<1xi32>
          %squeeze3A = vector.extract %slice3A[0] : i32 from vector<1xi32>
          %add3A_147 = arith.addi %scan3A_126, %squeeze3A : i32
          %mul3A_148 = arith.constant 8 : i32
          %mul3A_149 = arith.muli %scan3A_125, %mul3A_148 : i32
          %add3A_150 = arith.constant 1 : i32
          %add3A_151 = arith.addi %mul3A_149, %add3A_150 : i32
          %mul3A_152 = arith.constant 16 : i32
          %mul3A_153 = arith.muli %add3A_151, %mul3A_152 : i32
          %get3A_154 = arith.constant 0 : i32
          %get3A_155 = arith.constant 0 : i32
          %get3A_156 = tpu.memref_slice %arg4[%and3A_38, %get3A_154, %get3A_155] : memref<2x8x4096xf32, #tpu.memory_space<vmem>> -> memref<1x8x4096xf32, #tpu.memory_space<vmem>>
          %get3A_157 = tpu.memref_squeeze %get3A_156 : memref<1x8x4096xf32, #tpu.memory_space<vmem>> -> memref<8x4096xf32, #tpu.memory_space<vmem>>
          %get3A_158 = arith.index_cast %scan3A_75 : i32 to index
          %get3A_159 = arith.index_cast %mul3A_153 : i32 to index
          %get3A_160 = tpu.vector_load %get3A_157[%get3A_158, %get3A_159] {strides = array<i32>} : memref<8x4096xf32, #tpu.memory_space<vmem>>, vector<16xf32>,
          %le3A_161 = vector.broadcast %reduce_max3A_95 : f32 to vector<16xf32>
          %le3A_162 = arith.cmpf ole, %get3A_160, %le3A_161 : vector<16xf32>
          %mul3A_163 = arith.constant 16 : i32
          %mul3A_164 = arith.muli %add3A_151, %mul3A_163 : i32
          %add3A_165 = arith.addi %mul3A_164, %mul3A_66 : i32
          %add3A_166 = vector.broadcast %add3A_165 : i32 to vector<16xi32>
          %add3A_167 = arith.addi %iota3A, %add3A_166 : vector<16xi32>
          %swap3A_168 = arith.index_cast %add3A_147 : i32 to index
          %swap3A_169 = tpu.vector_load %arg5[%swap3A_168] masked %le3A_162 {strides = array<i32>} : memref<4112xi32, #tpu.memory_space<vmem>>, vector<16xi32>, vector<16xi1>
          tpu.vector_store %arg5[%swap3A_168], %add3A_167 masked %le3A_162 {strides = array<i32>} : memref<4112xi32, #tpu.memory_space<vmem>>, vector<16xi32>, vector<16xi1>
          %all_reduce_population_count3A_170 = tpu.all_reduce %le3A_162 {dim = 0 : i64, kind = #tpu.reduction_kind<sum>} : vector<16xi1> -> vector<16xi32>
          %slice3A_171 = vector.extract_strided_slice %all_reduce_population_count3A_170 {offsets = [0], sizes = [1], strides = [1]} : vector<16xi32> to vector<1xi32>
          %squeeze3A_172 = vector.extract %slice3A_171[0] : i32 from vector<1xi32>
          %add3A_173 = arith.addi %add3A_147, %squeeze3A_172 : i32
          %mul3A_174 = arith.constant 8 : i32
          %mul3A_175 = arith.muli %scan3A_125, %mul3A_174 : i32
          %add3A_176 = arith.constant 2 : i32
          %add3A_177 = arith.addi %mul3A_175, %add3A_176 : i32
          %mul3A_178 = arith.constant 16 : i32
          %mul3A_179 = arith.muli %add3A_177, %mul3A_178 : i32
          %get3A_180 = arith.constant 0 : i32
          %get3A_181 = arith.constant 0 : i32
          %get3A_182 = tpu.memref_slice %arg4[%and3A_38, %get3A_180, %get3A_181] : memref<2x8x4096xf32, #tpu.memory_space<vmem>> -> memref<1x8x4096xf32, #tpu.memory_space<vmem>>
          %get3A_183 = tpu.memref_squeeze %get3A_182 : memref<1x8x4096xf32, #tpu.memory_space<vmem>> -> memref<8x4096xf32, #tpu.memory_space<vmem>>
          %get3A_184 = arith.index_cast %scan3A_75 : i32 to index
          %get3A_185 = arith.index_cast %mul3A_179 : i32 to index
          %get3A_186 = tpu.vector_load %get3A_183[%get3A_184, %get3A_185] {strides = array<i32>} : memref<8x4096xf32, #tpu.memory_space<vmem>>, vector<16xf32>,
          %le3A_187 = vector.broadcast %reduce_max3A_95 : f32 to vector<16xf32>
          %le3A_188 = arith.cmpf ole, %get3A_186, %le3A_187 : vector<16xf32>
          %mul3A_189 = arith.constant 16 : i32
          %mul3A_190 = arith.muli %add3A_177, %mul3A_189 : i32
          %add3A_191 = arith.addi %mul3A_190, %mul3A_66 : i32
          %add3A_192 = vector.broadcast %add3A_191 : i32 to vector<16xi32>
          %add3A_193 = arith.addi %iota3A, %add3A_192 : vector<16xi32>
          %swap3A_194 = arith.index_cast %add3A_173 : i32 to index
          %swap3A_195 = tpu.vector_load %arg5[%swap3A_194] masked %le3A_188 {strides = array<i32>} : memref<4112xi32, #tpu.memory_space<vmem>>, vector<16xi32>, vector<16xi1>
          tpu.vector_store %arg5[%swap3A_194], %add3A_193 masked %le3A_188 {strides = array<i32>} : memref<4112xi32, #tpu.memory_space<vmem>>, vector<16xi32>, vector<16xi1>
          %all_reduce_population_count3A_196 = tpu.all_reduce %le3A_188 {dim = 0 : i64, kind = #tpu.reduction_kind<sum>} : vector<16xi1> -> vector<16xi32>
          %slice3A_197 = vector.extract_strided_slice %all_reduce_population_count3A_196 {offsets = [0], sizes = [1], strides = [1]} : vector<16xi32> to vector<1xi32>
          %squeeze3A_198 = vector.extract %slice3A_197[0] : i32 from vector<1xi32>
          %add3A_199 = arith.addi %add3A_173, %squeeze3A_198 : i32
          %mul3A_200 = arith.constant 8 : i32
          %mul3A_201 = arith.muli %scan3A_125, %mul3A_200 : i32
          %add3A_202 = arith.constant 3 : i32
          %add3A_203 = arith.addi %mul3A_201, %add3A_202 : i32
          %mul3A_204 = arith.constant 16 : i32
          %mul3A_205 = arith.muli %add3A_203, %mul3A_204 : i32
          %get3A_206 = arith.constant 0 : i32
          %get3A_207 = arith.constant 0 : i32
          %get3A_208 = tpu.memref_slice %arg4[%and3A_38, %get3A_206, %get3A_207] : memref<2x8x4096xf32, #tpu.memory_space<vmem>> -> memref<1x8x4096xf32, #tpu.memory_space<vmem>>
          %get3A_209 = tpu.memref_squeeze %get3A_208 : memref<1x8x4096xf32, #tpu.memory_space<vmem>> -> memref<8x4096xf32, #tpu.memory_space<vmem>>
          %get3A_210 = arith.index_cast %scan3A_75 : i32 to index
          %get3A_211 = arith.index_cast %mul3A_205 : i32 to index
          %get3A_212 = tpu.vector_load %get3A_209[%get3A_210, %get3A_211] {strides = array<i32>} : memref<8x4096xf32, #tpu.memory_space<vmem>>, vector<16xf32>,
          %le3A_213 = vector.broadcast %reduce_max3A_95 : f32 to vector<16xf32>
          %le3A_214 = arith.cmpf ole, %get3A_212, %le3A_213 : vector<16xf32>
          %mul3A_215 = arith.constant 16 : i32
          %mul3A_216 = arith.muli %add3A_203, %mul3A_215 : i32
          %add3A_217 = arith.addi %mul3A_216, %mul3A_66 : i32
          %add3A_218 = vector.broadcast %add3A_217 : i32 to vector<16xi32>
          %add3A_219 = arith.addi %iota3A, %add3A_218 : vector<16xi32>
          %swap3A_220 = arith.index_cast %add3A_199 : i32 to index
          %swap3A_221 = tpu.vector_load %arg5[%swap3A_220] masked %le3A_214 {strides = array<i32>} : memref<4112xi32, #tpu.memory_space<vmem>>, vector<16xi32>, vector<16xi1>
          tpu.vector_store %arg5[%swap3A_220], %add3A_219 masked %le3A_214 {strides = array<i32>} : memref<4112xi32, #tpu.memory_space<vmem>>, vector<16xi32>, vector<16xi1>
          %all_reduce_population_count3A_222 = tpu.all_reduce %le3A_214 {dim = 0 : i64, kind = #tpu.reduction_kind<sum>} : vector<16xi1> -> vector<16xi32>
          %slice3A_223 = vector.extract_strided_slice %all_reduce_population_count3A_222 {offsets = [0], sizes = [1], strides = [1]} : vector<16xi32> to vector<1xi32>
          %squeeze3A_224 = vector.extract %slice3A_223[0] : i32 from vector<1xi32>
          %add3A_225 = arith.addi %add3A_199, %squeeze3A_224 : i32
          %mul3A_226 = arith.constant 8 : i32
          %mul3A_227 = arith.muli %scan3A_125, %mul3A_226 : i32
          %add3A_228 = arith.constant 4 : i32
          %add3A_229 = arith.addi %mul3A_227, %add3A_228 : i32
          %mul3A_230 = arith.constant 16 : i32
          %mul3A_231 = arith.muli %add3A_229, %mul3A_230 : i32
          %get3A_232 = arith.constant 0 : i32
          %get3A_233 = arith.constant 0 : i32
          %get3A_234 = tpu.memref_slice %arg4[%and3A_38, %get3A_232, %get3A_233] : memref<2x8x4096xf32, #tpu.memory_space<vmem>> -> memref<1x8x4096xf32, #tpu.memory_space<vmem>>
          %get3A_235 = tpu.memref_squeeze %get3A_234 : memref<1x8x4096xf32, #tpu.memory_space<vmem>> -> memref<8x4096xf32, #tpu.memory_space<vmem>>
          %get3A_236 = arith.index_cast %scan3A_75 : i32 to index
          %get3A_237 = arith.index_cast %mul3A_231 : i32 to index
          %get3A_238 = tpu.vector_load %get3A_235[%get3A_236, %get3A_237] {strides = array<i32>} : memref<8x4096xf32, #tpu.memory_space<vmem>>, vector<16xf32>,
          %le3A_239 = vector.broadcast %reduce_max3A_95 : f32 to vector<16xf32>
          %le3A_240 = arith.cmpf ole, %get3A_238, %le3A_239 : vector<16xf32>
          %mul3A_241 = arith.constant 16 : i32
          %mul3A_242 = arith.muli %add3A_229, %mul3A_241 : i32
          %add3A_243 = arith.addi %mul3A_242, %mul3A_66 : i32
          %add3A_244 = vector.broadcast %add3A_243 : i32 to vector<16xi32>
          %add3A_245 = arith.addi %iota3A, %add3A_244 : vector<16xi32>
          %swap3A_246 = arith.index_cast %add3A_225 : i32 to index
          %swap3A_247 = tpu.vector_load %arg5[%swap3A_246] masked %le3A_240 {strides = array<i32>} : memref<4112xi32, #tpu.memory_space<vmem>>, vector<16xi32>, vector<16xi1>
          tpu.vector_store %arg5[%swap3A_246], %add3A_245 masked %le3A_240 {strides = array<i32>} : memref<4112xi32, #tpu.memory_space<vmem>>, vector<16xi32>, vector<16xi1>
          %all_reduce_population_count3A_248 = tpu.all_reduce %le3A_240 {dim = 0 : i64, kind = #tpu.reduction_kind<sum>} : vector<16xi1> -> vector<16xi32>
          %slice3A_249 = vector.extract_strided_slice %all_reduce_population_count3A_248 {offsets = [0], sizes = [1], strides = [1]} : vector<16xi32> to vector<1xi32>
          %squeeze3A_250 = vector.extract %slice3A_249[0] : i32 from vector<1xi32>
          %add3A_251 = arith.addi %add3A_225, %squeeze3A_250 : i32
          %mul3A_252 = arith.constant 8 : i32
          %mul3A_253 = arith.muli %scan3A_125, %mul3A_252 : i32
          %add3A_254 = arith.constant 5 : i32
          %add3A_255 = arith.addi %mul3A_253, %add3A_254 : i32
          %mul3A_256 = arith.constant 16 : i32
          %mul3A_257 = arith.muli %add3A_255, %mul3A_256 : i32
          %get3A_258 = arith.constant 0 : i32
          %get3A_259 = arith.constant 0 : i32
          %get3A_260 = tpu.memref_slice %arg4[%and3A_38, %get3A_258, %get3A_259] : memref<2x8x4096xf32, #tpu.memory_space<vmem>> -> memref<1x8x4096xf32, #tpu.memory_space<vmem>>
          %get3A_261 = tpu.memref_squeeze %get3A_260 : memref<1x8x4096xf32, #tpu.memory_space<vmem>> -> memref<8x4096xf32, #tpu.memory_space<vmem>>
          %get3A_262 = arith.index_cast %scan3A_75 : i32 to index
          %get3A_263 = arith.index_cast %mul3A_257 : i32 to index
          %get3A_264 = tpu.vector_load %get3A_261[%get3A_262, %get3A_263] {strides = array<i32>} : memref<8x4096xf32, #tpu.memory_space<vmem>>, vector<16xf32>,
          %le3A_265 = vector.broadcast %reduce_max3A_95 : f32 to vector<16xf32>
          %le3A_266 = arith.cmpf ole, %get3A_264, %le3A_265 : vector<16xf32>
          %mul3A_267 = arith.constant 16 : i32
          %mul3A_268 = arith.muli %add3A_255, %mul3A_267 : i32
          %add3A_269 = arith.addi %mul3A_268, %mul3A_66 : i32
          %add3A_270 = vector.broadcast %add3A_269 : i32 to vector<16xi32>
          %add3A_271 = arith.addi %iota3A, %add3A_270 : vector<16xi32>
          %swap3A_272 = arith.index_cast %add3A_251 : i32 to index
          %swap3A_273 = tpu.vector_load %arg5[%swap3A_272] masked %le3A_266 {strides = array<i32>} : memref<4112xi32, #tpu.memory_space<vmem>>, vector<16xi32>, vector<16xi1>
          tpu.vector_store %arg5[%swap3A_272], %add3A_271 masked %le3A_266 {strides = array<i32>} : memref<4112xi32, #tpu.memory_space<vmem>>, vector<16xi32>, vector<16xi1>
          %all_reduce_population_count3A_274 = tpu.all_reduce %le3A_266 {dim = 0 : i64, kind = #tpu.reduction_kind<sum>} : vector<16xi1> -> vector<16xi32>
          %slice3A_275 = vector.extract_strided_slice %all_reduce_population_count3A_274 {offsets = [0], sizes = [1], strides = [1]} : vector<16xi32> to vector<1xi32>
          %squeeze3A_276 = vector.extract %slice3A_275[0] : i32 from vector<1xi32>
          %add3A_277 = arith.addi %add3A_251, %squeeze3A_276 : i32
          %mul3A_278 = arith.constant 8 : i32
          %mul3A_279 = arith.muli %scan3A_125, %mul3A_278 : i32
          %add3A_280 = arith.constant 6 : i32
          %add3A_281 = arith.addi %mul3A_279, %add3A_280 : i32
          %mul3A_282 = arith.constant 16 : i32
          %mul3A_283 = arith.muli %add3A_281, %mul3A_282 : i32
          %get3A_284 = arith.constant 0 : i32
          %get3A_285 = arith.constant 0 : i32
          %get3A_286 = tpu.memref_slice %arg4[%and3A_38, %get3A_284, %get3A_285] : memref<2x8x4096xf32, #tpu.memory_space<vmem>> -> memref<1x8x4096xf32, #tpu.memory_space<vmem>>
          %get3A_287 = tpu.memref_squeeze %get3A_286 : memref<1x8x4096xf32, #tpu.memory_space<vmem>> -> memref<8x4096xf32, #tpu.memory_space<vmem>>
          %get3A_288 = arith.index_cast %scan3A_75 : i32 to index
          %get3A_289 = arith.index_cast %mul3A_283 : i32 to index
          %get3A_290 = tpu.vector_load %get3A_287[%get3A_288, %get3A_289] {strides = array<i32>} : memref<8x4096xf32, #tpu.memory_space<vmem>>, vector<16xf32>,
          %le3A_291 = vector.broadcast %reduce_max3A_95 : f32 to vector<16xf32>
          %le3A_292 = arith.cmpf ole, %get3A_290, %le3A_291 : vector<16xf32>
          %mul3A_293 = arith.constant 16 : i32
          %mul3A_294 = arith.muli %add3A_281, %mul3A_293 : i32
          %add3A_295 = arith.addi %mul3A_294, %mul3A_66 : i32
          %add3A_296 = vector.broadcast %add3A_295 : i32 to vector<16xi32>
          %add3A_297 = arith.addi %iota3A, %add3A_296 : vector<16xi32>
          %swap3A_298 = arith.index_cast %add3A_277 : i32 to index
          %swap3A_299 = tpu.vector_load %arg5[%swap3A_298] masked %le3A_292 {strides = array<i32>} : memref<4112xi32, #tpu.memory_space<vmem>>, vector<16xi32>, vector<16xi1>
          tpu.vector_store %arg5[%swap3A_298], %add3A_297 masked %le3A_292 {strides = array<i32>} : memref<4112xi32, #tpu.memory_space<vmem>>, vector<16xi32>, vector<16xi1>
          %all_reduce_population_count3A_300 = tpu.all_reduce %le3A_292 {dim = 0 : i64, kind = #tpu.reduction_kind<sum>} : vector<16xi1> -> vector<16xi32>
          %slice3A_301 = vector.extract_strided_slice %all_reduce_population_count3A_300 {offsets = [0], sizes = [1], strides = [1]} : vector<16xi32> to vector<1xi32>
          %squeeze3A_302 = vector.extract %slice3A_301[0] : i32 from vector<1xi32>
          %add3A_303 = arith.addi %add3A_277, %squeeze3A_302 : i32
          %mul3A_304 = arith.constant 8 : i32
          %mul3A_305 = arith.muli %scan3A_125, %mul3A_304 : i32
          %add3A_306 = arith.constant 7 : i32
          %add3A_307 = arith.addi %mul3A_305, %add3A_306 : i32
          %mul3A_308 = arith.constant 16 : i32
          %mul3A_309 = arith.muli %add3A_307, %mul3A_308 : i32
          %get3A_310 = arith.constant 0 : i32
          %get3A_311 = arith.constant 0 : i32
          %get3A_312 = tpu.memref_slice %arg4[%and3A_38, %get3A_310, %get3A_311] : memref<2x8x4096xf32, #tpu.memory_space<vmem>> -> memref<1x8x4096xf32, #tpu.memory_space<vmem>>
          %get3A_313 = tpu.memref_squeeze %get3A_312 : memref<1x8x4096xf32, #tpu.memory_space<vmem>> -> memref<8x4096xf32, #tpu.memory_space<vmem>>
          %get3A_314 = arith.index_cast %scan3A_75 : i32 to index
          %get3A_315 = arith.index_cast %mul3A_309 : i32 to index
          %get3A_316 = tpu.vector_load %get3A_313[%get3A_314, %get3A_315] {strides = array<i32>} : memref<8x4096xf32, #tpu.memory_space<vmem>>, vector<16xf32>,
          %le3A_317 = vector.broadcast %reduce_max3A_95 : f32 to vector<16xf32>
          %le3A_318 = arith.cmpf ole, %get3A_316, %le3A_317 : vector<16xf32>
          %mul3A_319 = arith.constant 16 : i32
          %mul3A_320 = arith.muli %add3A_307, %mul3A_319 : i32
          %add3A_321 = arith.addi %mul3A_320, %mul3A_66 : i32
          %add3A_322 = vector.broadcast %add3A_321 : i32 to vector<16xi32>
          %add3A_323 = arith.addi %iota3A, %add3A_322 : vector<16xi32>
          %swap3A_324 = arith.index_cast %add3A_303 : i32 to index
          %swap3A_325 = tpu.vector_load %arg5[%swap3A_324] masked %le3A_318 {strides = array<i32>} : memref<4112xi32, #tpu.memory_space<vmem>>, vector<16xi32>, vector<16xi1>
          tpu.vector_store %arg5[%swap3A_324], %add3A_323 masked %le3A_318 {strides = array<i32>} : memref<4112xi32, #tpu.memory_space<vmem>>, vector<16xi32>, vector<16xi1>
          %all_reduce_population_count3A_326 = tpu.all_reduce %le3A_318 {dim = 0 : i64, kind = #tpu.reduction_kind<sum>} : vector<16xi1> -> vector<16xi32>
          %slice3A_327 = vector.extract_strided_slice %all_reduce_population_count3A_326 {offsets = [0], sizes = [1], strides = [1]} : vector<16xi32> to vector<1xi32>
          %squeeze3A_328 = vector.extract %slice3A_327[0] : i32 from vector<1xi32>
          %add3A_329 = arith.addi %add3A_303, %squeeze3A_328 : i32
          scf.yield %add3A_329 : i32
        }
        %scan3A_102 = arith.constant 32 : i32
        %min3A_103 = arith.constant 512 : i32
        %min3A_104 = arith.minsi %scan3A_101, %min3A_103 : i32
        %add3A_105 = arith.constant 15 : i32
        %add3A_106 = arith.addi %min3A_104, %add3A_105 : i32
        %shift_right_logical3A_107 = arith.constant 4 : i32
        %shift_right_logical3A_108 = arith.shrui %add3A_106, %shift_right_logical3A_107 : i32
        %add3A_109 = vector.broadcast %and3A_38 : i32 to vector<16xi32>
        %add3A_110 = arith.addi %broadcast_in_dim3A_3, %add3A_109 : vector<16xi32>
        %add3A_111 = vector.broadcast %scan3A_75 : i32 to vector<16xi32>
        %add3A_112 = arith.addi %broadcast_in_dim3A_3, %add3A_111 : vector<16xi32>
        %while3A = arith.constant 0 : i32
        %while3A_113 = arith.subi %shift_right_logical3A_108, %while3A : i32
        %while3A_114 = arith.addi %while3A, %while3A_113 : i32
        %while3A_115 = arith.constant 1 : i32
        %while3A_116 = arith.divsi %while3A_113, %while3A_115 : i32
        %while3A_117 = arith.muli %while3A_116, %while3A_115 : i32
        %while3A_118 = arith.addi %while3A, %while3A_117 : i32
        %while3A_119 = arith.constant 1 : i32
        %while3A_120:2 = scf.for %while3A_125 = %while3A to %while3A_118 step %while3A_119 iter_args(%while3A_126 = %broadcast_in_dim3A_1, %while3A_127 = %broadcast_in_dim3A_3) -> (vector<16xf32>, vector<16xi32>)  : i32 {
          %mul3A_128 = arith.constant 16 : i32
          %mul3A_129 = arith.muli %while3A_125, %mul3A_128 : i32
          %get3A = arith.index_cast %mul3A_129 : i32 to index
          %get3A_130 = tpu.vector_load %arg5[%get3A] {strides = array<i32>} : memref<4112xi32, #tpu.memory_space<vmem>>, vector<16xi32>,
          %sub3A = vector.broadcast %mul3A_66 : i32 to vector<16xi32>
          %sub3A_131 = arith.subi %get3A_130, %sub3A : vector<16xi32>
          %and3A_132 = arith.constant 4095 : i32
          %and3A_133 = vector.broadcast %and3A_132 : i32 to vector<16xi32>
          %and3A_134 = arith.andi %sub3A_131, %and3A_133 : vector<16xi32>
          %mul3A_135 = arith.constant 16 : i32
          %mul3A_136 = arith.muli %while3A_125, %mul3A_135 : i32
          %add3A_137 = vector.broadcast %mul3A_136 : i32 to vector<16xi32>
          %add3A_138 = arith.addi %add3A_137, %iota3A : vector<16xi32>
          %lt3A_139 = vector.broadcast %scan3A_101 : i32 to vector<16xi32>
          %lt3A_140 = arith.cmpi slt, %add3A_138, %lt3A_139 : vector<16xi32>
          %gather3A = tpu.vector_load_idx %arg4[%add3A_110, %add3A_112, %and3A_134] masked %lt3A_140 : memref<2x8x4096xf32, #tpu.memory_space<vmem>>[vector<16xi32>, vector<16xi32>, vector<16xi32>], vector<16xf32>, vector<16xi1>
          %jit3A = arith.constant 0x7F800000 : f32
          %broadcast_in_dim3A_141 = vector.broadcast %jit3A : f32 to vector<16xf32>
          %select_n3A = arith.select %lt3A_140, %gather3A, %broadcast_in_dim3A_141 : vector<16xi1>, vector<16xf32>
          %masked_sort3A = arith.constant dense<true> : vector<16xi1>
          %masked_sort3A_142, %masked_sort3A_143, %masked_sort3A_144 = tpu.sort %select_n3A, %get3A_130 masked %masked_sort3A : (vector<16xf32>, vector<16xi32>, vector<16xi1>) -> (vector<16xi1>, vector<16xf32>, vector<16xi32>)
          %rev3A_145 = arith.constant 15 : i32
          %rev3A_146 = vector.broadcast %rev3A_145 : i32 to vector<16xi32>
          %rev3A_147 = tpu.iota {dimensions = array<i32: 0>} : vector<16xi32>
          %rev3A_148 = arith.subi %rev3A_146, %rev3A_147 : vector<16xi32>
          %rev3A_149 = tpu.dynamic_gather %while3A_126[%rev3A_148] in [0] : vector<16xf32>, vector<16xi32> -> vector<16xf32>
          %rev3A_150 = arith.constant 15 : i32
          %rev3A_151 = vector.broadcast %rev3A_150 : i32 to vector<16xi32>
          %rev3A_152 = tpu.iota {dimensions = array<i32: 0>} : vector<16xi32>
          %rev3A_153 = arith.subi %rev3A_151, %rev3A_152 : vector<16xi32>
          %rev3A_154 = tpu.dynamic_gather %while3A_127[%rev3A_153] in [0] : vector<16xi32>, vector<16xi32> -> vector<16xi32>
          %le3A = arith.cmpf ole, %masked_sort3A_143, %rev3A_149 : vector<16xf32>
          %select_n3A_155 = arith.select %le3A, %masked_sort3A_143, %rev3A_149 : vector<16xi1>, vector<16xf32>
          %select_n3A_156 = arith.select %le3A, %masked_sort3A_144, %rev3A_154 : vector<16xi1>, vector<16xi32>
          %masked_sort3A_157 = arith.constant dense<true> : vector<16xi1>
          %masked_sort3A_158, %masked_sort3A_159, %masked_sort3A_160 = tpu.sort %select_n3A_155, %select_n3A_156 masked %masked_sort3A_157 : (vector<16xf32>, vector<16xi32>, vector<16xi1>) -> (vector<16xi1>, vector<16xf32>, vector<16xi32>)
          scf.yield %masked_sort3A_159, %masked_sort3A_160 : vector<16xf32>, vector<16xi32>
        }
        %while3A_121 = arith.constant 1 : i32
        %while3A_122:2 = scf.for %while3A_125 = %while3A_118 to %while3A_114 step %while3A_121 iter_args(%while3A_126 = %while3A_120#0, %while3A_127 = %while3A_120#1) -> (vector<16xf32>, vector<16xi32>)  : i32 {
          %mul3A_128 = arith.constant 16 : i32
          %mul3A_129 = arith.muli %while3A_125, %mul3A_128 : i32
          %get3A = arith.index_cast %mul3A_129 : i32 to index
          %get3A_130 = tpu.vector_load %arg5[%get3A] {strides = array<i32>} : memref<4112xi32, #tpu.memory_space<vmem>>, vector<16xi32>,
          %sub3A = vector.broadcast %mul3A_66 : i32 to vector<16xi32>
          %sub3A_131 = arith.subi %get3A_130, %sub3A : vector<16xi32>
          %and3A_132 = arith.constant 4095 : i32
          %and3A_133 = vector.broadcast %and3A_132 : i32 to vector<16xi32>
          %and3A_134 = arith.andi %sub3A_131, %and3A_133 : vector<16xi32>
          %mul3A_135 = arith.constant 16 : i32
          %mul3A_136 = arith.muli %while3A_125, %mul3A_135 : i32
          %add3A_137 = vector.broadcast %mul3A_136 : i32 to vector<16xi32>
          %add3A_138 = arith.addi %add3A_137, %iota3A : vector<16xi32>
          %lt3A_139 = vector.broadcast %scan3A_101 : i32 to vector<16xi32>
          %lt3A_140 = arith.cmpi slt, %add3A_138, %lt3A_139 : vector<16xi32>
          %gather3A = tpu.vector_load_idx %arg4[%add3A_110, %add3A_112, %and3A_134] masked %lt3A_140 : memref<2x8x4096xf32, #tpu.memory_space<vmem>>[vector<16xi32>, vector<16xi32>, vector<16xi32>], vector<16xf32>, vector<16xi1>
          %jit3A = arith.constant 0x7F800000 : f32
          %broadcast_in_dim3A_141 = vector.broadcast %jit3A : f32 to vector<16xf32>
          %select_n3A = arith.select %lt3A_140, %gather3A, %broadcast_in_dim3A_141 : vector<16xi1>, vector<16xf32>
          %masked_sort3A = arith.constant dense<true> : vector<16xi1>
          %masked_sort3A_142, %masked_sort3A_143, %masked_sort3A_144 = tpu.sort %select_n3A, %get3A_130 masked %masked_sort3A : (vector<16xf32>, vector<16xi32>, vector<16xi1>) -> (vector<16xi1>, vector<16xf32>, vector<16xi32>)
          %rev3A_145 = arith.constant 15 : i32
          %rev3A_146 = vector.broadcast %rev3A_145 : i32 to vector<16xi32>
          %rev3A_147 = tpu.iota {dimensions = array<i32: 0>} : vector<16xi32>
          %rev3A_148 = arith.subi %rev3A_146, %rev3A_147 : vector<16xi32>
          %rev3A_149 = tpu.dynamic_gather %while3A_126[%rev3A_148] in [0] : vector<16xf32>, vector<16xi32> -> vector<16xf32>
          %rev3A_150 = arith.constant 15 : i32
          %rev3A_151 = vector.broadcast %rev3A_150 : i32 to vector<16xi32>
          %rev3A_152 = tpu.iota {dimensions = array<i32: 0>} : vector<16xi32>
          %rev3A_153 = arith.subi %rev3A_151, %rev3A_152 : vector<16xi32>
          %rev3A_154 = tpu.dynamic_gather %while3A_127[%rev3A_153] in [0] : vector<16xi32>, vector<16xi32> -> vector<16xi32>
          %le3A = arith.cmpf ole, %masked_sort3A_143, %rev3A_149 : vector<16xf32>
          %select_n3A_155 = arith.select %le3A, %masked_sort3A_143, %rev3A_149 : vector<16xi1>, vector<16xf32>
          %select_n3A_156 = arith.select %le3A, %masked_sort3A_144, %rev3A_154 : vector<16xi1>, vector<16xi32>
          %masked_sort3A_157 = arith.constant dense<true> : vector<16xi1>
          %masked_sort3A_158, %masked_sort3A_159, %masked_sort3A_160 = tpu.sort %select_n3A_155, %select_n3A_156 masked %masked_sort3A_157 : (vector<16xf32>, vector<16xi32>, vector<16xi1>) -> (vector<16xi1>, vector<16xf32>, vector<16xi32>)
          scf.yield %masked_sort3A_159, %masked_sort3A_160 : vector<16xf32>, vector<16xi32>
        }
        %swap3A = arith.index_cast %scan3A_75 : i32 to index
        %swap3A_123 = arith.constant 0 : index
        %swap3A_124 = tpu.vector_load %arg6[%swap3A, %swap3A_123] {strides = array<i32>} : memref<8x16xi32, #tpu.memory_space<vmem>>, vector<16xi32>,
        tpu.vector_store %arg6[%swap3A, %swap3A_123], %while3A_122#1 {strides = array<i32>} : memref<8x16xi32, #tpu.memory_space<vmem>>, vector<16xi32>,
      }
      %scan3A_72 = arith.constant 8 : i32
      %mul3A_73 = arith.constant 8 : i32
      %mul3A_74 = arith.muli %add3A_34, %mul3A_73 : i32
      "tpu.region"() ({
        %run_scoped3A = tpu.sem_alloc : memref<!tpu.dma_semaphore, #tpu.memory_space<semaphore_mem>>
        %dma_start3A_75 = arith.constant 0 : i32
        %dma_start3A_76 = tpu.memref_slice %arg3[%mul3A_74, %dma_start3A_75] : memref<8192x16xi32, #tpu.memory_space<hbm>> -> memref<8x16xi32, #tpu.memory_space<hbm>>
        %dma_start3A_77 = arith.constant 0 : i32
        %dma_start3A_78 = tpu.memref_slice %arg3[%mul3A_74, %dma_start3A_77] : memref<8192x16xi32, #tpu.memory_space<hbm>> -> memref<8x16xi32, #tpu.memory_space<hbm>>
        tpu.enqueue_dma source(%arg6 : memref<8x16xi32, #tpu.memory_space<vmem>>) target(%dma_start3A_78 : memref<8x16xi32, #tpu.memory_space<hbm>>) target_semaphore(%run_scoped3A : memref<!tpu.dma_semaphore, #tpu.memory_space<semaphore_mem>>)
        %dma_wait3A_79 = arith.constant 0 : i32
        %dma_wait3A_80 = tpu.memref_slice %arg3[%mul3A_74, %dma_wait3A_79] : memref<8192x16xi32, #tpu.memory_space<hbm>> -> memref<8x16xi32, #tpu.memory_space<hbm>>
        %dma_wait3A_81 = arith.constant 0 : i32
        %dma_wait3A_82 = tpu.memref_slice %arg3[%mul3A_74, %dma_wait3A_81] : memref<8192x16xi32, #tpu.memory_space<hbm>> -> memref<8x16xi32, #tpu.memory_space<hbm>>
        tpu.wait_dma2 semaphore(%run_scoped3A : memref<!tpu.dma_semaphore, #tpu.memory_space<semaphore_mem>>) src(%arg6 : memref<8x16xi32, #tpu.memory_space<vmem>>) dst(%dma_wait3A_82 : memref<8x16xi32, #tpu.memory_space<hbm>>)
        tpu.yield
      }) : () -> ()
    }
    %scan3A_30 = arith.constant 32 : i32
    return
  }
}

#map = affine_map<(d0, d1) -> (0, 0, 0)>
#map1 = affine_map<(d0, d1) -> (0, 0)>
module attributes {stable_mosaic.version = 14 : i64} {
  func.func @k(%arg0: i32, %arg1: i32, %arg2: memref<4x1024x2048xf32, #tpu.memory_space<hbm>>, %arg3: memref<4096x16xi32, #tpu.memory_space<hbm>>, %arg4: memref<2x8x2048xf32, #tpu.memory_space<vmem>>, %arg5: memref<2064xi32, #tpu.memory_space<vmem>>, %arg6: memref<8x16xi32, #tpu.memory_space<vmem>>, %arg7: memref<!tpu.dma_semaphore, #tpu.memory_space<semaphore_mem>>) attributes {dimension_semantics = [#tpu.dimension_semantics<core_parallel>, #tpu.dimension_semantics<subcore_parallel>], iteration_bounds = array<i64: 2, 16>, scalar_prefetch = 0 : i64, scratch_operands = 4 : i64, tpu.core_type = #tpu.core_type<sc_vector_subcore>, window_params = [{transform_indices = #map}, {transform_indices = #map1}]} {
    %mul3A = arith.constant 2 : i32
    %mul3A_0 = arith.muli %arg1, %mul3A : i32
    %add3A = arith.addi %mul3A_0, %arg0 : i32
    %iota3A = tpu.iota {dimensions = array<i32: 0>} : vector<16xi32>
    %broadcast_in_dim3A = arith.constant 0x7F800000 : f32
    %broadcast_in_dim3A_1 = vector.broadcast %broadcast_in_dim3A : f32 to vector<16xf32>
    %broadcast_in_dim3A_2 = arith.constant 0 : i32
    %broadcast_in_dim3A_3 = vector.broadcast %broadcast_in_dim3A_2 : i32 to vector<16xi32>
    %mul3A_4 = arith.constant 16 : i32
    %mul3A_5 = arith.muli %add3A, %mul3A_4 : i32
    %add3A_6 = arith.constant 0 : i32
    %add3A_7 = arith.addi %mul3A_5, %add3A_6 : i32
    %shift_right_logical3A = arith.constant 7 : i32
    %shift_right_logical3A_8 = arith.shrui %add3A_7, %shift_right_logical3A : i32
    %and3A = arith.constant 127 : i32
    %and3A_9 = arith.andi %add3A_7, %and3A : i32
    %mul3A_10 = arith.constant 8 : i32
    %mul3A_11 = arith.muli %and3A_9, %mul3A_10 : i32
    %dma_start3A = arith.constant 0 : i32
    %dma_start3A_12 = arith.constant 0 : i32
    %dma_start3A_13 = arith.constant 0 : i32
    %dma_start3A_14 = tpu.memref_slice %arg4[%dma_start3A, %dma_start3A_12, %dma_start3A_13] : memref<2x8x2048xf32, #tpu.memory_space<vmem>> -> memref<1x8x2048xf32, #tpu.memory_space<vmem>>
    %dma_start3A_15 = tpu.memref_squeeze %dma_start3A_14 : memref<1x8x2048xf32, #tpu.memory_space<vmem>> -> memref<8x2048xf32, #tpu.memory_space<vmem>>
    %dma_start3A_16 = arith.constant 0 : i32
    %dma_start3A_17 = tpu.memref_slice %arg2[%shift_right_logical3A_8, %mul3A_11, %dma_start3A_16] : memref<4x1024x2048xf32, #tpu.memory_space<hbm>> -> memref<1x8x2048xf32, #tpu.memory_space<hbm>>
    %dma_start3A_18 = tpu.memref_squeeze %dma_start3A_17 : memref<1x8x2048xf32, #tpu.memory_space<hbm>> -> memref<8x2048xf32, #tpu.memory_space<hbm>>
    %dma_start3A_19 = arith.constant 0 : i32
    %dma_start3A_20 = arith.constant 0 : i32
    %dma_start3A_21 = tpu.memref_slice %arg4[%dma_start3A, %dma_start3A_19, %dma_start3A_20] : memref<2x8x2048xf32, #tpu.memory_space<vmem>> -> memref<1x8x2048xf32, #tpu.memory_space<vmem>>
    %dma_start3A_22 = tpu.memref_squeeze %dma_start3A_21 : memref<1x8x2048xf32, #tpu.memory_space<vmem>> -> memref<8x2048xf32, #tpu.memory_space<vmem>>
    %dma_start3A_23 = arith.constant 0 : i32
    %dma_start3A_24 = tpu.memref_slice %arg2[%shift_right_logical3A_8, %mul3A_11, %dma_start3A_23] : memref<4x1024x2048xf32, #tpu.memory_space<hbm>> -> memref<1x8x2048xf32, #tpu.memory_space<hbm>>
    %dma_start3A_25 = tpu.memref_squeeze %dma_start3A_24 : memref<1x8x2048xf32, #tpu.memory_space<hbm>> -> memref<8x2048xf32, #tpu.memory_space<hbm>>
    tpu.enqueue_dma source(%dma_start3A_25 : memref<8x2048xf32, #tpu.memory_space<hbm>>) target(%dma_start3A_22 : memref<8x2048xf32, #tpu.memory_space<vmem>>) target_semaphore(%arg7 : memref<!tpu.dma_semaphore, #tpu.memory_space<semaphore_mem>>)
    %scan3A = arith.constant 0 : i32
    %scan3A_26 = arith.constant 0 : i32
    %scan3A_27 = arith.constant 16 : i32
    %scan3A_28 = arith.addi %scan3A_26, %scan3A_27 : i32
    %scan3A_29 = arith.constant 1 : i32
    scf.for %scan3A_31 = %scan3A_26 to %scan3A_28 step %scan3A_29  : i32 {
      %mul3A_32 = arith.constant 16 : i32
      %mul3A_33 = arith.muli %add3A, %mul3A_32 : i32
      %add3A_34 = arith.addi %mul3A_33, %scan3A_31 : i32
      %shift_right_logical3A_35 = arith.constant 7 : i32
      %shift_right_logical3A_36 = arith.shrui %add3A_34, %shift_right_logical3A_35 : i32
      %and3A_37 = arith.constant 1 : i32
      %and3A_38 = arith.andi %scan3A_31, %and3A_37 : i32
      %mul3A_39 = arith.constant 16 : i32
      %mul3A_40 = arith.muli %add3A, %mul3A_39 : i32
      %add3A_41 = arith.addi %mul3A_40, %scan3A_31 : i32
      %shift_right_logical3A_42 = arith.constant 7 : i32
      %shift_right_logical3A_43 = arith.shrui %add3A_41, %shift_right_logical3A_42 : i32
      %and3A_44 = arith.constant 127 : i32
      %and3A_45 = arith.andi %add3A_41, %and3A_44 : i32
      %mul3A_46 = arith.constant 8 : i32
      %mul3A_47 = arith.muli %and3A_45, %mul3A_46 : i32
      %dma_wait3A = arith.constant 0 : i32
      %dma_wait3A_48 = arith.constant 0 : i32
      %dma_wait3A_49 = tpu.memref_slice %arg4[%and3A_38, %dma_wait3A, %dma_wait3A_48] : memref<2x8x2048xf32, #tpu.memory_space<vmem>> -> memref<1x8x2048xf32, #tpu.memory_space<vmem>>
      %dma_wait3A_50 = tpu.memref_squeeze %dma_wait3A_49 : memref<1x8x2048xf32, #tpu.memory_space<vmem>> -> memref<8x2048xf32, #tpu.memory_space<vmem>>
      %dma_wait3A_51 = arith.constant 0 : i32
      %dma_wait3A_52 = tpu.memref_slice %arg2[%shift_right_logical3A_43, %mul3A_47, %dma_wait3A_51] : memref<4x1024x2048xf32, #tpu.memory_space<hbm>> -> memref<1x8x2048xf32, #tpu.memory_space<hbm>>
      %dma_wait3A_53 = tpu.memref_squeeze %dma_wait3A_52 : memref<1x8x2048xf32, #tpu.memory_space<hbm>> -> memref<8x2048xf32, #tpu.memory_space<hbm>>
      %dma_wait3A_54 = arith.constant 0 : i32
      %dma_wait3A_55 = arith.constant 0 : i32
      %dma_wait3A_56 = tpu.memref_slice %arg4[%and3A_38, %dma_wait3A_54, %dma_wait3A_55] : memref<2x8x2048xf32, #tpu.memory_space<vmem>> -> memref<1x8x2048xf32, #tpu.memory_space<vmem>>
      %dma_wait3A_57 = tpu.memref_squeeze %dma_wait3A_56 : memref<1x8x2048xf32, #tpu.memory_space<vmem>> -> memref<8x2048xf32, #tpu.memory_space<vmem>>
      %dma_wait3A_58 = arith.constant 0 : i32
      %dma_wait3A_59 = tpu.memref_slice %arg2[%shift_right_logical3A_43, %mul3A_47, %dma_wait3A_58] : memref<4x1024x2048xf32, #tpu.memory_space<hbm>> -> memref<1x8x2048xf32, #tpu.memory_space<hbm>>
      %dma_wait3A_60 = tpu.memref_squeeze %dma_wait3A_59 : memref<1x8x2048xf32, #tpu.memory_space<hbm>> -> memref<8x2048xf32, #tpu.memory_space<hbm>>
      tpu.wait_dma2 semaphore(%arg7 : memref<!tpu.dma_semaphore, #tpu.memory_space<semaphore_mem>>) src(%dma_wait3A_60 : memref<8x2048xf32, #tpu.memory_space<hbm>>) dst(%dma_wait3A_57 : memref<8x2048xf32, #tpu.memory_space<vmem>>)
      %add3A_61 = arith.constant 1 : i32
      %add3A_62 = arith.addi %scan3A_31, %add3A_61 : i32
      %lt3A = arith.constant 16 : i32
      %lt3A_63 = arith.cmpi slt, %add3A_62, %lt3A : i32
      %convert_element_type3A = arith.extui %lt3A_63 : i1 to i32
      %cond3A = arith.constant 0 : i32
      %cond3A_64 = arith.cmpi ne, %convert_element_type3A, %cond3A : i32
      scf.if %cond3A_64 {
        %add3A_75 = arith.constant 1 : i32
        %add3A_76 = arith.addi %scan3A_31, %add3A_75 : i32
        %sub3A = arith.constant 1 : i32
        %sub3A_77 = arith.subi %sub3A, %and3A_38 : i32
        %mul3A_78 = arith.constant 16 : i32
        %mul3A_79 = arith.muli %add3A, %mul3A_78 : i32
        %add3A_80 = arith.addi %mul3A_79, %add3A_76 : i32
        %shift_right_logical3A_81 = arith.constant 7 : i32
        %shift_right_logical3A_82 = arith.shrui %add3A_80, %shift_right_logical3A_81 : i32
        %and3A_83 = arith.constant 127 : i32
        %and3A_84 = arith.andi %add3A_80, %and3A_83 : i32
        %mul3A_85 = arith.constant 8 : i32
        %mul3A_86 = arith.muli %and3A_84, %mul3A_85 : i32
        %dma_start3A_87 = arith.constant 0 : i32
        %dma_start3A_88 = arith.constant 0 : i32
        %dma_start3A_89 = tpu.memref_slice %arg4[%sub3A_77, %dma_start3A_87, %dma_start3A_88] : memref<2x8x2048xf32, #tpu.memory_space<vmem>> -> memref<1x8x2048xf32, #tpu.memory_space<vmem>>
        %dma_start3A_90 = tpu.memref_squeeze %dma_start3A_89 : memref<1x8x2048xf32, #tpu.memory_space<vmem>> -> memref<8x2048xf32, #tpu.memory_space<vmem>>
        %dma_start3A_91 = arith.constant 0 : i32
        %dma_start3A_92 = tpu.memref_slice %arg2[%shift_right_logical3A_82, %mul3A_86, %dma_start3A_91] : memref<4x1024x2048xf32, #tpu.memory_space<hbm>> -> memref<1x8x2048xf32, #tpu.memory_space<hbm>>
        %dma_start3A_93 = tpu.memref_squeeze %dma_start3A_92 : memref<1x8x2048xf32, #tpu.memory_space<hbm>> -> memref<8x2048xf32, #tpu.memory_space<hbm>>
        %dma_start3A_94 = arith.constant 0 : i32
        %dma_start3A_95 = arith.constant 0 : i32
        %dma_start3A_96 = tpu.memref_slice %arg4[%sub3A_77, %dma_start3A_94, %dma_start3A_95] : memref<2x8x2048xf32, #tpu.memory_space<vmem>> -> memref<1x8x2048xf32, #tpu.memory_space<vmem>>
        %dma_start3A_97 = tpu.memref_squeeze %dma_start3A_96 : memref<1x8x2048xf32, #tpu.memory_space<vmem>> -> memref<8x2048xf32, #tpu.memory_space<vmem>>
        %dma_start3A_98 = arith.constant 0 : i32
        %dma_start3A_99 = tpu.memref_slice %arg2[%shift_right_logical3A_82, %mul3A_86, %dma_start3A_98] : memref<4x1024x2048xf32, #tpu.memory_space<hbm>> -> memref<1x8x2048xf32, #tpu.memory_space<hbm>>
        %dma_start3A_100 = tpu.memref_squeeze %dma_start3A_99 : memref<1x8x2048xf32, #tpu.memory_space<hbm>> -> memref<8x2048xf32, #tpu.memory_space<hbm>>
        tpu.enqueue_dma source(%dma_start3A_100 : memref<8x2048xf32, #tpu.memory_space<hbm>>) target(%dma_start3A_97 : memref<8x2048xf32, #tpu.memory_space<vmem>>) target_semaphore(%arg7 : memref<!tpu.dma_semaphore, #tpu.memory_space<semaphore_mem>>)
      } else {
      }
      %mul3A_65 = arith.constant 2048 : i32
      %mul3A_66 = arith.muli %shift_right_logical3A_36, %mul3A_65 : i32
      %scan3A_67 = arith.constant 0 : i32
      %scan3A_68 = arith.constant 0 : i32
      %scan3A_69 = arith.constant 8 : i32
      %scan3A_70 = arith.addi %scan3A_68, %scan3A_69 : i32
      %scan3A_71 = arith.constant 1 : i32
      scf.for %scan3A_75 = %scan3A_68 to %scan3A_70 step %scan3A_71  : i32 {
        %scan3A_76 = arith.constant 0 : i32
        %scan3A_77 = arith.constant 32 : i32
        %scan3A_78 = arith.addi %scan3A_76, %scan3A_77 : i32
        %scan3A_79 = arith.constant 1 : i32
        %scan3A_80:2 = scf.for %scan3A_125 = %scan3A_76 to %scan3A_78 step %scan3A_79 iter_args(%scan3A_126 = %broadcast_in_dim3A_1, %scan3A_127 = %broadcast_in_dim3A_1) -> (vector<16xf32>, vector<16xf32>)  : i32 {
          %mul3A_128 = arith.constant 2 : i32
          %mul3A_129 = arith.muli %scan3A_125, %mul3A_128 : i32
          %add3A_130 = arith.constant 0 : i32
          %add3A_131 = arith.addi %mul3A_129, %add3A_130 : i32
          %mul3A_132 = arith.constant 32 : i32
          %mul3A_133 = arith.muli %add3A_131, %mul3A_132 : i32
          %get3A = arith.constant 0 : i32
          %get3A_134 = arith.constant 0 : i32
          %get3A_135 = tpu.memref_slice %arg4[%and3A_38, %get3A, %get3A_134] : memref<2x8x2048xf32, #tpu.memory_space<vmem>> -> memref<1x8x2048xf32, #tpu.memory_space<vmem>>
          %get3A_136 = tpu.memref_squeeze %get3A_135 : memref<1x8x2048xf32, #tpu.memory_space<vmem>> -> memref<8x2048xf32, #tpu.memory_space<vmem>>
          %get3A_137 = arith.index_cast %scan3A_75 : i32 to index
          %get3A_138 = arith.index_cast %mul3A_133 : i32 to index
          %get3A_139 = tpu.vector_load %get3A_136[%get3A_137, %get3A_138] {strides = array<i32>} : memref<8x2048xf32, #tpu.memory_space<vmem>>, vector<16xf32>,
          %min3A_140 = arith.minimumf %scan3A_126, %get3A_139 : vector<16xf32>
          %mul3A_141 = arith.constant 2 : i32
          %mul3A_142 = arith.muli %scan3A_125, %mul3A_141 : i32
          %add3A_143 = arith.constant 0 : i32
          %add3A_144 = arith.addi %mul3A_142, %add3A_143 : i32
          %mul3A_145 = arith.constant 32 : i32
          %mul3A_146 = arith.muli %add3A_144, %mul3A_145 : i32
          %add3A_147 = arith.constant 16 : i32
          %add3A_148 = arith.addi %mul3A_146, %add3A_147 : i32
          %get3A_149 = arith.constant 0 : i32
          %get3A_150 = arith.constant 0 : i32
          %get3A_151 = tpu.memref_slice %arg4[%and3A_38, %get3A_149, %get3A_150] : memref<2x8x2048xf32, #tpu.memory_space<vmem>> -> memref<1x8x2048xf32, #tpu.memory_space<vmem>>
          %get3A_152 = tpu.memref_squeeze %get3A_151 : memref<1x8x2048xf32, #tpu.memory_space<vmem>> -> memref<8x2048xf32, #tpu.memory_space<vmem>>
          %get3A_153 = arith.index_cast %scan3A_75 : i32 to index
          %get3A_154 = arith.index_cast %add3A_148 : i32 to index
          %get3A_155 = tpu.vector_load %get3A_152[%get3A_153, %get3A_154] {strides = array<i32>} : memref<8x2048xf32, #tpu.memory_space<vmem>>, vector<16xf32>,
          %min3A_156 = arith.minimumf %scan3A_127, %get3A_155 : vector<16xf32>
          %mul3A_157 = arith.constant 2 : i32
          %mul3A_158 = arith.muli %scan3A_125, %mul3A_157 : i32
          %add3A_159 = arith.constant 1 : i32
          %add3A_160 = arith.addi %mul3A_158, %add3A_159 : i32
          %mul3A_161 = arith.constant 32 : i32
          %mul3A_162 = arith.muli %add3A_160, %mul3A_161 : i32
          %get3A_163 = arith.constant 0 : i32
          %get3A_164 = arith.constant 0 : i32
          %get3A_165 = tpu.memref_slice %arg4[%and3A_38, %get3A_163, %get3A_164] : memref<2x8x2048xf32, #tpu.memory_space<vmem>> -> memref<1x8x2048xf32, #tpu.memory_space<vmem>>
          %get3A_166 = tpu.memref_squeeze %get3A_165 : memref<1x8x2048xf32, #tpu.memory_space<vmem>> -> memref<8x2048xf32, #tpu.memory_space<vmem>>
          %get3A_167 = arith.index_cast %scan3A_75 : i32 to index
          %get3A_168 = arith.index_cast %mul3A_162 : i32 to index
          %get3A_169 = tpu.vector_load %get3A_166[%get3A_167, %get3A_168] {strides = array<i32>} : memref<8x2048xf32, #tpu.memory_space<vmem>>, vector<16xf32>,
          %min3A_170 = arith.minimumf %min3A_140, %get3A_169 : vector<16xf32>
          %mul3A_171 = arith.constant 2 : i32
          %mul3A_172 = arith.muli %scan3A_125, %mul3A_171 : i32
          %add3A_173 = arith.constant 1 : i32
          %add3A_174 = arith.addi %mul3A_172, %add3A_173 : i32
          %mul3A_175 = arith.constant 32 : i32
          %mul3A_176 = arith.muli %add3A_174, %mul3A_175 : i32
          %add3A_177 = arith.constant 16 : i32
          %add3A_178 = arith.addi %mul3A_176, %add3A_177 : i32
          %get3A_179 = arith.constant 0 : i32
          %get3A_180 = arith.constant 0 : i32
          %get3A_181 = tpu.memref_slice %arg4[%and3A_38, %get3A_179, %get3A_180] : memref<2x8x2048xf32, #tpu.memory_space<vmem>> -> memref<1x8x2048xf32, #tpu.memory_space<vmem>>
          %get3A_182 = tpu.memref_squeeze %get3A_181 : memref<1x8x2048xf32, #tpu.memory_space<vmem>> -> memref<8x2048xf32, #tpu.memory_space<vmem>>
          %get3A_183 = arith.index_cast %scan3A_75 : i32 to index
          %get3A_184 = arith.index_cast %add3A_178 : i32 to index
          %get3A_185 = tpu.vector_load %get3A_182[%get3A_183, %get3A_184] {strides = array<i32>} : memref<8x2048xf32, #tpu.memory_space<vmem>>, vector<16xf32>,
          %min3A_186 = arith.minimumf %min3A_156, %get3A_185 : vector<16xf32>
          scf.yield %min3A_170, %min3A_186 : vector<16xf32>, vector<16xf32>
        }
        %scan3A_81 = arith.constant 32 : i32
        %sort3A = arith.constant dense<true> : vector<16xi1>
        %sort3A_82, %sort3A_83, %sort3A_84 = tpu.sort %scan3A_80#0, %scan3A_80#0 masked %sort3A : (vector<16xf32>, vector<16xf32>, vector<16xi1>) -> (vector<16xi1>, vector<16xf32>, vector<16xf32>)
        %sort3A_85 = arith.constant dense<true> : vector<16xi1>
        %sort3A_86, %sort3A_87, %sort3A_88 = tpu.sort %scan3A_80#1, %scan3A_80#1 masked %sort3A_85 : (vector<16xf32>, vector<16xf32>, vector<16xi1>) -> (vector<16xi1>, vector<16xf32>, vector<16xf32>)
        %rev3A = arith.constant 15 : i32
        %rev3A_89 = vector.broadcast %rev3A : i32 to vector<16xi32>
        %rev3A_90 = tpu.iota {dimensions = array<i32: 0>} : vector<16xi32>
        %rev3A_91 = arith.subi %rev3A_89, %rev3A_90 : vector<16xi32>
        %rev3A_92 = tpu.dynamic_gather %sort3A_87[%rev3A_91] in [0] : vector<16xf32>, vector<16xi32> -> vector<16xf32>
        %min3A = arith.minimumf %sort3A_83, %rev3A_92 : vector<16xf32>
        %reduce_max3A = arith.constant true
        %reduce_max3A_93 = vector.broadcast %reduce_max3A : i1 to vector<16xi1>
        %reduce_max3A_94 = tpu.scan <max>, %min3A masked %reduce_max3A_93 : vector<16xf32>, vector<16xi1> -> vector<16xf32>
        %reduce_max3A_95 = vector.extract %reduce_max3A_94[15] : f32 from vector<16xf32>
        %scan3A_96 = arith.constant 0 : i32
        %scan3A_97 = arith.constant 0 : i32
        %scan3A_98 = arith.constant 16 : i32
        %scan3A_99 = arith.addi %scan3A_97, %scan3A_98 : i32
        %scan3A_100 = arith.constant 1 : i32
        %scan3A_101 = scf.for %scan3A_125 = %scan3A_97 to %scan3A_99 step %scan3A_100 iter_args(%scan3A_126 = %scan3A_96) -> (i32)  : i32 {
          %mul3A_127 = arith.constant 8 : i32
          %mul3A_128 = arith.muli %scan3A_125, %mul3A_127 : i32
          %add3A_129 = arith.constant 0 : i32
          %add3A_130 = arith.addi %mul3A_128, %add3A_129 : i32
          %mul3A_131 = arith.constant 16 : i32
          %mul3A_132 = arith.muli %add3A_130, %mul3A_131 : i32
          %get3A = arith.constant 0 : i32
          %get3A_133 = arith.constant 0 : i32
          %get3A_134 = tpu.memref_slice %arg4[%and3A_38, %get3A, %get3A_133] : memref<2x8x2048xf32, #tpu.memory_space<vmem>> -> memref<1x8x2048xf32, #tpu.memory_space<vmem>>
          %get3A_135 = tpu.memref_squeeze %get3A_134 : memref<1x8x2048xf32, #tpu.memory_space<vmem>> -> memref<8x2048xf32, #tpu.memory_space<vmem>>
          %get3A_136 = arith.index_cast %scan3A_75 : i32 to index
          %get3A_137 = arith.index_cast %mul3A_132 : i32 to index
          %get3A_138 = tpu.vector_load %get3A_135[%get3A_136, %get3A_137] {strides = array<i32>} : memref<8x2048xf32, #tpu.memory_space<vmem>>, vector<16xf32>,
          %le3A = vector.broadcast %reduce_max3A_95 : f32 to vector<16xf32>
          %le3A_139 = arith.cmpf ole, %get3A_138, %le3A : vector<16xf32>
          %mul3A_140 = arith.constant 16 : i32
          %mul3A_141 = arith.muli %add3A_130, %mul3A_140 : i32
          %add3A_142 = arith.addi %mul3A_141, %mul3A_66 : i32
          %add3A_143 = vector.broadcast %add3A_142 : i32 to vector<16xi32>
          %add3A_144 = arith.addi %iota3A, %add3A_143 : vector<16xi32>
          %swap3A_145 = arith.index_cast %scan3A_126 : i32 to index
          %swap3A_146 = tpu.vector_load %arg5[%swap3A_145] masked %le3A_139 {strides = array<i32>} : memref<2064xi32, #tpu.memory_space<vmem>>, vector<16xi32>, vector<16xi1>
          tpu.vector_store %arg5[%swap3A_145], %add3A_144 masked %le3A_139 {strides = array<i32>} : memref<2064xi32, #tpu.memory_space<vmem>>, vector<16xi32>, vector<16xi1>
          %all_reduce_population_count3A = tpu.all_reduce %le3A_139 {dim = 0 : i64, kind = #tpu.reduction_kind<sum>} : vector<16xi1> -> vector<16xi32>
          %slice3A = vector.extract_strided_slice %all_reduce_population_count3A {offsets = [0], sizes = [1], strides = [1]} : vector<16xi32> to vector<1xi32>
          %squeeze3A = vector.extract %slice3A[0] : i32 from vector<1xi32>
          %add3A_147 = arith.addi %scan3A_126, %squeeze3A : i32
          %mul3A_148 = arith.constant 8 : i32
          %mul3A_149 = arith.muli %scan3A_125, %mul3A_148 : i32
          %add3A_150 = arith.constant 1 : i32
          %add3A_151 = arith.addi %mul3A_149, %add3A_150 : i32
          %mul3A_152 = arith.constant 16 : i32
          %mul3A_153 = arith.muli %add3A_151, %mul3A_152 : i32
          %get3A_154 = arith.constant 0 : i32
          %get3A_155 = arith.constant 0 : i32
          %get3A_156 = tpu.memref_slice %arg4[%and3A_38, %get3A_154, %get3A_155] : memref<2x8x2048xf32, #tpu.memory_space<vmem>> -> memref<1x8x2048xf32, #tpu.memory_space<vmem>>
          %get3A_157 = tpu.memref_squeeze %get3A_156 : memref<1x8x2048xf32, #tpu.memory_space<vmem>> -> memref<8x2048xf32, #tpu.memory_space<vmem>>
          %get3A_158 = arith.index_cast %scan3A_75 : i32 to index
          %get3A_159 = arith.index_cast %mul3A_153 : i32 to index
          %get3A_160 = tpu.vector_load %get3A_157[%get3A_158, %get3A_159] {strides = array<i32>} : memref<8x2048xf32, #tpu.memory_space<vmem>>, vector<16xf32>,
          %le3A_161 = vector.broadcast %reduce_max3A_95 : f32 to vector<16xf32>
          %le3A_162 = arith.cmpf ole, %get3A_160, %le3A_161 : vector<16xf32>
          %mul3A_163 = arith.constant 16 : i32
          %mul3A_164 = arith.muli %add3A_151, %mul3A_163 : i32
          %add3A_165 = arith.addi %mul3A_164, %mul3A_66 : i32
          %add3A_166 = vector.broadcast %add3A_165 : i32 to vector<16xi32>
          %add3A_167 = arith.addi %iota3A, %add3A_166 : vector<16xi32>
          %swap3A_168 = arith.index_cast %add3A_147 : i32 to index
          %swap3A_169 = tpu.vector_load %arg5[%swap3A_168] masked %le3A_162 {strides = array<i32>} : memref<2064xi32, #tpu.memory_space<vmem>>, vector<16xi32>, vector<16xi1>
          tpu.vector_store %arg5[%swap3A_168], %add3A_167 masked %le3A_162 {strides = array<i32>} : memref<2064xi32, #tpu.memory_space<vmem>>, vector<16xi32>, vector<16xi1>
          %all_reduce_population_count3A_170 = tpu.all_reduce %le3A_162 {dim = 0 : i64, kind = #tpu.reduction_kind<sum>} : vector<16xi1> -> vector<16xi32>
          %slice3A_171 = vector.extract_strided_slice %all_reduce_population_count3A_170 {offsets = [0], sizes = [1], strides = [1]} : vector<16xi32> to vector<1xi32>
          %squeeze3A_172 = vector.extract %slice3A_171[0] : i32 from vector<1xi32>
          %add3A_173 = arith.addi %add3A_147, %squeeze3A_172 : i32
          %mul3A_174 = arith.constant 8 : i32
          %mul3A_175 = arith.muli %scan3A_125, %mul3A_174 : i32
          %add3A_176 = arith.constant 2 : i32
          %add3A_177 = arith.addi %mul3A_175, %add3A_176 : i32
          %mul3A_178 = arith.constant 16 : i32
          %mul3A_179 = arith.muli %add3A_177, %mul3A_178 : i32
          %get3A_180 = arith.constant 0 : i32
          %get3A_181 = arith.constant 0 : i32
          %get3A_182 = tpu.memref_slice %arg4[%and3A_38, %get3A_180, %get3A_181] : memref<2x8x2048xf32, #tpu.memory_space<vmem>> -> memref<1x8x2048xf32, #tpu.memory_space<vmem>>
          %get3A_183 = tpu.memref_squeeze %get3A_182 : memref<1x8x2048xf32, #tpu.memory_space<vmem>> -> memref<8x2048xf32, #tpu.memory_space<vmem>>
          %get3A_184 = arith.index_cast %scan3A_75 : i32 to index
          %get3A_185 = arith.index_cast %mul3A_179 : i32 to index
          %get3A_186 = tpu.vector_load %get3A_183[%get3A_184, %get3A_185] {strides = array<i32>} : memref<8x2048xf32, #tpu.memory_space<vmem>>, vector<16xf32>,
          %le3A_187 = vector.broadcast %reduce_max3A_95 : f32 to vector<16xf32>
          %le3A_188 = arith.cmpf ole, %get3A_186, %le3A_187 : vector<16xf32>
          %mul3A_189 = arith.constant 16 : i32
          %mul3A_190 = arith.muli %add3A_177, %mul3A_189 : i32
          %add3A_191 = arith.addi %mul3A_190, %mul3A_66 : i32
          %add3A_192 = vector.broadcast %add3A_191 : i32 to vector<16xi32>
          %add3A_193 = arith.addi %iota3A, %add3A_192 : vector<16xi32>
          %swap3A_194 = arith.index_cast %add3A_173 : i32 to index
          %swap3A_195 = tpu.vector_load %arg5[%swap3A_194] masked %le3A_188 {strides = array<i32>} : memref<2064xi32, #tpu.memory_space<vmem>>, vector<16xi32>, vector<16xi1>
          tpu.vector_store %arg5[%swap3A_194], %add3A_193 masked %le3A_188 {strides = array<i32>} : memref<2064xi32, #tpu.memory_space<vmem>>, vector<16xi32>, vector<16xi1>
          %all_reduce_population_count3A_196 = tpu.all_reduce %le3A_188 {dim = 0 : i64, kind = #tpu.reduction_kind<sum>} : vector<16xi1> -> vector<16xi32>
          %slice3A_197 = vector.extract_strided_slice %all_reduce_population_count3A_196 {offsets = [0], sizes = [1], strides = [1]} : vector<16xi32> to vector<1xi32>
          %squeeze3A_198 = vector.extract %slice3A_197[0] : i32 from vector<1xi32>
          %add3A_199 = arith.addi %add3A_173, %squeeze3A_198 : i32
          %mul3A_200 = arith.constant 8 : i32
          %mul3A_201 = arith.muli %scan3A_125, %mul3A_200 : i32
          %add3A_202 = arith.constant 3 : i32
          %add3A_203 = arith.addi %mul3A_201, %add3A_202 : i32
          %mul3A_204 = arith.constant 16 : i32
          %mul3A_205 = arith.muli %add3A_203, %mul3A_204 : i32
          %get3A_206 = arith.constant 0 : i32
          %get3A_207 = arith.constant 0 : i32
          %get3A_208 = tpu.memref_slice %arg4[%and3A_38, %get3A_206, %get3A_207] : memref<2x8x2048xf32, #tpu.memory_space<vmem>> -> memref<1x8x2048xf32, #tpu.memory_space<vmem>>
          %get3A_209 = tpu.memref_squeeze %get3A_208 : memref<1x8x2048xf32, #tpu.memory_space<vmem>> -> memref<8x2048xf32, #tpu.memory_space<vmem>>
          %get3A_210 = arith.index_cast %scan3A_75 : i32 to index
          %get3A_211 = arith.index_cast %mul3A_205 : i32 to index
          %get3A_212 = tpu.vector_load %get3A_209[%get3A_210, %get3A_211] {strides = array<i32>} : memref<8x2048xf32, #tpu.memory_space<vmem>>, vector<16xf32>,
          %le3A_213 = vector.broadcast %reduce_max3A_95 : f32 to vector<16xf32>
          %le3A_214 = arith.cmpf ole, %get3A_212, %le3A_213 : vector<16xf32>
          %mul3A_215 = arith.constant 16 : i32
          %mul3A_216 = arith.muli %add3A_203, %mul3A_215 : i32
          %add3A_217 = arith.addi %mul3A_216, %mul3A_66 : i32
          %add3A_218 = vector.broadcast %add3A_217 : i32 to vector<16xi32>
          %add3A_219 = arith.addi %iota3A, %add3A_218 : vector<16xi32>
          %swap3A_220 = arith.index_cast %add3A_199 : i32 to index
          %swap3A_221 = tpu.vector_load %arg5[%swap3A_220] masked %le3A_214 {strides = array<i32>} : memref<2064xi32, #tpu.memory_space<vmem>>, vector<16xi32>, vector<16xi1>
          tpu.vector_store %arg5[%swap3A_220], %add3A_219 masked %le3A_214 {strides = array<i32>} : memref<2064xi32, #tpu.memory_space<vmem>>, vector<16xi32>, vector<16xi1>
          %all_reduce_population_count3A_222 = tpu.all_reduce %le3A_214 {dim = 0 : i64, kind = #tpu.reduction_kind<sum>} : vector<16xi1> -> vector<16xi32>
          %slice3A_223 = vector.extract_strided_slice %all_reduce_population_count3A_222 {offsets = [0], sizes = [1], strides = [1]} : vector<16xi32> to vector<1xi32>
          %squeeze3A_224 = vector.extract %slice3A_223[0] : i32 from vector<1xi32>
          %add3A_225 = arith.addi %add3A_199, %squeeze3A_224 : i32
          %mul3A_226 = arith.constant 8 : i32
          %mul3A_227 = arith.muli %scan3A_125, %mul3A_226 : i32
          %add3A_228 = arith.constant 4 : i32
          %add3A_229 = arith.addi %mul3A_227, %add3A_228 : i32
          %mul3A_230 = arith.constant 16 : i32
          %mul3A_231 = arith.muli %add3A_229, %mul3A_230 : i32
          %get3A_232 = arith.constant 0 : i32
          %get3A_233 = arith.constant 0 : i32
          %get3A_234 = tpu.memref_slice %arg4[%and3A_38, %get3A_232, %get3A_233] : memref<2x8x2048xf32, #tpu.memory_space<vmem>> -> memref<1x8x2048xf32, #tpu.memory_space<vmem>>
          %get3A_235 = tpu.memref_squeeze %get3A_234 : memref<1x8x2048xf32, #tpu.memory_space<vmem>> -> memref<8x2048xf32, #tpu.memory_space<vmem>>
          %get3A_236 = arith.index_cast %scan3A_75 : i32 to index
          %get3A_237 = arith.index_cast %mul3A_231 : i32 to index
          %get3A_238 = tpu.vector_load %get3A_235[%get3A_236, %get3A_237] {strides = array<i32>} : memref<8x2048xf32, #tpu.memory_space<vmem>>, vector<16xf32>,
          %le3A_239 = vector.broadcast %reduce_max3A_95 : f32 to vector<16xf32>
          %le3A_240 = arith.cmpf ole, %get3A_238, %le3A_239 : vector<16xf32>
          %mul3A_241 = arith.constant 16 : i32
          %mul3A_242 = arith.muli %add3A_229, %mul3A_241 : i32
          %add3A_243 = arith.addi %mul3A_242, %mul3A_66 : i32
          %add3A_244 = vector.broadcast %add3A_243 : i32 to vector<16xi32>
          %add3A_245 = arith.addi %iota3A, %add3A_244 : vector<16xi32>
          %swap3A_246 = arith.index_cast %add3A_225 : i32 to index
          %swap3A_247 = tpu.vector_load %arg5[%swap3A_246] masked %le3A_240 {strides = array<i32>} : memref<2064xi32, #tpu.memory_space<vmem>>, vector<16xi32>, vector<16xi1>
          tpu.vector_store %arg5[%swap3A_246], %add3A_245 masked %le3A_240 {strides = array<i32>} : memref<2064xi32, #tpu.memory_space<vmem>>, vector<16xi32>, vector<16xi1>
          %all_reduce_population_count3A_248 = tpu.all_reduce %le3A_240 {dim = 0 : i64, kind = #tpu.reduction_kind<sum>} : vector<16xi1> -> vector<16xi32>
          %slice3A_249 = vector.extract_strided_slice %all_reduce_population_count3A_248 {offsets = [0], sizes = [1], strides = [1]} : vector<16xi32> to vector<1xi32>
          %squeeze3A_250 = vector.extract %slice3A_249[0] : i32 from vector<1xi32>
          %add3A_251 = arith.addi %add3A_225, %squeeze3A_250 : i32
          %mul3A_252 = arith.constant 8 : i32
          %mul3A_253 = arith.muli %scan3A_125, %mul3A_252 : i32
          %add3A_254 = arith.constant 5 : i32
          %add3A_255 = arith.addi %mul3A_253, %add3A_254 : i32
          %mul3A_256 = arith.constant 16 : i32
          %mul3A_257 = arith.muli %add3A_255, %mul3A_256 : i32
          %get3A_258 = arith.constant 0 : i32
          %get3A_259 = arith.constant 0 : i32
          %get3A_260 = tpu.memref_slice %arg4[%and3A_38, %get3A_258, %get3A_259] : memref<2x8x2048xf32, #tpu.memory_space<vmem>> -> memref<1x8x2048xf32, #tpu.memory_space<vmem>>
          %get3A_261 = tpu.memref_squeeze %get3A_260 : memref<1x8x2048xf32, #tpu.memory_space<vmem>> -> memref<8x2048xf32, #tpu.memory_space<vmem>>
          %get3A_262 = arith.index_cast %scan3A_75 : i32 to index
          %get3A_263 = arith.index_cast %mul3A_257 : i32 to index
          %get3A_264 = tpu.vector_load %get3A_261[%get3A_262, %get3A_263] {strides = array<i32>} : memref<8x2048xf32, #tpu.memory_space<vmem>>, vector<16xf32>,
          %le3A_265 = vector.broadcast %reduce_max3A_95 : f32 to vector<16xf32>
          %le3A_266 = arith.cmpf ole, %get3A_264, %le3A_265 : vector<16xf32>
          %mul3A_267 = arith.constant 16 : i32
          %mul3A_268 = arith.muli %add3A_255, %mul3A_267 : i32
          %add3A_269 = arith.addi %mul3A_268, %mul3A_66 : i32
          %add3A_270 = vector.broadcast %add3A_269 : i32 to vector<16xi32>
          %add3A_271 = arith.addi %iota3A, %add3A_270 : vector<16xi32>
          %swap3A_272 = arith.index_cast %add3A_251 : i32 to index
          %swap3A_273 = tpu.vector_load %arg5[%swap3A_272] masked %le3A_266 {strides = array<i32>} : memref<2064xi32, #tpu.memory_space<vmem>>, vector<16xi32>, vector<16xi1>
          tpu.vector_store %arg5[%swap3A_272], %add3A_271 masked %le3A_266 {strides = array<i32>} : memref<2064xi32, #tpu.memory_space<vmem>>, vector<16xi32>, vector<16xi1>
          %all_reduce_population_count3A_274 = tpu.all_reduce %le3A_266 {dim = 0 : i64, kind = #tpu.reduction_kind<sum>} : vector<16xi1> -> vector<16xi32>
          %slice3A_275 = vector.extract_strided_slice %all_reduce_population_count3A_274 {offsets = [0], sizes = [1], strides = [1]} : vector<16xi32> to vector<1xi32>
          %squeeze3A_276 = vector.extract %slice3A_275[0] : i32 from vector<1xi32>
          %add3A_277 = arith.addi %add3A_251, %squeeze3A_276 : i32
          %mul3A_278 = arith.constant 8 : i32
          %mul3A_279 = arith.muli %scan3A_125, %mul3A_278 : i32
          %add3A_280 = arith.constant 6 : i32
          %add3A_281 = arith.addi %mul3A_279, %add3A_280 : i32
          %mul3A_282 = arith.constant 16 : i32
          %mul3A_283 = arith.muli %add3A_281, %mul3A_282 : i32
          %get3A_284 = arith.constant 0 : i32
          %get3A_285 = arith.constant 0 : i32
          %get3A_286 = tpu.memref_slice %arg4[%and3A_38, %get3A_284, %get3A_285] : memref<2x8x2048xf32, #tpu.memory_space<vmem>> -> memref<1x8x2048xf32, #tpu.memory_space<vmem>>
          %get3A_287 = tpu.memref_squeeze %get3A_286 : memref<1x8x2048xf32, #tpu.memory_space<vmem>> -> memref<8x2048xf32, #tpu.memory_space<vmem>>
          %get3A_288 = arith.index_cast %scan3A_75 : i32 to index
          %get3A_289 = arith.index_cast %mul3A_283 : i32 to index
          %get3A_290 = tpu.vector_load %get3A_287[%get3A_288, %get3A_289] {strides = array<i32>} : memref<8x2048xf32, #tpu.memory_space<vmem>>, vector<16xf32>,
          %le3A_291 = vector.broadcast %reduce_max3A_95 : f32 to vector<16xf32>
          %le3A_292 = arith.cmpf ole, %get3A_290, %le3A_291 : vector<16xf32>
          %mul3A_293 = arith.constant 16 : i32
          %mul3A_294 = arith.muli %add3A_281, %mul3A_293 : i32
          %add3A_295 = arith.addi %mul3A_294, %mul3A_66 : i32
          %add3A_296 = vector.broadcast %add3A_295 : i32 to vector<16xi32>
          %add3A_297 = arith.addi %iota3A, %add3A_296 : vector<16xi32>
          %swap3A_298 = arith.index_cast %add3A_277 : i32 to index
          %swap3A_299 = tpu.vector_load %arg5[%swap3A_298] masked %le3A_292 {strides = array<i32>} : memref<2064xi32, #tpu.memory_space<vmem>>, vector<16xi32>, vector<16xi1>
          tpu.vector_store %arg5[%swap3A_298], %add3A_297 masked %le3A_292 {strides = array<i32>} : memref<2064xi32, #tpu.memory_space<vmem>>, vector<16xi32>, vector<16xi1>
          %all_reduce_population_count3A_300 = tpu.all_reduce %le3A_292 {dim = 0 : i64, kind = #tpu.reduction_kind<sum>} : vector<16xi1> -> vector<16xi32>
          %slice3A_301 = vector.extract_strided_slice %all_reduce_population_count3A_300 {offsets = [0], sizes = [1], strides = [1]} : vector<16xi32> to vector<1xi32>
          %squeeze3A_302 = vector.extract %slice3A_301[0] : i32 from vector<1xi32>
          %add3A_303 = arith.addi %add3A_277, %squeeze3A_302 : i32
          %mul3A_304 = arith.constant 8 : i32
          %mul3A_305 = arith.muli %scan3A_125, %mul3A_304 : i32
          %add3A_306 = arith.constant 7 : i32
          %add3A_307 = arith.addi %mul3A_305, %add3A_306 : i32
          %mul3A_308 = arith.constant 16 : i32
          %mul3A_309 = arith.muli %add3A_307, %mul3A_308 : i32
          %get3A_310 = arith.constant 0 : i32
          %get3A_311 = arith.constant 0 : i32
          %get3A_312 = tpu.memref_slice %arg4[%and3A_38, %get3A_310, %get3A_311] : memref<2x8x2048xf32, #tpu.memory_space<vmem>> -> memref<1x8x2048xf32, #tpu.memory_space<vmem>>
          %get3A_313 = tpu.memref_squeeze %get3A_312 : memref<1x8x2048xf32, #tpu.memory_space<vmem>> -> memref<8x2048xf32, #tpu.memory_space<vmem>>
          %get3A_314 = arith.index_cast %scan3A_75 : i32 to index
          %get3A_315 = arith.index_cast %mul3A_309 : i32 to index
          %get3A_316 = tpu.vector_load %get3A_313[%get3A_314, %get3A_315] {strides = array<i32>} : memref<8x2048xf32, #tpu.memory_space<vmem>>, vector<16xf32>,
          %le3A_317 = vector.broadcast %reduce_max3A_95 : f32 to vector<16xf32>
          %le3A_318 = arith.cmpf ole, %get3A_316, %le3A_317 : vector<16xf32>
          %mul3A_319 = arith.constant 16 : i32
          %mul3A_320 = arith.muli %add3A_307, %mul3A_319 : i32
          %add3A_321 = arith.addi %mul3A_320, %mul3A_66 : i32
          %add3A_322 = vector.broadcast %add3A_321 : i32 to vector<16xi32>
          %add3A_323 = arith.addi %iota3A, %add3A_322 : vector<16xi32>
          %swap3A_324 = arith.index_cast %add3A_303 : i32 to index
          %swap3A_325 = tpu.vector_load %arg5[%swap3A_324] masked %le3A_318 {strides = array<i32>} : memref<2064xi32, #tpu.memory_space<vmem>>, vector<16xi32>, vector<16xi1>
          tpu.vector_store %arg5[%swap3A_324], %add3A_323 masked %le3A_318 {strides = array<i32>} : memref<2064xi32, #tpu.memory_space<vmem>>, vector<16xi32>, vector<16xi1>
          %all_reduce_population_count3A_326 = tpu.all_reduce %le3A_318 {dim = 0 : i64, kind = #tpu.reduction_kind<sum>} : vector<16xi1> -> vector<16xi32>
          %slice3A_327 = vector.extract_strided_slice %all_reduce_population_count3A_326 {offsets = [0], sizes = [1], strides = [1]} : vector<16xi32> to vector<1xi32>
          %squeeze3A_328 = vector.extract %slice3A_327[0] : i32 from vector<1xi32>
          %add3A_329 = arith.addi %add3A_303, %squeeze3A_328 : i32
          scf.yield %add3A_329 : i32
        }
        %scan3A_102 = arith.constant 16 : i32
        %min3A_103 = arith.constant 512 : i32
        %min3A_104 = arith.minsi %scan3A_101, %min3A_103 : i32
        %add3A_105 = arith.constant 15 : i32
        %add3A_106 = arith.addi %min3A_104, %add3A_105 : i32
        %shift_right_logical3A_107 = arith.constant 4 : i32
        %shift_right_logical3A_108 = arith.shrui %add3A_106, %shift_right_logical3A_107 : i32
        %add3A_109 = vector.broadcast %and3A_38 : i32 to vector<16xi32>
        %add3A_110 = arith.addi %broadcast_in_dim3A_3, %add3A_109 : vector<16xi32>
        %add3A_111 = vector.broadcast %scan3A_75 : i32 to vector<16xi32>
        %add3A_112 = arith.addi %broadcast_in_dim3A_3, %add3A_111 : vector<16xi32>
        %while3A = arith.constant 0 : i32
        %while3A_113 = arith.subi %shift_right_logical3A_108, %while3A : i32
        %while3A_114 = arith.addi %while3A, %while3A_113 : i32
        %while3A_115 = arith.constant 1 : i32
        %while3A_116 = arith.divsi %while3A_113, %while3A_115 : i32
        %while3A_117 = arith.muli %while3A_116, %while3A_115 : i32
        %while3A_118 = arith.addi %while3A, %while3A_117 : i32
        %while3A_119 = arith.constant 1 : i32
        %while3A_120:2 = scf.for %while3A_125 = %while3A to %while3A_118 step %while3A_119 iter_args(%while3A_126 = %broadcast_in_dim3A_1, %while3A_127 = %broadcast_in_dim3A_3) -> (vector<16xf32>, vector<16xi32>)  : i32 {
          %mul3A_128 = arith.constant 16 : i32
          %mul3A_129 = arith.muli %while3A_125, %mul3A_128 : i32
          %get3A = arith.index_cast %mul3A_129 : i32 to index
          %get3A_130 = tpu.vector_load %arg5[%get3A] {strides = array<i32>} : memref<2064xi32, #tpu.memory_space<vmem>>, vector<16xi32>,
          %sub3A = vector.broadcast %mul3A_66 : i32 to vector<16xi32>
          %sub3A_131 = arith.subi %get3A_130, %sub3A : vector<16xi32>
          %and3A_132 = arith.constant 2047 : i32
          %and3A_133 = vector.broadcast %and3A_132 : i32 to vector<16xi32>
          %and3A_134 = arith.andi %sub3A_131, %and3A_133 : vector<16xi32>
          %mul3A_135 = arith.constant 16 : i32
          %mul3A_136 = arith.muli %while3A_125, %mul3A_135 : i32
          %add3A_137 = vector.broadcast %mul3A_136 : i32 to vector<16xi32>
          %add3A_138 = arith.addi %add3A_137, %iota3A : vector<16xi32>
          %lt3A_139 = vector.broadcast %scan3A_101 : i32 to vector<16xi32>
          %lt3A_140 = arith.cmpi slt, %add3A_138, %lt3A_139 : vector<16xi32>
          %gather3A = tpu.vector_load_idx %arg4[%add3A_110, %add3A_112, %and3A_134] masked %lt3A_140 : memref<2x8x2048xf32, #tpu.memory_space<vmem>>[vector<16xi32>, vector<16xi32>, vector<16xi32>], vector<16xf32>, vector<16xi1>
          %jit3A = arith.constant 0x7F800000 : f32
          %broadcast_in_dim3A_141 = vector.broadcast %jit3A : f32 to vector<16xf32>
          %select_n3A = arith.select %lt3A_140, %gather3A, %broadcast_in_dim3A_141 : vector<16xi1>, vector<16xf32>
          %masked_sort3A = arith.constant dense<true> : vector<16xi1>
          %masked_sort3A_142, %masked_sort3A_143, %masked_sort3A_144 = tpu.sort %select_n3A, %get3A_130 masked %masked_sort3A : (vector<16xf32>, vector<16xi32>, vector<16xi1>) -> (vector<16xi1>, vector<16xf32>, vector<16xi32>)
          %rev3A_145 = arith.constant 15 : i32
          %rev3A_146 = vector.broadcast %rev3A_145 : i32 to vector<16xi32>
          %rev3A_147 = tpu.iota {dimensions = array<i32: 0>} : vector<16xi32>
          %rev3A_148 = arith.subi %rev3A_146, %rev3A_147 : vector<16xi32>
          %rev3A_149 = tpu.dynamic_gather %while3A_126[%rev3A_148] in [0] : vector<16xf32>, vector<16xi32> -> vector<16xf32>
          %rev3A_150 = arith.constant 15 : i32
          %rev3A_151 = vector.broadcast %rev3A_150 : i32 to vector<16xi32>
          %rev3A_152 = tpu.iota {dimensions = array<i32: 0>} : vector<16xi32>
          %rev3A_153 = arith.subi %rev3A_151, %rev3A_152 : vector<16xi32>
          %rev3A_154 = tpu.dynamic_gather %while3A_127[%rev3A_153] in [0] : vector<16xi32>, vector<16xi32> -> vector<16xi32>
          %le3A = arith.cmpf ole, %masked_sort3A_143, %rev3A_149 : vector<16xf32>
          %select_n3A_155 = arith.select %le3A, %masked_sort3A_143, %rev3A_149 : vector<16xi1>, vector<16xf32>
          %select_n3A_156 = arith.select %le3A, %masked_sort3A_144, %rev3A_154 : vector<16xi1>, vector<16xi32>
          %masked_sort3A_157 = arith.constant dense<true> : vector<16xi1>
          %masked_sort3A_158, %masked_sort3A_159, %masked_sort3A_160 = tpu.sort %select_n3A_155, %select_n3A_156 masked %masked_sort3A_157 : (vector<16xf32>, vector<16xi32>, vector<16xi1>) -> (vector<16xi1>, vector<16xf32>, vector<16xi32>)
          scf.yield %masked_sort3A_159, %masked_sort3A_160 : vector<16xf32>, vector<16xi32>
        }
        %while3A_121 = arith.constant 1 : i32
        %while3A_122:2 = scf.for %while3A_125 = %while3A_118 to %while3A_114 step %while3A_121 iter_args(%while3A_126 = %while3A_120#0, %while3A_127 = %while3A_120#1) -> (vector<16xf32>, vector<16xi32>)  : i32 {
          %mul3A_128 = arith.constant 16 : i32
          %mul3A_129 = arith.muli %while3A_125, %mul3A_128 : i32
          %get3A = arith.index_cast %mul3A_129 : i32 to index
          %get3A_130 = tpu.vector_load %arg5[%get3A] {strides = array<i32>} : memref<2064xi32, #tpu.memory_space<vmem>>, vector<16xi32>,
          %sub3A = vector.broadcast %mul3A_66 : i32 to vector<16xi32>
          %sub3A_131 = arith.subi %get3A_130, %sub3A : vector<16xi32>
          %and3A_132 = arith.constant 2047 : i32
          %and3A_133 = vector.broadcast %and3A_132 : i32 to vector<16xi32>
          %and3A_134 = arith.andi %sub3A_131, %and3A_133 : vector<16xi32>
          %mul3A_135 = arith.constant 16 : i32
          %mul3A_136 = arith.muli %while3A_125, %mul3A_135 : i32
          %add3A_137 = vector.broadcast %mul3A_136 : i32 to vector<16xi32>
          %add3A_138 = arith.addi %add3A_137, %iota3A : vector<16xi32>
          %lt3A_139 = vector.broadcast %scan3A_101 : i32 to vector<16xi32>
          %lt3A_140 = arith.cmpi slt, %add3A_138, %lt3A_139 : vector<16xi32>
          %gather3A = tpu.vector_load_idx %arg4[%add3A_110, %add3A_112, %and3A_134] masked %lt3A_140 : memref<2x8x2048xf32, #tpu.memory_space<vmem>>[vector<16xi32>, vector<16xi32>, vector<16xi32>], vector<16xf32>, vector<16xi1>
          %jit3A = arith.constant 0x7F800000 : f32
          %broadcast_in_dim3A_141 = vector.broadcast %jit3A : f32 to vector<16xf32>
          %select_n3A = arith.select %lt3A_140, %gather3A, %broadcast_in_dim3A_141 : vector<16xi1>, vector<16xf32>
          %masked_sort3A = arith.constant dense<true> : vector<16xi1>
          %masked_sort3A_142, %masked_sort3A_143, %masked_sort3A_144 = tpu.sort %select_n3A, %get3A_130 masked %masked_sort3A : (vector<16xf32>, vector<16xi32>, vector<16xi1>) -> (vector<16xi1>, vector<16xf32>, vector<16xi32>)
          %rev3A_145 = arith.constant 15 : i32
          %rev3A_146 = vector.broadcast %rev3A_145 : i32 to vector<16xi32>
          %rev3A_147 = tpu.iota {dimensions = array<i32: 0>} : vector<16xi32>
          %rev3A_148 = arith.subi %rev3A_146, %rev3A_147 : vector<16xi32>
          %rev3A_149 = tpu.dynamic_gather %while3A_126[%rev3A_148] in [0] : vector<16xf32>, vector<16xi32> -> vector<16xf32>
          %rev3A_150 = arith.constant 15 : i32
          %rev3A_151 = vector.broadcast %rev3A_150 : i32 to vector<16xi32>
          %rev3A_152 = tpu.iota {dimensions = array<i32: 0>} : vector<16xi32>
          %rev3A_153 = arith.subi %rev3A_151, %rev3A_152 : vector<16xi32>
          %rev3A_154 = tpu.dynamic_gather %while3A_127[%rev3A_153] in [0] : vector<16xi32>, vector<16xi32> -> vector<16xi32>
          %le3A = arith.cmpf ole, %masked_sort3A_143, %rev3A_149 : vector<16xf32>
          %select_n3A_155 = arith.select %le3A, %masked_sort3A_143, %rev3A_149 : vector<16xi1>, vector<16xf32>
          %select_n3A_156 = arith.select %le3A, %masked_sort3A_144, %rev3A_154 : vector<16xi1>, vector<16xi32>
          %masked_sort3A_157 = arith.constant dense<true> : vector<16xi1>
          %masked_sort3A_158, %masked_sort3A_159, %masked_sort3A_160 = tpu.sort %select_n3A_155, %select_n3A_156 masked %masked_sort3A_157 : (vector<16xf32>, vector<16xi32>, vector<16xi1>) -> (vector<16xi1>, vector<16xf32>, vector<16xi32>)
          scf.yield %masked_sort3A_159, %masked_sort3A_160 : vector<16xf32>, vector<16xi32>
        }
        %swap3A = arith.index_cast %scan3A_75 : i32 to index
        %swap3A_123 = arith.constant 0 : index
        %swap3A_124 = tpu.vector_load %arg6[%swap3A, %swap3A_123] {strides = array<i32>} : memref<8x16xi32, #tpu.memory_space<vmem>>, vector<16xi32>,
        tpu.vector_store %arg6[%swap3A, %swap3A_123], %while3A_122#1 {strides = array<i32>} : memref<8x16xi32, #tpu.memory_space<vmem>>, vector<16xi32>,
      }
      %scan3A_72 = arith.constant 8 : i32
      %mul3A_73 = arith.constant 8 : i32
      %mul3A_74 = arith.muli %add3A_34, %mul3A_73 : i32
      "tpu.region"() ({
        %run_scoped3A = tpu.sem_alloc : memref<!tpu.dma_semaphore, #tpu.memory_space<semaphore_mem>>
        %dma_start3A_75 = arith.constant 0 : i32
        %dma_start3A_76 = tpu.memref_slice %arg3[%mul3A_74, %dma_start3A_75] : memref<4096x16xi32, #tpu.memory_space<hbm>> -> memref<8x16xi32, #tpu.memory_space<hbm>>
        %dma_start3A_77 = arith.constant 0 : i32
        %dma_start3A_78 = tpu.memref_slice %arg3[%mul3A_74, %dma_start3A_77] : memref<4096x16xi32, #tpu.memory_space<hbm>> -> memref<8x16xi32, #tpu.memory_space<hbm>>
        tpu.enqueue_dma source(%arg6 : memref<8x16xi32, #tpu.memory_space<vmem>>) target(%dma_start3A_78 : memref<8x16xi32, #tpu.memory_space<hbm>>) target_semaphore(%run_scoped3A : memref<!tpu.dma_semaphore, #tpu.memory_space<semaphore_mem>>)
        %dma_wait3A_79 = arith.constant 0 : i32
        %dma_wait3A_80 = tpu.memref_slice %arg3[%mul3A_74, %dma_wait3A_79] : memref<4096x16xi32, #tpu.memory_space<hbm>> -> memref<8x16xi32, #tpu.memory_space<hbm>>
        %dma_wait3A_81 = arith.constant 0 : i32
        %dma_wait3A_82 = tpu.memref_slice %arg3[%mul3A_74, %dma_wait3A_81] : memref<4096x16xi32, #tpu.memory_space<hbm>> -> memref<8x16xi32, #tpu.memory_space<hbm>>
        tpu.wait_dma2 semaphore(%run_scoped3A : memref<!tpu.dma_semaphore, #tpu.memory_space<semaphore_mem>>) src(%arg6 : memref<8x16xi32, #tpu.memory_space<vmem>>) dst(%dma_wait3A_82 : memref<8x16xi32, #tpu.memory_space<hbm>>)
        tpu.yield
      }) : () -> ()
    }
    %scan3A_30 = arith.constant 16 : i32
    return
  }
}

#map = affine_map<(d0, d1) -> (0, 0)>
#map1 = affine_map<(d0, d1) -> (0)>
module attributes {stable_mosaic.version = 14 : i64} {
  func.func @k(%arg0: i32, %arg1: i32, %arg2: memref<16384x128xf32, #tpu.memory_space<hbm>>, %arg3: memref<131072xi32, #tpu.memory_space<hbm>>, %arg4: memref<131072x128xf32, #tpu.memory_space<hbm>>, %arg5: memref<128xi32, #tpu.memory_space<vmem>>, %arg6: memref<128x128xf32, #tpu.memory_space<vmem>>, %arg7: memref<!tpu.dma_semaphore, #tpu.memory_space<semaphore_mem>>) attributes {dimension_semantics = [#tpu.dimension_semantics<core_parallel>, #tpu.dimension_semantics<subcore_parallel>], iteration_bounds = array<i64: 2, 16>, scalar_prefetch = 0 : i64, scratch_operands = 3 : i64, tpu.core_type = #tpu.core_type<sc_vector_subcore>, window_params = [{transform_indices = #map}, {transform_indices = #map1}, {transform_indices = #map}]} {
    %mul3A = arith.constant 2 : i32
    %mul3A_0 = arith.muli %arg1, %mul3A : i32
    %add3A = arith.addi %mul3A_0, %arg0 : i32
    %mul3A_1 = arith.constant 4096 : i32
    %mul3A_2 = arith.muli %add3A, %mul3A_1 : i32
    %scan3A = arith.constant 0 : i32
    %scan3A_3 = arith.constant 0 : i32
    %scan3A_4 = arith.constant 32 : i32
    %scan3A_5 = arith.addi %scan3A_3, %scan3A_4 : i32
    %scan3A_6 = arith.constant 1 : i32
    scf.for %scan3A_8 = %scan3A_3 to %scan3A_5 step %scan3A_6  : i32 {
      %mul3A_9 = arith.constant 128 : i32
      %mul3A_10 = arith.muli %scan3A_8, %mul3A_9 : i32
      %add3A_11 = arith.addi %mul3A_2, %mul3A_10 : i32
      "tpu.region"() ({
        %run_scoped3A = tpu.sem_alloc : memref<!tpu.dma_semaphore, #tpu.memory_space<semaphore_mem>>
        %dma_start3A_16 = tpu.memref_slice %arg3[%add3A_11] : memref<131072xi32, #tpu.memory_space<hbm>> -> memref<128xi32, #tpu.memory_space<hbm>>
        %dma_start3A_17 = tpu.memref_slice %arg3[%add3A_11] : memref<131072xi32, #tpu.memory_space<hbm>> -> memref<128xi32, #tpu.memory_space<hbm>>
        tpu.enqueue_dma source(%dma_start3A_17 : memref<128xi32, #tpu.memory_space<hbm>>) target(%arg5 : memref<128xi32, #tpu.memory_space<vmem>>) target_semaphore(%run_scoped3A : memref<!tpu.dma_semaphore, #tpu.memory_space<semaphore_mem>>)
        %dma_wait3A_18 = tpu.memref_slice %arg3[%add3A_11] : memref<131072xi32, #tpu.memory_space<hbm>> -> memref<128xi32, #tpu.memory_space<hbm>>
        %dma_wait3A_19 = tpu.memref_slice %arg3[%add3A_11] : memref<131072xi32, #tpu.memory_space<hbm>> -> memref<128xi32, #tpu.memory_space<hbm>>
        tpu.wait_dma2 semaphore(%run_scoped3A : memref<!tpu.dma_semaphore, #tpu.memory_space<semaphore_mem>>) src(%dma_wait3A_19 : memref<128xi32, #tpu.memory_space<hbm>>) dst(%arg5 : memref<128xi32, #tpu.memory_space<vmem>>)
        tpu.yield
      }) : () -> ()
      %dma_start3A = arith.constant 0 : i32
      %dma_start3A_12 = arith.constant 0 : i32
      %dma_start3A_13 = tpu.memref_slice %arg2[%dma_start3A, %dma_start3A_12] : memref<16384x128xf32, #tpu.memory_space<hbm>> -> memref<16384x128xf32, #tpu.memory_space<hbm>>
      tpu.enqueue_indirect_dma source(%dma_start3A_13 : memref<16384x128xf32, #tpu.memory_space<hbm>>) target(%arg6 : memref<128x128xf32, #tpu.memory_space<vmem>>) offsets(%arg5 : memref<128xi32, #tpu.memory_space<vmem>>) semaphore(%arg7 : memref<!tpu.dma_semaphore, #tpu.memory_space<semaphore_mem>>)
      %dma_wait3A = arith.constant 0 : i32
      %dma_wait3A_14 = arith.constant 0 : i32
      %dma_wait3A_15 = tpu.memref_slice %arg2[%dma_wait3A, %dma_wait3A_14] : memref<16384x128xf32, #tpu.memory_space<hbm>> -> memref<16384x128xf32, #tpu.memory_space<hbm>>
      tpu.wait_indirect_dma semaphore(%arg7 : memref<!tpu.dma_semaphore, #tpu.memory_space<semaphore_mem>>) src(%dma_wait3A_15 : memref<16384x128xf32, #tpu.memory_space<hbm>>) dst(%arg6 : memref<128x128xf32, #tpu.memory_space<vmem>>)
      "tpu.region"() ({
        %run_scoped3A = tpu.sem_alloc : memref<!tpu.dma_semaphore, #tpu.memory_space<semaphore_mem>>
        %dma_start3A_16 = arith.constant 0 : i32
        %dma_start3A_17 = tpu.memref_slice %arg4[%add3A_11, %dma_start3A_16] : memref<131072x128xf32, #tpu.memory_space<hbm>> -> memref<128x128xf32, #tpu.memory_space<hbm>>
        %dma_start3A_18 = arith.constant 0 : i32
        %dma_start3A_19 = tpu.memref_slice %arg4[%add3A_11, %dma_start3A_18] : memref<131072x128xf32, #tpu.memory_space<hbm>> -> memref<128x128xf32, #tpu.memory_space<hbm>>
        tpu.enqueue_dma source(%arg6 : memref<128x128xf32, #tpu.memory_space<vmem>>) target(%dma_start3A_19 : memref<128x128xf32, #tpu.memory_space<hbm>>) target_semaphore(%run_scoped3A : memref<!tpu.dma_semaphore, #tpu.memory_space<semaphore_mem>>)
        %dma_wait3A_20 = arith.constant 0 : i32
        %dma_wait3A_21 = tpu.memref_slice %arg4[%add3A_11, %dma_wait3A_20] : memref<131072x128xf32, #tpu.memory_space<hbm>> -> memref<128x128xf32, #tpu.memory_space<hbm>>
        %dma_wait3A_22 = arith.constant 0 : i32
        %dma_wait3A_23 = tpu.memref_slice %arg4[%add3A_11, %dma_wait3A_22] : memref<131072x128xf32, #tpu.memory_space<hbm>> -> memref<128x128xf32, #tpu.memory_space<hbm>>
        tpu.wait_dma2 semaphore(%run_scoped3A : memref<!tpu.dma_semaphore, #tpu.memory_space<semaphore_mem>>) src(%arg6 : memref<128x128xf32, #tpu.memory_space<vmem>>) dst(%dma_wait3A_23 : memref<128x128xf32, #tpu.memory_space<hbm>>)
        tpu.yield
      }) : () -> ()
    }
    %scan3A_7 = arith.constant 32 : i32
    return
  }
}

module attributes {stable_mosaic.version = 14 : i64} {
  func.func @_d_body(%arg0: i32, %arg1: i32, %arg2: memref<1x512x8xf32, #tpu.memory_space<vmem>>, %arg3: memref<1x8x4096xf32, #tpu.memory_space<vmem>>, %arg4: memref<1x512x4096xf32, #tpu.memory_space<vmem>>) attributes {dimension_semantics = [#tpu.dimension_semantics<arbitrary>, #tpu.dimension_semantics<arbitrary>], iteration_bounds = array<i64: 4, 4>, scalar_prefetch = 0 : i64, scratch_operands = 0 : i64, tpu.core_type = #tpu.core_type<tc>, window_params = [{transform_indices = @transform_0, window_bounds = array<i64: 1, 512, 8>}, {transform_indices = @transform_1, window_bounds = array<i64: 1, 8, 4096>}, {transform_indices = @transform_2, window_bounds = array<i64: 1, 512, 4096>}]} {
    %get3A = arith.constant 0 : index
    %get3A_0 = arith.constant 0 : index
    %get3A_1 = arith.constant 0 : index
    %get3A_2 = vector.load %arg2[%get3A, %get3A_0, %get3A_1] : memref<1x512x8xf32, #tpu.memory_space<vmem>>, vector<1x512x8xf32>
    %get3A_3 = vector.shape_cast %get3A_2 : vector<1x512x8xf32> to vector<512x8xf32>
    %get3A_4 = arith.constant 0 : index
    %get3A_5 = arith.constant 0 : index
    %get3A_6 = arith.constant 0 : index
    %get3A_7 = vector.load %arg3[%get3A_4, %get3A_5, %get3A_6] : memref<1x8x4096xf32, #tpu.memory_space<vmem>>, vector<1x8x4096xf32>
    %get3A_8 = vector.shape_cast %get3A_7 : vector<1x8x4096xf32> to vector<8x4096xf32>
    %broadcast_in_dim3A = arith.constant 0.000000e+00 : f32
    %broadcast_in_dim3A_9 = vector.broadcast %broadcast_in_dim3A : f32 to vector<512x4096xf32>
    %slice3A = vector.extract_strided_slice %get3A_3 {offsets = [0, 0], sizes = [512, 1], strides = [1, 1]} : vector<512x8xf32> to vector<512x1xf32>
    %slice3A_10 = vector.extract_strided_slice %get3A_8 {offsets = [0, 0], sizes = [1, 4096], strides = [1, 1]} : vector<8x4096xf32> to vector<1x4096xf32>
    %sub3A = vector.broadcast %slice3A : vector<512x1xf32> to vector<512x4096xf32>
    %sub3A_11 = vector.broadcast %slice3A_10 : vector<1x4096xf32> to vector<512x4096xf32>
    %sub3A_12 = arith.subf %sub3A, %sub3A_11 : vector<512x4096xf32>
    %mul3A = arith.mulf %sub3A_12, %sub3A_12 : vector<512x4096xf32>
    %add3A = arith.addf %broadcast_in_dim3A_9, %mul3A : vector<512x4096xf32>
    %slice3A_13 = vector.extract_strided_slice %get3A_3 {offsets = [0, 1], sizes = [512, 1], strides = [1, 1]} : vector<512x8xf32> to vector<512x1xf32>
    %slice3A_14 = vector.extract_strided_slice %get3A_8 {offsets = [1, 0], sizes = [1, 4096], strides = [1, 1]} : vector<8x4096xf32> to vector<1x4096xf32>
    %sub3A_15 = vector.broadcast %slice3A_13 : vector<512x1xf32> to vector<512x4096xf32>
    %sub3A_16 = vector.broadcast %slice3A_14 : vector<1x4096xf32> to vector<512x4096xf32>
    %sub3A_17 = arith.subf %sub3A_15, %sub3A_16 : vector<512x4096xf32>
    %mul3A_18 = arith.mulf %sub3A_17, %sub3A_17 : vector<512x4096xf32>
    %add3A_19 = arith.addf %add3A, %mul3A_18 : vector<512x4096xf32>
    %slice3A_20 = vector.extract_strided_slice %get3A_3 {offsets = [0, 2], sizes = [512, 1], strides = [1, 1]} : vector<512x8xf32> to vector<512x1xf32>
    %slice3A_21 = vector.extract_strided_slice %get3A_8 {offsets = [2, 0], sizes = [1, 4096], strides = [1, 1]} : vector<8x4096xf32> to vector<1x4096xf32>
    %sub3A_22 = vector.broadcast %slice3A_20 : vector<512x1xf32> to vector<512x4096xf32>
    %sub3A_23 = vector.broadcast %slice3A_21 : vector<1x4096xf32> to vector<512x4096xf32>
    %sub3A_24 = arith.subf %sub3A_22, %sub3A_23 : vector<512x4096xf32>
    %mul3A_25 = arith.mulf %sub3A_24, %sub3A_24 : vector<512x4096xf32>
    %add3A_26 = arith.addf %add3A_19, %mul3A_25 : vector<512x4096xf32>
    %swap3A = arith.constant 0 : index
    %swap3A_27 = arith.constant 0 : index
    %swap3A_28 = arith.constant 0 : index
    %swap3A_29 = vector.load %arg4[%swap3A, %swap3A_27, %swap3A_28] : memref<1x512x4096xf32, #tpu.memory_space<vmem>>, vector<1x512x4096xf32>
    %swap3A_30 = vector.shape_cast %swap3A_29 : vector<1x512x4096xf32> to vector<512x4096xf32>
    %swap3A_31 = vector.shape_cast %add3A_26 : vector<512x4096xf32> to vector<1x512x4096xf32>
    tpu.vector_store %arg4[%swap3A, %swap3A_27, %swap3A_28], %swap3A_31 {strides = array<i32>} : memref<1x512x4096xf32, #tpu.memory_space<vmem>>, vector<1x512x4096xf32>,
    return
  }
  func.func @transform_0(%arg0: i32, %arg1: i32) -> (i32, i32, i32) {
    %c0_i32 = arith.constant 0 : i32
    %c0_i32_0 = arith.constant 0 : i32
    return %arg0, %arg1, %c0_i32 : i32, i32, i32
  }
  func.func @transform_1(%arg0: i32, %arg1: i32) -> (i32, i32, i32) {
    %c0_i32 = arith.constant 0 : i32
    %c0_i32_0 = arith.constant 0 : i32
    %c0_i32_1 = arith.constant 0 : i32
    return %arg0, %c0_i32, %c0_i32_0 : i32, i32, i32
  }
  func.func @transform_2(%arg0: i32, %arg1: i32) -> (i32, i32, i32) {
    %c0_i32 = arith.constant 0 : i32
    %c0_i32_0 = arith.constant 0 : i32
    return %arg0, %arg1, %c0_i32 : i32, i32, i32
  }
}

module attributes {stable_mosaic.version = 14 : i64} {
  func.func @_d_body(%arg0: i32, %arg1: i32, %arg2: memref<1x512x8xf32, #tpu.memory_space<vmem>>, %arg3: memref<1x8x2048xf32, #tpu.memory_space<vmem>>, %arg4: memref<1x512x2048xf32, #tpu.memory_space<vmem>>) attributes {dimension_semantics = [#tpu.dimension_semantics<arbitrary>, #tpu.dimension_semantics<arbitrary>], iteration_bounds = array<i64: 4, 2>, scalar_prefetch = 0 : i64, scratch_operands = 0 : i64, tpu.core_type = #tpu.core_type<tc>, window_params = [{transform_indices = @transform_0, window_bounds = array<i64: 1, 512, 8>}, {transform_indices = @transform_1, window_bounds = array<i64: 1, 8, 2048>}, {transform_indices = @transform_2, window_bounds = array<i64: 1, 512, 2048>}]} {
    %get3A = arith.constant 0 : index
    %get3A_0 = arith.constant 0 : index
    %get3A_1 = arith.constant 0 : index
    %get3A_2 = vector.load %arg2[%get3A, %get3A_0, %get3A_1] : memref<1x512x8xf32, #tpu.memory_space<vmem>>, vector<1x512x8xf32>
    %get3A_3 = vector.shape_cast %get3A_2 : vector<1x512x8xf32> to vector<512x8xf32>
    %get3A_4 = arith.constant 0 : index
    %get3A_5 = arith.constant 0 : index
    %get3A_6 = arith.constant 0 : index
    %get3A_7 = vector.load %arg3[%get3A_4, %get3A_5, %get3A_6] : memref<1x8x2048xf32, #tpu.memory_space<vmem>>, vector<1x8x2048xf32>
    %get3A_8 = vector.shape_cast %get3A_7 : vector<1x8x2048xf32> to vector<8x2048xf32>
    %broadcast_in_dim3A = arith.constant 0.000000e+00 : f32
    %broadcast_in_dim3A_9 = vector.broadcast %broadcast_in_dim3A : f32 to vector<512x2048xf32>
    %slice3A = vector.extract_strided_slice %get3A_3 {offsets = [0, 0], sizes = [512, 1], strides = [1, 1]} : vector<512x8xf32> to vector<512x1xf32>
    %slice3A_10 = vector.extract_strided_slice %get3A_8 {offsets = [0, 0], sizes = [1, 2048], strides = [1, 1]} : vector<8x2048xf32> to vector<1x2048xf32>
    %sub3A = vector.broadcast %slice3A : vector<512x1xf32> to vector<512x2048xf32>
    %sub3A_11 = vector.broadcast %slice3A_10 : vector<1x2048xf32> to vector<512x2048xf32>
    %sub3A_12 = arith.subf %sub3A, %sub3A_11 : vector<512x2048xf32>
    %mul3A = arith.mulf %sub3A_12, %sub3A_12 : vector<512x2048xf32>
    %add3A = arith.addf %broadcast_in_dim3A_9, %mul3A : vector<512x2048xf32>
    %slice3A_13 = vector.extract_strided_slice %get3A_3 {offsets = [0, 1], sizes = [512, 1], strides = [1, 1]} : vector<512x8xf32> to vector<512x1xf32>
    %slice3A_14 = vector.extract_strided_slice %get3A_8 {offsets = [1, 0], sizes = [1, 2048], strides = [1, 1]} : vector<8x2048xf32> to vector<1x2048xf32>
    %sub3A_15 = vector.broadcast %slice3A_13 : vector<512x1xf32> to vector<512x2048xf32>
    %sub3A_16 = vector.broadcast %slice3A_14 : vector<1x2048xf32> to vector<512x2048xf32>
    %sub3A_17 = arith.subf %sub3A_15, %sub3A_16 : vector<512x2048xf32>
    %mul3A_18 = arith.mulf %sub3A_17, %sub3A_17 : vector<512x2048xf32>
    %add3A_19 = arith.addf %add3A, %mul3A_18 : vector<512x2048xf32>
    %slice3A_20 = vector.extract_strided_slice %get3A_3 {offsets = [0, 2], sizes = [512, 1], strides = [1, 1]} : vector<512x8xf32> to vector<512x1xf32>
    %slice3A_21 = vector.extract_strided_slice %get3A_8 {offsets = [2, 0], sizes = [1, 2048], strides = [1, 1]} : vector<8x2048xf32> to vector<1x2048xf32>
    %sub3A_22 = vector.broadcast %slice3A_20 : vector<512x1xf32> to vector<512x2048xf32>
    %sub3A_23 = vector.broadcast %slice3A_21 : vector<1x2048xf32> to vector<512x2048xf32>
    %sub3A_24 = arith.subf %sub3A_22, %sub3A_23 : vector<512x2048xf32>
    %mul3A_25 = arith.mulf %sub3A_24, %sub3A_24 : vector<512x2048xf32>
    %add3A_26 = arith.addf %add3A_19, %mul3A_25 : vector<512x2048xf32>
    %swap3A = arith.constant 0 : index
    %swap3A_27 = arith.constant 0 : index
    %swap3A_28 = arith.constant 0 : index
    %swap3A_29 = vector.load %arg4[%swap3A, %swap3A_27, %swap3A_28] : memref<1x512x2048xf32, #tpu.memory_space<vmem>>, vector<1x512x2048xf32>
    %swap3A_30 = vector.shape_cast %swap3A_29 : vector<1x512x2048xf32> to vector<512x2048xf32>
    %swap3A_31 = vector.shape_cast %add3A_26 : vector<512x2048xf32> to vector<1x512x2048xf32>
    tpu.vector_store %arg4[%swap3A, %swap3A_27, %swap3A_28], %swap3A_31 {strides = array<i32>} : memref<1x512x2048xf32, #tpu.memory_space<vmem>>, vector<1x512x2048xf32>,
    return
  }
  func.func @transform_0(%arg0: i32, %arg1: i32) -> (i32, i32, i32) {
    %c0_i32 = arith.constant 0 : i32
    %c0_i32_0 = arith.constant 0 : i32
    return %arg0, %arg1, %c0_i32 : i32, i32, i32
  }
  func.func @transform_1(%arg0: i32, %arg1: i32) -> (i32, i32, i32) {
    %c0_i32 = arith.constant 0 : i32
    %c0_i32_0 = arith.constant 0 : i32
    %c0_i32_1 = arith.constant 0 : i32
    return %arg0, %c0_i32, %c0_i32_0 : i32, i32, i32
  }
  func.func @transform_2(%arg0: i32, %arg1: i32) -> (i32, i32, i32) {
    %c0_i32 = arith.constant 0 : i32
    %c0_i32_0 = arith.constant 0 : i32
    return %arg0, %arg1, %c0_i32 : i32, i32, i32
  }
}

module attributes {stable_mosaic.version = 14 : i64} {
  func.func @_z_body(%arg0: i32, %arg1: i32, %arg2: memref<1x512x128xf32, #tpu.memory_space<vmem>>, %arg3: memref<1x512x8xf32, #tpu.memory_space<vmem>>, %arg4: memref<128x128xf32, #tpu.memory_space<vmem>>, %arg5: memref<8x128xf32, #tpu.memory_space<vmem>>, %arg6: memref<1x512x128xf32, #tpu.memory_space<vmem>>) attributes {dimension_semantics = [#tpu.dimension_semantics<arbitrary>, #tpu.dimension_semantics<arbitrary>], iteration_bounds = array<i64: 4, 8>, scalar_prefetch = 0 : i64, scratch_operands = 0 : i64, tpu.core_type = #tpu.core_type<tc>, window_params = [{transform_indices = @transform_0, window_bounds = array<i64: 1, 512, 128>}, {transform_indices = @transform_1, window_bounds = array<i64: 1, 512, 8>}, {pipeline_mode = #tpu.pipeline_mode<synchronous>, transform_indices = @transform_2, window_bounds = array<i64: 128, 128>}, {pipeline_mode = #tpu.pipeline_mode<synchronous>, transform_indices = @transform_3, window_bounds = array<i64: 8, 128>}, {transform_indices = @transform_4, window_bounds = array<i64: 1, 512, 128>}]} {
    %get3A = arith.constant 0 : index
    %get3A_0 = arith.constant 0 : index
    %get3A_1 = arith.constant 0 : index
    %get3A_2 = vector.load %arg2[%get3A, %get3A_0, %get3A_1] : memref<1x512x128xf32, #tpu.memory_space<vmem>>, vector<1x512x128xf32>
    %get3A_3 = vector.shape_cast %get3A_2 : vector<1x512x128xf32> to vector<512x128xf32>
    %get3A_4 = arith.constant 0 : index
    %get3A_5 = arith.constant 0 : index
    %get3A_6 = vector.load %arg4[%get3A_4, %get3A_5] : memref<128x128xf32, #tpu.memory_space<vmem>>, vector<128x128xf32>
    %dot_general3A = arith.constant dense<0.000000e+00> : vector<512x128xf32>
    %dot_general3A_7 = tpu.matmul %get3A_3, %get3A_6, %dot_general3A {dimension_numbers = #tpu.dot_dimension_numbers<[1], [0], [0], [1], [0, 0, 1, 1], [], []>, precision = #tpu.contract_precision<fp32>, transpose_lhs_hint = false} : vector<512x128xf32>, vector<128x128xf32>, vector<512x128xf32> -> vector<512x128xf32>
    %get3A_8 = arith.constant 0 : index
    %get3A_9 = arith.constant 0 : index
    %get3A_10 = arith.constant 0 : index
    %get3A_11 = vector.load %arg3[%get3A_8, %get3A_9, %get3A_10] : memref<1x512x8xf32, #tpu.memory_space<vmem>>, vector<1x512x8xf32>
    %get3A_12 = vector.shape_cast %get3A_11 : vector<1x512x8xf32> to vector<512x8xf32>
    %get3A_13 = arith.constant 0 : index
    %get3A_14 = arith.constant 0 : index
    %get3A_15 = vector.load %arg5[%get3A_13, %get3A_14] : memref<8x128xf32, #tpu.memory_space<vmem>>, vector<8x128xf32>
    %dot_general3A_16 = arith.constant dense<0.000000e+00> : vector<512x128xf32>
    %dot_general3A_17 = tpu.matmul %get3A_12, %get3A_15, %dot_general3A_16 {dimension_numbers = #tpu.dot_dimension_numbers<[1], [0], [0], [1], [0, 0, 1, 1], [], []>, precision = #tpu.contract_precision<fp32>, transpose_lhs_hint = false} : vector<512x8xf32>, vector<8x128xf32>, vector<512x128xf32> -> vector<512x128xf32>
    %add3A = arith.addf %dot_general3A_7, %dot_general3A_17 : vector<512x128xf32>
    %swap3A = arith.constant 0 : index
    %swap3A_18 = arith.constant 0 : index
    %swap3A_19 = arith.constant 0 : index
    %swap3A_20 = vector.load %arg6[%swap3A, %swap3A_18, %swap3A_19] : memref<1x512x128xf32, #tpu.memory_space<vmem>>, vector<1x512x128xf32>
    %swap3A_21 = vector.shape_cast %swap3A_20 : vector<1x512x128xf32> to vector<512x128xf32>
    %swap3A_22 = vector.shape_cast %add3A : vector<512x128xf32> to vector<1x512x128xf32>
    tpu.vector_store %arg6[%swap3A, %swap3A_18, %swap3A_19], %swap3A_22 {strides = array<i32>} : memref<1x512x128xf32, #tpu.memory_space<vmem>>, vector<1x512x128xf32>,
    return
  }
  func.func @transform_0(%arg0: i32, %arg1: i32) -> (i32, i32, i32) {
    %c0_i32 = arith.constant 0 : i32
    %c0_i32_0 = arith.constant 0 : i32
    return %arg0, %arg1, %c0_i32 : i32, i32, i32
  }
  func.func @transform_1(%arg0: i32, %arg1: i32) -> (i32, i32, i32) {
    %c0_i32 = arith.constant 0 : i32
    %c0_i32_0 = arith.constant 0 : i32
    return %arg0, %arg1, %c0_i32 : i32, i32, i32
  }
  func.func @transform_2(%arg0: i32, %arg1: i32) -> (i32, i32) {
    %c0_i32 = arith.constant 0 : i32
    %c0_i32_0 = arith.constant 0 : i32
    %c0_i32_1 = arith.constant 0 : i32
    return %c0_i32, %c0_i32_0 : i32, i32
  }
  func.func @transform_3(%arg0: i32, %arg1: i32) -> (i32, i32) {
    %c0_i32 = arith.constant 0 : i32
    %c0_i32_0 = arith.constant 0 : i32
    %c0_i32_1 = arith.constant 0 : i32
    return %c0_i32, %c0_i32_0 : i32, i32
  }
  func.func @transform_4(%arg0: i32, %arg1: i32) -> (i32, i32, i32) {
    %c0_i32 = arith.constant 0 : i32
    %c0_i32_0 = arith.constant 0 : i32
    return %arg0, %arg1, %c0_i32 : i32, i32, i32
  }
}

module attributes {stable_mosaic.version = 14 : i64} {
  func.func @_p_body(%arg0: i32, %arg1: i32, %arg2: memref<1x1024x8xf32, #tpu.memory_space<vmem>>, %arg3: memref<1x1024x128xf32, #tpu.memory_space<vmem>>, %arg4: memref<128x128xf32, #tpu.memory_space<vmem>>, %arg5: memref<1x128xf32, #tpu.memory_space<vmem>>, %arg6: memref<8x128xf32, #tpu.memory_space<vmem>>, %arg7: memref<1x128xf32, #tpu.memory_space<vmem>>, %arg8: memref<8x128xf32, #tpu.memory_space<vmem>>, %arg9: memref<1x128xf32, #tpu.memory_space<vmem>>, %arg10: memref<1x1024x128xf32, #tpu.memory_space<vmem>>, %arg11: memref<1x1024x128xf32, #tpu.memory_space<vmem>>, %arg12: memref<1x1024x128xf32, #tpu.memory_space<vmem>>, %arg13: memref<1x1024x128xf32, #tpu.memory_space<vmem>>) attributes {dimension_semantics = [#tpu.dimension_semantics<arbitrary>, #tpu.dimension_semantics<arbitrary>], iteration_bounds = array<i64: 4, 2>, scalar_prefetch = 0 : i64, scratch_operands = 0 : i64, tpu.core_type = #tpu.core_type<tc>, window_params = [{transform_indices = @transform_0, window_bounds = array<i64: 1, 1024, 8>}, {transform_indices = @transform_1, window_bounds = array<i64: 1, 1024, 128>}, {pipeline_mode = #tpu.pipeline_mode<synchronous>, transform_indices = @transform_2, window_bounds = array<i64: 128, 128>}, {pipeline_mode = #tpu.pipeline_mode<synchronous>, transform_indices = @transform_3, window_bounds = array<i64: 1, 128>}, {pipeline_mode = #tpu.pipeline_mode<synchronous>, transform_indices = @transform_4, window_bounds = array<i64: 8, 128>}, {pipeline_mode = #tpu.pipeline_mode<synchronous>, transform_indices = @transform_5, window_bounds = array<i64: 1, 128>}, {pipeline_mode = #tpu.pipeline_mode<synchronous>, transform_indices = @transform_6, window_bounds = array<i64: 8, 128>}, {pipeline_mode = #tpu.pipeline_mode<synchronous>, transform_indices = @transform_7, window_bounds = array<i64: 1, 128>}, {transform_indices = @transform_8, window_bounds = array<i64: 1, 1024, 128>}, {transform_indices = @transform_9, window_bounds = array<i64: 1, 1024, 128>}, {transform_indices = @transform_10, window_bounds = array<i64: 1, 1024, 128>}, {transform_indices = @transform_11, window_bounds = array<i64: 1, 1024, 128>}]} {
    %get3A = arith.constant 0 : index
    %get3A_0 = arith.constant 0 : index
    %get3A_1 = arith.constant 0 : index
    %get3A_2 = vector.load %arg2[%get3A, %get3A_0, %get3A_1] : memref<1x1024x8xf32, #tpu.memory_space<vmem>>, vector<1x1024x8xf32>
    %get3A_3 = vector.shape_cast %get3A_2 : vector<1x1024x8xf32> to vector<1024x8xf32>
    %get3A_4 = arith.constant 0 : index
    %get3A_5 = arith.constant 0 : index
    %get3A_6 = vector.load %arg7[%get3A_4, %get3A_5] : memref<1x128xf32, #tpu.memory_space<vmem>>, vector<1x128xf32>
    %get3A_7 = arith.constant 0 : index
    %get3A_8 = arith.constant 0 : index
    %get3A_9 = vector.load %arg6[%get3A_7, %get3A_8] : memref<8x128xf32, #tpu.memory_space<vmem>>, vector<8x128xf32>
    %dot_general3A = arith.constant dense<0.000000e+00> : vector<1024x128xf32>
    %dot_general3A_10 = tpu.matmul %get3A_3, %get3A_9, %dot_general3A {dimension_numbers = #tpu.dot_dimension_numbers<[1], [0], [0], [1], [0, 0, 1, 1], [], []>, precision = #tpu.contract_precision<fp32>, transpose_lhs_hint = false} : vector<1024x8xf32>, vector<8x128xf32>, vector<1024x128xf32> -> vector<1024x128xf32>
    %sub3A = vector.broadcast %get3A_6 : vector<1x128xf32> to vector<1024x128xf32>
    %sub3A_11 = arith.subf %sub3A, %dot_general3A_10 : vector<1024x128xf32>
    %swap3A = arith.constant 0 : index
    %swap3A_12 = arith.constant 0 : index
    %swap3A_13 = arith.constant 0 : index
    %swap3A_14 = vector.load %arg10[%swap3A, %swap3A_12, %swap3A_13] : memref<1x1024x128xf32, #tpu.memory_space<vmem>>, vector<1x1024x128xf32>
    %swap3A_15 = vector.shape_cast %swap3A_14 : vector<1x1024x128xf32> to vector<1024x128xf32>
    %swap3A_16 = vector.shape_cast %sub3A_11 : vector<1024x128xf32> to vector<1x1024x128xf32>
    tpu.vector_store %arg10[%swap3A, %swap3A_12, %swap3A_13], %swap3A_16 {strides = array<i32>} : memref<1x1024x128xf32, #tpu.memory_space<vmem>>, vector<1x1024x128xf32>,
    %get3A_17 = arith.constant 0 : index
    %get3A_18 = arith.constant 0 : index
    %get3A_19 = arith.constant 0 : index
    %get3A_20 = vector.load %arg3[%get3A_17, %get3A_18, %get3A_19] : memref<1x1024x128xf32, #tpu.memory_space<vmem>>, vector<1x1024x128xf32>
    %get3A_21 = vector.shape_cast %get3A_20 : vector<1x1024x128xf32> to vector<1024x128xf32>
    %get3A_22 = arith.constant 0 : index
    %get3A_23 = arith.constant 0 : index
    %get3A_24 = vector.load %arg4[%get3A_22, %get3A_23] : memref<128x128xf32, #tpu.memory_space<vmem>>, vector<128x128xf32>
    %dot_general3A_25 = arith.constant dense<0.000000e+00> : vector<1024x128xf32>
    %dot_general3A_26 = tpu.matmul %get3A_21, %get3A_24, %dot_general3A_25 {dimension_numbers = #tpu.dot_dimension_numbers<[1], [0], [0], [1], [0, 0, 1, 1], [], []>, precision = #tpu.contract_precision<fp32>, transpose_lhs_hint = false} : vector<1024x128xf32>, vector<128x128xf32>, vector<1024x128xf32> -> vector<1024x128xf32>
    %get3A_27 = arith.constant 0 : index
    %get3A_28 = arith.constant 0 : index
    %get3A_29 = vector.load %arg5[%get3A_27, %get3A_28] : memref<1x128xf32, #tpu.memory_space<vmem>>, vector<1x128xf32>
    %add3A = vector.broadcast %get3A_29 : vector<1x128xf32> to vector<1024x128xf32>
    %add3A_30 = arith.addf %dot_general3A_26, %add3A : vector<1024x128xf32>
    %swap3A_31 = arith.constant 0 : index
    %swap3A_32 = arith.constant 0 : index
    %swap3A_33 = arith.constant 0 : index
    %swap3A_34 = vector.load %arg11[%swap3A_31, %swap3A_32, %swap3A_33] : memref<1x1024x128xf32, #tpu.memory_space<vmem>>, vector<1x1024x128xf32>
    %swap3A_35 = vector.shape_cast %swap3A_34 : vector<1x1024x128xf32> to vector<1024x128xf32>
    %swap3A_36 = vector.shape_cast %add3A_30 : vector<1024x128xf32> to vector<1x1024x128xf32>
    tpu.vector_store %arg11[%swap3A_31, %swap3A_32, %swap3A_33], %swap3A_36 {strides = array<i32>} : memref<1x1024x128xf32, #tpu.memory_space<vmem>>, vector<1x1024x128xf32>,
    %get3A_37 = arith.constant 0 : index
    %get3A_38 = arith.constant 0 : index
    %get3A_39 = vector.load %arg8[%get3A_37, %get3A_38] : memref<8x128xf32, #tpu.memory_space<vmem>>, vector<8x128xf32>
    %dot_general3A_40 = arith.constant dense<0.000000e+00> : vector<1024x128xf32>
    %dot_general3A_41 = tpu.matmul %get3A_3, %get3A_39, %dot_general3A_40 {dimension_numbers = #tpu.dot_dimension_numbers<[1], [0], [0], [1], [0, 0, 1, 1], [], []>, precision = #tpu.contract_precision<fp32>, transpose_lhs_hint = false} : vector<1024x8xf32>, vector<8x128xf32>, vector<1024x128xf32> -> vector<1024x128xf32>
    %swap3A_42 = arith.constant 0 : index
    %swap3A_43 = arith.constant 0 : index
    %swap3A_44 = arith.constant 0 : index
    %swap3A_45 = vector.load %arg12[%swap3A_42, %swap3A_43, %swap3A_44] : memref<1x1024x128xf32, #tpu.memory_space<vmem>>, vector<1x1024x128xf32>
    %swap3A_46 = vector.shape_cast %swap3A_45 : vector<1x1024x128xf32> to vector<1024x128xf32>
    %swap3A_47 = vector.shape_cast %dot_general3A_41 : vector<1024x128xf32> to vector<1x1024x128xf32>
    tpu.vector_store %arg12[%swap3A_42, %swap3A_43, %swap3A_44], %swap3A_47 {strides = array<i32>} : memref<1x1024x128xf32, #tpu.memory_space<vmem>>, vector<1x1024x128xf32>,
    %eq3A = arith.constant 0 : i32
    %eq3A_48 = arith.cmpi eq, %arg1, %eq3A : i32
    %convert_element_type3A = arith.extui %eq3A_48 : i1 to i32
    %cond3A = arith.constant 0 : i32
    %cond3A_49 = arith.cmpi ne, %convert_element_type3A, %cond3A : i32
    scf.if %cond3A_49 {
      %get3A_50 = arith.constant 0 : index
      %get3A_51 = arith.constant 0 : index
      %get3A_52 = vector.load %arg9[%get3A_50, %get3A_51] : memref<1x128xf32, #tpu.memory_space<vmem>>, vector<1x128xf32>
      %sub3A_53 = vector.broadcast %get3A_52 : vector<1x128xf32> to vector<1024x128xf32>
      %sub3A_54 = arith.subf %sub3A_53, %dot_general3A_41 : vector<1024x128xf32>
      %swap3A_55 = arith.constant 0 : index
      %swap3A_56 = arith.constant 0 : index
      %swap3A_57 = arith.constant 0 : index
      %swap3A_58 = vector.load %arg13[%swap3A_55, %swap3A_56, %swap3A_57] : memref<1x1024x128xf32, #tpu.memory_space<vmem>>, vector<1x1024x128xf32>
      %swap3A_59 = vector.shape_cast %swap3A_58 : vector<1x1024x128xf32> to vector<1024x128xf32>
      %swap3A_60 = vector.shape_cast %sub3A_54 : vector<1024x128xf32> to vector<1x1024x128xf32>
      tpu.vector_store %arg13[%swap3A_55, %swap3A_56, %swap3A_57], %swap3A_60 {strides = array<i32>} : memref<1x1024x128xf32, #tpu.memory_space<vmem>>, vector<1x1024x128xf32>,
    } else {
    }
    return
  }
  func.func @transform_0(%arg0: i32, %arg1: i32) -> (i32, i32, i32) {
    %c0_i32 = arith.constant 0 : i32
    %c0_i32_0 = arith.constant 0 : i32
    return %arg0, %arg1, %c0_i32 : i32, i32, i32
  }
  func.func @transform_1(%arg0: i32, %arg1: i32) -> (i32, i32, i32) {
    %c0_i32 = arith.constant 0 : i32
    %c0_i32_0 = arith.constant 0 : i32
    return %arg0, %arg1, %c0_i32 : i32, i32, i32
  }
  func.func @transform_2(%arg0: i32, %arg1: i32) -> (i32, i32) {
    %c0_i32 = arith.constant 0 : i32
    %c0_i32_0 = arith.constant 0 : i32
    %c0_i32_1 = arith.constant 0 : i32
    return %c0_i32, %c0_i32_0 : i32, i32
  }
  func.func @transform_3(%arg0: i32, %arg1: i32) -> (i32, i32) {
    %c0_i32 = arith.constant 0 : i32
    %c0_i32_0 = arith.constant 0 : i32
    %c0_i32_1 = arith.constant 0 : i32
    return %c0_i32, %c0_i32_0 : i32, i32
  }
  func.func @transform_4(%arg0: i32, %arg1: i32) -> (i32, i32) {
    %c0_i32 = arith.constant 0 : i32
    %c0_i32_0 = arith.constant 0 : i32
    %c0_i32_1 = arith.constant 0 : i32
    return %c0_i32, %c0_i32_0 : i32, i32
  }
  func.func @transform_5(%arg0: i32, %arg1: i32) -> (i32, i32) {
    %c0_i32 = arith.constant 0 : i32
    %c0_i32_0 = arith.constant 0 : i32
    %c0_i32_1 = arith.constant 0 : i32
    return %c0_i32, %c0_i32_0 : i32, i32
  }
  func.func @transform_6(%arg0: i32, %arg1: i32) -> (i32, i32) {
    %c0_i32 = arith.constant 0 : i32
    %c0_i32_0 = arith.constant 0 : i32
    %c0_i32_1 = arith.constant 0 : i32
    return %c0_i32, %c0_i32_0 : i32, i32
  }
  func.func @transform_7(%arg0: i32, %arg1: i32) -> (i32, i32) {
    %c0_i32 = arith.constant 0 : i32
    %c0_i32_0 = arith.constant 0 : i32
    %c0_i32_1 = arith.constant 0 : i32
    return %c0_i32, %c0_i32_0 : i32, i32
  }
  func.func @transform_8(%arg0: i32, %arg1: i32) -> (i32, i32, i32) {
    %c0_i32 = arith.constant 0 : i32
    %c0_i32_0 = arith.constant 0 : i32
    return %arg0, %arg1, %c0_i32 : i32, i32, i32
  }
  func.func @transform_9(%arg0: i32, %arg1: i32) -> (i32, i32, i32) {
    %c0_i32 = arith.constant 0 : i32
    %c0_i32_0 = arith.constant 0 : i32
    return %arg0, %arg1, %c0_i32 : i32, i32, i32
  }
  func.func @transform_10(%arg0: i32, %arg1: i32) -> (i32, i32, i32) {
    %c0_i32 = arith.constant 0 : i32
    %c0_i32_0 = arith.constant 0 : i32
    return %arg0, %arg1, %c0_i32 : i32, i32, i32
  }
  func.func @transform_11(%arg0: i32, %arg1: i32) -> (i32, i32, i32) {
    %c0_i32 = arith.constant 0 : i32
    %c0_i32_0 = arith.constant 0 : i32
    %c0_i32_1 = arith.constant 0 : i32
    return %arg0, %c0_i32, %c0_i32_0 : i32, i32, i32
  }
}

module attributes {stable_mosaic.version = 14 : i64} {
  func.func @_mlp_body(%arg0: i32, %arg1: i32, %arg2: memref<1x512x2048xf32, #tpu.memory_space<vmem>>, %arg3: memref<1x512x128xf32, #tpu.memory_space<vmem>>, %arg4: memref<128x128xf32, #tpu.memory_space<vmem>>, %arg5: memref<1x128xf32, #tpu.memory_space<vmem>>, %arg6: memref<1x128xf32, #tpu.memory_space<vmem>>, %arg7: memref<1x128xf32, #tpu.memory_space<vmem>>, %arg8: memref<1x512x128xf32, #tpu.memory_space<vmem>>) attributes {dimension_semantics = [#tpu.dimension_semantics<arbitrary>, #tpu.dimension_semantics<arbitrary>], iteration_bounds = array<i64: 4, 4>, scalar_prefetch = 0 : i64, scratch_operands = 0 : i64, tpu.core_type = #tpu.core_type<tc>, window_params = [{transform_indices = @transform_0, window_bounds = array<i64: 1, 512, 2048>}, {transform_indices = @transform_1, window_bounds = array<i64: 1, 512, 128>}, {pipeline_mode = #tpu.pipeline_mode<synchronous>, transform_indices = @transform_2, window_bounds = array<i64: 128, 128>}, {pipeline_mode = #tpu.pipeline_mode<synchronous>, transform_indices = @transform_3, window_bounds = array<i64: 1, 128>}, {pipeline_mode = #tpu.pipeline_mode<synchronous>, transform_indices = @transform_4, window_bounds = array<i64: 1, 128>}, {pipeline_mode = #tpu.pipeline_mode<synchronous>, transform_indices = @transform_5, window_bounds = array<i64: 1, 128>}, {transform_indices = @transform_6, window_bounds = array<i64: 1, 512, 128>}]} {
    %get3A = arith.constant 0 : index
    %get3A_0 = arith.constant 0 : index
    %get3A_1 = arith.constant 0 : index
    %get3A_2 = vector.load %arg3[%get3A, %get3A_0, %get3A_1] : memref<1x512x128xf32, #tpu.memory_space<vmem>>, vector<1x512x128xf32>
    %get3A_3 = vector.shape_cast %get3A_2 : vector<1x512x128xf32> to vector<512x128xf32>
    %get3A_4 = arith.constant 0 : index
    %get3A_5 = arith.constant 0 : index
    %get3A_6 = vector.load %arg4[%get3A_4, %get3A_5] : memref<128x128xf32, #tpu.memory_space<vmem>>, vector<128x128xf32>
    %get3A_7 = arith.constant 0 : index
    %get3A_8 = arith.constant 0 : index
    %get3A_9 = vector.load %arg5[%get3A_7, %get3A_8] : memref<1x128xf32, #tpu.memory_space<vmem>>, vector<1x128xf32>
    %broadcast_in_dim3A = arith.constant 0.000000e+00 : f32
    %broadcast_in_dim3A_10 = vector.broadcast %broadcast_in_dim3A : f32 to vector<512x128xf32>
    %get3A_11 = arith.constant 0 : index
    %get3A_12 = arith.constant 0 : index
    %get3A_13 = arith.constant 0 : index
    %get3A_14 = vector.load %arg2[%get3A_11, %get3A_12, %get3A_13] : memref<1x512x2048xf32, #tpu.memory_space<vmem>>, vector<1x512x2048xf32>
    %get3A_15 = vector.shape_cast %get3A_14 : vector<1x512x2048xf32> to vector<512x2048xf32>
    %slice3A = vector.extract_strided_slice %get3A_15 {offsets = [0, 0], sizes = [512, 128], strides = [1, 1]} : vector<512x2048xf32> to vector<512x128xf32>
    %add3A = arith.addf %slice3A, %get3A_3 : vector<512x128xf32>
    %max3A = arith.constant 0.000000e+00 : f32
    %max3A_16 = vector.broadcast %max3A : f32 to vector<512x128xf32>
    %max3A_17 = arith.maximumf %add3A, %max3A_16 : vector<512x128xf32>
    %dot_general3A = arith.constant dense<0.000000e+00> : vector<512x128xf32>
    %dot_general3A_18 = tpu.matmul %max3A_17, %get3A_6, %dot_general3A {dimension_numbers = #tpu.dot_dimension_numbers<[1], [0], [0], [1], [0, 0, 1, 1], [], []>, precision = #tpu.contract_precision<fp32>, transpose_lhs_hint = false} : vector<512x128xf32>, vector<128x128xf32>, vector<512x128xf32> -> vector<512x128xf32>
    %add3A_19 = vector.broadcast %get3A_9 : vector<1x128xf32> to vector<512x128xf32>
    %add3A_20 = arith.addf %dot_general3A_18, %add3A_19 : vector<512x128xf32>
    %max3A_21 = arith.constant 0.000000e+00 : f32
    %max3A_22 = vector.broadcast %max3A_21 : f32 to vector<512x128xf32>
    %max3A_23 = arith.maximumf %add3A_20, %max3A_22 : vector<512x128xf32>
    %max3A_24 = arith.maximumf %broadcast_in_dim3A_10, %max3A_23 : vector<512x128xf32>
    %get3A_25 = arith.constant 0 : index
    %get3A_26 = arith.constant 0 : index
    %get3A_27 = arith.constant 0 : index
    %get3A_28 = vector.load %arg2[%get3A_25, %get3A_26, %get3A_27] : memref<1x512x2048xf32, #tpu.memory_space<vmem>>, vector<1x512x2048xf32>
    %get3A_29 = vector.shape_cast %get3A_28 : vector<1x512x2048xf32> to vector<512x2048xf32>
    %slice3A_30 = vector.extract_strided_slice %get3A_29 {offsets = [0, 128], sizes = [512, 128], strides = [1, 1]} : vector<512x2048xf32> to vector<512x128xf32>
    %add3A_31 = arith.addf %slice3A_30, %get3A_3 : vector<512x128xf32>
    %max3A_32 = arith.constant 0.000000e+00 : f32
    %max3A_33 = vector.broadcast %max3A_32 : f32 to vector<512x128xf32>
    %max3A_34 = arith.maximumf %add3A_31, %max3A_33 : vector<512x128xf32>
    %dot_general3A_35 = arith.constant dense<0.000000e+00> : vector<512x128xf32>
    %dot_general3A_36 = tpu.matmul %max3A_34, %get3A_6, %dot_general3A_35 {dimension_numbers = #tpu.dot_dimension_numbers<[1], [0], [0], [1], [0, 0, 1, 1], [], []>, precision = #tpu.contract_precision<fp32>, transpose_lhs_hint = false} : vector<512x128xf32>, vector<128x128xf32>, vector<512x128xf32> -> vector<512x128xf32>
    %add3A_37 = vector.broadcast %get3A_9 : vector<1x128xf32> to vector<512x128xf32>
    %add3A_38 = arith.addf %dot_general3A_36, %add3A_37 : vector<512x128xf32>
    %max3A_39 = arith.constant 0.000000e+00 : f32
    %max3A_40 = vector.broadcast %max3A_39 : f32 to vector<512x128xf32>
    %max3A_41 = arith.maximumf %add3A_38, %max3A_40 : vector<512x128xf32>
    %max3A_42 = arith.maximumf %max3A_24, %max3A_41 : vector<512x128xf32>
    %get3A_43 = arith.constant 0 : index
    %get3A_44 = arith.constant 0 : index
    %get3A_45 = arith.constant 0 : index
    %get3A_46 = vector.load %arg2[%get3A_43, %get3A_44, %get3A_45] : memref<1x512x2048xf32, #tpu.memory_space<vmem>>, vector<1x512x2048xf32>
    %get3A_47 = vector.shape_cast %get3A_46 : vector<1x512x2048xf32> to vector<512x2048xf32>
    %slice3A_48 = vector.extract_strided_slice %get3A_47 {offsets = [0, 256], sizes = [512, 128], strides = [1, 1]} : vector<512x2048xf32> to vector<512x128xf32>
    %add3A_49 = arith.addf %slice3A_48, %get3A_3 : vector<512x128xf32>
    %max3A_50 = arith.constant 0.000000e+00 : f32
    %max3A_51 = vector.broadcast %max3A_50 : f32 to vector<512x128xf32>
    %max3A_52 = arith.maximumf %add3A_49, %max3A_51 : vector<512x128xf32>
    %dot_general3A_53 = arith.constant dense<0.000000e+00> : vector<512x128xf32>
    %dot_general3A_54 = tpu.matmul %max3A_52, %get3A_6, %dot_general3A_53 {dimension_numbers = #tpu.dot_dimension_numbers<[1], [0], [0], [1], [0, 0, 1, 1], [], []>, precision = #tpu.contract_precision<fp32>, transpose_lhs_hint = false} : vector<512x128xf32>, vector<128x128xf32>, vector<512x128xf32> -> vector<512x128xf32>
    %add3A_55 = vector.broadcast %get3A_9 : vector<1x128xf32> to vector<512x128xf32>
    %add3A_56 = arith.addf %dot_general3A_54, %add3A_55 : vector<512x128xf32>
    %max3A_57 = arith.constant 0.000000e+00 : f32
    %max3A_58 = vector.broadcast %max3A_57 : f32 to vector<512x128xf32>
    %max3A_59 = arith.maximumf %add3A_56, %max3A_58 : vector<512x128xf32>
    %max3A_60 = arith.maximumf %max3A_42, %max3A_59 : vector<512x128xf32>
    %get3A_61 = arith.constant 0 : index
    %get3A_62 = arith.constant 0 : index
    %get3A_63 = arith.constant 0 : index
    %get3A_64 = vector.load %arg2[%get3A_61, %get3A_62, %get3A_63] : memref<1x512x2048xf32, #tpu.memory_space<vmem>>, vector<1x512x2048xf32>
    %get3A_65 = vector.shape_cast %get3A_64 : vector<1x512x2048xf32> to vector<512x2048xf32>
    %slice3A_66 = vector.extract_strided_slice %get3A_65 {offsets = [0, 384], sizes = [512, 128], strides = [1, 1]} : vector<512x2048xf32> to vector<512x128xf32>
    %add3A_67 = arith.addf %slice3A_66, %get3A_3 : vector<512x128xf32>
    %max3A_68 = arith.constant 0.000000e+00 : f32
    %max3A_69 = vector.broadcast %max3A_68 : f32 to vector<512x128xf32>
    %max3A_70 = arith.maximumf %add3A_67, %max3A_69 : vector<512x128xf32>
    %dot_general3A_71 = arith.constant dense<0.000000e+00> : vector<512x128xf32>
    %dot_general3A_72 = tpu.matmul %max3A_70, %get3A_6, %dot_general3A_71 {dimension_numbers = #tpu.dot_dimension_numbers<[1], [0], [0], [1], [0, 0, 1, 1], [], []>, precision = #tpu.contract_precision<fp32>, transpose_lhs_hint = false} : vector<512x128xf32>, vector<128x128xf32>, vector<512x128xf32> -> vector<512x128xf32>
    %add3A_73 = vector.broadcast %get3A_9 : vector<1x128xf32> to vector<512x128xf32>
    %add3A_74 = arith.addf %dot_general3A_72, %add3A_73 : vector<512x128xf32>
    %max3A_75 = arith.constant 0.000000e+00 : f32
    %max3A_76 = vector.broadcast %max3A_75 : f32 to vector<512x128xf32>
    %max3A_77 = arith.maximumf %add3A_74, %max3A_76 : vector<512x128xf32>
    %max3A_78 = arith.maximumf %max3A_60, %max3A_77 : vector<512x128xf32>
    %get3A_79 = arith.constant 0 : index
    %get3A_80 = arith.constant 0 : index
    %get3A_81 = arith.constant 0 : index
    %get3A_82 = vector.load %arg2[%get3A_79, %get3A_80, %get3A_81] : memref<1x512x2048xf32, #tpu.memory_space<vmem>>, vector<1x512x2048xf32>
    %get3A_83 = vector.shape_cast %get3A_82 : vector<1x512x2048xf32> to vector<512x2048xf32>
    %slice3A_84 = vector.extract_strided_slice %get3A_83 {offsets = [0, 512], sizes = [512, 128], strides = [1, 1]} : vector<512x2048xf32> to vector<512x128xf32>
    %add3A_85 = arith.addf %slice3A_84, %get3A_3 : vector<512x128xf32>
    %max3A_86 = arith.constant 0.000000e+00 : f32
    %max3A_87 = vector.broadcast %max3A_86 : f32 to vector<512x128xf32>
    %max3A_88 = arith.maximumf %add3A_85, %max3A_87 : vector<512x128xf32>
    %dot_general3A_89 = arith.constant dense<0.000000e+00> : vector<512x128xf32>
    %dot_general3A_90 = tpu.matmul %max3A_88, %get3A_6, %dot_general3A_89 {dimension_numbers = #tpu.dot_dimension_numbers<[1], [0], [0], [1], [0, 0, 1, 1], [], []>, precision = #tpu.contract_precision<fp32>, transpose_lhs_hint = false} : vector<512x128xf32>, vector<128x128xf32>, vector<512x128xf32> -> vector<512x128xf32>
    %add3A_91 = vector.broadcast %get3A_9 : vector<1x128xf32> to vector<512x128xf32>
    %add3A_92 = arith.addf %dot_general3A_90, %add3A_91 : vector<512x128xf32>
    %max3A_93 = arith.constant 0.000000e+00 : f32
    %max3A_94 = vector.broadcast %max3A_93 : f32 to vector<512x128xf32>
    %max3A_95 = arith.maximumf %add3A_92, %max3A_94 : vector<512x128xf32>
    %max3A_96 = arith.maximumf %max3A_78, %max3A_95 : vector<512x128xf32>
    %get3A_97 = arith.constant 0 : index
    %get3A_98 = arith.constant 0 : index
    %get3A_99 = arith.constant 0 : index
    %get3A_100 = vector.load %arg2[%get3A_97, %get3A_98, %get3A_99] : memref<1x512x2048xf32, #tpu.memory_space<vmem>>, vector<1x512x2048xf32>
    %get3A_101 = vector.shape_cast %get3A_100 : vector<1x512x2048xf32> to vector<512x2048xf32>
    %slice3A_102 = vector.extract_strided_slice %get3A_101 {offsets = [0, 640], sizes = [512, 128], strides = [1, 1]} : vector<512x2048xf32> to vector<512x128xf32>
    %add3A_103 = arith.addf %slice3A_102, %get3A_3 : vector<512x128xf32>
    %max3A_104 = arith.constant 0.000000e+00 : f32
    %max3A_105 = vector.broadcast %max3A_104 : f32 to vector<512x128xf32>
    %max3A_106 = arith.maximumf %add3A_103, %max3A_105 : vector<512x128xf32>
    %dot_general3A_107 = arith.constant dense<0.000000e+00> : vector<512x128xf32>
    %dot_general3A_108 = tpu.matmul %max3A_106, %get3A_6, %dot_general3A_107 {dimension_numbers = #tpu.dot_dimension_numbers<[1], [0], [0], [1], [0, 0, 1, 1], [], []>, precision = #tpu.contract_precision<fp32>, transpose_lhs_hint = false} : vector<512x128xf32>, vector<128x128xf32>, vector<512x128xf32> -> vector<512x128xf32>
    %add3A_109 = vector.broadcast %get3A_9 : vector<1x128xf32> to vector<512x128xf32>
    %add3A_110 = arith.addf %dot_general3A_108, %add3A_109 : vector<512x128xf32>
    %max3A_111 = arith.constant 0.000000e+00 : f32
    %max3A_112 = vector.broadcast %max3A_111 : f32 to vector<512x128xf32>
    %max3A_113 = arith.maximumf %add3A_110, %max3A_112 : vector<512x128xf32>
    %max3A_114 = arith.maximumf %max3A_96, %max3A_113 : vector<512x128xf32>
    %get3A_115 = arith.constant 0 : index
    %get3A_116 = arith.constant 0 : index
    %get3A_117 = arith.constant 0 : index
    %get3A_118 = vector.load %arg2[%get3A_115, %get3A_116, %get3A_117] : memref<1x512x2048xf32, #tpu.memory_space<vmem>>, vector<1x512x2048xf32>
    %get3A_119 = vector.shape_cast %get3A_118 : vector<1x512x2048xf32> to vector<512x2048xf32>
    %slice3A_120 = vector.extract_strided_slice %get3A_119 {offsets = [0, 768], sizes = [512, 128], strides = [1, 1]} : vector<512x2048xf32> to vector<512x128xf32>
    %add3A_121 = arith.addf %slice3A_120, %get3A_3 : vector<512x128xf32>
    %max3A_122 = arith.constant 0.000000e+00 : f32
    %max3A_123 = vector.broadcast %max3A_122 : f32 to vector<512x128xf32>
    %max3A_124 = arith.maximumf %add3A_121, %max3A_123 : vector<512x128xf32>
    %dot_general3A_125 = arith.constant dense<0.000000e+00> : vector<512x128xf32>
    %dot_general3A_126 = tpu.matmul %max3A_124, %get3A_6, %dot_general3A_125 {dimension_numbers = #tpu.dot_dimension_numbers<[1], [0], [0], [1], [0, 0, 1, 1], [], []>, precision = #tpu.contract_precision<fp32>, transpose_lhs_hint = false} : vector<512x128xf32>, vector<128x128xf32>, vector<512x128xf32> -> vector<512x128xf32>
    %add3A_127 = vector.broadcast %get3A_9 : vector<1x128xf32> to vector<512x128xf32>
    %add3A_128 = arith.addf %dot_general3A_126, %add3A_127 : vector<512x128xf32>
    %max3A_129 = arith.constant 0.000000e+00 : f32
    %max3A_130 = vector.broadcast %max3A_129 : f32 to vector<512x128xf32>
    %max3A_131 = arith.maximumf %add3A_128, %max3A_130 : vector<512x128xf32>
    %max3A_132 = arith.maximumf %max3A_114, %max3A_131 : vector<512x128xf32>
    %get3A_133 = arith.constant 0 : index
    %get3A_134 = arith.constant 0 : index
    %get3A_135 = arith.constant 0 : index
    %get3A_136 = vector.load %arg2[%get3A_133, %get3A_134, %get3A_135] : memref<1x512x2048xf32, #tpu.memory_space<vmem>>, vector<1x512x2048xf32>
    %get3A_137 = vector.shape_cast %get3A_136 : vector<1x512x2048xf32> to vector<512x2048xf32>
    %slice3A_138 = vector.extract_strided_slice %get3A_137 {offsets = [0, 896], sizes = [512, 128], strides = [1, 1]} : vector<512x2048xf32> to vector<512x128xf32>
    %add3A_139 = arith.addf %slice3A_138, %get3A_3 : vector<512x128xf32>
    %max3A_140 = arith.constant 0.000000e+00 : f32
    %max3A_141 = vector.broadcast %max3A_140 : f32 to vector<512x128xf32>
    %max3A_142 = arith.maximumf %add3A_139, %max3A_141 : vector<512x128xf32>
    %dot_general3A_143 = arith.constant dense<0.000000e+00> : vector<512x128xf32>
    %dot_general3A_144 = tpu.matmul %max3A_142, %get3A_6, %dot_general3A_143 {dimension_numbers = #tpu.dot_dimension_numbers<[1], [0], [0], [1], [0, 0, 1, 1], [], []>, precision = #tpu.contract_precision<fp32>, transpose_lhs_hint = false} : vector<512x128xf32>, vector<128x128xf32>, vector<512x128xf32> -> vector<512x128xf32>
    %add3A_145 = vector.broadcast %get3A_9 : vector<1x128xf32> to vector<512x128xf32>
    %add3A_146 = arith.addf %dot_general3A_144, %add3A_145 : vector<512x128xf32>
    %max3A_147 = arith.constant 0.000000e+00 : f32
    %max3A_148 = vector.broadcast %max3A_147 : f32 to vector<512x128xf32>
    %max3A_149 = arith.maximumf %add3A_146, %max3A_148 : vector<512x128xf32>
    %max3A_150 = arith.maximumf %max3A_132, %max3A_149 : vector<512x128xf32>
    %get3A_151 = arith.constant 0 : index
    %get3A_152 = arith.constant 0 : index
    %get3A_153 = arith.constant 0 : index
    %get3A_154 = vector.load %arg2[%get3A_151, %get3A_152, %get3A_153] : memref<1x512x2048xf32, #tpu.memory_space<vmem>>, vector<1x512x2048xf32>
    %get3A_155 = vector.shape_cast %get3A_154 : vector<1x512x2048xf32> to vector<512x2048xf32>
    %slice3A_156 = vector.extract_strided_slice %get3A_155 {offsets = [0, 1024], sizes = [512, 128], strides = [1, 1]} : vector<512x2048xf32> to vector<512x128xf32>
    %add3A_157 = arith.addf %slice3A_156, %get3A_3 : vector<512x128xf32>
    %max3A_158 = arith.constant 0.000000e+00 : f32
    %max3A_159 = vector.broadcast %max3A_158 : f32 to vector<512x128xf32>
    %max3A_160 = arith.maximumf %add3A_157, %max3A_159 : vector<512x128xf32>
    %dot_general3A_161 = arith.constant dense<0.000000e+00> : vector<512x128xf32>
    %dot_general3A_162 = tpu.matmul %max3A_160, %get3A_6, %dot_general3A_161 {dimension_numbers = #tpu.dot_dimension_numbers<[1], [0], [0], [1], [0, 0, 1, 1], [], []>, precision = #tpu.contract_precision<fp32>, transpose_lhs_hint = false} : vector<512x128xf32>, vector<128x128xf32>, vector<512x128xf32> -> vector<512x128xf32>
    %add3A_163 = vector.broadcast %get3A_9 : vector<1x128xf32> to vector<512x128xf32>
    %add3A_164 = arith.addf %dot_general3A_162, %add3A_163 : vector<512x128xf32>
    %max3A_165 = arith.constant 0.000000e+00 : f32
    %max3A_166 = vector.broadcast %max3A_165 : f32 to vector<512x128xf32>
    %max3A_167 = arith.maximumf %add3A_164, %max3A_166 : vector<512x128xf32>
    %max3A_168 = arith.maximumf %max3A_150, %max3A_167 : vector<512x128xf32>
    %get3A_169 = arith.constant 0 : index
    %get3A_170 = arith.constant 0 : index
    %get3A_171 = arith.constant 0 : index
    %get3A_172 = vector.load %arg2[%get3A_169, %get3A_170, %get3A_171] : memref<1x512x2048xf32, #tpu.memory_space<vmem>>, vector<1x512x2048xf32>
    %get3A_173 = vector.shape_cast %get3A_172 : vector<1x512x2048xf32> to vector<512x2048xf32>
    %slice3A_174 = vector.extract_strided_slice %get3A_173 {offsets = [0, 1152], sizes = [512, 128], strides = [1, 1]} : vector<512x2048xf32> to vector<512x128xf32>
    %add3A_175 = arith.addf %slice3A_174, %get3A_3 : vector<512x128xf32>
    %max3A_176 = arith.constant 0.000000e+00 : f32
    %max3A_177 = vector.broadcast %max3A_176 : f32 to vector<512x128xf32>
    %max3A_178 = arith.maximumf %add3A_175, %max3A_177 : vector<512x128xf32>
    %dot_general3A_179 = arith.constant dense<0.000000e+00> : vector<512x128xf32>
    %dot_general3A_180 = tpu.matmul %max3A_178, %get3A_6, %dot_general3A_179 {dimension_numbers = #tpu.dot_dimension_numbers<[1], [0], [0], [1], [0, 0, 1, 1], [], []>, precision = #tpu.contract_precision<fp32>, transpose_lhs_hint = false} : vector<512x128xf32>, vector<128x128xf32>, vector<512x128xf32> -> vector<512x128xf32>
    %add3A_181 = vector.broadcast %get3A_9 : vector<1x128xf32> to vector<512x128xf32>
    %add3A_182 = arith.addf %dot_general3A_180, %add3A_181 : vector<512x128xf32>
    %max3A_183 = arith.constant 0.000000e+00 : f32
    %max3A_184 = vector.broadcast %max3A_183 : f32 to vector<512x128xf32>
    %max3A_185 = arith.maximumf %add3A_182, %max3A_184 : vector<512x128xf32>
    %max3A_186 = arith.maximumf %max3A_168, %max3A_185 : vector<512x128xf32>
    %get3A_187 = arith.constant 0 : index
    %get3A_188 = arith.constant 0 : index
    %get3A_189 = arith.constant 0 : index
    %get3A_190 = vector.load %arg2[%get3A_187, %get3A_188, %get3A_189] : memref<1x512x2048xf32, #tpu.memory_space<vmem>>, vector<1x512x2048xf32>
    %get3A_191 = vector.shape_cast %get3A_190 : vector<1x512x2048xf32> to vector<512x2048xf32>
    %slice3A_192 = vector.extract_strided_slice %get3A_191 {offsets = [0, 1280], sizes = [512, 128], strides = [1, 1]} : vector<512x2048xf32> to vector<512x128xf32>
    %add3A_193 = arith.addf %slice3A_192, %get3A_3 : vector<512x128xf32>
    %max3A_194 = arith.constant 0.000000e+00 : f32
    %max3A_195 = vector.broadcast %max3A_194 : f32 to vector<512x128xf32>
    %max3A_196 = arith.maximumf %add3A_193, %max3A_195 : vector<512x128xf32>
    %dot_general3A_197 = arith.constant dense<0.000000e+00> : vector<512x128xf32>
    %dot_general3A_198 = tpu.matmul %max3A_196, %get3A_6, %dot_general3A_197 {dimension_numbers = #tpu.dot_dimension_numbers<[1], [0], [0], [1], [0, 0, 1, 1], [], []>, precision = #tpu.contract_precision<fp32>, transpose_lhs_hint = false} : vector<512x128xf32>, vector<128x128xf32>, vector<512x128xf32> -> vector<512x128xf32>
    %add3A_199 = vector.broadcast %get3A_9 : vector<1x128xf32> to vector<512x128xf32>
    %add3A_200 = arith.addf %dot_general3A_198, %add3A_199 : vector<512x128xf32>
    %max3A_201 = arith.constant 0.000000e+00 : f32
    %max3A_202 = vector.broadcast %max3A_201 : f32 to vector<512x128xf32>
    %max3A_203 = arith.maximumf %add3A_200, %max3A_202 : vector<512x128xf32>
    %max3A_204 = arith.maximumf %max3A_186, %max3A_203 : vector<512x128xf32>
    %get3A_205 = arith.constant 0 : index
    %get3A_206 = arith.constant 0 : index
    %get3A_207 = arith.constant 0 : index
    %get3A_208 = vector.load %arg2[%get3A_205, %get3A_206, %get3A_207] : memref<1x512x2048xf32, #tpu.memory_space<vmem>>, vector<1x512x2048xf32>
    %get3A_209 = vector.shape_cast %get3A_208 : vector<1x512x2048xf32> to vector<512x2048xf32>
    %slice3A_210 = vector.extract_strided_slice %get3A_209 {offsets = [0, 1408], sizes = [512, 128], strides = [1, 1]} : vector<512x2048xf32> to vector<512x128xf32>
    %add3A_211 = arith.addf %slice3A_210, %get3A_3 : vector<512x128xf32>
    %max3A_212 = arith.constant 0.000000e+00 : f32
    %max3A_213 = vector.broadcast %max3A_212 : f32 to vector<512x128xf32>
    %max3A_214 = arith.maximumf %add3A_211, %max3A_213 : vector<512x128xf32>
    %dot_general3A_215 = arith.constant dense<0.000000e+00> : vector<512x128xf32>
    %dot_general3A_216 = tpu.matmul %max3A_214, %get3A_6, %dot_general3A_215 {dimension_numbers = #tpu.dot_dimension_numbers<[1], [0], [0], [1], [0, 0, 1, 1], [], []>, precision = #tpu.contract_precision<fp32>, transpose_lhs_hint = false} : vector<512x128xf32>, vector<128x128xf32>, vector<512x128xf32> -> vector<512x128xf32>
    %add3A_217 = vector.broadcast %get3A_9 : vector<1x128xf32> to vector<512x128xf32>
    %add3A_218 = arith.addf %dot_general3A_216, %add3A_217 : vector<512x128xf32>
    %max3A_219 = arith.constant 0.000000e+00 : f32
    %max3A_220 = vector.broadcast %max3A_219 : f32 to vector<512x128xf32>
    %max3A_221 = arith.maximumf %add3A_218, %max3A_220 : vector<512x128xf32>
    %max3A_222 = arith.maximumf %max3A_204, %max3A_221 : vector<512x128xf32>
    %get3A_223 = arith.constant 0 : index
    %get3A_224 = arith.constant 0 : index
    %get3A_225 = arith.constant 0 : index
    %get3A_226 = vector.load %arg2[%get3A_223, %get3A_224, %get3A_225] : memref<1x512x2048xf32, #tpu.memory_space<vmem>>, vector<1x512x2048xf32>
    %get3A_227 = vector.shape_cast %get3A_226 : vector<1x512x2048xf32> to vector<512x2048xf32>
    %slice3A_228 = vector.extract_strided_slice %get3A_227 {offsets = [0, 1536], sizes = [512, 128], strides = [1, 1]} : vector<512x2048xf32> to vector<512x128xf32>
    %add3A_229 = arith.addf %slice3A_228, %get3A_3 : vector<512x128xf32>
    %max3A_230 = arith.constant 0.000000e+00 : f32
    %max3A_231 = vector.broadcast %max3A_230 : f32 to vector<512x128xf32>
    %max3A_232 = arith.maximumf %add3A_229, %max3A_231 : vector<512x128xf32>
    %dot_general3A_233 = arith.constant dense<0.000000e+00> : vector<512x128xf32>
    %dot_general3A_234 = tpu.matmul %max3A_232, %get3A_6, %dot_general3A_233 {dimension_numbers = #tpu.dot_dimension_numbers<[1], [0], [0], [1], [0, 0, 1, 1], [], []>, precision = #tpu.contract_precision<fp32>, transpose_lhs_hint = false} : vector<512x128xf32>, vector<128x128xf32>, vector<512x128xf32> -> vector<512x128xf32>
    %add3A_235 = vector.broadcast %get3A_9 : vector<1x128xf32> to vector<512x128xf32>
    %add3A_236 = arith.addf %dot_general3A_234, %add3A_235 : vector<512x128xf32>
    %max3A_237 = arith.constant 0.000000e+00 : f32
    %max3A_238 = vector.broadcast %max3A_237 : f32 to vector<512x128xf32>
    %max3A_239 = arith.maximumf %add3A_236, %max3A_238 : vector<512x128xf32>
    %max3A_240 = arith.maximumf %max3A_222, %max3A_239 : vector<512x128xf32>
    %get3A_241 = arith.constant 0 : index
    %get3A_242 = arith.constant 0 : index
    %get3A_243 = arith.constant 0 : index
    %get3A_244 = vector.load %arg2[%get3A_241, %get3A_242, %get3A_243] : memref<1x512x2048xf32, #tpu.memory_space<vmem>>, vector<1x512x2048xf32>
    %get3A_245 = vector.shape_cast %get3A_244 : vector<1x512x2048xf32> to vector<512x2048xf32>
    %slice3A_246 = vector.extract_strided_slice %get3A_245 {offsets = [0, 1664], sizes = [512, 128], strides = [1, 1]} : vector<512x2048xf32> to vector<512x128xf32>
    %add3A_247 = arith.addf %slice3A_246, %get3A_3 : vector<512x128xf32>
    %max3A_248 = arith.constant 0.000000e+00 : f32
    %max3A_249 = vector.broadcast %max3A_248 : f32 to vector<512x128xf32>
    %max3A_250 = arith.maximumf %add3A_247, %max3A_249 : vector<512x128xf32>
    %dot_general3A_251 = arith.constant dense<0.000000e+00> : vector<512x128xf32>
    %dot_general3A_252 = tpu.matmul %max3A_250, %get3A_6, %dot_general3A_251 {dimension_numbers = #tpu.dot_dimension_numbers<[1], [0], [0], [1], [0, 0, 1, 1], [], []>, precision = #tpu.contract_precision<fp32>, transpose_lhs_hint = false} : vector<512x128xf32>, vector<128x128xf32>, vector<512x128xf32> -> vector<512x128xf32>
    %add3A_253 = vector.broadcast %get3A_9 : vector<1x128xf32> to vector<512x128xf32>
    %add3A_254 = arith.addf %dot_general3A_252, %add3A_253 : vector<512x128xf32>
    %max3A_255 = arith.constant 0.000000e+00 : f32
    %max3A_256 = vector.broadcast %max3A_255 : f32 to vector<512x128xf32>
    %max3A_257 = arith.maximumf %add3A_254, %max3A_256 : vector<512x128xf32>
    %max3A_258 = arith.maximumf %max3A_240, %max3A_257 : vector<512x128xf32>
    %get3A_259 = arith.constant 0 : index
    %get3A_260 = arith.constant 0 : index
    %get3A_261 = arith.constant 0 : index
    %get3A_262 = vector.load %arg2[%get3A_259, %get3A_260, %get3A_261] : memref<1x512x2048xf32, #tpu.memory_space<vmem>>, vector<1x512x2048xf32>
    %get3A_263 = vector.shape_cast %get3A_262 : vector<1x512x2048xf32> to vector<512x2048xf32>
    %slice3A_264 = vector.extract_strided_slice %get3A_263 {offsets = [0, 1792], sizes = [512, 128], strides = [1, 1]} : vector<512x2048xf32> to vector<512x128xf32>
    %add3A_265 = arith.addf %slice3A_264, %get3A_3 : vector<512x128xf32>
    %max3A_266 = arith.constant 0.000000e+00 : f32
    %max3A_267 = vector.broadcast %max3A_266 : f32 to vector<512x128xf32>
    %max3A_268 = arith.maximumf %add3A_265, %max3A_267 : vector<512x128xf32>
    %dot_general3A_269 = arith.constant dense<0.000000e+00> : vector<512x128xf32>
    %dot_general3A_270 = tpu.matmul %max3A_268, %get3A_6, %dot_general3A_269 {dimension_numbers = #tpu.dot_dimension_numbers<[1], [0], [0], [1], [0, 0, 1, 1], [], []>, precision = #tpu.contract_precision<fp32>, transpose_lhs_hint = false} : vector<512x128xf32>, vector<128x128xf32>, vector<512x128xf32> -> vector<512x128xf32>
    %add3A_271 = vector.broadcast %get3A_9 : vector<1x128xf32> to vector<512x128xf32>
    %add3A_272 = arith.addf %dot_general3A_270, %add3A_271 : vector<512x128xf32>
    %max3A_273 = arith.constant 0.000000e+00 : f32
    %max3A_274 = vector.broadcast %max3A_273 : f32 to vector<512x128xf32>
    %max3A_275 = arith.maximumf %add3A_272, %max3A_274 : vector<512x128xf32>
    %max3A_276 = arith.maximumf %max3A_258, %max3A_275 : vector<512x128xf32>
    %get3A_277 = arith.constant 0 : index
    %get3A_278 = arith.constant 0 : index
    %get3A_279 = arith.constant 0 : index
    %get3A_280 = vector.load %arg2[%get3A_277, %get3A_278, %get3A_279] : memref<1x512x2048xf32, #tpu.memory_space<vmem>>, vector<1x512x2048xf32>
    %get3A_281 = vector.shape_cast %get3A_280 : vector<1x512x2048xf32> to vector<512x2048xf32>
    %slice3A_282 = vector.extract_strided_slice %get3A_281 {offsets = [0, 1920], sizes = [512, 128], strides = [1, 1]} : vector<512x2048xf32> to vector<512x128xf32>
    %add3A_283 = arith.addf %slice3A_282, %get3A_3 : vector<512x128xf32>
    %max3A_284 = arith.constant 0.000000e+00 : f32
    %max3A_285 = vector.broadcast %max3A_284 : f32 to vector<512x128xf32>
    %max3A_286 = arith.maximumf %add3A_283, %max3A_285 : vector<512x128xf32>
    %dot_general3A_287 = arith.constant dense<0.000000e+00> : vector<512x128xf32>
    %dot_general3A_288 = tpu.matmul %max3A_286, %get3A_6, %dot_general3A_287 {dimension_numbers = #tpu.dot_dimension_numbers<[1], [0], [0], [1], [0, 0, 1, 1], [], []>, precision = #tpu.contract_precision<fp32>, transpose_lhs_hint = false} : vector<512x128xf32>, vector<128x128xf32>, vector<512x128xf32> -> vector<512x128xf32>
    %add3A_289 = vector.broadcast %get3A_9 : vector<1x128xf32> to vector<512x128xf32>
    %add3A_290 = arith.addf %dot_general3A_288, %add3A_289 : vector<512x128xf32>
    %max3A_291 = arith.constant 0.000000e+00 : f32
    %max3A_292 = vector.broadcast %max3A_291 : f32 to vector<512x128xf32>
    %max3A_293 = arith.maximumf %add3A_290, %max3A_292 : vector<512x128xf32>
    %max3A_294 = arith.maximumf %max3A_276, %max3A_293 : vector<512x128xf32>
    %reduce_sum3A = arith.constant dense<0.000000e+00> : vector<512xf32>
    %reduce_sum3A_295 = vector.multi_reduction <add>, %max3A_294, %reduce_sum3A [1] : vector<512x128xf32> to vector<512xf32>
    %broadcast_in_dim3A_296 = vector.shape_cast %reduce_sum3A_295 : vector<512xf32> to vector<512x1xf32>
    %div3A = arith.constant 1.280000e+02 : f32
    %div3A_297 = vector.broadcast %div3A : f32 to vector<512x1xf32>
    %div3A_298 = arith.divf %broadcast_in_dim3A_296, %div3A_297 : vector<512x1xf32>
    %sub3A = vector.broadcast %div3A_298 : vector<512x1xf32> to vector<512x128xf32>
    %sub3A_299 = arith.subf %max3A_294, %sub3A : vector<512x128xf32>
    %mul3A = arith.mulf %sub3A_299, %sub3A_299 : vector<512x128xf32>
    %reduce_sum3A_300 = arith.constant dense<0.000000e+00> : vector<512xf32>
    %reduce_sum3A_301 = vector.multi_reduction <add>, %mul3A, %reduce_sum3A_300 [1] : vector<512x128xf32> to vector<512xf32>
    %broadcast_in_dim3A_302 = vector.shape_cast %reduce_sum3A_301 : vector<512xf32> to vector<512x1xf32>
    %div3A_303 = arith.constant 1.280000e+02 : f32
    %div3A_304 = vector.broadcast %div3A_303 : f32 to vector<512x1xf32>
    %div3A_305 = arith.divf %broadcast_in_dim3A_302, %div3A_304 : vector<512x1xf32>
    %add3A_306 = arith.constant 9.99999974E-6 : f32
    %add3A_307 = vector.broadcast %add3A_306 : f32 to vector<512x1xf32>
    %add3A_308 = arith.addf %div3A_305, %add3A_307 : vector<512x1xf32>
    %rsqrt3A = math.rsqrt %add3A_308 : vector<512x1xf32>
    %mul3A_309 = vector.broadcast %rsqrt3A : vector<512x1xf32> to vector<512x128xf32>
    %mul3A_310 = arith.mulf %sub3A_299, %mul3A_309 : vector<512x128xf32>
    %get3A_311 = arith.constant 0 : index
    %get3A_312 = arith.constant 0 : index
    %get3A_313 = vector.load %arg6[%get3A_311, %get3A_312] : memref<1x128xf32, #tpu.memory_space<vmem>>, vector<1x128xf32>
    %mul3A_314 = vector.broadcast %get3A_313 : vector<1x128xf32> to vector<512x128xf32>
    %mul3A_315 = arith.mulf %mul3A_310, %mul3A_314 : vector<512x128xf32>
    %get3A_316 = arith.constant 0 : index
    %get3A_317 = arith.constant 0 : index
    %get3A_318 = vector.load %arg7[%get3A_316, %get3A_317] : memref<1x128xf32, #tpu.memory_space<vmem>>, vector<1x128xf32>
    %add3A_319 = vector.broadcast %get3A_318 : vector<1x128xf32> to vector<512x128xf32>
    %add3A_320 = arith.addf %mul3A_315, %add3A_319 : vector<512x128xf32>
    %logistic3A = arith.negf %add3A_320 : vector<512x128xf32>
    %logistic3A_321 = math.exp %logistic3A : vector<512x128xf32>
    %logistic3A_322 = arith.constant 1.000000e+00 : f32
    %logistic3A_323 = vector.broadcast %logistic3A_322 : f32 to vector<512x128xf32>
    %logistic3A_324 = arith.addf %logistic3A_323, %logistic3A_321 : vector<512x128xf32>
    %logistic3A_325 = arith.divf %logistic3A_323, %logistic3A_324 : vector<512x128xf32>
    %mul3A_326 = arith.mulf %add3A_320, %logistic3A_325 : vector<512x128xf32>
    %swap3A = arith.constant 0 : index
    %swap3A_327 = arith.constant 0 : index
    %swap3A_328 = arith.constant 0 : index
    %swap3A_329 = vector.load %arg8[%swap3A, %swap3A_327, %swap3A_328] : memref<1x512x128xf32, #tpu.memory_space<vmem>>, vector<1x512x128xf32>
    %swap3A_330 = vector.shape_cast %swap3A_329 : vector<1x512x128xf32> to vector<512x128xf32>
    %swap3A_331 = vector.shape_cast %mul3A_326 : vector<512x128xf32> to vector<1x512x128xf32>
    tpu.vector_store %arg8[%swap3A, %swap3A_327, %swap3A_328], %swap3A_331 {strides = array<i32>} : memref<1x512x128xf32, #tpu.memory_space<vmem>>, vector<1x512x128xf32>,
    return
  }
  func.func @transform_0(%arg0: i32, %arg1: i32) -> (i32, i32, i32) {
    %c0_i32 = arith.constant 0 : i32
    %c0_i32_0 = arith.constant 0 : i32
    return %arg0, %arg1, %c0_i32 : i32, i32, i32
  }
  func.func @transform_1(%arg0: i32, %arg1: i32) -> (i32, i32, i32) {
    %c0_i32 = arith.constant 0 : i32
    %c0_i32_0 = arith.constant 0 : i32
    return %arg0, %arg1, %c0_i32 : i32, i32, i32
  }
  func.func @transform_2(%arg0: i32, %arg1: i32) -> (i32, i32) {
    %c0_i32 = arith.constant 0 : i32
    %c0_i32_0 = arith.constant 0 : i32
    %c0_i32_1 = arith.constant 0 : i32
    return %c0_i32, %c0_i32_0 : i32, i32
  }
  func.func @transform_3(%arg0: i32, %arg1: i32) -> (i32, i32) {
    %c0_i32 = arith.constant 0 : i32
    %c0_i32_0 = arith.constant 0 : i32
    %c0_i32_1 = arith.constant 0 : i32
    return %c0_i32, %c0_i32_0 : i32, i32
  }
  func.func @transform_4(%arg0: i32, %arg1: i32) -> (i32, i32) {
    %c0_i32 = arith.constant 0 : i32
    %c0_i32_0 = arith.constant 0 : i32
    %c0_i32_1 = arith.constant 0 : i32
    return %c0_i32, %c0_i32_0 : i32, i32
  }
  func.func @transform_5(%arg0: i32, %arg1: i32) -> (i32, i32) {
    %c0_i32 = arith.constant 0 : i32
    %c0_i32_0 = arith.constant 0 : i32
    %c0_i32_1 = arith.constant 0 : i32
    return %c0_i32, %c0_i32_0 : i32, i32
  }
  func.func @transform_6(%arg0: i32, %arg1: i32) -> (i32, i32, i32) {
    %c0_i32 = arith.constant 0 : i32
    %c0_i32_0 = arith.constant 0 : i32
    return %arg0, %arg1, %c0_i32 : i32, i32, i32
  }
}

module attributes {stable_mosaic.version = 14 : i64} {
  func.func @_b2_body(%arg0: i32, %arg1: memref<1x2048x128xf32, #tpu.memory_space<vmem>>, %arg2: memref<1x2048x128xf32, #tpu.memory_space<vmem>>, %arg3: memref<128x128xf32, #tpu.memory_space<vmem>>, %arg4: memref<128x128xf32, #tpu.memory_space<vmem>>, %arg5: memref<1x128xf32, #tpu.memory_space<vmem>>, %arg6: memref<1x1024x128xf32, #tpu.memory_space<vmem>>, %arg7: memref<1x2048x128xf32, #tpu.memory_space<vmem>>, %arg8: memref<1x1024x128xf32, #tpu.memory_space<vmem>>) attributes {dimension_semantics = [#tpu.dimension_semantics<arbitrary>], iteration_bounds = array<i64: 4>, scalar_prefetch = 0 : i64, scratch_operands = 0 : i64, tpu.core_type = #tpu.core_type<tc>, window_params = [{transform_indices = @transform_0, window_bounds = array<i64: 1, 2048, 128>}, {transform_indices = @transform_1, window_bounds = array<i64: 1, 2048, 128>}, {pipeline_mode = #tpu.pipeline_mode<synchronous>, transform_indices = @transform_2, window_bounds = array<i64: 128, 128>}, {pipeline_mode = #tpu.pipeline_mode<synchronous>, transform_indices = @transform_3, window_bounds = array<i64: 128, 128>}, {pipeline_mode = #tpu.pipeline_mode<synchronous>, transform_indices = @transform_4, window_bounds = array<i64: 1, 128>}, {transform_indices = @transform_5, window_bounds = array<i64: 1, 1024, 128>}, {transform_indices = @transform_6, window_bounds = array<i64: 1, 2048, 128>}, {transform_indices = @transform_7, window_bounds = array<i64: 1, 1024, 128>}]} {
    %get3A = arith.constant 0 : index
    %get3A_0 = arith.constant 0 : index
    %get3A_1 = arith.constant 0 : index
    %get3A_2 = vector.load %arg1[%get3A, %get3A_0, %get3A_1] : memref<1x2048x128xf32, #tpu.memory_space<vmem>>, vector<1x2048x128xf32>
    %get3A_3 = vector.shape_cast %get3A_2 : vector<1x2048x128xf32> to vector<2048x128xf32>
    %get3A_4 = arith.constant 0 : index
    %get3A_5 = arith.constant 0 : index
    %get3A_6 = vector.load %arg3[%get3A_4, %get3A_5] : memref<128x128xf32, #tpu.memory_space<vmem>>, vector<128x128xf32>
    %dot_general3A = arith.constant dense<0.000000e+00> : vector<2048x128xf32>
    %dot_general3A_7 = tpu.matmul %get3A_3, %get3A_6, %dot_general3A {dimension_numbers = #tpu.dot_dimension_numbers<[1], [0], [0], [1], [0, 0, 1, 1], [], []>, precision = #tpu.contract_precision<fp32>, transpose_lhs_hint = false} : vector<2048x128xf32>, vector<128x128xf32>, vector<2048x128xf32> -> vector<2048x128xf32>
    %get3A_8 = arith.constant 0 : index
    %get3A_9 = arith.constant 0 : index
    %get3A_10 = arith.constant 0 : index
    %get3A_11 = vector.load %arg2[%get3A_8, %get3A_9, %get3A_10] : memref<1x2048x128xf32, #tpu.memory_space<vmem>>, vector<1x2048x128xf32>
    %get3A_12 = vector.shape_cast %get3A_11 : vector<1x2048x128xf32> to vector<2048x128xf32>
    %add3A = arith.addf %dot_general3A_7, %get3A_12 : vector<2048x128xf32>
    %swap3A = arith.constant 0 : index
    %swap3A_13 = arith.constant 0 : index
    %swap3A_14 = arith.constant 0 : index
    %swap3A_15 = vector.load %arg7[%swap3A, %swap3A_13, %swap3A_14] : memref<1x2048x128xf32, #tpu.memory_space<vmem>>, vector<1x2048x128xf32>
    %swap3A_16 = vector.shape_cast %swap3A_15 : vector<1x2048x128xf32> to vector<2048x128xf32>
    %swap3A_17 = vector.shape_cast %add3A : vector<2048x128xf32> to vector<1x2048x128xf32>
    tpu.vector_store %arg7[%swap3A, %swap3A_13, %swap3A_14], %swap3A_17 {strides = array<i32>} : memref<1x2048x128xf32, #tpu.memory_space<vmem>>, vector<1x2048x128xf32>,
    %slice3A = vector.extract_strided_slice %get3A_3 {offsets = [0, 0], sizes = [1024, 128], strides = [1, 1]} : vector<2048x128xf32> to vector<1024x128xf32>
    %get3A_18 = arith.constant 0 : index
    %get3A_19 = arith.constant 0 : index
    %get3A_20 = vector.load %arg4[%get3A_18, %get3A_19] : memref<128x128xf32, #tpu.memory_space<vmem>>, vector<128x128xf32>
    %dot_general3A_21 = arith.constant dense<0.000000e+00> : vector<1024x128xf32>
    %dot_general3A_22 = tpu.matmul %slice3A, %get3A_20, %dot_general3A_21 {dimension_numbers = #tpu.dot_dimension_numbers<[1], [0], [0], [1], [0, 0, 1, 1], [], []>, precision = #tpu.contract_precision<fp32>, transpose_lhs_hint = false} : vector<1024x128xf32>, vector<128x128xf32>, vector<1024x128xf32> -> vector<1024x128xf32>
    %get3A_23 = arith.constant 0 : index
    %get3A_24 = arith.constant 0 : index
    %get3A_25 = vector.load %arg5[%get3A_23, %get3A_24] : memref<1x128xf32, #tpu.memory_space<vmem>>, vector<1x128xf32>
    %add3A_26 = vector.broadcast %get3A_25 : vector<1x128xf32> to vector<1024x128xf32>
    %add3A_27 = arith.addf %dot_general3A_22, %add3A_26 : vector<1024x128xf32>
    %get3A_28 = arith.constant 0 : index
    %get3A_29 = arith.constant 0 : index
    %get3A_30 = arith.constant 0 : index
    %get3A_31 = vector.load %arg6[%get3A_28, %get3A_29, %get3A_30] : memref<1x1024x128xf32, #tpu.memory_space<vmem>>, vector<1x1024x128xf32>
    %get3A_32 = vector.shape_cast %get3A_31 : vector<1x1024x128xf32> to vector<1024x128xf32>
    %add3A_33 = arith.addf %add3A_27, %get3A_32 : vector<1024x128xf32>
    %swap3A_34 = arith.constant 0 : index
    %swap3A_35 = arith.constant 0 : index
    %swap3A_36 = arith.constant 0 : index
    %swap3A_37 = vector.load %arg8[%swap3A_34, %swap3A_35, %swap3A_36] : memref<1x1024x128xf32, #tpu.memory_space<vmem>>, vector<1x1024x128xf32>
    %swap3A_38 = vector.shape_cast %swap3A_37 : vector<1x1024x128xf32> to vector<1024x128xf32>
    %swap3A_39 = vector.shape_cast %add3A_33 : vector<1024x128xf32> to vector<1x1024x128xf32>
    tpu.vector_store %arg8[%swap3A_34, %swap3A_35, %swap3A_36], %swap3A_39 {strides = array<i32>} : memref<1x1024x128xf32, #tpu.memory_space<vmem>>, vector<1x1024x128xf32>,
    return
  }
  func.func @transform_0(%arg0: i32) -> (i32, i32, i32) {
    %c0_i32 = arith.constant 0 : i32
    %c0_i32_0 = arith.constant 0 : i32
    %c0_i32_1 = arith.constant 0 : i32
    return %arg0, %c0_i32, %c0_i32_0 : i32, i32, i32
  }
  func.func @transform_1(%arg0: i32) -> (i32, i32, i32) {
    %c0_i32 = arith.constant 0 : i32
    %c0_i32_0 = arith.constant 0 : i32
    %c0_i32_1 = arith.constant 0 : i32
    return %arg0, %c0_i32, %c0_i32_0 : i32, i32, i32
  }
  func.func @transform_2(%arg0: i32) -> (i32, i32) {
    %c0_i32 = arith.constant 0 : i32
    %c0_i32_0 = arith.constant 0 : i32
    %c0_i32_1 = arith.constant 0 : i32
    return %c0_i32, %c0_i32_0 : i32, i32
  }
  func.func @transform_3(%arg0: i32) -> (i32, i32) {
    %c0_i32 = arith.constant 0 : i32
    %c0_i32_0 = arith.constant 0 : i32
    %c0_i32_1 = arith.constant 0 : i32
    return %c0_i32, %c0_i32_0 : i32, i32
  }
  func.func @transform_4(%arg0: i32) -> (i32, i32) {
    %c0_i32 = arith.constant 0 : i32
    %c0_i32_0 = arith.constant 0 : i32
    %c0_i32_1 = arith.constant 0 : i32
    return %c0_i32, %c0_i32_0 : i32, i32
  }
  func.func @transform_5(%arg0: i32) -> (i32, i32, i32) {
    %c0_i32 = arith.constant 0 : i32
    %c0_i32_0 = arith.constant 0 : i32
    %c0_i32_1 = arith.constant 0 : i32
    return %arg0, %c0_i32, %c0_i32_0 : i32, i32, i32
  }
  func.func @transform_6(%arg0: i32) -> (i32, i32, i32) {
    %c0_i32 = arith.constant 0 : i32
    %c0_i32_0 = arith.constant 0 : i32
    %c0_i32_1 = arith.constant 0 : i32
    return %arg0, %c0_i32, %c0_i32_0 : i32, i32, i32
  }
  func.func @transform_7(%arg0: i32) -> (i32, i32, i32) {
    %c0_i32 = arith.constant 0 : i32
    %c0_i32_0 = arith.constant 0 : i32
    %c0_i32_1 = arith.constant 0 : i32
    return %arg0, %c0_i32, %c0_i32_0 : i32, i32, i32
  }
}

module attributes {stable_mosaic.version = 14 : i64} {
  func.func @_c_body(%arg0: i32, %arg1: i32, %arg2: memref<1x512x2048xf32, #tpu.memory_space<vmem>>, %arg3: memref<1x512x128xf32, #tpu.memory_space<vmem>>, %arg4: memref<128x128xf32, #tpu.memory_space<vmem>>, %arg5: memref<1x128xf32, #tpu.memory_space<vmem>>, %arg6: memref<1x128xf32, #tpu.memory_space<vmem>>, %arg7: memref<1x128xf32, #tpu.memory_space<vmem>>, %arg8: memref<1x512x128xf32, #tpu.memory_space<vmem>>, %arg9: memref<1x512x128xf32, #tpu.memory_space<vmem>>) attributes {dimension_semantics = [#tpu.dimension_semantics<arbitrary>, #tpu.dimension_semantics<arbitrary>], iteration_bounds = array<i64: 4, 2>, scalar_prefetch = 0 : i64, scratch_operands = 0 : i64, tpu.core_type = #tpu.core_type<tc>, window_params = [{transform_indices = @transform_0, window_bounds = array<i64: 1, 512, 2048>}, {transform_indices = @transform_1, window_bounds = array<i64: 1, 512, 128>}, {pipeline_mode = #tpu.pipeline_mode<synchronous>, transform_indices = @transform_2, window_bounds = array<i64: 128, 128>}, {pipeline_mode = #tpu.pipeline_mode<synchronous>, transform_indices = @transform_3, window_bounds = array<i64: 1, 128>}, {pipeline_mode = #tpu.pipeline_mode<synchronous>, transform_indices = @transform_4, window_bounds = array<i64: 1, 128>}, {pipeline_mode = #tpu.pipeline_mode<synchronous>, transform_indices = @transform_5, window_bounds = array<i64: 1, 128>}, {transform_indices = @transform_6, window_bounds = array<i64: 1, 512, 128>}, {transform_indices = @transform_7, window_bounds = array<i64: 1, 512, 128>}]} {
    %get3A = arith.constant 0 : index
    %get3A_0 = arith.constant 0 : index
    %get3A_1 = arith.constant 0 : index
    %get3A_2 = vector.load %arg3[%get3A, %get3A_0, %get3A_1] : memref<1x512x128xf32, #tpu.memory_space<vmem>>, vector<1x512x128xf32>
    %get3A_3 = vector.shape_cast %get3A_2 : vector<1x512x128xf32> to vector<512x128xf32>
    %get3A_4 = arith.constant 0 : index
    %get3A_5 = arith.constant 0 : index
    %get3A_6 = vector.load %arg4[%get3A_4, %get3A_5] : memref<128x128xf32, #tpu.memory_space<vmem>>, vector<128x128xf32>
    %get3A_7 = arith.constant 0 : index
    %get3A_8 = arith.constant 0 : index
    %get3A_9 = vector.load %arg5[%get3A_7, %get3A_8] : memref<1x128xf32, #tpu.memory_space<vmem>>, vector<1x128xf32>
    %broadcast_in_dim3A = arith.constant 0.000000e+00 : f32
    %broadcast_in_dim3A_10 = vector.broadcast %broadcast_in_dim3A : f32 to vector<512x128xf32>
    %get3A_11 = arith.constant 0 : index
    %get3A_12 = arith.constant 0 : index
    %get3A_13 = arith.constant 0 : index
    %get3A_14 = vector.load %arg2[%get3A_11, %get3A_12, %get3A_13] : memref<1x512x2048xf32, #tpu.memory_space<vmem>>, vector<1x512x2048xf32>
    %get3A_15 = vector.shape_cast %get3A_14 : vector<1x512x2048xf32> to vector<512x2048xf32>
    %slice3A = vector.extract_strided_slice %get3A_15 {offsets = [0, 0], sizes = [512, 128], strides = [1, 1]} : vector<512x2048xf32> to vector<512x128xf32>
    %add3A = arith.addf %slice3A, %get3A_3 : vector<512x128xf32>
    %max3A = arith.constant 0.000000e+00 : f32
    %max3A_16 = vector.broadcast %max3A : f32 to vector<512x128xf32>
    %max3A_17 = arith.maximumf %add3A, %max3A_16 : vector<512x128xf32>
    %dot_general3A = arith.constant dense<0.000000e+00> : vector<512x128xf32>
    %dot_general3A_18 = tpu.matmul %max3A_17, %get3A_6, %dot_general3A {dimension_numbers = #tpu.dot_dimension_numbers<[1], [0], [0], [1], [0, 0, 1, 1], [], []>, precision = #tpu.contract_precision<fp32>, transpose_lhs_hint = false} : vector<512x128xf32>, vector<128x128xf32>, vector<512x128xf32> -> vector<512x128xf32>
    %add3A_19 = vector.broadcast %get3A_9 : vector<1x128xf32> to vector<512x128xf32>
    %add3A_20 = arith.addf %dot_general3A_18, %add3A_19 : vector<512x128xf32>
    %max3A_21 = arith.constant 0.000000e+00 : f32
    %max3A_22 = vector.broadcast %max3A_21 : f32 to vector<512x128xf32>
    %max3A_23 = arith.maximumf %add3A_20, %max3A_22 : vector<512x128xf32>
    %max3A_24 = arith.maximumf %broadcast_in_dim3A_10, %max3A_23 : vector<512x128xf32>
    %get3A_25 = arith.constant 0 : index
    %get3A_26 = arith.constant 0 : index
    %get3A_27 = arith.constant 0 : index
    %get3A_28 = vector.load %arg2[%get3A_25, %get3A_26, %get3A_27] : memref<1x512x2048xf32, #tpu.memory_space<vmem>>, vector<1x512x2048xf32>
    %get3A_29 = vector.shape_cast %get3A_28 : vector<1x512x2048xf32> to vector<512x2048xf32>
    %slice3A_30 = vector.extract_strided_slice %get3A_29 {offsets = [0, 128], sizes = [512, 128], strides = [1, 1]} : vector<512x2048xf32> to vector<512x128xf32>
    %add3A_31 = arith.addf %slice3A_30, %get3A_3 : vector<512x128xf32>
    %max3A_32 = arith.constant 0.000000e+00 : f32
    %max3A_33 = vector.broadcast %max3A_32 : f32 to vector<512x128xf32>
    %max3A_34 = arith.maximumf %add3A_31, %max3A_33 : vector<512x128xf32>
    %dot_general3A_35 = arith.constant dense<0.000000e+00> : vector<512x128xf32>
    %dot_general3A_36 = tpu.matmul %max3A_34, %get3A_6, %dot_general3A_35 {dimension_numbers = #tpu.dot_dimension_numbers<[1], [0], [0], [1], [0, 0, 1, 1], [], []>, precision = #tpu.contract_precision<fp32>, transpose_lhs_hint = false} : vector<512x128xf32>, vector<128x128xf32>, vector<512x128xf32> -> vector<512x128xf32>
    %add3A_37 = vector.broadcast %get3A_9 : vector<1x128xf32> to vector<512x128xf32>
    %add3A_38 = arith.addf %dot_general3A_36, %add3A_37 : vector<512x128xf32>
    %max3A_39 = arith.constant 0.000000e+00 : f32
    %max3A_40 = vector.broadcast %max3A_39 : f32 to vector<512x128xf32>
    %max3A_41 = arith.maximumf %add3A_38, %max3A_40 : vector<512x128xf32>
    %max3A_42 = arith.maximumf %max3A_24, %max3A_41 : vector<512x128xf32>
    %get3A_43 = arith.constant 0 : index
    %get3A_44 = arith.constant 0 : index
    %get3A_45 = arith.constant 0 : index
    %get3A_46 = vector.load %arg2[%get3A_43, %get3A_44, %get3A_45] : memref<1x512x2048xf32, #tpu.memory_space<vmem>>, vector<1x512x2048xf32>
    %get3A_47 = vector.shape_cast %get3A_46 : vector<1x512x2048xf32> to vector<512x2048xf32>
    %slice3A_48 = vector.extract_strided_slice %get3A_47 {offsets = [0, 256], sizes = [512, 128], strides = [1, 1]} : vector<512x2048xf32> to vector<512x128xf32>
    %add3A_49 = arith.addf %slice3A_48, %get3A_3 : vector<512x128xf32>
    %max3A_50 = arith.constant 0.000000e+00 : f32
    %max3A_51 = vector.broadcast %max3A_50 : f32 to vector<512x128xf32>
    %max3A_52 = arith.maximumf %add3A_49, %max3A_51 : vector<512x128xf32>
    %dot_general3A_53 = arith.constant dense<0.000000e+00> : vector<512x128xf32>
    %dot_general3A_54 = tpu.matmul %max3A_52, %get3A_6, %dot_general3A_53 {dimension_numbers = #tpu.dot_dimension_numbers<[1], [0], [0], [1], [0, 0, 1, 1], [], []>, precision = #tpu.contract_precision<fp32>, transpose_lhs_hint = false} : vector<512x128xf32>, vector<128x128xf32>, vector<512x128xf32> -> vector<512x128xf32>
    %add3A_55 = vector.broadcast %get3A_9 : vector<1x128xf32> to vector<512x128xf32>
    %add3A_56 = arith.addf %dot_general3A_54, %add3A_55 : vector<512x128xf32>
    %max3A_57 = arith.constant 0.000000e+00 : f32
    %max3A_58 = vector.broadcast %max3A_57 : f32 to vector<512x128xf32>
    %max3A_59 = arith.maximumf %add3A_56, %max3A_58 : vector<512x128xf32>
    %max3A_60 = arith.maximumf %max3A_42, %max3A_59 : vector<512x128xf32>
    %get3A_61 = arith.constant 0 : index
    %get3A_62 = arith.constant 0 : index
    %get3A_63 = arith.constant 0 : index
    %get3A_64 = vector.load %arg2[%get3A_61, %get3A_62, %get3A_63] : memref<1x512x2048xf32, #tpu.memory_space<vmem>>, vector<1x512x2048xf32>
    %get3A_65 = vector.shape_cast %get3A_64 : vector<1x512x2048xf32> to vector<512x2048xf32>
    %slice3A_66 = vector.extract_strided_slice %get3A_65 {offsets = [0, 384], sizes = [512, 128], strides = [1, 1]} : vector<512x2048xf32> to vector<512x128xf32>
    %add3A_67 = arith.addf %slice3A_66, %get3A_3 : vector<512x128xf32>
    %max3A_68 = arith.constant 0.000000e+00 : f32
    %max3A_69 = vector.broadcast %max3A_68 : f32 to vector<512x128xf32>
    %max3A_70 = arith.maximumf %add3A_67, %max3A_69 : vector<512x128xf32>
    %dot_general3A_71 = arith.constant dense<0.000000e+00> : vector<512x128xf32>
    %dot_general3A_72 = tpu.matmul %max3A_70, %get3A_6, %dot_general3A_71 {dimension_numbers = #tpu.dot_dimension_numbers<[1], [0], [0], [1], [0, 0, 1, 1], [], []>, precision = #tpu.contract_precision<fp32>, transpose_lhs_hint = false} : vector<512x128xf32>, vector<128x128xf32>, vector<512x128xf32> -> vector<512x128xf32>
    %add3A_73 = vector.broadcast %get3A_9 : vector<1x128xf32> to vector<512x128xf32>
    %add3A_74 = arith.addf %dot_general3A_72, %add3A_73 : vector<512x128xf32>
    %max3A_75 = arith.constant 0.000000e+00 : f32
    %max3A_76 = vector.broadcast %max3A_75 : f32 to vector<512x128xf32>
    %max3A_77 = arith.maximumf %add3A_74, %max3A_76 : vector<512x128xf32>
    %max3A_78 = arith.maximumf %max3A_60, %max3A_77 : vector<512x128xf32>
    %get3A_79 = arith.constant 0 : index
    %get3A_80 = arith.constant 0 : index
    %get3A_81 = arith.constant 0 : index
    %get3A_82 = vector.load %arg2[%get3A_79, %get3A_80, %get3A_81] : memref<1x512x2048xf32, #tpu.memory_space<vmem>>, vector<1x512x2048xf32>
    %get3A_83 = vector.shape_cast %get3A_82 : vector<1x512x2048xf32> to vector<512x2048xf32>
    %slice3A_84 = vector.extract_strided_slice %get3A_83 {offsets = [0, 512], sizes = [512, 128], strides = [1, 1]} : vector<512x2048xf32> to vector<512x128xf32>
    %add3A_85 = arith.addf %slice3A_84, %get3A_3 : vector<512x128xf32>
    %max3A_86 = arith.constant 0.000000e+00 : f32
    %max3A_87 = vector.broadcast %max3A_86 : f32 to vector<512x128xf32>
    %max3A_88 = arith.maximumf %add3A_85, %max3A_87 : vector<512x128xf32>
    %dot_general3A_89 = arith.constant dense<0.000000e+00> : vector<512x128xf32>
    %dot_general3A_90 = tpu.matmul %max3A_88, %get3A_6, %dot_general3A_89 {dimension_numbers = #tpu.dot_dimension_numbers<[1], [0], [0], [1], [0, 0, 1, 1], [], []>, precision = #tpu.contract_precision<fp32>, transpose_lhs_hint = false} : vector<512x128xf32>, vector<128x128xf32>, vector<512x128xf32> -> vector<512x128xf32>
    %add3A_91 = vector.broadcast %get3A_9 : vector<1x128xf32> to vector<512x128xf32>
    %add3A_92 = arith.addf %dot_general3A_90, %add3A_91 : vector<512x128xf32>
    %max3A_93 = arith.constant 0.000000e+00 : f32
    %max3A_94 = vector.broadcast %max3A_93 : f32 to vector<512x128xf32>
    %max3A_95 = arith.maximumf %add3A_92, %max3A_94 : vector<512x128xf32>
    %max3A_96 = arith.maximumf %max3A_78, %max3A_95 : vector<512x128xf32>
    %get3A_97 = arith.constant 0 : index
    %get3A_98 = arith.constant 0 : index
    %get3A_99 = arith.constant 0 : index
    %get3A_100 = vector.load %arg2[%get3A_97, %get3A_98, %get3A_99] : memref<1x512x2048xf32, #tpu.memory_space<vmem>>, vector<1x512x2048xf32>
    %get3A_101 = vector.shape_cast %get3A_100 : vector<1x512x2048xf32> to vector<512x2048xf32>
    %slice3A_102 = vector.extract_strided_slice %get3A_101 {offsets = [0, 640], sizes = [512, 128], strides = [1, 1]} : vector<512x2048xf32> to vector<512x128xf32>
    %add3A_103 = arith.addf %slice3A_102, %get3A_3 : vector<512x128xf32>
    %max3A_104 = arith.constant 0.000000e+00 : f32
    %max3A_105 = vector.broadcast %max3A_104 : f32 to vector<512x128xf32>
    %max3A_106 = arith.maximumf %add3A_103, %max3A_105 : vector<512x128xf32>
    %dot_general3A_107 = arith.constant dense<0.000000e+00> : vector<512x128xf32>
    %dot_general3A_108 = tpu.matmul %max3A_106, %get3A_6, %dot_general3A_107 {dimension_numbers = #tpu.dot_dimension_numbers<[1], [0], [0], [1], [0, 0, 1, 1], [], []>, precision = #tpu.contract_precision<fp32>, transpose_lhs_hint = false} : vector<512x128xf32>, vector<128x128xf32>, vector<512x128xf32> -> vector<512x128xf32>
    %add3A_109 = vector.broadcast %get3A_9 : vector<1x128xf32> to vector<512x128xf32>
    %add3A_110 = arith.addf %dot_general3A_108, %add3A_109 : vector<512x128xf32>
    %max3A_111 = arith.constant 0.000000e+00 : f32
    %max3A_112 = vector.broadcast %max3A_111 : f32 to vector<512x128xf32>
    %max3A_113 = arith.maximumf %add3A_110, %max3A_112 : vector<512x128xf32>
    %max3A_114 = arith.maximumf %max3A_96, %max3A_113 : vector<512x128xf32>
    %get3A_115 = arith.constant 0 : index
    %get3A_116 = arith.constant 0 : index
    %get3A_117 = arith.constant 0 : index
    %get3A_118 = vector.load %arg2[%get3A_115, %get3A_116, %get3A_117] : memref<1x512x2048xf32, #tpu.memory_space<vmem>>, vector<1x512x2048xf32>
    %get3A_119 = vector.shape_cast %get3A_118 : vector<1x512x2048xf32> to vector<512x2048xf32>
    %slice3A_120 = vector.extract_strided_slice %get3A_119 {offsets = [0, 768], sizes = [512, 128], strides = [1, 1]} : vector<512x2048xf32> to vector<512x128xf32>
    %add3A_121 = arith.addf %slice3A_120, %get3A_3 : vector<512x128xf32>
    %max3A_122 = arith.constant 0.000000e+00 : f32
    %max3A_123 = vector.broadcast %max3A_122 : f32 to vector<512x128xf32>
    %max3A_124 = arith.maximumf %add3A_121, %max3A_123 : vector<512x128xf32>
    %dot_general3A_125 = arith.constant dense<0.000000e+00> : vector<512x128xf32>
    %dot_general3A_126 = tpu.matmul %max3A_124, %get3A_6, %dot_general3A_125 {dimension_numbers = #tpu.dot_dimension_numbers<[1], [0], [0], [1], [0, 0, 1, 1], [], []>, precision = #tpu.contract_precision<fp32>, transpose_lhs_hint = false} : vector<512x128xf32>, vector<128x128xf32>, vector<512x128xf32> -> vector<512x128xf32>
    %add3A_127 = vector.broadcast %get3A_9 : vector<1x128xf32> to vector<512x128xf32>
    %add3A_128 = arith.addf %dot_general3A_126, %add3A_127 : vector<512x128xf32>
    %max3A_129 = arith.constant 0.000000e+00 : f32
    %max3A_130 = vector.broadcast %max3A_129 : f32 to vector<512x128xf32>
    %max3A_131 = arith.maximumf %add3A_128, %max3A_130 : vector<512x128xf32>
    %max3A_132 = arith.maximumf %max3A_114, %max3A_131 : vector<512x128xf32>
    %get3A_133 = arith.constant 0 : index
    %get3A_134 = arith.constant 0 : index
    %get3A_135 = arith.constant 0 : index
    %get3A_136 = vector.load %arg2[%get3A_133, %get3A_134, %get3A_135] : memref<1x512x2048xf32, #tpu.memory_space<vmem>>, vector<1x512x2048xf32>
    %get3A_137 = vector.shape_cast %get3A_136 : vector<1x512x2048xf32> to vector<512x2048xf32>
    %slice3A_138 = vector.extract_strided_slice %get3A_137 {offsets = [0, 896], sizes = [512, 128], strides = [1, 1]} : vector<512x2048xf32> to vector<512x128xf32>
    %add3A_139 = arith.addf %slice3A_138, %get3A_3 : vector<512x128xf32>
    %max3A_140 = arith.constant 0.000000e+00 : f32
    %max3A_141 = vector.broadcast %max3A_140 : f32 to vector<512x128xf32>
    %max3A_142 = arith.maximumf %add3A_139, %max3A_141 : vector<512x128xf32>
    %dot_general3A_143 = arith.constant dense<0.000000e+00> : vector<512x128xf32>
    %dot_general3A_144 = tpu.matmul %max3A_142, %get3A_6, %dot_general3A_143 {dimension_numbers = #tpu.dot_dimension_numbers<[1], [0], [0], [1], [0, 0, 1, 1], [], []>, precision = #tpu.contract_precision<fp32>, transpose_lhs_hint = false} : vector<512x128xf32>, vector<128x128xf32>, vector<512x128xf32> -> vector<512x128xf32>
    %add3A_145 = vector.broadcast %get3A_9 : vector<1x128xf32> to vector<512x128xf32>
    %add3A_146 = arith.addf %dot_general3A_144, %add3A_145 : vector<512x128xf32>
    %max3A_147 = arith.constant 0.000000e+00 : f32
    %max3A_148 = vector.broadcast %max3A_147 : f32 to vector<512x128xf32>
    %max3A_149 = arith.maximumf %add3A_146, %max3A_148 : vector<512x128xf32>
    %max3A_150 = arith.maximumf %max3A_132, %max3A_149 : vector<512x128xf32>
    %get3A_151 = arith.constant 0 : index
    %get3A_152 = arith.constant 0 : index
    %get3A_153 = arith.constant 0 : index
    %get3A_154 = vector.load %arg2[%get3A_151, %get3A_152, %get3A_153] : memref<1x512x2048xf32, #tpu.memory_space<vmem>>, vector<1x512x2048xf32>
    %get3A_155 = vector.shape_cast %get3A_154 : vector<1x512x2048xf32> to vector<512x2048xf32>
    %slice3A_156 = vector.extract_strided_slice %get3A_155 {offsets = [0, 1024], sizes = [512, 128], strides = [1, 1]} : vector<512x2048xf32> to vector<512x128xf32>
    %add3A_157 = arith.addf %slice3A_156, %get3A_3 : vector<512x128xf32>
    %max3A_158 = arith.constant 0.000000e+00 : f32
    %max3A_159 = vector.broadcast %max3A_158 : f32 to vector<512x128xf32>
    %max3A_160 = arith.maximumf %add3A_157, %max3A_159 : vector<512x128xf32>
    %dot_general3A_161 = arith.constant dense<0.000000e+00> : vector<512x128xf32>
    %dot_general3A_162 = tpu.matmul %max3A_160, %get3A_6, %dot_general3A_161 {dimension_numbers = #tpu.dot_dimension_numbers<[1], [0], [0], [1], [0, 0, 1, 1], [], []>, precision = #tpu.contract_precision<fp32>, transpose_lhs_hint = false} : vector<512x128xf32>, vector<128x128xf32>, vector<512x128xf32> -> vector<512x128xf32>
    %add3A_163 = vector.broadcast %get3A_9 : vector<1x128xf32> to vector<512x128xf32>
    %add3A_164 = arith.addf %dot_general3A_162, %add3A_163 : vector<512x128xf32>
    %max3A_165 = arith.constant 0.000000e+00 : f32
    %max3A_166 = vector.broadcast %max3A_165 : f32 to vector<512x128xf32>
    %max3A_167 = arith.maximumf %add3A_164, %max3A_166 : vector<512x128xf32>
    %max3A_168 = arith.maximumf %max3A_150, %max3A_167 : vector<512x128xf32>
    %get3A_169 = arith.constant 0 : index
    %get3A_170 = arith.constant 0 : index
    %get3A_171 = arith.constant 0 : index
    %get3A_172 = vector.load %arg2[%get3A_169, %get3A_170, %get3A_171] : memref<1x512x2048xf32, #tpu.memory_space<vmem>>, vector<1x512x2048xf32>
    %get3A_173 = vector.shape_cast %get3A_172 : vector<1x512x2048xf32> to vector<512x2048xf32>
    %slice3A_174 = vector.extract_strided_slice %get3A_173 {offsets = [0, 1152], sizes = [512, 128], strides = [1, 1]} : vector<512x2048xf32> to vector<512x128xf32>
    %add3A_175 = arith.addf %slice3A_174, %get3A_3 : vector<512x128xf32>
    %max3A_176 = arith.constant 0.000000e+00 : f32
    %max3A_177 = vector.broadcast %max3A_176 : f32 to vector<512x128xf32>
    %max3A_178 = arith.maximumf %add3A_175, %max3A_177 : vector<512x128xf32>
    %dot_general3A_179 = arith.constant dense<0.000000e+00> : vector<512x128xf32>
    %dot_general3A_180 = tpu.matmul %max3A_178, %get3A_6, %dot_general3A_179 {dimension_numbers = #tpu.dot_dimension_numbers<[1], [0], [0], [1], [0, 0, 1, 1], [], []>, precision = #tpu.contract_precision<fp32>, transpose_lhs_hint = false} : vector<512x128xf32>, vector<128x128xf32>, vector<512x128xf32> -> vector<512x128xf32>
    %add3A_181 = vector.broadcast %get3A_9 : vector<1x128xf32> to vector<512x128xf32>
    %add3A_182 = arith.addf %dot_general3A_180, %add3A_181 : vector<512x128xf32>
    %max3A_183 = arith.constant 0.000000e+00 : f32
    %max3A_184 = vector.broadcast %max3A_183 : f32 to vector<512x128xf32>
    %max3A_185 = arith.maximumf %add3A_182, %max3A_184 : vector<512x128xf32>
    %max3A_186 = arith.maximumf %max3A_168, %max3A_185 : vector<512x128xf32>
    %get3A_187 = arith.constant 0 : index
    %get3A_188 = arith.constant 0 : index
    %get3A_189 = arith.constant 0 : index
    %get3A_190 = vector.load %arg2[%get3A_187, %get3A_188, %get3A_189] : memref<1x512x2048xf32, #tpu.memory_space<vmem>>, vector<1x512x2048xf32>
    %get3A_191 = vector.shape_cast %get3A_190 : vector<1x512x2048xf32> to vector<512x2048xf32>
    %slice3A_192 = vector.extract_strided_slice %get3A_191 {offsets = [0, 1280], sizes = [512, 128], strides = [1, 1]} : vector<512x2048xf32> to vector<512x128xf32>
    %add3A_193 = arith.addf %slice3A_192, %get3A_3 : vector<512x128xf32>
    %max3A_194 = arith.constant 0.000000e+00 : f32
    %max3A_195 = vector.broadcast %max3A_194 : f32 to vector<512x128xf32>
    %max3A_196 = arith.maximumf %add3A_193, %max3A_195 : vector<512x128xf32>
    %dot_general3A_197 = arith.constant dense<0.000000e+00> : vector<512x128xf32>
    %dot_general3A_198 = tpu.matmul %max3A_196, %get3A_6, %dot_general3A_197 {dimension_numbers = #tpu.dot_dimension_numbers<[1], [0], [0], [1], [0, 0, 1, 1], [], []>, precision = #tpu.contract_precision<fp32>, transpose_lhs_hint = false} : vector<512x128xf32>, vector<128x128xf32>, vector<512x128xf32> -> vector<512x128xf32>
    %add3A_199 = vector.broadcast %get3A_9 : vector<1x128xf32> to vector<512x128xf32>
    %add3A_200 = arith.addf %dot_general3A_198, %add3A_199 : vector<512x128xf32>
    %max3A_201 = arith.constant 0.000000e+00 : f32
    %max3A_202 = vector.broadcast %max3A_201 : f32 to vector<512x128xf32>
    %max3A_203 = arith.maximumf %add3A_200, %max3A_202 : vector<512x128xf32>
    %max3A_204 = arith.maximumf %max3A_186, %max3A_203 : vector<512x128xf32>
    %get3A_205 = arith.constant 0 : index
    %get3A_206 = arith.constant 0 : index
    %get3A_207 = arith.constant 0 : index
    %get3A_208 = vector.load %arg2[%get3A_205, %get3A_206, %get3A_207] : memref<1x512x2048xf32, #tpu.memory_space<vmem>>, vector<1x512x2048xf32>
    %get3A_209 = vector.shape_cast %get3A_208 : vector<1x512x2048xf32> to vector<512x2048xf32>
    %slice3A_210 = vector.extract_strided_slice %get3A_209 {offsets = [0, 1408], sizes = [512, 128], strides = [1, 1]} : vector<512x2048xf32> to vector<512x128xf32>
    %add3A_211 = arith.addf %slice3A_210, %get3A_3 : vector<512x128xf32>
    %max3A_212 = arith.constant 0.000000e+00 : f32
    %max3A_213 = vector.broadcast %max3A_212 : f32 to vector<512x128xf32>
    %max3A_214 = arith.maximumf %add3A_211, %max3A_213 : vector<512x128xf32>
    %dot_general3A_215 = arith.constant dense<0.000000e+00> : vector<512x128xf32>
    %dot_general3A_216 = tpu.matmul %max3A_214, %get3A_6, %dot_general3A_215 {dimension_numbers = #tpu.dot_dimension_numbers<[1], [0], [0], [1], [0, 0, 1, 1], [], []>, precision = #tpu.contract_precision<fp32>, transpose_lhs_hint = false} : vector<512x128xf32>, vector<128x128xf32>, vector<512x128xf32> -> vector<512x128xf32>
    %add3A_217 = vector.broadcast %get3A_9 : vector<1x128xf32> to vector<512x128xf32>
    %add3A_218 = arith.addf %dot_general3A_216, %add3A_217 : vector<512x128xf32>
    %max3A_219 = arith.constant 0.000000e+00 : f32
    %max3A_220 = vector.broadcast %max3A_219 : f32 to vector<512x128xf32>
    %max3A_221 = arith.maximumf %add3A_218, %max3A_220 : vector<512x128xf32>
    %max3A_222 = arith.maximumf %max3A_204, %max3A_221 : vector<512x128xf32>
    %get3A_223 = arith.constant 0 : index
    %get3A_224 = arith.constant 0 : index
    %get3A_225 = arith.constant 0 : index
    %get3A_226 = vector.load %arg2[%get3A_223, %get3A_224, %get3A_225] : memref<1x512x2048xf32, #tpu.memory_space<vmem>>, vector<1x512x2048xf32>
    %get3A_227 = vector.shape_cast %get3A_226 : vector<1x512x2048xf32> to vector<512x2048xf32>
    %slice3A_228 = vector.extract_strided_slice %get3A_227 {offsets = [0, 1536], sizes = [512, 128], strides = [1, 1]} : vector<512x2048xf32> to vector<512x128xf32>
    %add3A_229 = arith.addf %slice3A_228, %get3A_3 : vector<512x128xf32>
    %max3A_230 = arith.constant 0.000000e+00 : f32
    %max3A_231 = vector.broadcast %max3A_230 : f32 to vector<512x128xf32>
    %max3A_232 = arith.maximumf %add3A_229, %max3A_231 : vector<512x128xf32>
    %dot_general3A_233 = arith.constant dense<0.000000e+00> : vector<512x128xf32>
    %dot_general3A_234 = tpu.matmul %max3A_232, %get3A_6, %dot_general3A_233 {dimension_numbers = #tpu.dot_dimension_numbers<[1], [0], [0], [1], [0, 0, 1, 1], [], []>, precision = #tpu.contract_precision<fp32>, transpose_lhs_hint = false} : vector<512x128xf32>, vector<128x128xf32>, vector<512x128xf32> -> vector<512x128xf32>
    %add3A_235 = vector.broadcast %get3A_9 : vector<1x128xf32> to vector<512x128xf32>
    %add3A_236 = arith.addf %dot_general3A_234, %add3A_235 : vector<512x128xf32>
    %max3A_237 = arith.constant 0.000000e+00 : f32
    %max3A_238 = vector.broadcast %max3A_237 : f32 to vector<512x128xf32>
    %max3A_239 = arith.maximumf %add3A_236, %max3A_238 : vector<512x128xf32>
    %max3A_240 = arith.maximumf %max3A_222, %max3A_239 : vector<512x128xf32>
    %get3A_241 = arith.constant 0 : index
    %get3A_242 = arith.constant 0 : index
    %get3A_243 = arith.constant 0 : index
    %get3A_244 = vector.load %arg2[%get3A_241, %get3A_242, %get3A_243] : memref<1x512x2048xf32, #tpu.memory_space<vmem>>, vector<1x512x2048xf32>
    %get3A_245 = vector.shape_cast %get3A_244 : vector<1x512x2048xf32> to vector<512x2048xf32>
    %slice3A_246 = vector.extract_strided_slice %get3A_245 {offsets = [0, 1664], sizes = [512, 128], strides = [1, 1]} : vector<512x2048xf32> to vector<512x128xf32>
    %add3A_247 = arith.addf %slice3A_246, %get3A_3 : vector<512x128xf32>
    %max3A_248 = arith.constant 0.000000e+00 : f32
    %max3A_249 = vector.broadcast %max3A_248 : f32 to vector<512x128xf32>
    %max3A_250 = arith.maximumf %add3A_247, %max3A_249 : vector<512x128xf32>
    %dot_general3A_251 = arith.constant dense<0.000000e+00> : vector<512x128xf32>
    %dot_general3A_252 = tpu.matmul %max3A_250, %get3A_6, %dot_general3A_251 {dimension_numbers = #tpu.dot_dimension_numbers<[1], [0], [0], [1], [0, 0, 1, 1], [], []>, precision = #tpu.contract_precision<fp32>, transpose_lhs_hint = false} : vector<512x128xf32>, vector<128x128xf32>, vector<512x128xf32> -> vector<512x128xf32>
    %add3A_253 = vector.broadcast %get3A_9 : vector<1x128xf32> to vector<512x128xf32>
    %add3A_254 = arith.addf %dot_general3A_252, %add3A_253 : vector<512x128xf32>
    %max3A_255 = arith.constant 0.000000e+00 : f32
    %max3A_256 = vector.broadcast %max3A_255 : f32 to vector<512x128xf32>
    %max3A_257 = arith.maximumf %add3A_254, %max3A_256 : vector<512x128xf32>
    %max3A_258 = arith.maximumf %max3A_240, %max3A_257 : vector<512x128xf32>
    %get3A_259 = arith.constant 0 : index
    %get3A_260 = arith.constant 0 : index
    %get3A_261 = arith.constant 0 : index
    %get3A_262 = vector.load %arg2[%get3A_259, %get3A_260, %get3A_261] : memref<1x512x2048xf32, #tpu.memory_space<vmem>>, vector<1x512x2048xf32>
    %get3A_263 = vector.shape_cast %get3A_262 : vector<1x512x2048xf32> to vector<512x2048xf32>
    %slice3A_264 = vector.extract_strided_slice %get3A_263 {offsets = [0, 1792], sizes = [512, 128], strides = [1, 1]} : vector<512x2048xf32> to vector<512x128xf32>
    %add3A_265 = arith.addf %slice3A_264, %get3A_3 : vector<512x128xf32>
    %max3A_266 = arith.constant 0.000000e+00 : f32
    %max3A_267 = vector.broadcast %max3A_266 : f32 to vector<512x128xf32>
    %max3A_268 = arith.maximumf %add3A_265, %max3A_267 : vector<512x128xf32>
    %dot_general3A_269 = arith.constant dense<0.000000e+00> : vector<512x128xf32>
    %dot_general3A_270 = tpu.matmul %max3A_268, %get3A_6, %dot_general3A_269 {dimension_numbers = #tpu.dot_dimension_numbers<[1], [0], [0], [1], [0, 0, 1, 1], [], []>, precision = #tpu.contract_precision<fp32>, transpose_lhs_hint = false} : vector<512x128xf32>, vector<128x128xf32>, vector<512x128xf32> -> vector<512x128xf32>
    %add3A_271 = vector.broadcast %get3A_9 : vector<1x128xf32> to vector<512x128xf32>
    %add3A_272 = arith.addf %dot_general3A_270, %add3A_271 : vector<512x128xf32>
    %max3A_273 = arith.constant 0.000000e+00 : f32
    %max3A_274 = vector.broadcast %max3A_273 : f32 to vector<512x128xf32>
    %max3A_275 = arith.maximumf %add3A_272, %max3A_274 : vector<512x128xf32>
    %max3A_276 = arith.maximumf %max3A_258, %max3A_275 : vector<512x128xf32>
    %get3A_277 = arith.constant 0 : index
    %get3A_278 = arith.constant 0 : index
    %get3A_279 = arith.constant 0 : index
    %get3A_280 = vector.load %arg2[%get3A_277, %get3A_278, %get3A_279] : memref<1x512x2048xf32, #tpu.memory_space<vmem>>, vector<1x512x2048xf32>
    %get3A_281 = vector.shape_cast %get3A_280 : vector<1x512x2048xf32> to vector<512x2048xf32>
    %slice3A_282 = vector.extract_strided_slice %get3A_281 {offsets = [0, 1920], sizes = [512, 128], strides = [1, 1]} : vector<512x2048xf32> to vector<512x128xf32>
    %add3A_283 = arith.addf %slice3A_282, %get3A_3 : vector<512x128xf32>
    %max3A_284 = arith.constant 0.000000e+00 : f32
    %max3A_285 = vector.broadcast %max3A_284 : f32 to vector<512x128xf32>
    %max3A_286 = arith.maximumf %add3A_283, %max3A_285 : vector<512x128xf32>
    %dot_general3A_287 = arith.constant dense<0.000000e+00> : vector<512x128xf32>
    %dot_general3A_288 = tpu.matmul %max3A_286, %get3A_6, %dot_general3A_287 {dimension_numbers = #tpu.dot_dimension_numbers<[1], [0], [0], [1], [0, 0, 1, 1], [], []>, precision = #tpu.contract_precision<fp32>, transpose_lhs_hint = false} : vector<512x128xf32>, vector<128x128xf32>, vector<512x128xf32> -> vector<512x128xf32>
    %add3A_289 = vector.broadcast %get3A_9 : vector<1x128xf32> to vector<512x128xf32>
    %add3A_290 = arith.addf %dot_general3A_288, %add3A_289 : vector<512x128xf32>
    %max3A_291 = arith.constant 0.000000e+00 : f32
    %max3A_292 = vector.broadcast %max3A_291 : f32 to vector<512x128xf32>
    %max3A_293 = arith.maximumf %add3A_290, %max3A_292 : vector<512x128xf32>
    %max3A_294 = arith.maximumf %max3A_276, %max3A_293 : vector<512x128xf32>
    %reduce_sum3A = arith.constant dense<0.000000e+00> : vector<512xf32>
    %reduce_sum3A_295 = vector.multi_reduction <add>, %max3A_294, %reduce_sum3A [1] : vector<512x128xf32> to vector<512xf32>
    %broadcast_in_dim3A_296 = vector.shape_cast %reduce_sum3A_295 : vector<512xf32> to vector<512x1xf32>
    %div3A = arith.constant 1.280000e+02 : f32
    %div3A_297 = vector.broadcast %div3A : f32 to vector<512x1xf32>
    %div3A_298 = arith.divf %broadcast_in_dim3A_296, %div3A_297 : vector<512x1xf32>
    %sub3A = vector.broadcast %div3A_298 : vector<512x1xf32> to vector<512x128xf32>
    %sub3A_299 = arith.subf %max3A_294, %sub3A : vector<512x128xf32>
    %mul3A = arith.mulf %sub3A_299, %sub3A_299 : vector<512x128xf32>
    %reduce_sum3A_300 = arith.constant dense<0.000000e+00> : vector<512xf32>
    %reduce_sum3A_301 = vector.multi_reduction <add>, %mul3A, %reduce_sum3A_300 [1] : vector<512x128xf32> to vector<512xf32>
    %broadcast_in_dim3A_302 = vector.shape_cast %reduce_sum3A_301 : vector<512xf32> to vector<512x1xf32>
    %div3A_303 = arith.constant 1.280000e+02 : f32
    %div3A_304 = vector.broadcast %div3A_303 : f32 to vector<512x1xf32>
    %div3A_305 = arith.divf %broadcast_in_dim3A_302, %div3A_304 : vector<512x1xf32>
    %add3A_306 = arith.constant 9.99999974E-6 : f32
    %add3A_307 = vector.broadcast %add3A_306 : f32 to vector<512x1xf32>
    %add3A_308 = arith.addf %div3A_305, %add3A_307 : vector<512x1xf32>
    %rsqrt3A = math.rsqrt %add3A_308 : vector<512x1xf32>
    %mul3A_309 = vector.broadcast %rsqrt3A : vector<512x1xf32> to vector<512x128xf32>
    %mul3A_310 = arith.mulf %sub3A_299, %mul3A_309 : vector<512x128xf32>
    %get3A_311 = arith.constant 0 : index
    %get3A_312 = arith.constant 0 : index
    %get3A_313 = vector.load %arg6[%get3A_311, %get3A_312] : memref<1x128xf32, #tpu.memory_space<vmem>>, vector<1x128xf32>
    %mul3A_314 = vector.broadcast %get3A_313 : vector<1x128xf32> to vector<512x128xf32>
    %mul3A_315 = arith.mulf %mul3A_310, %mul3A_314 : vector<512x128xf32>
    %get3A_316 = arith.constant 0 : index
    %get3A_317 = arith.constant 0 : index
    %get3A_318 = vector.load %arg7[%get3A_316, %get3A_317] : memref<1x128xf32, #tpu.memory_space<vmem>>, vector<1x128xf32>
    %add3A_319 = vector.broadcast %get3A_318 : vector<1x128xf32> to vector<512x128xf32>
    %add3A_320 = arith.addf %mul3A_315, %add3A_319 : vector<512x128xf32>
    %logistic3A = arith.negf %add3A_320 : vector<512x128xf32>
    %logistic3A_321 = math.exp %logistic3A : vector<512x128xf32>
    %logistic3A_322 = arith.constant 1.000000e+00 : f32
    %logistic3A_323 = vector.broadcast %logistic3A_322 : f32 to vector<512x128xf32>
    %logistic3A_324 = arith.addf %logistic3A_323, %logistic3A_321 : vector<512x128xf32>
    %logistic3A_325 = arith.divf %logistic3A_323, %logistic3A_324 : vector<512x128xf32>
    %mul3A_326 = arith.mulf %add3A_320, %logistic3A_325 : vector<512x128xf32>
    %get3A_327 = arith.constant 0 : index
    %get3A_328 = arith.constant 0 : index
    %get3A_329 = arith.constant 0 : index
    %get3A_330 = vector.load %arg8[%get3A_327, %get3A_328, %get3A_329] : memref<1x512x128xf32, #tpu.memory_space<vmem>>, vector<1x512x128xf32>
    %get3A_331 = vector.shape_cast %get3A_330 : vector<1x512x128xf32> to vector<512x128xf32>
    %add3A_332 = arith.addf %mul3A_326, %get3A_331 : vector<512x128xf32>
    %swap3A = arith.constant 0 : index
    %swap3A_333 = arith.constant 0 : index
    %swap3A_334 = arith.constant 0 : index
    %swap3A_335 = vector.load %arg9[%swap3A, %swap3A_333, %swap3A_334] : memref<1x512x128xf32, #tpu.memory_space<vmem>>, vector<1x512x128xf32>
    %swap3A_336 = vector.shape_cast %swap3A_335 : vector<1x512x128xf32> to vector<512x128xf32>
    %swap3A_337 = vector.shape_cast %add3A_332 : vector<512x128xf32> to vector<1x512x128xf32>
    tpu.vector_store %arg9[%swap3A, %swap3A_333, %swap3A_334], %swap3A_337 {strides = array<i32>} : memref<1x512x128xf32, #tpu.memory_space<vmem>>, vector<1x512x128xf32>,
    return
  }
  func.func @transform_0(%arg0: i32, %arg1: i32) -> (i32, i32, i32) {
    %c0_i32 = arith.constant 0 : i32
    %c0_i32_0 = arith.constant 0 : i32
    return %arg0, %arg1, %c0_i32 : i32, i32, i32
  }
  func.func @transform_1(%arg0: i32, %arg1: i32) -> (i32, i32, i32) {
    %c0_i32 = arith.constant 0 : i32
    %c0_i32_0 = arith.constant 0 : i32
    return %arg0, %arg1, %c0_i32 : i32, i32, i32
  }
  func.func @transform_2(%arg0: i32, %arg1: i32) -> (i32, i32) {
    %c0_i32 = arith.constant 0 : i32
    %c0_i32_0 = arith.constant 0 : i32
    %c0_i32_1 = arith.constant 0 : i32
    return %c0_i32, %c0_i32_0 : i32, i32
  }
  func.func @transform_3(%arg0: i32, %arg1: i32) -> (i32, i32) {
    %c0_i32 = arith.constant 0 : i32
    %c0_i32_0 = arith.constant 0 : i32
    %c0_i32_1 = arith.constant 0 : i32
    return %c0_i32, %c0_i32_0 : i32, i32
  }
  func.func @transform_4(%arg0: i32, %arg1: i32) -> (i32, i32) {
    %c0_i32 = arith.constant 0 : i32
    %c0_i32_0 = arith.constant 0 : i32
    %c0_i32_1 = arith.constant 0 : i32
    return %c0_i32, %c0_i32_0 : i32, i32
  }
  func.func @transform_5(%arg0: i32, %arg1: i32) -> (i32, i32) {
    %c0_i32 = arith.constant 0 : i32
    %c0_i32_0 = arith.constant 0 : i32
    %c0_i32_1 = arith.constant 0 : i32
    return %c0_i32, %c0_i32_0 : i32, i32
  }
  func.func @transform_6(%arg0: i32, %arg1: i32) -> (i32, i32, i32) {
    %c0_i32 = arith.constant 0 : i32
    %c0_i32_0 = arith.constant 0 : i32
    return %arg0, %arg1, %c0_i32 : i32, i32, i32
  }
  func.func @transform_7(%arg0: i32, %arg1: i32) -> (i32, i32, i32) {
    %c0_i32 = arith.constant 0 : i32
    %c0_i32_0 = arith.constant 0 : i32
    return %arg0, %arg1, %c0_i32 : i32, i32, i32
  }
}

</mosaic_0001>

<sc_bundles>
// kernel: kernel.13.cloned.1.call-start
scs
__scs_entry_jumppad:
0x0: {  	(pc) =	sbr.rel $0x88, $3  }
0x1: {  	(tag) =	ssettag $0x0;
	lr =	simm.s32 $0x1  }
0x2: {  	[smem:$0x3F8F] =	sst lr;
	_ =	strace $0xD0000000  }
0x3: {  	_ = 	snop  }
0x4: {  	_ = 	snop  }
0x5: {  	_ = 	snop  }
0x6: {  	_ = 	snop  }
0x7: {  	_ = 	snop  }
__scs_overlays_trampoline_lowered:
0x8: {  	[smem:$0x3F9E] =	sst s0  }
0x9: {  	[smem:$0x3F9F] =	sst s1  }
0xa: {  	[smem:$0x3FA0] =	sst s2  }
0xb: {  	[smem:$0x3FA1] =	sst s3  }
0xc: {  	[smem:$0x3FA2] =	sst s4  }
0xd: {  	[smem:$0x3FA3] =	sst s5  }
0xe: {  	[smem:$0x3FA4] =	sst s6  }
0xf: {  	[smem:$0x3FA5] =	sst s7  }
0x10: {  	[smem:$0x3FA6] =	sst s8  }
0x11: {  	[smem:$0x3FA7] =	sst s9;
	s0 =	simm.s32 @!p0 $0x0  }
0x12: {  	s1 =	sld [smem:$0x3F8D];
	s0 =	simm.s32 @p0 $0x1  }
0x13: {  	[smem:$0x3FA8] =	sst s0;
	s0 =	simm.s32 @!p1 $0x0  }
0x14: {  	s2 =	sld [smem:$0x3F8C];
	s0 =	simm.s32 @p1 $0x1  }
0x15: {  	[smem:$0x3FA9] =	sst s0;
	s0 =	simm.s32 @!p2 $0x0  }
0x16: {  	s3 =	sld [smem:$0x3FDB];
	s0 =	simm.s32 @p2 $0x1  }
0x17: {  	s4 =	simm.s32 $0x1BF5;
	[smem:$0x3FAB] =	sst s0  }
0x18: {  	s0 =	sld [smem:$0x3F8E];
	_ =	swait.ge [sflag:s4], $0x0  }
0x19: {  	s7 =	sld [smem:$0x3F8F]  }
0x1a: {  	s8 =	sadd.s32 $0xFFFFE003, lr  }
0x1b: {  	s9 =	sadd.s32 $0xFFFFFEF7, lr;
	s5 =	simm.s32 $0xFFFFFFFF;
	p2 =	slt.u32 s8, $0xFFFFF086  }
0x1c: {  	p1 =	slt.u32 s9, $0xF7A;
	s5 =	simm.s32 @!p2 $0x0  }
0x1d: {  	s5 =	simm.s32 @p1 $0x1;
	p0 =	seq.s32 s7, s2  }
0x1e: {  	s7 =	smul.u32 @!p0 $0xF7A, s2;
	p2 =	seq.s32 @!p0 s5, $0x0  }
0x1f: {  	s9 =	smul.u32 $0xF7A, s1;
	s8 =	simm.s32 @!p0 $0x1BF5;
	p2 =	por !p2, p0  }
0x20: {  	[sflag:s8] =	ssyncset.s32 @!p0 $0xFFFFF086;
	s6 =	sadd.s32 @!p0 s3, s7;
	s7 =	simm.s32 @!p0 $0x108  }
0x21: {  	s3 =	sadd.s32 s3, s9;
	s6 =	sadd.s32 @!p0 $0x88, s6;
	s7 =	simm.s32 @p2 $0x1082  }
0x22: {  	[simem:s7], [sflag:s8] =	dma.local @!p0 [hbm:s6], $0xF7A  }
0x23: {  	s9 =	sor.u32 $0xD0000000, s2;
	s6 =	simm.s32 $0x108;
	_ =	swait.ge @!p0 [sflag:s8], $0x0  }
0x24: {  	s3 =	sadd.s32 $0x88, s3;
	s6 =	simm.s32 @!p1 $0x1082;
	[sflag:s4] =	ssyncset.s32 $0xFFFFF086  }
0x25: {  	[simem:s6], [sflag:s4] =	dma.local [hbm:s3], $0xF7A  }
0x26: {  	[smem:$0x3F8F] =	sst s1;
	(tag) =	ssettag s2;
	_ =	strace s9  }
0x27: {  	s1 =	sld [smem:$0x3F9F]  }
0x28: {  	s2 =	sld [smem:$0x3FA0]  }
0x29: {  	s4 =	sld [smem:$0x3FA2]  }
0x2a: {  	p0 =	seq.s32 s5, $0x0;
	s5 =	sld [smem:$0x3FA3]  }
0x2b: {  	s6 =	sld [smem:$0x3FA4]  }
0x2c: {  	s7 =	sld [smem:$0x3FA5]  }
0x2d: {  	s3 =	simm.s32 $0x108;
	s8 =	sld [smem:$0x3FA6]  }
0x2e: {  	s3 =	simm.s32 @!p0 $0x1082;
	s9 =	sld [smem:$0x3FA7]  }
0x2f: {  	lr =	sadd.s32 s0, s3;
	s0 =	sld [smem:$0x3F9E]  }
0x30: {  	s3 =	sld [smem:$0x3FA1]  }
0x31: {  	[smem:$0x3FAA] =	sst s10  }
0x32: {  	s10 =	sld [smem:$0x3FA8];
	_ =	sdelay $0x3  }
0x33: {  	p0 =	seq.s32 s10, $0x1;
	s10 =	sld [smem:$0x3FAA];
	_ =	sdelay $0x3  }
0x34: {  	[smem:$0x3FAA] =	sst s10  }
0x35: {  	s10 =	sld [smem:$0x3FA9];
	_ =	sdelay $0x3  }
0x36: {  	p1 =	seq.s32 s10, $0x1;
	s10 =	sld [smem:$0x3FAA];
	_ =	sdelay $0x3  }
0x37: {  	[smem:$0x3FAA] =	sst s10  }
0x38: {  	s10 =	sld [smem:$0x3FAB]  }
0x39: {  	_ = 	snop;
	(pc) =	sbr.ind lr, $3  }
0x3a: {  	_ = 	snop  }
0x3b: {  	_ = 	snop  }
0x3c: {  	p2 =	seq.s32 s10, $0x1;
	s10 =	sld [smem:$0x3FAA]  }
0x3d: {  	_ =	shalt  }
0x3e: {  	_ =	shalt  }
0x3f: {  	_ =	shalt  }
0x40: {  	_ =	shalt  }
0x41: {  	_ =	shalt  }
0x42: {  	_ =	shalt  }
0x43: {  	_ =	shalt  }
0x44: {  	_ =	shalt  }
0x45: {  	_ =	shalt  }
0x46: {  	_ =	shalt  }
0x47: {  	_ =	shalt  }
0x48: {  	_ =	shalt  }
0x49: {  	_ =	shalt  }
0x4a: {  	_ =	shalt  }
0x4b: {  	_ =	shalt  }
0x4c: {  	_ =	shalt  }
0x4d: {  	_ =	shalt  }
0x4e: {  	_ =	shalt  }
0x4f: {  	_ =	shalt  }
0x50: {  	_ =	shalt  }
0x51: {  	_ =	shalt  }
0x52: {  	_ =	shalt  }
0x53: {  	_ =	shalt  }
0x54: {  	_ =	shalt  }
0x55: {  	_ =	shalt  }
0x56: {  	_ =	shalt  }
0x57: {  	_ =	shalt  }
0x58: {  	_ =	shalt  }
0x59: {  	_ =	shalt  }
0x5a: {  	_ =	shalt  }
0x5b: {  	_ =	shalt  }
0x5c: {  	_ =	shalt  }
0x5d: {  	_ =	shalt  }
0x5e: {  	_ =	shalt  }
0x5f: {  	_ =	shalt  }
0x60: {  	_ =	shalt  }
0x61: {  	_ =	shalt  }
0x62: {  	_ =	shalt  }
0x63: {  	_ =	shalt  }
0x64: {  	_ =	shalt  }
0x65: {  	_ =	shalt  }
0x66: {  	_ =	shalt  }
0x67: {  	_ =	shalt  }
0x68: {  	_ =	shalt  }
0x69: {  	_ =	shalt  }
0x6a: {  	_ =	shalt  }
0x6b: {  	_ =	shalt  }
0x6c: {  	_ =	shalt  }
0x6d: {  	_ =	shalt  }
0x6e: {  	_ =	shalt  }
0x6f: {  	_ =	shalt  }
0x70: {  	_ =	shalt  }
0x71: {  	_ =	shalt  }
0x72: {  	_ =	shalt  }
0x73: {  	_ =	shalt  }
0x74: {  	_ =	shalt  }
0x75: {  	_ =	shalt  }
0x76: {  	_ =	shalt  }
0x77: {  	_ =	shalt  }
0x78: {  	_ =	shalt  }
0x79: {  	_ =	shalt  }
0x7a: {  	_ =	shalt  }
0x7b: {  	_ =	shalt  }
0x7c: {  	_ =	shalt  }
0x7d: {  	_ =	shalt  }
0x7e: {  	_ =	shalt  }
0x7f: {  	_ =	shalt  }
0x80: {  	_ =	shalt  }
0x81: {  	_ =	shalt  }
0x82: {  	_ =	shalt  }
0x83: {  	_ =	shalt  }
0x84: {  	_ =	shalt  }
0x85: {  	_ =	shalt  }
0x86: {  	_ =	shalt  }
0x87: {  	_ =	shalt  }
.Lfunc_end0:
.L_simem_size_0:
called_computation_lowered:
.L_overlay_start_0:
0x88: {  	s2 =	sld [smem:$0x3FD9]  }
0x89: {  	s3 =	sld [smem:$0x3FFE];
	_ =	sdelay $0x1  }
0x8a: {  	s1 =	srdreg.scid  }
0x8b: {  	s0 =	sand.u32 $0x1, s1  }
0x8c: {  	s16 =	sshll.u32 s0, $0xA;
	s2 =	sadd.s32 s3, s2  }
0x8d: {  	s2 =	sadd.s32 s2, s16  }
0x8e: {  	[smem:$0x3FB6] =	sst s2  }
0x8f: {  	_ = 	snop  }
0x90: {  	(tm) =	ssettm $0x1  }
0x91: {  	s17 =	sld [smem:$0x3FFB];
	_ =	sdelay $0x3  }
0x92: {  	_ =	strace s17  }
0x93: {  	s2 =	sld [smem:$0x3FFC];
	_ =	sdelay $0x3  }
0x94: {  	_ =	strace s2  }
0x95: {  	s2 =	sld [smem:$0x3FFD];
	_ =	sdelay $0x3  }
0x96: {  	_ =	strace s2  }
0x97: {  	_ =	strace $0x8FFFFFFF  }
0x98: {  	s18 =	sld [smem:$0x3FDB];
	_ =	sdelay $0x1  }
0x99: {  	s19 =	simm.s32 $_scs_section_size  }
0x9a: {  	s4 =	simm.s32 $_size__tile_overlayer_lowered;
	s5 =	simm.s32 $_tile_overlayer_lowered  }
0x9b: {  	s22 =	simm.s32 $0x1BFF;
	s21 =	sshll.u32 s5, $0x1;
	s2 =	sadd.s32 s19, s18  }
0x9c: {  	s6 =	simm.s32 $0x0;
	s20 =	sshll.u32 s4, $0x1;
	s4 =	sadd.s32 s21, s2  }
0x9d: {  	[timem:s6], [sflag:s22] =	dma.local [hbm:s4], s20  }
0x9e: {  	_ =	swait.ge [sflag:s22], s20  }
0x9f: {  	s3 =	ssub.s32 $0x0, s20;
	[sflag:s22] =	ssyncset.done $0x0  }
0xa0: {  	[sflag:s22] =	ssyncadd.s32 s3;
	_ =	sdelay $0x1  }
0xa1: {  	s23 =	simm.s32 $0x1B8B  }
0xa2: {  	_ =	swait.ge [sflag:s23], $0x1  }
0xa3: {  	[sflag:s23] =	ssyncset.done $0x0  }
0xa4: {  	s25 =	simm.s32 $0x1B8E;
	s24 =	sld [smem:$0x3FFE];
	[sflag:s23] =	ssyncadd.s32 $0xFFFFFFFF  }
0xa5: {  	s26 =	simm.s32 $execute0_lowered;
	[smem:$0x3FD2] =	sst s25  }
0xa6: {  	s4 =	sshll.u32 s26, $0x1;
	_ =	strace $0x80000046;
	[dreg:$0x1] =	wrdreg $0xFFFFFFFF  }
0xa7: {  	s28 =	simm.s32 $_size_execute0_lowered;
	s2 =	sadd.s32 s2, s4;
	[dreg:$0x0] =	wrdreg $0x0  }
0xa8: {  	s4 =	sshll.u32 s28, $0x1;
	[dreg:$0x2] =	wrdreg s2  }
0xa9: {  	[dreg:$0x3] =	wrdreg s4  }
0xaa: {  	[dreg:$0x4] =	wrdreg $0xC0  }
0xab: {  	_ =	task [dreg:s6], $0x5FFFF  }
0xac: {  	[dreg:$0x1] =	wrdreg $0xFFFFFFFF  }
0xad: {  	[dreg:$0x0] =	wrdreg $0x60  }
0xae: {  	[dreg:$0x2] =	wrdreg s24  }
0xaf: {  	[dreg:$0x3] =	wrdreg $0xA  }
0xb0: {  	_ =	task.clear_ibuf [dreg:s6], $0x4FFFF;
	_ =	strace $0x90000046  }
0xb1: {  	s29 =	simm.s32 $0xA;
	_ =	strace $0x80000048  }
0xb2: {  	_ =	swait.ge [sflag:s29], $0x1  }
0xb3: {  	[sflag:s29] =	ssyncadd.s32 $0xFFFFFFFF  }
0xb4: {  	_ =	strace $0x90000048  }
0xb5: {  	_ =	sfence  }
0xb6: {  	s30 =	sld [smem:$0x0];
	_ =	sdelay $0x2  }
0xb7: {  	s31 =	sshll.u32 s1, $0xD;
	s1 =	sshrl.u32 s1, $0x2  }
0xb8: {  	s3 =	sand.u32 $0x4000, s31;
	s1 =	sadd.s32 s1, s30  }
0xb9: {  	s0 =	sor.u32 s3, s0;
	s1 =	sshll.u32 s1, $0x11  }
0xba: {  	s0 =	sor.u32 s1, s0  }
0xbb: {  	s0 =	sadd.s32 $0x8F2B, s0  }
0xbc: {  	[sflag:s0] =	ssyncadd.remote.s32 $0x1  }
0xbd: {  	_ =	sfence.sel $0xFFFF  }
0xbe: {  	[dreg:$0x0] =	wrdreg $0xFFFFFFFF;
	(pc) =	sbr.abs _section_cstart, $3  }
0xbf: {  	[dreg:$0x1] =	wrdreg $0xFFFFFFFF  }
0xc0: {  	_ =	task.clear_ibuf [dreg:s6], $0x2FFFF;
	_ =	strace $0x9FFFFFFF  }
0xc1: {  	(tm) =	ssettm $0x7FFFFFFF  }
tec
execute0_lowered:
.L_overlay_start_1:
0x0: {  	(tag) =	ssettag $0x1  }
0x1: {  	s5 =	rddreg [dreg:$0x0]  }
0x2: {  	s0 =	rddreg [dreg:$0x1]  }
0x3: {  	s2 =	simm.s32 $0x0;
	s3 =	srdreg.scid;
	s1 =	stileid.u32  }
0x4: {  	s9 =	simm.s32 $0x1;
	s10 =	simm.s32 $0x11080;
	s11 =	simm.s32 $0x2  }
0x5: {  	s12 =	simm.s32 $0x0;
	[smem:$0x7FF] =	sst s2;
	s4 =	sand.u32 $0x1, s3  }
.Ltmp0:
0x6: {  	s6 =	sshll.u32 s1, $0x6;
	s3 =	sadd.s32 $0x25000, s5;
	(pc) =	sbr.rel .LBB2_1-.Ltmp0, $4  }
0x7: {  	v0 =	vlaneseq.u32;
	s5 =	sadd.s32 $0x425000, s5;
	s7 =	sshll.u32 s4, $0x5;
	s8 =	ssub.s32 $0x2, s4  }
0x8: {  	s31 =	sshll.u32 s1, $0xA;
	v1 =	vmul.u32 $0xFFFFFFFF, v0;
	s4 =	sor.u32 s7, s6;
	s30 =	sshrl.u32 s8, $0x1  }
0x9: {  	_ =	strace $0x80000047;
	s7 =	sshll.u32 s4, $0xC;
	s8 =	ssub.s32 s8, s30  }
0xa: {  	v1 =	vadd.s32 $0xF, v1;
	s6 =	sadd.s32 s3, s7;
	s7 =	sand.u32 $0x3000, s31;
	s8 =	smax.u32 s8, $0x1  }
.LBB2_18:
0xb: {  	s12 =	sadd.s32 $0x1, s12  }
0xc: {  	p0 =	sne.s32 s12, s8  }
.Ltmp1:
0xd: {  	_ = 	snop;
	(pc) =	sbr.rel @!p0 .LBB2_19-.Ltmp1, $1  }
0xe: {  	_ =	sdelay $0x3  }
.LBB2_1:
.Ltmp2:
0xf: {  	(pc) =	sbr.rel .LBB2_2-.Ltmp2, $3  }
0x10: {  	_ =	sdelay $0x1  }
0x11: {  	[tilespmem:s2], [sflag:$0x1] =	stream.linear.gather [hbm4b:s6+s2], $0x8000, $0x38;
	[tilespmem:$0x11480] =	vst v63  }
0x12: {  	p0 =	por $0x0, $0x0;
	s13 =	simm.s32 $0x0  }
.LBB2_17:
0x13: {  	s14 =	sshll.u32 s15, $0x7;
	p1 =	sne.s32 s13, $0x20  }
.Ltmp3:
0x14: {  	s14 =	sadd.s32 s5, s14;
	(pc) =	sbr.rel @!p1 .LBB2_18-.Ltmp3, $4  }
0x15: {  	[hbm4b:s14+s2] =	stream.linear.scatter [tilespmem:s10], [sflag:$0x2], $0x400, $0x38;
	[tilespmem:$0x11480] =	vst v63  }
0x16: {  	_ =	swait.ge [sflag:s11], $0x400  }
0x17: {  	[sflag:s11] =	ssyncset.done $0x0  }
0x18: {  	p0 =	por !p0, !p0;
	[sflag:s11] =	ssyncadd.s32 $0xFFFFFC00  }
.LBB2_2:
0x19: {  	s14 =	simm.s32 $0x1  }
0x1a: {  	s15 =	smov.u32 s13;
	_ =	swait.ge [sflag:s9], $0x8000;
	s13 =	sadd.s32 $0x1, s13  }
0x1b: {  	s14 =	simm.s32 @!p0 $0x0;
	p1 =	seq.s32 s15, $0x1F;
	s16 =	sand.u32 $0x1, s15  }
0x1c: {  	[sflag:s9] =	ssyncset.done $0x0;
	s15 =	sadd.s32 s4, s15;
	s14 =	sshll.u32 s14, $0xF  }
.Ltmp4:
0x1d: {  	s17 =	sadd.s32 @!p1 s4, s13;
	[sflag:s9] =	ssyncadd.s32 $0xFFFF8000;
	(pc) =	sbr.rel .LBB2_3-.Ltmp4, $4  }
0x1e: {  	s18 =	sshll.u32 @!p1 s16, $0xF;
	s19 =	simm.s32 @!p1 $0x0;
	s17 =	sshll.u32 @!p1 s17, $0xC  }
0x1f: {  	s16 =	sshll.u32 s16, $0xF;
	s18 =	sxor.u32 @!p1 $0x8000, s18;
	s17 =	sadd.s32 @!p1 s3, s17  }
0x20: {  	[tilespmem:s18], [sflag:$0x1] =	stream.linear.gather @!p1 [hbm4b:s17+s19], $0x8000, $0x38;
	[tilespmem:$0x11480] =	vst v63  }
0x21: {  	s14 =	sor.u32 $0x40, s14;
	v2 =	vmov s16;
	s17 =	simm.s32 $0x0;
	s18 =	simm.s32 $0x0  }
.LBB2_8:
0x22: {  	v3 =	vimm.s32 $0x0  }
.LBB2_16:
0x23: {  	s18 =	sadd.s32 $0x1, s18  }
0x24: {  	p1 =	sne.s32 s18, $0x8  }
.Ltmp5:
0x25: {  	_ = 	snop;
	(pc) =	sbr.rel @!p1 .LBB2_17-.Ltmp5, $3  }
0x26: {  	_ =	sdelay $0x1  }
0x27: {  	s19 =	sshrl.u32 s19, $0x2  }
0x28: {  	s14 =	sadd.s32 $0x80, s14;
	[tilespmem:s19+$0x11080] =	vst v3  }
.LBB2_3:
0x29: {  	s19 =	sshll.u32 s18, $0x7  }
0x2a: {  	v3 =	vmov s19;
	_ =	sdelay $0x1  }
0x2b: {  	s30 =	sand.u32 $0x7C00, s17  }
0x2c: {  	s20 =	sand.u32 $0x40, s17;
	s19 =	sadd.s32 s30, s16  }
0x2d: {  	s19 =	sadd.s32 s20, s19  }
0x2e: {  	v9 =	vld.idx.msk [tilespmem:v3+s19+$0x0 ss:$0x1], $0xffff  }
0x2f: {  	s31 =	simm.s32 $0x200;
	v10 =	vld.idx.msk [tilespmem:v3+s19+$0x10 ss:$0x1], $0xffff  }
0x30: {  	s21 =	simm.s32 $0x40;
	s20 =	sand.u32 $0x7C00, s31;
	v8 =	vld.idx.msk [tilespmem:v3+s19+$0x20 ss:$0x1], $0xffff  }
0x31: {  	s21 =	sand.u32 $0x40, s21;
	s20 =	sadd.s32 s20, s16;
	v5 =	vld.idx.msk [tilespmem:v3+s19+$0x30 ss:$0x1], $0xffff  }
0x32: {  	s19 =	sadd.s32 s21, s20  }
0x33: {  	v4 =	vld.idx.msk [tilespmem:v3+s19+$0x20 ss:$0x1], $0xffff  }
0x34: {  	v11 =	vimm.f32 $+Inf;
	v6 =	vld.idx.msk [tilespmem:v3+s19+$0x0 ss:$0x1], $0xffff  }
0x35: {  	s20 =	simm.s32 $0x80;
	s21 =	simm.s32 $0x400;
	v7 =	vld.idx.msk [tilespmem:v3+s19+$0x10 ss:$0x1], $0xffff;
	v9 =	vmin.f32 v11, v9;
	v10 =	vmin.f32 v11, v10  }
.LBB2_4:
0x36: {  	s22 =	sand.u32 $0x7C00, s21;
	v9 =	vmin.f32 v9, v8;
	v10 =	vmin.f32 v10, v5;
	v5 =	vld.idx.msk [tilespmem:v3+s19+$0x30 ss:$0x1], $0xffff;
	p1 =	sne.s32 s20, $0xFC0  }
.Ltmp6:
0x37: {  	s19 =	sand.u32 $0x40, s20;
	s22 =	sadd.s32 s22, s16;
	(pc) =	sbr.rel @p1 .LBB2_4-.Ltmp6, $4  }
0x38: {  	s20 =	sadd.s32 $0x40, s20;
	s19 =	sadd.s32 s19, s22  }
0x39: {  	v8 =	vmov v4;
	v4 =	vld.idx.msk [tilespmem:v3+s19+$0x20 ss:$0x1], $0xffff  }
0x3a: {  	v11 =	vmov v6;
	v6 =	vld.idx.msk [tilespmem:v3+s19+$0x0 ss:$0x1], $0xffff  }
0x3b: {  	s21 =	sadd.s32 $0x200, s21;
	v9 =	vmin.f32 v9, v11;
	v10 =	vmin.f32 v10, v7;
	v7 =	vld.idx.msk [tilespmem:v3+s19+$0x10 ss:$0x1], $0xffff  }
0x3c: {  	_ =	sdelay $0x3  }
0x3d: {  	v3 =	vld.idx.msk [tilespmem:v3+s19+$0x30 ss:$0x1], $0xffff;
	_ =	sdelay $0x1  }
0x3e: {  	v8 =	vmin.f32 v9, v8  }
0x3f: {  	v5 =	vmin.f32 v10, v5;
	v6 =	vmin.f32 v8, v6  }
0x40: {  	v5 =	vmin.f32 v5, v7;
	v4 =	vmin.f32 v6, v4  }
0x41: {  	v3 =	vmin.f32 v5, v3;
	(xrf1) =	vsort.ascd.msk.f32 $0xffff, v4, v4  }
0x42: {  	(xrf1) =	vsort.ascd.msk.f32 $0xffff, v3, v3;
	_ =	sdelay $0xc  }
0x43: {  	v3, _, _ =	vpop (xrf1)  }
0x44: {  	v4, _, _ =	vpop (xrf1)  }
0x45: {  	v4 =	vperm.xlane v4, v1;
	_ =	sdelay $0x1  }
0x46: {  	v3 =	vmin.f32 v3, v4  }
0x47: {  	(xrf0) =	vmax.scan.msk.f32 $0xffff, v3;
	_ =	sdelay $0x3  }
0x48: {  	v4 =	vld [tilespmem:s14+$0xFFFFFFC0];
	_ =	sdelay $0x1  }
0x49: {  	v3, _, _ =	vpop (xrf0)  }
0x4a: {  	v3 =	vbroadcast v3, $0xF  }
0x4b: {  	s19 =	sadd.s32 $0x0, s7  }
0x4c: {  	s20 =	simm.s32 $0x0;
	vm0 =	vle.f32 v4, v3;
	v4 =	vor.u32 s19, v0  }
0x4d: {  	[tilespmem:s20+$0x10000] =	vst.msk vm0, v4;
	v4 =	vmpcnt.ones.xlane vm0  }
0x4e: {  	v5 =	vld [tilespmem:s14+$0xFFFFFFD0]  }
0x4f: {  	(v2sf) =	vpush v4, $0x0;
	_ =	sdelay $0x3  }
0x50: {  	vm9 =	vle.f32 v5, v3  }
0x51: {  	v4 =	vmpcnt.ones.xlane vm9;
	_ =	sdelay $0x1  }
0x52: {  	(v2sf) =	vpush v4, $0x0;
	_ =	sdelay $0x7  }
0x53: {  	s29 =	sadd.s32 $0x10, s19;
	s21 =	spop (v2sf)  }
0x54: {  	v4 =	vor.u32 s29, v0;
	s21 =	sadd.s32 $0x0, s21  }
0x55: {  	[tilespmem:s21+$0x10000] =	vst.msk vm9, v4  }
0x56: {  	v4 =	vld [tilespmem:s14+$0xFFFFFFE0];
	_ =	sdelay $0x3  }
0x57: {  	s30 =	sadd.s32 $0x20, s19;
	s22 =	spop (v2sf)  }
0x58: {  	s21 =	sadd.s32 s21, s22;
	vm10 =	vle.f32 v4, v3;
	v4 =	vor.u32 s30, v0  }
0x59: {  	[tilespmem:s21+$0x10000] =	vst.msk vm10, v4;
	v4 =	vmpcnt.ones.xlane vm10  }
0x5a: {  	v5 =	vld [tilespmem:s14+$0xFFFFFFF0]  }
0x5b: {  	(v2sf) =	vpush v4, $0x0;
	_ =	sdelay $0x3  }
0x5c: {  	vm11 =	vle.f32 v5, v3  }
0x5d: {  	v4 =	vmpcnt.ones.xlane vm11;
	_ =	sdelay $0x1  }
0x5e: {  	(v2sf) =	vpush v4, $0x0;
	_ =	sdelay $0x7  }
0x5f: {  	s31 =	sadd.s32 $0x30, s19;
	s23 =	spop (v2sf)  }
0x60: {  	v4 =	vor.u32 s31, v0;
	s21 =	sadd.s32 s21, s23  }
0x61: {  	[tilespmem:s21+$0x10000] =	vst.msk vm11, v4  }
0x62: {  	v4 =	vld [tilespmem:s14+$0x0];
	_ =	sdelay $0x3  }
0x63: {  	s24 =	sadd.s32 $0x40, s19;
	s25 =	spop (v2sf)  }
0x64: {  	s21 =	sadd.s32 s21, s25;
	vm12 =	vle.f32 v4, v3;
	v4 =	vor.u32 s24, v0  }
0x65: {  	[tilespmem:s21+$0x10000] =	vst.msk vm12, v4;
	v4 =	vmpcnt.ones.xlane vm12  }
0x66: {  	v5 =	vld [tilespmem:s14+$0x10]  }
0x67: {  	(v2sf) =	vpush v4, $0x0;
	_ =	sdelay $0x3  }
0x68: {  	vm13 =	vle.f32 v5, v3  }
0x69: {  	v4 =	vmpcnt.ones.xlane vm13;
	_ =	sdelay $0x1  }
0x6a: {  	(v2sf) =	vpush v4, $0x0;
	_ =	sdelay $0x7  }
0x6b: {  	s26 =	sadd.s32 $0x50, s19;
	s28 =	spop (v2sf)  }
0x6c: {  	v4 =	vor.u32 s26, v0;
	s21 =	sadd.s32 s21, s28  }
0x6d: {  	[tilespmem:s21+$0x10000] =	vst.msk vm13, v4  }
0x6e: {  	v4 =	vld [tilespmem:s14+$0x20];
	_ =	sdelay $0x3  }
0x6f: {  	s29 =	sadd.s32 $0x60, s19;
	s30 =	spop (v2sf)  }
0x70: {  	s21 =	sadd.s32 s21, s30;
	vm14 =	vle.f32 v4, v3;
	v4 =	vor.u32 s29, v0  }
0x71: {  	[tilespmem:s21+$0x10000] =	vst.msk vm14, v4  }
0x72: {  	v5 =	vmpcnt.ones.xlane vm14;
	v4 =	vld [tilespmem:s14+$0x30];
	_ =	sdelay $0x1  }
0x73: {  	(v2sf) =	vpush v5, $0x0;
	_ =	sdelay $0x2  }
0x74: {  	vm15 =	vle.f32 v4, v3  }
0x75: {  	v4 =	vmpcnt.ones.xlane vm15;
	_ =	sdelay $0x1  }
0x76: {  	(v2sf) =	vpush v4, $0x0;
	_ =	sdelay $0x8  }
0x77: {  	s19 =	sadd.s32 $0x70, s19;
	s31 =	spop (v2sf)  }
0x78: {  	v4 =	vor.u32 s19, v0;
	s24 =	sadd.s32 s21, s31  }
0x79: {  	s20 =	sadd.s32 $0x400, s14;
	[tilespmem:s24+$0x10000] =	vst.msk vm15, v4  }
0x7a: {  	v4 =	vld [tilespmem:s20+$0xFFFFFFC0];
	_ =	sdelay $0x1  }
0x7b: {  	s22 =	simm.s32 $0x100  }
0x7c: {  	s19 =	sshll.u32 s18, $0x9;
	s21 =	sadd.s32 $0x80, s7;
	s23 =	spop (v2sf)  }
.LBB2_6:
0x7d: {  	p1 =	sne.s32 s22, $0xF80  }
0x7e: {  	vm0 =	vle.f32 v4, v3;
	v4 =	vor.u32 s21, v0;
	s24 =	sadd.s32 s24, s23;
	s23 =	smov.u32 s22;
	s22 =	sadd.s32 $0x80, s22  }
0x7f: {  	[tilespmem:s24+$0x10000] =	vst.msk vm0, v4;
	v4 =	vmpcnt.ones.xlane vm0  }
0x80: {  	v5 =	vld [tilespmem:s20+$0xFFFFFFD0]  }
0x81: {  	(v2sf) =	vpush v4, $0x0;
	_ =	sdelay $0x3  }
0x82: {  	vm0 =	vle.f32 v5, v3  }
0x83: {  	v4 =	vmpcnt.ones.xlane vm0;
	_ =	sdelay $0x1  }
0x84: {  	(v2sf) =	vpush v4, $0x0;
	_ =	sdelay $0x7  }
0x85: {  	s25 =	sadd.s32 $0x10, s21;
	s26 =	spop (v2sf)  }
0x86: {  	v4 =	vor.u32 s25, v0;
	s24 =	sadd.s32 s24, s26  }
0x87: {  	[tilespmem:s24+$0x10000] =	vst.msk vm0, v4  }
0x88: {  	v4 =	vld [tilespmem:s20+$0xFFFFFFE0];
	_ =	sdelay $0x3  }
0x89: {  	s25 =	sadd.s32 $0x20, s21;
	s26 =	spop (v2sf)  }
0x8a: {  	s24 =	sadd.s32 s24, s26;
	vm0 =	vle.f32 v4, v3;
	v4 =	vor.u32 s25, v0  }
0x8b: {  	[tilespmem:s24+$0x10000] =	vst.msk vm0, v4;
	v4 =	vmpcnt.ones.xlane vm0  }
0x8c: {  	v5 =	vld [tilespmem:s20+$0xFFFFFFF0]  }
0x8d: {  	(v2sf) =	vpush v4, $0x0;
	_ =	sdelay $0x3  }
0x8e: {  	vm0 =	vle.f32 v5, v3  }
0x8f: {  	v4 =	vmpcnt.ones.xlane vm0;
	_ =	sdelay $0x1  }
0x90: {  	(v2sf) =	vpush v4, $0x0;
	_ =	sdelay $0x7  }
0x91: {  	s25 =	sadd.s32 $0x30, s21;
	s26 =	spop (v2sf)  }
0x92: {  	v4 =	vor.u32 s25, v0;
	s24 =	sadd.s32 s24, s26  }
0x93: {  	[tilespmem:s24+$0x10000] =	vst.msk vm0, v4  }
0x94: {  	v4 =	vld [tilespmem:s20+$0x0];
	_ =	sdelay $0x3  }
0x95: {  	s25 =	sadd.s32 $0x40, s21;
	s26 =	spop (v2sf)  }
0x96: {  	s24 =	sadd.s32 s24, s26;
	vm0 =	vle.f32 v4, v3;
	v4 =	vor.u32 s25, v0  }
0x97: {  	[tilespmem:s24+$0x10000] =	vst.msk vm0, v4;
	v4 =	vmpcnt.ones.xlane vm0  }
0x98: {  	v5 =	vld [tilespmem:s20+$0x10]  }
0x99: {  	(v2sf) =	vpush v4, $0x0;
	_ =	sdelay $0x3  }
0x9a: {  	vm0 =	vle.f32 v5, v3  }
0x9b: {  	v4 =	vmpcnt.ones.xlane vm0;
	_ =	sdelay $0x1  }
0x9c: {  	(v2sf) =	vpush v4, $0x0;
	_ =	sdelay $0x7  }
0x9d: {  	s25 =	sadd.s32 $0x50, s21;
	s26 =	spop (v2sf)  }
0x9e: {  	v4 =	vor.u32 s25, v0;
	s24 =	sadd.s32 s24, s26  }
0x9f: {  	[tilespmem:s24+$0x10000] =	vst.msk vm0, v4  }
0xa0: {  	v4 =	vld [tilespmem:s20+$0x20];
	_ =	sdelay $0x3  }
0xa1: {  	s25 =	sadd.s32 $0x60, s21;
	s26 =	spop (v2sf)  }
0xa2: {  	s24 =	sadd.s32 s24, s26;
	vm0 =	vle.f32 v4, v3;
	v4 =	vor.u32 s25, v0  }
0xa3: {  	[tilespmem:s24+$0x10000] =	vst.msk vm0, v4;
	v4 =	vmpcnt.ones.xlane vm0  }
0xa4: {  	v5 =	vld [tilespmem:s20+$0x30]  }
0xa5: {  	(v2sf) =	vpush v4, $0x0;
	_ =	sdelay $0x3  }
0xa6: {  	vm0 =	vle.f32 v5, v3  }
0xa7: {  	v4 =	vmpcnt.ones.xlane vm0;
	_ =	sdelay $0x1  }
0xa8: {  	(v2sf) =	vpush v4, $0x0;
	_ =	sdelay $0x7  }
0xa9: {  	s21 =	sadd.s32 $0x70, s21;
	s25 =	spop (v2sf)  }
0xaa: {  	v4 =	vor.u32 s21, v0;
	s24 =	sadd.s32 s24, s25  }
0xab: {  	s20 =	sadd.s32 $0x400, s20;
	[tilespmem:s24+$0x10000] =	vst.msk vm0, v4  }
.Ltmp7:
0xac: {  	v4 =	vld [tilespmem:s20+$0xFFFFFFC0];
	(pc) =	sbr.rel @p1 .LBB2_6-.Ltmp7, $2  }
0xad: {  	_ =	sdelay $0x2  }
0xae: {  	s21 =	sadd.s32 s23, s7;
	s23 =	spop (v2sf)  }
0xaf: {  	vm0 =	vle.f32 v4, v3;
	v48 =	vor.u32 s21, v0;
	s22 =	sadd.s32 s24, s23  }
0xb0: {  	[tilespmem:s22+$0x10000] =	vst.msk vm0, v48;
	v49 =	vmpcnt.ones.xlane vm0  }
0xb1: {  	v5 =	vld [tilespmem:s20+$0xFFFFFFD0]  }
0xb2: {  	(v2sf) =	vpush v49, $0x0;
	_ =	sdelay $0x3  }
0xb3: {  	vm9 =	vle.f32 v5, v3  }
0xb4: {  	v50 =	vmpcnt.ones.xlane vm9;
	_ =	sdelay $0x1  }
0xb5: {  	(v2sf) =	vpush v50, $0x0;
	_ =	sdelay $0x7  }
0xb6: {  	s29 =	sadd.s32 $0x10, s21;
	s30 =	spop (v2sf)  }
0xb7: {  	v51 =	vor.u32 s29, v0;
	s22 =	sadd.s32 s22, s30  }
0xb8: {  	[tilespmem:s22+$0x10000] =	vst.msk vm9, v51  }
0xb9: {  	v4 =	vld [tilespmem:s20+$0xFFFFFFE0];
	_ =	sdelay $0x3  }
0xba: {  	s31 =	sadd.s32 $0x20, s21;
	s25 =	spop (v2sf)  }
0xbb: {  	v52 =	vor.u32 s31, v0;
	s22 =	sadd.s32 s22, s25;
	vm10 =	vle.f32 v4, v3  }
0xbc: {  	[tilespmem:s22+$0x10000] =	vst.msk vm10, v52;
	v53 =	vmpcnt.ones.xlane vm10  }
0xbd: {  	v54 =	vld [tilespmem:s20+$0xFFFFFFF0]  }
0xbe: {  	(v2sf) =	vpush v53, $0x0;
	_ =	sdelay $0x3  }
0xbf: {  	vm11 =	vle.f32 v54, v3  }
0xc0: {  	v55 =	vmpcnt.ones.xlane vm11;
	_ =	sdelay $0x1  }
0xc1: {  	(v2sf) =	vpush v55, $0x0;
	_ =	sdelay $0x7  }
0xc2: {  	s26 =	sadd.s32 $0x30, s21;
	s28 =	spop (v2sf)  }
0xc3: {  	v56 =	vor.u32 s26, v0;
	s22 =	sadd.s32 s22, s28  }
0xc4: {  	[tilespmem:s22+$0x10000] =	vst.msk vm11, v56  }
0xc5: {  	v4 =	vld [tilespmem:s20+$0x0];
	_ =	sdelay $0x3  }
0xc6: {  	s29 =	sadd.s32 $0x40, s21;
	s30 =	spop (v2sf)  }
0xc7: {  	v57 =	vor.u32 s29, v0;
	s22 =	sadd.s32 s22, s30;
	vm12 =	vle.f32 v4, v3  }
0xc8: {  	[tilespmem:s22+$0x10000] =	vst.msk vm12, v57;
	v58 =	vmpcnt.ones.xlane vm12  }
0xc9: {  	v59 =	vld [tilespmem:s20+$0x10]  }
0xca: {  	(v2sf) =	vpush v58, $0x0;
	_ =	sdelay $0x3  }
0xcb: {  	vm13 =	vle.f32 v59, v3  }
0xcc: {  	v60 =	vmpcnt.ones.xlane vm13;
	_ =	sdelay $0x1  }
0xcd: {  	(v2sf) =	vpush v60, $0x0;
	_ =	sdelay $0x7  }
0xce: {  	s31 =	sadd.s32 $0x50, s21;
	s25 =	spop (v2sf)  }
0xcf: {  	v61 =	vor.u32 s31, v0;
	s22 =	sadd.s32 s22, s25  }
0xd0: {  	[tilespmem:s22+$0x10000] =	vst.msk vm13, v61  }
0xd1: {  	v4 =	vld [tilespmem:s20+$0x20];
	_ =	sdelay $0x3  }
0xd2: {  	s26 =	sadd.s32 $0x60, s21;
	s28 =	spop (v2sf)  }
0xd3: {  	v62 =	vor.u32 s26, v0;
	s22 =	sadd.s32 s22, s28;
	vm14 =	vle.f32 v4, v3  }
0xd4: {  	[tilespmem:s22+$0x10000] =	vst.msk vm14, v62  }
0xd5: {  	v4 =	vld [tilespmem:s20+$0x30];
	_ =	sdelay $0x4  }
0xd6: {  	v63 =	vmpcnt.ones.xlane vm14;
	vm15 =	vle.f32 v4, v3  }
0xd7: {  	v3 =	vmpcnt.ones.xlane vm15  }
0xd8: {  	(v2sf) =	vpush v63, $0x0  }
0xd9: {  	(v2sf) =	vpush v3, $0x0;
	_ =	sdelay $0xd  }
0xda: {  	s29 =	spop (v2sf)  }
0xdb: {  	s22 =	sadd.s32 s22, s29;
	s30 =	spop (v2sf)  }
0xdc: {  	s20 =	sadd.s32 s22, s30  }
0xdd: {  	p1 =	slt.s32 s20, $0x200;
	s23 =	smov.u32 s20  }
0xde: {  	s23 =	simm.s32 @!p1 $0x200  }
0xdf: {  	s23 =	sadd.s32 $0xF, s23  }
0xe0: {  	s31 =	sadd.s32 $0x70, s21;
	s21 =	sshrl.u32 s23, $0x4  }
0xe1: {  	p1 =	seq.s32 s21, $0x0  }
.Ltmp8:
0xe2: {  	_ = 	snop;
	(pc) =	sbr.rel @p1 .LBB2_8-.Ltmp8, $3  }
0xe3: {  	_ =	sdelay $0x1  }
0xe4: {  	v3 =	vor.u32 s31, v0  }
0xe5: {  	[tilespmem:s22+$0x10000] =	vst.msk vm15, v3  }
0xe6: {  	p3 =	sne.s32 s21, $0x1  }
.Ltmp9:
0xe7: {  	v3 =	vmov s18;
	(pc) =	sbr.rel @!p3 .LBB2_10-.Ltmp9, $4  }
0xe8: {  	v3 =	vshll.u32 v3, $0x7  }
0xe9: {  	v3 =	vand.u32 $0x380, v3  }
0xea: {  	v5 =	vmov s20;
	s22 =	simm.s32 $0x10000;
	s20 =	simm.s32 $0x0;
	v3 =	vadd.s32 v2, v3  }
0xeb: {  	v4 =	vimm.f32 $+Inf;
	s21 =	sadd.s32 $0xFFFFFFFF, s21;
	p1 =	por $0x0, $0x0;
	p2 =	por $0x0, $0x0;
	v7 =	vld [tilespmem:s22+$0x0];
	v6 =	vbroadcast v3, $0x0;
	v3 =	vimm.s32 $0x0  }
0xec: {  	_ =	sdelay $0x3  }
0xed: {  	v8 =	vor.u32 s20, v0;
	v9 =	vand.u32 $0x7F, v7;
	v10 =	vshll.u32 v7, $0x3  }
0xee: {  	vm0 =	vlt.s32 v8, v5;
	v8 =	vand.u32 $0x7C00, v10;
	v9 =	vor.u32 v6, v9  }
0xef: {  	v8 =	vor.u32 v8, v9;
	_ =	sdelay $0x4  }
0xf0: {  	v8 =	vld.idx.msk [tilespmem:v8+s2+$0x0], vm0  }
0xf1: {  	p3 =	sne.s32 s21, $0x1  }
.Ltmp10:
0xf2: {  	_ = 	snop;
	(pc) =	sbr.rel @!p3 .LBB2_12-.Ltmp10, $3  }
0xf3: {  	_ =	sdelay $0x1  }
0xf4: {  	s22 =	simm.s32 $0x10010;
	v9 =	vnsel vm0, $0x7F800000, v8  }
0xf5: {  	s23 =	sadd.s32 $0xFFFFFFFF, s21;
	p1 =	por $0x1, $0x1;
	v8 =	vld [tilespmem:s22+$0x0];
	(xrf1) =	vsort.ascd.msk.f32 $0xffff, v9, v7  }
0xf6: {  	_ =	sdelay $0x3  }
0xf7: {  	s21 =	simm.s32 $0x10  }
0xf8: {  	v7 =	vor.u32 s21, v0;
	v9 =	vand.u32 $0x7F, v8;
	v10 =	vshll.u32 v8, $0x3  }
0xf9: {  	vm0 =	vlt.s32 v7, v5;
	v7 =	vand.u32 $0x7C00, v10;
	v9 =	vor.u32 v6, v9  }
0xfa: {  	v7 =	vor.u32 v7, v9;
	_ =	sdelay $0x4  }
0xfb: {  	v61 =	vperm.xlane v4, v1;
	v7 =	vld.idx.msk [tilespmem:v7+s2+$0x0], vm0  }
0xfc: {  	v62 =	vperm.xlane v3, v1;
	p3 =	sne.s32 s23, $0x1;
	v11, v12, _ =	vpop (xrf1)  }
.Ltmp11:
0xfd: {  	vm1 =	vle.f32 v11, v61;
	(pc) =	sbr.rel @!p3 .LBB2_15-.Ltmp11, $4  }
0xfe: {  	v9 =	vsel vm1, v11, v61;
	v10 =	vsel vm1, v12, v62  }
0xff: {  	(xrf1) =	vsort.ascd.msk.f32 $0xffff, v9, v10  }
0x100: {  	s22 =	simm.s32 $0x10020;
	v63 =	vnsel vm0, $0x7F800000, v7  }
0x101: {  	s23 =	sadd.s32 $0xFFFFFFFF, s23;
	p2 =	por $0x1, $0x1;
	v7 =	vld [tilespmem:s22+$0x0];
	(xrf1) =	vsort.ascd.msk.f32 $0xffff, v63, v8  }
.LBB2_14:
0x102: {  	p3 =	sne.s32 s23, $0x1;
	_ =	sdelay $0x2  }
0x103: {  	s21 =	sadd.s32 $0x10, s21  }
0x104: {  	v8 =	vor.u32 s21, v0;
	v9 =	vand.u32 $0x7F, v7;
	v10 =	vshll.u32 v7, $0x3  }
0x105: {  	vm0 =	vlt.s32 v8, v5;
	v8 =	vand.u32 $0x7C00, v10;
	v9 =	vor.u32 v6, v9  }
0x106: {  	v8 =	vor.u32 v8, v9;
	_ =	sdelay $0x4  }
0x107: {  	v8 =	vld.idx.msk [tilespmem:v8+s2+$0x0], vm0;
	v9, v10, _ =	vpop (xrf1)  }
0x108: {  	v9 =	vperm.xlane v9, v1  }
0x109: {  	v10 =	vperm.xlane v10, v1;
	v11, v12, _ =	vpop (xrf1)  }
.Ltmp12:
0x10a: {  	vm1 =	vle.f32 v11, v9;
	(pc) =	sbr.rel @p3 .LBB2_14-.Ltmp12, $4  }
0x10b: {  	v9 =	vsel vm1, v11, v9;
	v10 =	vsel vm1, v12, v10  }
0x10c: {  	(xrf1) =	vsort.ascd.msk.f32 $0xffff, v9, v10  }
0x10d: {  	s22 =	sadd.s32 $0x10, s22;
	v8 =	vnsel vm0, $0x7F800000, v8  }
0x10e: {  	s23 =	sadd.s32 $0xFFFFFFFF, s23;
	(xrf1) =	vsort.ascd.msk.f32 $0xffff, v8, v7;
	v7 =	vld [tilespmem:s22+$0x0]  }
.LBB2_15:
0x10f: {  	_ =	sdelay $0x4  }
0x110: {  	s21 =	sadd.s32 @p1 $0x10, s21  }
0x111: {  	s20 =	smov.u32 @p1 s21  }
0x112: {  	v8 =	vor.u32 s20, v0;
	v9 =	vand.u32 $0x7F, v7;
	v10 =	vshll.u32 v7, $0x3  }
0x113: {  	vm0 =	vlt.s32 v8, v5;
	v5 =	vand.u32 $0x7C00, v10;
	v6 =	vor.u32 v6, v9  }
0x114: {  	v5 =	vor.u32 v5, v6;
	_ =	sdelay $0x1  }
0x115: {  	v6, v8, _ =	vpop @p2 (xrf1)  }
0x116: {  	v6 =	vpsel p2, v6, v4  }
0x117: {  	v8 =	vpsel p2, v8, v3;
	v6 =	vperm.xlane @p1 v6, v1  }
0x118: {  	v5 =	vld.idx.msk [tilespmem:v5+s2+$0x0], vm0;
	v8 =	vperm.xlane @p1 v8, v1;
	v9, v10, _ =	vpop @p1 (xrf1)  }
0x119: {  	vm1 =	vle.f32 @p1 v9, v6  }
0x11a: {  	v6 =	vsel @p1 vm1, v9, v6;
	v8 =	vsel @p1 vm1, v10, v8  }
0x11b: {  	(xrf1) =	vsort.ascd.msk.f32 @p1 $0xffff, v6, v8;
	_ =	sdelay $0x1  }
0x11c: {  	v5 =	vnsel vm0, $0x7F800000, v5  }
0x11d: {  	(xrf1) =	vsort.ascd.msk.f32 $0xffff, v5, v7;
	_ =	sdelay $0xa  }
0x11e: {  	v5, v6, _ =	vpop @p1 (xrf1)  }
0x11f: {  	v4 =	vpsel p1, v5, v4  }
0x120: {  	v3 =	vpsel p1, v6, v3;
	v4 =	vperm.xlane v4, v1  }
0x121: {  	v5, v63, _ =	vpop (xrf1);
	v3 =	vperm.xlane v3, v1  }
0x122: {  	vm15 =	vle.f32 v5, v4  }
0x123: {  	v4 =	vsel vm15, v5, v4;
	v3 =	vsel vm15, v63, v3  }
0x124: {  	(xrf1) =	vsort.ascd.msk.f32 $0xffff, v4, v3;
	_ =	sdelay $0x9  }
.Ltmp13:
0x125: {  	_ = 	snop;
	(pc) =	sbr.rel .LBB2_16-.Ltmp13, $2  }
0x126: {  	_ =	sdelay $0x2  }
0x127: {  	v4, v3, _ =	vpop (xrf1)  }
.LBB2_10:
.Ltmp14:
0x128: {  	(pc) =	sbr.rel .LBB2_15-.Ltmp14, $2  }
0x129: {  	_ =	sdelay $0x2  }
0x12a: {  	s21 =	simm.s32 $0x0  }
.LBB2_12:
.Ltmp15:
0x12b: {  	_ = 	snop;
	(pc) =	sbr.rel .LBB2_15-.Ltmp15, $2  }
0x12c: {  	_ =	sdelay $0x2  }
0x12d: {  	s21 =	simm.s32 $0x0;
	v7 =	vmov v8  }
.LBB2_19:
0x12e: {  	_ =	sfence.sel $0x180000  }
0x12f: {  	[bflag:$0x0] =	sbarrier.arrive $0xFFFF  }
0x130: {  	p0 =	sne.s32 s1, $0x0;
	_ =	strace $0x90000047  }
0x131: {  	s0 =	sadd.s32 @!p0 $0x100000, s0;
	[bflag:$0x2] =	sbarrier.arrive $0xFFFF  }
0x132: {  	[sflag:s0] =	ssyncadd.tile.s32 @!p0 $0x1;
	_ =	shalt  }
.Lfunc_end2:
_tile_overlayer_lowered:
.L_overlay_start_2:
0x133: {  	(tag) =	ssettag $0x2  }
0x134: {  	s0 =	rddreg [dreg:$0x0];
	s2 =	stileid.u32  }
0x135: {  	s1 =	rddreg [dreg:$0x1];
	p0 =	sne.s32 s2, $0x0  }
0x136: {  	s3 =	rddreg [dreg:$0x2];
	[bflag:$0x3] =	sbarrier.arrive $0xFFFF;
	s2 =	simm.s32 @!p0 $0x1C02  }
0x137: {  	[timem:s3], [sflag:s2] =	dma.local @!p0 [hbm:s0], s1  }
0x138: {  	s0 =	simm.s32 @!p0 $0x2  }
0x139: {  	_ =	swait.ge @!p0 [sflag:s0], s1  }
0x13a: {  	s1 =	ssub.s32 @!p0 $0x0, s1;
	[sflag:s0] =	ssyncset.done @!p0 $0x0  }
0x13b: {  	[sflag:s0] =	ssyncadd.s32 @!p0 s1  }
0x13c: {  	[bflag:$0x3] =	sbarrier.arrive $0xFFFF  }
0x13d: {  	_ =	shalt  }

// kernel: kernel.16.cloned.1.call-start
scs
__scs_entry_jumppad:
0x0: {  	(pc) =	sbr.rel $0x88, $3  }
0x1: {  	(tag) =	ssettag $0x0;
	lr =	simm.s32 $0x1  }
0x2: {  	[smem:$0x3F8F] =	sst lr;
	_ =	strace $0xD0000000  }
0x3: {  	_ = 	snop  }
0x4: {  	_ = 	snop  }
0x5: {  	_ = 	snop  }
0x6: {  	_ = 	snop  }
0x7: {  	_ = 	snop  }
__scs_overlays_trampoline_lowered:
0x8: {  	[smem:$0x3F9E] =	sst s0  }
0x9: {  	[smem:$0x3F9F] =	sst s1  }
0xa: {  	[smem:$0x3FA0] =	sst s2  }
0xb: {  	[smem:$0x3FA1] =	sst s3  }
0xc: {  	[smem:$0x3FA2] =	sst s4  }
0xd: {  	[smem:$0x3FA3] =	sst s5  }
0xe: {  	[smem:$0x3FA4] =	sst s6  }
0xf: {  	[smem:$0x3FA5] =	sst s7  }
0x10: {  	[smem:$0x3FA6] =	sst s8  }
0x11: {  	[smem:$0x3FA7] =	sst s9;
	s0 =	simm.s32 @!p0 $0x0  }
0x12: {  	s1 =	sld [smem:$0x3F8D];
	s0 =	simm.s32 @p0 $0x1  }
0x13: {  	[smem:$0x3FA8] =	sst s0;
	s0 =	simm.s32 @!p1 $0x0  }
0x14: {  	s2 =	sld [smem:$0x3F8C];
	s0 =	simm.s32 @p1 $0x1  }
0x15: {  	[smem:$0x3FA9] =	sst s0;
	s0 =	simm.s32 @!p2 $0x0  }
0x16: {  	s3 =	sld [smem:$0x3FDB];
	s0 =	simm.s32 @p2 $0x1  }
0x17: {  	s4 =	simm.s32 $0x1BF5;
	[smem:$0x3FAB] =	sst s0  }
0x18: {  	s0 =	sld [smem:$0x3F8E];
	_ =	swait.ge [sflag:s4], $0x0  }
0x19: {  	s7 =	sld [smem:$0x3F8F]  }
0x1a: {  	s8 =	sadd.s32 $0xFFFFE003, lr  }
0x1b: {  	s9 =	sadd.s32 $0xFFFFFEF7, lr;
	s5 =	simm.s32 $0xFFFFFFFF;
	p2 =	slt.u32 s8, $0xFFFFF086  }
0x1c: {  	p1 =	slt.u32 s9, $0xF7A;
	s5 =	simm.s32 @!p2 $0x0  }
0x1d: {  	s5 =	simm.s32 @p1 $0x1;
	p0 =	seq.s32 s7, s2  }
0x1e: {  	s7 =	smul.u32 @!p0 $0xF7A, s2;
	p2 =	seq.s32 @!p0 s5, $0x0  }
0x1f: {  	s9 =	smul.u32 $0xF7A, s1;
	s8 =	simm.s32 @!p0 $0x1BF5;
	p2 =	por !p2, p0  }
0x20: {  	[sflag:s8] =	ssyncset.s32 @!p0 $0xFFFFF086;
	s6 =	sadd.s32 @!p0 s3, s7;
	s7 =	simm.s32 @!p0 $0x108  }
0x21: {  	s3 =	sadd.s32 s3, s9;
	s6 =	sadd.s32 @!p0 $0x88, s6;
	s7 =	simm.s32 @p2 $0x1082  }
0x22: {  	[simem:s7], [sflag:s8] =	dma.local @!p0 [hbm:s6], $0xF7A  }
0x23: {  	s9 =	sor.u32 $0xD0000000, s2;
	s6 =	simm.s32 $0x108;
	_ =	swait.ge @!p0 [sflag:s8], $0x0  }
0x24: {  	s3 =	sadd.s32 $0x88, s3;
	s6 =	simm.s32 @!p1 $0x1082;
	[sflag:s4] =	ssyncset.s32 $0xFFFFF086  }
0x25: {  	[simem:s6], [sflag:s4] =	dma.local [hbm:s3], $0xF7A  }
0x26: {  	[smem:$0x3F8F] =	sst s1;
	(tag) =	ssettag s2;
	_ =	strace s9  }
0x27: {  	s1 =	sld [smem:$0x3F9F]  }
0x28: {  	s2 =	sld [smem:$0x3FA0]  }
0x29: {  	s4 =	sld [smem:$0x3FA2]  }
0x2a: {  	p0 =	seq.s32 s5, $0x0;
	s5 =	sld [smem:$0x3FA3]  }
0x2b: {  	s6 =	sld [smem:$0x3FA4]  }
0x2c: {  	s7 =	sld [smem:$0x3FA5]  }
0x2d: {  	s3 =	simm.s32 $0x108;
	s8 =	sld [smem:$0x3FA6]  }
0x2e: {  	s3 =	simm.s32 @!p0 $0x1082;
	s9 =	sld [smem:$0x3FA7]  }
0x2f: {  	lr =	sadd.s32 s0, s3;
	s0 =	sld [smem:$0x3F9E]  }
0x30: {  	s3 =	sld [smem:$0x3FA1]  }
0x31: {  	[smem:$0x3FAA] =	sst s10  }
0x32: {  	s10 =	sld [smem:$0x3FA8];
	_ =	sdelay $0x3  }
0x33: {  	p0 =	seq.s32 s10, $0x1;
	s10 =	sld [smem:$0x3FAA];
	_ =	sdelay $0x3  }
0x34: {  	[smem:$0x3FAA] =	sst s10  }
0x35: {  	s10 =	sld [smem:$0x3FA9];
	_ =	sdelay $0x3  }
0x36: {  	p1 =	seq.s32 s10, $0x1;
	s10 =	sld [smem:$0x3FAA];
	_ =	sdelay $0x3  }
0x37: {  	[smem:$0x3FAA] =	sst s10  }
0x38: {  	s10 =	sld [smem:$0x3FAB]  }
0x39: {  	_ = 	snop;
	(pc) =	sbr.ind lr, $3  }
0x3a: {  	_ = 	snop  }
0x3b: {  	_ = 	snop  }
0x3c: {  	p2 =	seq.s32 s10, $0x1;
	s10 =	sld [smem:$0x3FAA]  }
0x3d: {  	_ =	shalt  }
0x3e: {  	_ =	shalt  }
0x3f: {  	_ =	shalt  }
0x40: {  	_ =	shalt  }
0x41: {  	_ =	shalt  }
0x42: {  	_ =	shalt  }
0x43: {  	_ =	shalt  }
0x44: {  	_ =	shalt  }
0x45: {  	_ =	shalt  }
0x46: {  	_ =	shalt  }
0x47: {  	_ =	shalt  }
0x48: {  	_ =	shalt  }
0x49: {  	_ =	shalt  }
0x4a: {  	_ =	shalt  }
0x4b: {  	_ =	shalt  }
0x4c: {  	_ =	shalt  }
0x4d: {  	_ =	shalt  }
0x4e: {  	_ =	shalt  }
0x4f: {  	_ =	shalt  }
0x50: {  	_ =	shalt  }
0x51: {  	_ =	shalt  }
0x52: {  	_ =	shalt  }
0x53: {  	_ =	shalt  }
0x54: {  	_ =	shalt  }
0x55: {  	_ =	shalt  }
0x56: {  	_ =	shalt  }
0x57: {  	_ =	shalt  }
0x58: {  	_ =	shalt  }
0x59: {  	_ =	shalt  }
0x5a: {  	_ =	shalt  }
0x5b: {  	_ =	shalt  }
0x5c: {  	_ =	shalt  }
0x5d: {  	_ =	shalt  }
0x5e: {  	_ =	shalt  }
0x5f: {  	_ =	shalt  }
0x60: {  	_ =	shalt  }
0x61: {  	_ =	shalt  }
0x62: {  	_ =	shalt  }
0x63: {  	_ =	shalt  }
0x64: {  	_ =	shalt  }
0x65: {  	_ =	shalt  }
0x66: {  	_ =	shalt  }
0x67: {  	_ =	shalt  }
0x68: {  	_ =	shalt  }
0x69: {  	_ =	shalt  }
0x6a: {  	_ =	shalt  }
0x6b: {  	_ =	shalt  }
0x6c: {  	_ =	shalt  }
0x6d: {  	_ =	shalt  }
0x6e: {  	_ =	shalt  }
0x6f: {  	_ =	shalt  }
0x70: {  	_ =	shalt  }
0x71: {  	_ =	shalt  }
0x72: {  	_ =	shalt  }
0x73: {  	_ =	shalt  }
0x74: {  	_ =	shalt  }
0x75: {  	_ =	shalt  }
0x76: {  	_ =	shalt  }
0x77: {  	_ =	shalt  }
0x78: {  	_ =	shalt  }
0x79: {  	_ =	shalt  }
0x7a: {  	_ =	shalt  }
0x7b: {  	_ =	shalt  }
0x7c: {  	_ =	shalt  }
0x7d: {  	_ =	shalt  }
0x7e: {  	_ =	shalt  }
0x7f: {  	_ =	shalt  }
0x80: {  	_ =	shalt  }
0x81: {  	_ =	shalt  }
0x82: {  	_ =	shalt  }
0x83: {  	_ =	shalt  }
0x84: {  	_ =	shalt  }
0x85: {  	_ =	shalt  }
0x86: {  	_ =	shalt  }
0x87: {  	_ =	shalt  }
.Lfunc_end0:
.L_simem_size_0:
called_computation.1_lowered:
.L_overlay_start_0:
0x88: {  	s2 =	sld [smem:$0x3FD9]  }
0x89: {  	s3 =	sld [smem:$0x3FFE];
	_ =	sdelay $0x1  }
0x8a: {  	s1 =	srdreg.scid  }
0x8b: {  	s0 =	sand.u32 $0x1, s1  }
0x8c: {  	s17 =	sshll.u32 s0, $0xA;
	s2 =	sadd.s32 s3, s2  }
0x8d: {  	s2 =	sadd.s32 s2, s17  }
0x8e: {  	[smem:$0x3FB6] =	sst s2  }
0x8f: {  	_ = 	snop  }
0x90: {  	(tm) =	ssettm $0x1  }
0x91: {  	s18 =	sld [smem:$0x3FFB];
	_ =	sdelay $0x3  }
0x92: {  	_ =	strace s18  }
0x93: {  	s2 =	sld [smem:$0x3FFC];
	_ =	sdelay $0x3  }
0x94: {  	_ =	strace s2  }
0x95: {  	s2 =	sld [smem:$0x3FFD];
	_ =	sdelay $0x3  }
0x96: {  	_ =	strace s2  }
0x97: {  	_ =	strace $0x8FFFFFFF  }
0x98: {  	s19 =	sld [smem:$0x3FDB];
	_ =	sdelay $0x1  }
0x99: {  	s20 =	simm.s32 $_scs_section_size  }
0x9a: {  	s4 =	simm.s32 $_size__tile_overlayer_lowered;
	s5 =	simm.s32 $_tile_overlayer_lowered  }
0x9b: {  	s6 =	simm.s32 $0x1BFF;
	s21 =	sshll.u32 s5, $0x1;
	s3 =	sadd.s32 s20, s19  }
0x9c: {  	s22 =	simm.s32 $0x0;
	s4 =	sshll.u32 s4, $0x1;
	s5 =	sadd.s32 s21, s3  }
0x9d: {  	[timem:s22], [sflag:s6] =	dma.local [hbm:s5], s4  }
0x9e: {  	_ =	swait.ge [sflag:s6], s4  }
0x9f: {  	s4 =	ssub.s32 $0x0, s4;
	[sflag:s6] =	ssyncset.done $0x0  }
0xa0: {  	[sflag:s6] =	ssyncadd.s32 s4;
	_ =	sdelay $0x1  }
0xa1: {  	s23 =	simm.s32 $0x1B8B  }
0xa2: {  	_ =	swait.ge [sflag:s23], $0x1  }
0xa3: {  	[sflag:s23] =	ssyncset.done $0x0  }
0xa4: {  	[sflag:s23] =	ssyncadd.s32 $0xFFFFFFFF  }
0xa5: {  	s4 =	sld [smem:$0x0]  }
0xa6: {  	s5 =	sand.u32 $0xFFFFFFFE, s1  }
0xa7: {  	p0 =	sne.s32 s1, s5  }
0xa8: {  	s5 =	sshll.u32 @p0 s5, $0xE  }
0xa9: {  	s5 =	sadd.s32 @p0 $0x11B8D, s5;
	s6 =	sshll.u32 @p0 s4, $0x11  }
0xaa: {  	s5 =	sor.u32 @p0 s6, s5  }
0xab: {  	[sflag:s5] =	ssyncadd.remote.s32 @p0 $0x1;
	_ =	sdelay $0x1  }
0xac: {  	s5 =	simm.s32 @p0 $0x1B8D  }
0xad: {  	_ =	swait.eq @p0 [sflag:s5], $0x1  }
0xae: {  	[sflag:s5] =	ssyncadd.s32 @p0 $0xFFFFFFFF  }
0xaf: {  	s6 =	sshll.u32 @!p0 s1, $0xE  }
0xb0: {  	s6 =	sor.u32 @!p0 $0x4000, s6;
	s5 =	simm.s32 @!p0 $0x1B8D  }
0xb1: {  	s4 =	sshll.u32 @!p0 s4, $0x11;
	s6 =	sadd.s32 @!p0 $0x11B8D, s6;
	_ =	swait.eq @!p0 [sflag:s5], $0x1  }
0xb2: {  	s4 =	sor.u32 @!p0 s4, s6;
	[sflag:s5] =	ssyncadd.s32 @!p0 $0xFFFFFFFF  }
0xb3: {  	s25 =	simm.s32 $0x1B8E;
	s24 =	sld [smem:$0x3FFE];
	[sflag:s4] =	ssyncadd.remote.s32 @!p0 $0x1  }
0xb4: {  	s26 =	simm.s32 $execute0_lowered;
	[smem:$0x3FD2] =	sst s25  }
0xb5: {  	s5 =	sshll.u32 s26, $0x1;
	_ =	strace $0x8000004C;
	[dreg:$0x1] =	wrdreg $0xFFFFFFFF  }
0xb6: {  	s28 =	simm.s32 $_size_execute0_lowered;
	s3 =	sadd.s32 s3, s5;
	[dreg:$0x0] =	wrdreg $0x0  }
0xb7: {  	s5 =	sshll.u32 s28, $0x1;
	[dreg:$0x2] =	wrdreg s3  }
0xb8: {  	[dreg:$0x3] =	wrdreg s5  }
0xb9: {  	[dreg:$0x4] =	wrdreg $0xC0  }
0xba: {  	_ =	task [dreg:s22], $0x5FFFF  }
0xbb: {  	[dreg:$0x1] =	wrdreg $0xFFFFFFFF  }
0xbc: {  	[dreg:$0x0] =	wrdreg $0x60  }
0xbd: {  	[dreg:$0x2] =	wrdreg s24  }
0xbe: {  	[dreg:$0x3] =	wrdreg $0xA  }
0xbf: {  	_ =	task.clear_ibuf [dreg:s22], $0x4FFFF;
	_ =	strace $0x9000004C  }
0xc0: {  	s29 =	simm.s32 $0xA;
	_ =	strace $0x8000004E  }
0xc1: {  	_ =	swait.ge [sflag:s29], $0x1  }
0xc2: {  	[sflag:s29] =	ssyncadd.s32 $0xFFFFFFFF  }
0xc3: {  	_ =	strace $0x9000004E  }
0xc4: {  	_ =	sfence  }
0xc5: {  	s30 =	sld [smem:$0x0];
	_ =	sdelay $0x2  }
0xc6: {  	s31 =	sshll.u32 s1, $0xD;
	s1 =	sshrl.u32 s1, $0x2  }
0xc7: {  	s4 =	sand.u32 $0x4000, s31;
	s1 =	sadd.s32 s1, s30  }
0xc8: {  	s0 =	sor.u32 s4, s0;
	s1 =	sshll.u32 s1, $0x11  }
0xc9: {  	s0 =	sor.u32 s1, s0  }
0xca: {  	s0 =	sadd.s32 $0x8F2B, s0  }
0xcb: {  	[sflag:s0] =	ssyncadd.remote.s32 $0x1  }
0xcc: {  	_ =	sfence.sel $0xFFFF  }
0xcd: {  	[dreg:$0x0] =	wrdreg $0xFFFFFFFF;
	(pc) =	sbr.abs _section_cstart, $3  }
0xce: {  	[dreg:$0x1] =	wrdreg $0xFFFFFFFF  }
0xcf: {  	_ =	task.clear_ibuf [dreg:s22], $0x2FFFF;
	_ =	strace $0x9FFFFFFF  }
0xd0: {  	(tm) =	ssettm $0x7FFFFFFF  }
0xd1: {  	_ =	shalt  }
tec
execute0_lowered:
.L_overlay_start_1:
0x0: {  	(tag) =	ssettag $0x1  }
0x1: {  	s4 =	rddreg [dreg:$0x0]  }
0x2: {  	s0 =	rddreg [dreg:$0x1];
	s2 =	simm.s32 $0x0;
	s3 =	srdreg.scid  }
0x3: {  	s1 =	stileid.u32;
	s10 =	simm.s32 $0x0;
	[smem:$0x7FF] =	sst s2  }
0x4: {  	s5 =	sand.u32 $0x1, s3;
	s6 =	sshll.u32 s1, $0xD;
	s3 =	sadd.s32 $0x545000, s4  }
0x5: {  	s8 =	sshll.u32 s1, $0x11;
	_ =	strace $0x8000004D;
	s7 =	sshll.u32 s5, $0xC  }
0x6: {  	s31 =	ssub.s32 $0x2, s5;
	s8 =	sadd.s32 s8, s4;
	s5 =	sshll.u32 s5, $0x10  }
0x7: {  	s6 =	sor.u32 s7, s6;
	s9 =	sshrl.u32 s31, $0x1;
	s5 =	sadd.s32 s5, s8  }
0x8: {  	s8 =	simm.s32 $0x80;
	s6 =	sshrl.u32 s6, $0x3;
	s7 =	ssub.s32 s31, s9  }
0x9: {  	s5 =	sadd.s32 $0x29000, s5;
	s9 =	simm.s32 $0x1;
	s6 =	sadd.s32 s6, s4  }
0xa: {  	s4 =	smax.u32 s7, $0x1;
	s7 =	simm.s32 $0x2;
	s6 =	sadd.s32 $0x25000, s6  }
.LBB2_1:
0xb: {  	s11 =	sadd.s32 $0x0, s6  }
0xc: {  	[tilespmem:s2], [sflag:$0x2] =	stream.linear.gather [hbm4b:s11+s2], $0x80, $0x38;
	[tilespmem:$0x4080] =	vst v63  }
0xd: {  	_ =	swait.ge [sflag:s7], $0x80  }
0xe: {  	[sflag:s7] =	ssyncset.done $0x0  }
0xf: {  	[sflag:s7] =	ssyncadd.s32 $0xFFFFFF80  }
0x10: {  	[tilespmem:s8], [sflag:$0x1] =	stream.indirect.gather [hbm4b:s3+s8], $0x80, s2, s8, $0xb8;
	[tilespmem:$0x4080] =	vst v63  }
0x11: {  	_ =	swait.ge [sflag:s9], $0x4000  }
0x12: {  	[sflag:s9] =	ssyncset.done $0x0  }
0x13: {  	[sflag:s9] =	ssyncadd.s32 $0xFFFFC000  }
0x14: {  	[hbm4b:s5+s2] =	stream.linear.scatter [tilespmem:s8], [sflag:$0x2], $0x4000, $0x38;
	[tilespmem:$0x4080] =	vst v63  }
0x15: {  	s12 =	simm.s32 $0x10;
	_ =	swait.ge [sflag:s7], $0x4000  }
0x16: {  	s13 =	simm.s32 $0x20;
	s11 =	sadd.s32 $0x800, s5;
	[sflag:s7] =	ssyncset.done $0x0  }
.LBB2_2:
0x17: {  	s14 =	sadd.s32 s12, s6  }
0x18: {  	[sflag:s7] =	ssyncadd.s32 $0xFFFFC000;
	s12 =	smov.u32 s13;
	s15 =	sadd.s32 $0x10, s13  }
0x19: {  	[tilespmem:s2], [sflag:$0x2] =	stream.linear.gather [hbm4b:s14+s2], $0x80, $0x38;
	[tilespmem:$0x4080] =	vst v63  }
0x1a: {  	p0 =	sne.s32 s13, $0x1F0;
	_ =	swait.ge [sflag:s7], $0x80  }
0x1b: {  	[sflag:s7] =	ssyncset.done $0x0  }
0x1c: {  	[sflag:s7] =	ssyncadd.s32 $0xFFFFFF80  }
0x1d: {  	[tilespmem:s8], [sflag:$0x1] =	stream.indirect.gather [hbm4b:s3+s8], $0x80, s2, s8, $0xb8;
	[tilespmem:$0x4080] =	vst v63  }
0x1e: {  	_ =	swait.ge [sflag:s9], $0x4000  }
.Ltmp0:
0x1f: {  	[sflag:s9] =	ssyncset.done $0x0;
	(pc) =	sbr.rel @p0 .LBB2_2-.Ltmp0, $4  }
0x20: {  	[sflag:s9] =	ssyncadd.s32 $0xFFFFC000  }
0x21: {  	[hbm4b:s11+s2] =	stream.linear.scatter [tilespmem:s8], [sflag:$0x2], $0x4000, $0x38;
	[tilespmem:$0x4080] =	vst v63  }
0x22: {  	_ =	swait.ge [sflag:s7], $0x4000  }
0x23: {  	s13 =	smov.u32 s15;
	s11 =	sadd.s32 $0x800, s11;
	[sflag:s7] =	ssyncset.done $0x0  }
0x24: {  	s12 =	sadd.s32 s12, s6;
	[sflag:s7] =	ssyncadd.s32 $0xFFFFC000  }
0x25: {  	[tilespmem:s2], [sflag:$0x2] =	stream.linear.gather [hbm4b:s12+s2], $0x80, $0x38;
	[tilespmem:$0x4080] =	vst v63  }
0x26: {  	_ =	swait.ge [sflag:s7], $0x80  }
0x27: {  	[sflag:s7] =	ssyncset.done $0x0  }
0x28: {  	[sflag:s7] =	ssyncadd.s32 $0xFFFFFF80  }
0x29: {  	[tilespmem:s8], [sflag:$0x1] =	stream.indirect.gather [hbm4b:s3+s8], $0x80, s2, s8, $0xb8;
	[tilespmem:$0x4080] =	vst v63  }
0x2a: {  	s10 =	sadd.s32 $0x1, s10;
	_ =	swait.ge [sflag:s9], $0x4000  }
0x2b: {  	p0 =	sne.s32 s10, s4;
	[sflag:s9] =	ssyncset.done $0x0  }
.Ltmp1:
0x2c: {  	[sflag:s9] =	ssyncadd.s32 $0xFFFFC000;
	(pc) =	sbr.rel @p0 .LBB2_1-.Ltmp1, $4  }
0x2d: {  	[hbm4b:s11+s2] =	stream.linear.scatter [tilespmem:s8], [sflag:$0x2], $0x4000, $0x38;
	[tilespmem:$0x4080] =	vst v63  }
0x2e: {  	_ =	swait.ge [sflag:s7], $0x4000  }
0x2f: {  	[sflag:s7] =	ssyncset.done $0x0  }
0x30: {  	[sflag:s7] =	ssyncadd.s32 $0xFFFFC000  }
0x31: {  	_ =	sfence.sel $0x180000  }
0x32: {  	[bflag:$0x0] =	sbarrier.arrive $0xFFFF  }
0x33: {  	p0 =	sne.s32 s1, $0x0;
	_ =	strace $0x9000004D  }
0x34: {  	s0 =	sadd.s32 @!p0 $0x100000, s0;
	[bflag:$0x2] =	sbarrier.arrive $0xFFFF  }
0x35: {  	[sflag:s0] =	ssyncadd.tile.s32 @!p0 $0x1;
	_ =	shalt  }
.Lfunc_end2:
_tile_overlayer_lowered:
.L_overlay_start_2:
0x36: {  	(tag) =	ssettag $0x2  }
0x37: {  	s0 =	rddreg [dreg:$0x0];
	s2 =	stileid.u32  }
0x38: {  	s1 =	rddreg [dreg:$0x1];
	p0 =	sne.s32 s2, $0x0  }
0x39: {  	s3 =	rddreg [dreg:$0x2];
	[bflag:$0x3] =	sbarrier.arrive $0xFFFF;
	s2 =	simm.s32 @!p0 $0x1C02  }
0x3a: {  	[timem:s3], [sflag:s2] =	dma.local @!p0 [hbm:s0], s1  }
0x3b: {  	s0 =	simm.s32 @!p0 $0x2  }
0x3c: {  	_ =	swait.ge @!p0 [sflag:s0], s1  }
0x3d: {  	s1 =	ssub.s32 @!p0 $0x0, s1;
	[sflag:s0] =	ssyncset.done @!p0 $0x0  }
0x3e: {  	[sflag:s0] =	ssyncadd.s32 @!p0 s1  }
0x3f: {  	[bflag:$0x3] =	sbarrier.arrive $0xFFFF  }
0x40: {  	_ =	shalt  }

// kernel: kernel.19.cloned.1.call-start
scs
__scs_entry_jumppad:
0x0: {  	(pc) =	sbr.rel $0x88, $3  }
0x1: {  	(tag) =	ssettag $0x0;
	lr =	simm.s32 $0x1  }
0x2: {  	[smem:$0x3F8F] =	sst lr;
	_ =	strace $0xD0000000  }
0x3: {  	_ = 	snop  }
0x4: {  	_ = 	snop  }
0x5: {  	_ = 	snop  }
0x6: {  	_ = 	snop  }
0x7: {  	_ = 	snop  }
__scs_overlays_trampoline_lowered:
0x8: {  	[smem:$0x3F9E] =	sst s0  }
0x9: {  	[smem:$0x3F9F] =	sst s1  }
0xa: {  	[smem:$0x3FA0] =	sst s2  }
0xb: {  	[smem:$0x3FA1] =	sst s3  }
0xc: {  	[smem:$0x3FA2] =	sst s4  }
0xd: {  	[smem:$0x3FA3] =	sst s5  }
0xe: {  	[smem:$0x3FA4] =	sst s6  }
0xf: {  	[smem:$0x3FA5] =	sst s7  }
0x10: {  	[smem:$0x3FA6] =	sst s8  }
0x11: {  	[smem:$0x3FA7] =	sst s9;
	s0 =	simm.s32 @!p0 $0x0  }
0x12: {  	s1 =	sld [smem:$0x3F8D];
	s0 =	simm.s32 @p0 $0x1  }
0x13: {  	[smem:$0x3FA8] =	sst s0;
	s0 =	simm.s32 @!p1 $0x0  }
0x14: {  	s2 =	sld [smem:$0x3F8C];
	s0 =	simm.s32 @p1 $0x1  }
0x15: {  	[smem:$0x3FA9] =	sst s0;
	s0 =	simm.s32 @!p2 $0x0  }
0x16: {  	s3 =	sld [smem:$0x3FDB];
	s0 =	simm.s32 @p2 $0x1  }
0x17: {  	s4 =	simm.s32 $0x1BF5;
	[smem:$0x3FAB] =	sst s0  }
0x18: {  	s0 =	sld [smem:$0x3F8E];
	_ =	swait.ge [sflag:s4], $0x0  }
0x19: {  	s7 =	sld [smem:$0x3F8F]  }
0x1a: {  	s8 =	sadd.s32 $0xFFFFE003, lr  }
0x1b: {  	s9 =	sadd.s32 $0xFFFFFEF7, lr;
	s5 =	simm.s32 $0xFFFFFFFF;
	p2 =	slt.u32 s8, $0xFFFFF086  }
0x1c: {  	p1 =	slt.u32 s9, $0xF7A;
	s5 =	simm.s32 @!p2 $0x0  }
0x1d: {  	s5 =	simm.s32 @p1 $0x1;
	p0 =	seq.s32 s7, s2  }
0x1e: {  	s7 =	smul.u32 @!p0 $0xF7A, s2;
	p2 =	seq.s32 @!p0 s5, $0x0  }
0x1f: {  	s9 =	smul.u32 $0xF7A, s1;
	s8 =	simm.s32 @!p0 $0x1BF5;
	p2 =	por !p2, p0  }
0x20: {  	[sflag:s8] =	ssyncset.s32 @!p0 $0xFFFFF086;
	s6 =	sadd.s32 @!p0 s3, s7;
	s7 =	simm.s32 @!p0 $0x108  }
0x21: {  	s3 =	sadd.s32 s3, s9;
	s6 =	sadd.s32 @!p0 $0x88, s6;
	s7 =	simm.s32 @p2 $0x1082  }
0x22: {  	[simem:s7], [sflag:s8] =	dma.local @!p0 [hbm:s6], $0xF7A  }
0x23: {  	s9 =	sor.u32 $0xD0000000, s2;
	s6 =	simm.s32 $0x108;
	_ =	swait.ge @!p0 [sflag:s8], $0x0  }
0x24: {  	s3 =	sadd.s32 $0x88, s3;
	s6 =	simm.s32 @!p1 $0x1082;
	[sflag:s4] =	ssyncset.s32 $0xFFFFF086  }
0x25: {  	[simem:s6], [sflag:s4] =	dma.local [hbm:s3], $0xF7A  }
0x26: {  	[smem:$0x3F8F] =	sst s1;
	(tag) =	ssettag s2;
	_ =	strace s9  }
0x27: {  	s1 =	sld [smem:$0x3F9F]  }
0x28: {  	s2 =	sld [smem:$0x3FA0]  }
0x29: {  	s4 =	sld [smem:$0x3FA2]  }
0x2a: {  	p0 =	seq.s32 s5, $0x0;
	s5 =	sld [smem:$0x3FA3]  }
0x2b: {  	s6 =	sld [smem:$0x3FA4]  }
0x2c: {  	s7 =	sld [smem:$0x3FA5]  }
0x2d: {  	s3 =	simm.s32 $0x108;
	s8 =	sld [smem:$0x3FA6]  }
0x2e: {  	s3 =	simm.s32 @!p0 $0x1082;
	s9 =	sld [smem:$0x3FA7]  }
0x2f: {  	lr =	sadd.s32 s0, s3;
	s0 =	sld [smem:$0x3F9E]  }
0x30: {  	s3 =	sld [smem:$0x3FA1]  }
0x31: {  	[smem:$0x3FAA] =	sst s10  }
0x32: {  	s10 =	sld [smem:$0x3FA8];
	_ =	sdelay $0x3  }
0x33: {  	p0 =	seq.s32 s10, $0x1;
	s10 =	sld [smem:$0x3FAA];
	_ =	sdelay $0x3  }
0x34: {  	[smem:$0x3FAA] =	sst s10  }
0x35: {  	s10 =	sld [smem:$0x3FA9];
	_ =	sdelay $0x3  }
0x36: {  	p1 =	seq.s32 s10, $0x1;
	s10 =	sld [smem:$0x3FAA];
	_ =	sdelay $0x3  }
0x37: {  	[smem:$0x3FAA] =	sst s10  }
0x38: {  	s10 =	sld [smem:$0x3FAB]  }
0x39: {  	_ = 	snop;
	(pc) =	sbr.ind lr, $3  }
0x3a: {  	_ = 	snop  }
0x3b: {  	_ = 	snop  }
0x3c: {  	p2 =	seq.s32 s10, $0x1;
	s10 =	sld [smem:$0x3FAA]  }
0x3d: {  	_ =	shalt  }
0x3e: {  	_ =	shalt  }
0x3f: {  	_ =	shalt  }
0x40: {  	_ =	shalt  }
0x41: {  	_ =	shalt  }
0x42: {  	_ =	shalt  }
0x43: {  	_ =	shalt  }
0x44: {  	_ =	shalt  }
0x45: {  	_ =	shalt  }
0x46: {  	_ =	shalt  }
0x47: {  	_ =	shalt  }
0x48: {  	_ =	shalt  }
0x49: {  	_ =	shalt  }
0x4a: {  	_ =	shalt  }
0x4b: {  	_ =	shalt  }
0x4c: {  	_ =	shalt  }
0x4d: {  	_ =	shalt  }
0x4e: {  	_ =	shalt  }
0x4f: {  	_ =	shalt  }
0x50: {  	_ =	shalt  }
0x51: {  	_ =	shalt  }
0x52: {  	_ =	shalt  }
0x53: {  	_ =	shalt  }
0x54: {  	_ =	shalt  }
0x55: {  	_ =	shalt  }
0x56: {  	_ =	shalt  }
0x57: {  	_ =	shalt  }
0x58: {  	_ =	shalt  }
0x59: {  	_ =	shalt  }
0x5a: {  	_ =	shalt  }
0x5b: {  	_ =	shalt  }
0x5c: {  	_ =	shalt  }
0x5d: {  	_ =	shalt  }
0x5e: {  	_ =	shalt  }
0x5f: {  	_ =	shalt  }
0x60: {  	_ =	shalt  }
0x61: {  	_ =	shalt  }
0x62: {  	_ =	shalt  }
0x63: {  	_ =	shalt  }
0x64: {  	_ =	shalt  }
0x65: {  	_ =	shalt  }
0x66: {  	_ =	shalt  }
0x67: {  	_ =	shalt  }
0x68: {  	_ =	shalt  }
0x69: {  	_ =	shalt  }
0x6a: {  	_ =	shalt  }
0x6b: {  	_ =	shalt  }
0x6c: {  	_ =	shalt  }
0x6d: {  	_ =	shalt  }
0x6e: {  	_ =	shalt  }
0x6f: {  	_ =	shalt  }
0x70: {  	_ =	shalt  }
0x71: {  	_ =	shalt  }
0x72: {  	_ =	shalt  }
0x73: {  	_ =	shalt  }
0x74: {  	_ =	shalt  }
0x75: {  	_ =	shalt  }
0x76: {  	_ =	shalt  }
0x77: {  	_ =	shalt  }
0x78: {  	_ =	shalt  }
0x79: {  	_ =	shalt  }
0x7a: {  	_ =	shalt  }
0x7b: {  	_ =	shalt  }
0x7c: {  	_ =	shalt  }
0x7d: {  	_ =	shalt  }
0x7e: {  	_ =	shalt  }
0x7f: {  	_ =	shalt  }
0x80: {  	_ =	shalt  }
0x81: {  	_ =	shalt  }
0x82: {  	_ =	shalt  }
0x83: {  	_ =	shalt  }
0x84: {  	_ =	shalt  }
0x85: {  	_ =	shalt  }
0x86: {  	_ =	shalt  }
0x87: {  	_ =	shalt  }
.Lfunc_end0:
.L_simem_size_0:
called_computation.2_lowered:
.L_overlay_start_0:
0x88: {  	s2 =	sld [smem:$0x3FD9]  }
0x89: {  	s3 =	sld [smem:$0x3FFE];
	_ =	sdelay $0x1  }
0x8a: {  	s1 =	srdreg.scid  }
0x8b: {  	s0 =	sand.u32 $0x1, s1  }
0x8c: {  	s15 =	sshll.u32 s0, $0xA;
	s2 =	sadd.s32 s3, s2  }
0x8d: {  	s2 =	sadd.s32 s2, s15  }
0x8e: {  	[smem:$0x3FB6] =	sst s2  }
0x8f: {  	_ = 	snop  }
0x90: {  	s2 =	sld [smem:$0x3FD0];
	_ =	sdelay $0x2  }
0x91: {  	s16 =	simm.s32 $0xB;
	s4 =	simm.s32 $0x10  }
0x92: {  	[smem:s4], [sflag:s16] =	dma.local [hbm:s2], $0x1  }
0x93: {  	_ =	swait.eq [sflag:s16], $0x1  }
0x94: {  	[sflag:s16] =	ssyncset.done $0x0  }
0x95: {  	[sflag:s16] =	ssyncadd.s32 $0xFFFFFFFF  }
0x96: {  	s17 =	sld [smem:$0x11];
	(tm) =	ssettm $0x1  }
0x97: {  	s18 =	sld [smem:$0x3FFB];
	_ =	sdelay $0x3  }
0x98: {  	_ =	strace s18  }
0x99: {  	s2 =	sld [smem:$0x3FFC];
	_ =	sdelay $0x3  }
0x9a: {  	_ =	strace s2  }
0x9b: {  	s2 =	sld [smem:$0x3FFD];
	_ =	sdelay $0x3  }
0x9c: {  	_ =	strace s2  }
0x9d: {  	_ =	strace $0x8FFFFFFF  }
0x9e: {  	s19 =	sld [smem:$0x3FDB];
	_ =	sdelay $0x1  }
0x9f: {  	s20 =	simm.s32 $_scs_section_size  }
0xa0: {  	s5 =	simm.s32 $_size__tile_overlayer_lowered;
	s6 =	simm.s32 $_tile_overlayer_lowered  }
0xa1: {  	s7 =	simm.s32 $0x1BFF;
	s21 =	sshll.u32 s6, $0x1;
	s4 =	sadd.s32 s20, s19  }
0xa2: {  	s22 =	simm.s32 $0x0;
	s5 =	sshll.u32 s5, $0x1;
	s6 =	sadd.s32 s21, s4  }
0xa3: {  	[timem:s22], [sflag:s7] =	dma.local [hbm:s6], s5  }
0xa4: {  	_ =	swait.ge [sflag:s7], s5  }
0xa5: {  	s5 =	ssub.s32 $0x0, s5;
	[sflag:s7] =	ssyncset.done $0x0  }
0xa6: {  	[sflag:s7] =	ssyncadd.s32 s5;
	_ =	sdelay $0x1  }
0xa7: {  	s23 =	simm.s32 $0x1B8B  }
0xa8: {  	_ =	swait.ge [sflag:s23], $0x1  }
0xa9: {  	[sflag:s23] =	ssyncset.done $0x0  }
0xaa: {  	[sflag:s23] =	ssyncadd.s32 $0xFFFFFFFF  }
0xab: {  	s5 =	sld [smem:$0x0]  }
0xac: {  	s6 =	sand.u32 $0xFFFFFFFE, s1  }
0xad: {  	p0 =	sne.s32 s1, s6  }
0xae: {  	s6 =	sshll.u32 @p0 s6, $0xE  }
0xaf: {  	s6 =	sadd.s32 @p0 $0x11B8D, s6;
	s7 =	sshll.u32 @p0 s5, $0x11  }
0xb0: {  	s6 =	sor.u32 @p0 s7, s6  }
0xb1: {  	[sflag:s6] =	ssyncadd.remote.s32 @p0 $0x1;
	_ =	sdelay $0x1  }
0xb2: {  	s6 =	simm.s32 @p0 $0x1B8D  }
0xb3: {  	_ =	swait.eq @p0 [sflag:s6], $0x1  }
0xb4: {  	[sflag:s6] =	ssyncadd.s32 @p0 $0xFFFFFFFF  }
0xb5: {  	s7 =	sshll.u32 @!p0 s1, $0xE  }
0xb6: {  	s7 =	sor.u32 @!p0 $0x4000, s7;
	s6 =	simm.s32 @!p0 $0x1B8D  }
0xb7: {  	s5 =	sshll.u32 @!p0 s5, $0x11;
	s7 =	sadd.s32 @!p0 $0x11B8D, s7;
	_ =	swait.eq @!p0 [sflag:s6], $0x1  }
0xb8: {  	s5 =	sor.u32 @!p0 s5, s7;
	[sflag:s6] =	ssyncadd.s32 @!p0 $0xFFFFFFFF  }
0xb9: {  	s25 =	simm.s32 $0x1B8E;
	s24 =	sld [smem:$0x3FFE];
	[sflag:s5] =	ssyncadd.remote.s32 @!p0 $0x1  }
0xba: {  	s26 =	simm.s32 $execute0_lowered;
	[smem:$0x3FD2] =	sst s25  }
0xbb: {  	s6 =	sshll.u32 s26, $0x1;
	_ =	strace $0x80000049;
	[dreg:$0x1] =	wrdreg $0xFFFFFFFF  }
0xbc: {  	s28 =	simm.s32 $_size_execute0_lowered;
	s4 =	sadd.s32 s4, s6;
	[dreg:$0x0] =	wrdreg $0x0  }
0xbd: {  	s6 =	sshll.u32 s28, $0x1;
	[dreg:$0x2] =	wrdreg s4  }
0xbe: {  	[dreg:$0x3] =	wrdreg s6  }
0xbf: {  	[dreg:$0x4] =	wrdreg $0xC0  }
0xc0: {  	_ =	task [dreg:s22], $0x5FFFF  }
0xc1: {  	[dreg:$0x1] =	wrdreg $0xFFFFFFFF  }
0xc2: {  	[dreg:$0x0] =	wrdreg $0x60  }
0xc3: {  	[dreg:$0x2] =	wrdreg s24  }
0xc4: {  	[dreg:$0x3] =	wrdreg s17  }
0xc5: {  	[dreg:$0x4] =	wrdreg $0x9  }
0xc6: {  	_ =	task.clear_ibuf [dreg:s22], $0x5FFFF;
	_ =	strace $0x90000049  }
0xc7: {  	s29 =	simm.s32 $0x9;
	_ =	strace $0x8000004B  }
0xc8: {  	_ =	swait.ge [sflag:s29], $0x1  }
0xc9: {  	[sflag:s29] =	ssyncadd.s32 $0xFFFFFFFF  }
0xca: {  	_ =	strace $0x9000004B  }
0xcb: {  	_ =	sfence  }
0xcc: {  	s30 =	sld [smem:$0x0];
	_ =	sdelay $0x2  }
0xcd: {  	s31 =	sshll.u32 s1, $0xD;
	s1 =	sshrl.u32 s1, $0x2  }
0xce: {  	s4 =	sand.u32 $0x4000, s31;
	s1 =	sadd.s32 s1, s30  }
0xcf: {  	s0 =	sor.u32 s4, s0;
	s1 =	sshll.u32 s1, $0x11  }
0xd0: {  	s0 =	sor.u32 s1, s0  }
0xd1: {  	s0 =	sadd.s32 $0x8F2B, s0  }
0xd2: {  	[sflag:s0] =	ssyncadd.remote.s32 $0x1  }
0xd3: {  	_ =	sfence.sel $0xFFFF  }
0xd4: {  	[dreg:$0x0] =	wrdreg $0xFFFFFFFF;
	(pc) =	sbr.abs _section_cstart, $3  }
0xd5: {  	[dreg:$0x1] =	wrdreg $0xFFFFFFFF  }
0xd6: {  	_ =	task.clear_ibuf [dreg:s22], $0x2FFFF;
	_ =	strace $0x9FFFFFFF  }
0xd7: {  	(tm) =	ssettm $0x7FFFFFFF  }
tec
execute0_lowered:
.L_overlay_start_1:
0x0: {  	(tag) =	ssettag $0x1  }
0x1: {  	s5 =	rddreg [dreg:$0x0]  }
0x2: {  	s2 =	rddreg [dreg:$0x1]  }
0x3: {  	s0 =	rddreg [dreg:$0x2];
	s4 =	srdreg.scid;
	s3 =	simm.s32 $0x0  }
0x4: {  	s1 =	stileid.u32;
	s9 =	simm.s32 $0x1;
	s10 =	simm.s32 $0x8880  }
0x5: {  	s11 =	simm.s32 $0x2;
	s12 =	simm.s32 $0x0;
	s4 =	sand.u32 $0x1, s4  }
.Ltmp0:
0x6: {  	[smem:$0x7FF] =	sst s3;
	s6 =	sshll.u32 s1, $0x5;
	(pc) =	sbr.rel .LBB2_1-.Ltmp0, $4  }
0x7: {  	v0 =	vlaneseq.u32;
	s5 =	sadd.s32 $0x445000, s5;
	s7 =	sshll.u32 s4, $0x4;
	s8 =	ssub.s32 $0x2, s4  }
0x8: {  	s31 =	sshll.u32 s1, $0x9;
	v1 =	vmul.u32 $0xFFFFFFFF, v0;
	s4 =	sor.u32 s7, s6;
	s30 =	sshrl.u32 s8, $0x1  }
0x9: {  	_ =	strace $0x8000004A;
	s7 =	sshll.u32 s4, $0xB;
	s8 =	ssub.s32 s8, s30  }
0xa: {  	v1 =	vadd.s32 $0xF, v1;
	s6 =	sadd.s32 s5, s7;
	s7 =	sand.u32 $0x1800, s31;
	s8 =	smax.u32 s8, $0x1  }
.LBB2_18:
0xb: {  	s12 =	sadd.s32 $0x1, s12  }
0xc: {  	p0 =	sne.s32 s12, s8  }
.Ltmp1:
0xd: {  	_ = 	snop;
	(pc) =	sbr.rel @!p0 .LBB2_19-.Ltmp1, $1  }
0xe: {  	_ =	sdelay $0x3  }
.LBB2_1:
.Ltmp2:
0xf: {  	(pc) =	sbr.rel .LBB2_2-.Ltmp2, $3  }
0x10: {  	_ =	sdelay $0x1  }
0x11: {  	[tilespmem:s3], [sflag:$0x1] =	stream.linear.gather [hbm4b:s6+s3], $0x4000, $0x38;
	[tilespmem:$0x8C80] =	vst v63  }
0x12: {  	p0 =	por $0x0, $0x0;
	s13 =	simm.s32 $0x0  }
.LBB2_17:
0x13: {  	s14 =	sshll.u32 s15, $0x7;
	p1 =	sne.s32 s13, $0x10  }
.Ltmp3:
0x14: {  	s14 =	sadd.s32 s2, s14;
	(pc) =	sbr.rel @!p1 .LBB2_18-.Ltmp3, $4  }
0x15: {  	[hbm4b:s14+s3] =	stream.linear.scatter [tilespmem:s10], [sflag:$0x2], $0x400, $0x38;
	[tilespmem:$0x8C80] =	vst v63  }
0x16: {  	_ =	swait.ge [sflag:s11], $0x400  }
0x17: {  	[sflag:s11] =	ssyncset.done $0x0  }
0x18: {  	p0 =	por !p0, !p0;
	[sflag:s11] =	ssyncadd.s32 $0xFFFFFC00  }
.LBB2_2:
0x19: {  	s14 =	simm.s32 $0x1  }
0x1a: {  	s15 =	smov.u32 s13;
	_ =	swait.ge [sflag:s9], $0x4000;
	s13 =	sadd.s32 $0x1, s13  }
0x1b: {  	s14 =	simm.s32 @!p0 $0x0;
	p1 =	seq.s32 s15, $0xF;
	s16 =	sand.u32 $0x1, s15  }
0x1c: {  	[sflag:s9] =	ssyncset.done $0x0;
	s15 =	sadd.s32 s4, s15;
	s14 =	sshll.u32 s14, $0xE  }
.Ltmp4:
0x1d: {  	s17 =	sadd.s32 @!p1 s4, s13;
	[sflag:s9] =	ssyncadd.s32 $0xFFFFC000;
	(pc) =	sbr.rel .LBB2_3-.Ltmp4, $4  }
0x1e: {  	s18 =	sshll.u32 @!p1 s16, $0xE;
	s19 =	simm.s32 @!p1 $0x0;
	s17 =	sshll.u32 @!p1 s17, $0xB  }
0x1f: {  	s16 =	sshll.u32 s16, $0xE;
	s18 =	sxor.u32 @!p1 $0x4000, s18;
	s17 =	sadd.s32 @!p1 s5, s17  }
0x20: {  	[tilespmem:s18], [sflag:$0x1] =	stream.linear.gather @!p1 [hbm4b:s17+s19], $0x4000, $0x38;
	[tilespmem:$0x8C80] =	vst v63  }
0x21: {  	s14 =	sor.u32 $0x40, s14;
	v2 =	vmov s16;
	s17 =	simm.s32 $0x0;
	s18 =	simm.s32 $0x0  }
.LBB2_8:
0x22: {  	v3 =	vimm.s32 $0x0  }
.LBB2_16:
0x23: {  	s18 =	sadd.s32 $0x1, s18  }
0x24: {  	p1 =	sne.s32 s18, $0x8  }
.Ltmp5:
0x25: {  	_ = 	snop;
	(pc) =	sbr.rel @!p1 .LBB2_17-.Ltmp5, $3  }
0x26: {  	_ =	sdelay $0x1  }
0x27: {  	s19 =	sshrl.u32 s19, $0x2  }
0x28: {  	s14 =	sadd.s32 $0x80, s14;
	[tilespmem:s19+$0x8880] =	vst v3  }
.LBB2_3:
0x29: {  	s19 =	sshll.u32 s18, $0x7  }
0x2a: {  	v3 =	vmov s19;
	_ =	sdelay $0x1  }
0x2b: {  	s30 =	sand.u32 $0x3C00, s17  }
0x2c: {  	s20 =	sand.u32 $0x40, s17;
	s19 =	sadd.s32 s30, s16  }
0x2d: {  	s19 =	sadd.s32 s20, s19  }
0x2e: {  	v9 =	vld.idx.msk [tilespmem:v3+s19+$0x0 ss:$0x1], $0xffff  }
0x2f: {  	s31 =	simm.s32 $0x200;
	v10 =	vld.idx.msk [tilespmem:v3+s19+$0x10 ss:$0x1], $0xffff  }
0x30: {  	s21 =	simm.s32 $0x40;
	s20 =	sand.u32 $0x3C00, s31;
	v8 =	vld.idx.msk [tilespmem:v3+s19+$0x20 ss:$0x1], $0xffff  }
0x31: {  	s21 =	sand.u32 $0x40, s21;
	s20 =	sadd.s32 s20, s16;
	v5 =	vld.idx.msk [tilespmem:v3+s19+$0x30 ss:$0x1], $0xffff  }
0x32: {  	s19 =	sadd.s32 s21, s20  }
0x33: {  	v4 =	vld.idx.msk [tilespmem:v3+s19+$0x20 ss:$0x1], $0xffff  }
0x34: {  	v11 =	vimm.f32 $+Inf;
	v6 =	vld.idx.msk [tilespmem:v3+s19+$0x0 ss:$0x1], $0xffff  }
0x35: {  	s20 =	simm.s32 $0x80;
	s21 =	simm.s32 $0x400;
	v7 =	vld.idx.msk [tilespmem:v3+s19+$0x10 ss:$0x1], $0xffff;
	v9 =	vmin.f32 v11, v9;
	v10 =	vmin.f32 v11, v10  }
.LBB2_4:
0x36: {  	s22 =	sand.u32 $0x3C00, s21;
	v9 =	vmin.f32 v9, v8;
	v10 =	vmin.f32 v10, v5;
	v5 =	vld.idx.msk [tilespmem:v3+s19+$0x30 ss:$0x1], $0xffff;
	p1 =	sne.s32 s20, $0x7C0  }
.Ltmp6:
0x37: {  	s19 =	sand.u32 $0x40, s20;
	s22 =	sadd.s32 s22, s16;
	(pc) =	sbr.rel @p1 .LBB2_4-.Ltmp6, $4  }
0x38: {  	s20 =	sadd.s32 $0x40, s20;
	s19 =	sadd.s32 s19, s22  }
0x39: {  	v8 =	vmov v4;
	v4 =	vld.idx.msk [tilespmem:v3+s19+$0x20 ss:$0x1], $0xffff  }
0x3a: {  	v11 =	vmov v6;
	v6 =	vld.idx.msk [tilespmem:v3+s19+$0x0 ss:$0x1], $0xffff  }
0x3b: {  	s21 =	sadd.s32 $0x200, s21;
	v9 =	vmin.f32 v9, v11;
	v10 =	vmin.f32 v10, v7;
	v7 =	vld.idx.msk [tilespmem:v3+s19+$0x10 ss:$0x1], $0xffff  }
0x3c: {  	_ =	sdelay $0x3  }
0x3d: {  	v3 =	vld.idx.msk [tilespmem:v3+s19+$0x30 ss:$0x1], $0xffff;
	_ =	sdelay $0x1  }
0x3e: {  	v8 =	vmin.f32 v9, v8  }
0x3f: {  	v5 =	vmin.f32 v10, v5;
	v6 =	vmin.f32 v8, v6  }
0x40: {  	v5 =	vmin.f32 v5, v7;
	v4 =	vmin.f32 v6, v4  }
0x41: {  	v3 =	vmin.f32 v5, v3;
	(xrf1) =	vsort.ascd.msk.f32 $0xffff, v4, v4  }
0x42: {  	(xrf1) =	vsort.ascd.msk.f32 $0xffff, v3, v3;
	_ =	sdelay $0xc  }
0x43: {  	v3, _, _ =	vpop (xrf1)  }
0x44: {  	v4, _, _ =	vpop (xrf1)  }
0x45: {  	v4 =	vperm.xlane v4, v1;
	_ =	sdelay $0x1  }
0x46: {  	v3 =	vmin.f32 v3, v4  }
0x47: {  	(xrf0) =	vmax.scan.msk.f32 $0xffff, v3;
	_ =	sdelay $0x3  }
0x48: {  	v4 =	vld [tilespmem:s14+$0xFFFFFFC0];
	_ =	sdelay $0x1  }
0x49: {  	v3, _, _ =	vpop (xrf0)  }
0x4a: {  	v3 =	vbroadcast v3, $0xF  }
0x4b: {  	s19 =	sadd.s32 $0x0, s7  }
0x4c: {  	s20 =	simm.s32 $0x0;
	vm0 =	vle.f32 v4, v3;
	v4 =	vor.u32 s19, v0  }
0x4d: {  	[tilespmem:s20+$0x8000] =	vst.msk vm0, v4;
	v4 =	vmpcnt.ones.xlane vm0  }
0x4e: {  	v5 =	vld [tilespmem:s14+$0xFFFFFFD0]  }
0x4f: {  	(v2sf) =	vpush v4, $0x0;
	_ =	sdelay $0x3  }
0x50: {  	vm9 =	vle.f32 v5, v3  }
0x51: {  	v4 =	vmpcnt.ones.xlane vm9;
	_ =	sdelay $0x1  }
0x52: {  	(v2sf) =	vpush v4, $0x0;
	_ =	sdelay $0x7  }
0x53: {  	s29 =	sadd.s32 $0x10, s19;
	s21 =	spop (v2sf)  }
0x54: {  	v4 =	vor.u32 s29, v0;
	s21 =	sadd.s32 $0x0, s21  }
0x55: {  	[tilespmem:s21+$0x8000] =	vst.msk vm9, v4  }
0x56: {  	v4 =	vld [tilespmem:s14+$0xFFFFFFE0];
	_ =	sdelay $0x3  }
0x57: {  	s30 =	sadd.s32 $0x20, s19;
	s22 =	spop (v2sf)  }
0x58: {  	s21 =	sadd.s32 s21, s22;
	vm10 =	vle.f32 v4, v3;
	v4 =	vor.u32 s30, v0  }
0x59: {  	[tilespmem:s21+$0x8000] =	vst.msk vm10, v4;
	v4 =	vmpcnt.ones.xlane vm10  }
0x5a: {  	v5 =	vld [tilespmem:s14+$0xFFFFFFF0]  }
0x5b: {  	(v2sf) =	vpush v4, $0x0;
	_ =	sdelay $0x3  }
0x5c: {  	vm11 =	vle.f32 v5, v3  }
0x5d: {  	v4 =	vmpcnt.ones.xlane vm11;
	_ =	sdelay $0x1  }
0x5e: {  	(v2sf) =	vpush v4, $0x0;
	_ =	sdelay $0x7  }
0x5f: {  	s31 =	sadd.s32 $0x30, s19;
	s23 =	spop (v2sf)  }
0x60: {  	v4 =	vor.u32 s31, v0;
	s21 =	sadd.s32 s21, s23  }
0x61: {  	[tilespmem:s21+$0x8000] =	vst.msk vm11, v4  }
0x62: {  	v4 =	vld [tilespmem:s14+$0x0];
	_ =	sdelay $0x3  }
0x63: {  	s24 =	sadd.s32 $0x40, s19;
	s25 =	spop (v2sf)  }
0x64: {  	s21 =	sadd.s32 s21, s25;
	vm12 =	vle.f32 v4, v3;
	v4 =	vor.u32 s24, v0  }
0x65: {  	[tilespmem:s21+$0x8000] =	vst.msk vm12, v4;
	v4 =	vmpcnt.ones.xlane vm12  }
0x66: {  	v5 =	vld [tilespmem:s14+$0x10]  }
0x67: {  	(v2sf) =	vpush v4, $0x0;
	_ =	sdelay $0x3  }
0x68: {  	vm13 =	vle.f32 v5, v3  }
0x69: {  	v4 =	vmpcnt.ones.xlane vm13;
	_ =	sdelay $0x1  }
0x6a: {  	(v2sf) =	vpush v4, $0x0;
	_ =	sdelay $0x7  }
0x6b: {  	s26 =	sadd.s32 $0x50, s19;
	s28 =	spop (v2sf)  }
0x6c: {  	v4 =	vor.u32 s26, v0;
	s21 =	sadd.s32 s21, s28  }
0x6d: {  	[tilespmem:s21+$0x8000] =	vst.msk vm13, v4  }
0x6e: {  	v4 =	vld [tilespmem:s14+$0x20];
	_ =	sdelay $0x3  }
0x6f: {  	s29 =	sadd.s32 $0x60, s19;
	s30 =	spop (v2sf)  }
0x70: {  	s21 =	sadd.s32 s21, s30;
	vm14 =	vle.f32 v4, v3;
	v4 =	vor.u32 s29, v0  }
0x71: {  	[tilespmem:s21+$0x8000] =	vst.msk vm14, v4  }
0x72: {  	v5 =	vmpcnt.ones.xlane vm14;
	v4 =	vld [tilespmem:s14+$0x30];
	_ =	sdelay $0x1  }
0x73: {  	(v2sf) =	vpush v5, $0x0;
	_ =	sdelay $0x2  }
0x74: {  	vm15 =	vle.f32 v4, v3  }
0x75: {  	v4 =	vmpcnt.ones.xlane vm15;
	_ =	sdelay $0x1  }
0x76: {  	(v2sf) =	vpush v4, $0x0;
	_ =	sdelay $0x8  }
0x77: {  	s19 =	sadd.s32 $0x70, s19;
	s31 =	spop (v2sf)  }
0x78: {  	v4 =	vor.u32 s19, v0;
	s24 =	sadd.s32 s21, s31  }
0x79: {  	s20 =	sadd.s32 $0x400, s14;
	[tilespmem:s24+$0x8000] =	vst.msk vm15, v4  }
0x7a: {  	v4 =	vld [tilespmem:s20+$0xFFFFFFC0];
	_ =	sdelay $0x1  }
0x7b: {  	s22 =	simm.s32 $0x100  }
0x7c: {  	s19 =	sshll.u32 s18, $0x9;
	s21 =	sadd.s32 $0x80, s7;
	s23 =	spop (v2sf)  }
.LBB2_6:
0x7d: {  	p1 =	sne.s32 s22, $0x780  }
0x7e: {  	vm0 =	vle.f32 v4, v3;
	v4 =	vor.u32 s21, v0;
	s24 =	sadd.s32 s24, s23;
	s23 =	smov.u32 s22;
	s22 =	sadd.s32 $0x80, s22  }
0x7f: {  	[tilespmem:s24+$0x8000] =	vst.msk vm0, v4;
	v4 =	vmpcnt.ones.xlane vm0  }
0x80: {  	v5 =	vld [tilespmem:s20+$0xFFFFFFD0]  }
0x81: {  	(v2sf) =	vpush v4, $0x0;
	_ =	sdelay $0x3  }
0x82: {  	vm0 =	vle.f32 v5, v3  }
0x83: {  	v4 =	vmpcnt.ones.xlane vm0;
	_ =	sdelay $0x1  }
0x84: {  	(v2sf) =	vpush v4, $0x0;
	_ =	sdelay $0x7  }
0x85: {  	s25 =	sadd.s32 $0x10, s21;
	s26 =	spop (v2sf)  }
0x86: {  	v4 =	vor.u32 s25, v0;
	s24 =	sadd.s32 s24, s26  }
0x87: {  	[tilespmem:s24+$0x8000] =	vst.msk vm0, v4  }
0x88: {  	v4 =	vld [tilespmem:s20+$0xFFFFFFE0];
	_ =	sdelay $0x3  }
0x89: {  	s25 =	sadd.s32 $0x20, s21;
	s26 =	spop (v2sf)  }
0x8a: {  	s24 =	sadd.s32 s24, s26;
	vm0 =	vle.f32 v4, v3;
	v4 =	vor.u32 s25, v0  }
0x8b: {  	[tilespmem:s24+$0x8000] =	vst.msk vm0, v4;
	v4 =	vmpcnt.ones.xlane vm0  }
0x8c: {  	v5 =	vld [tilespmem:s20+$0xFFFFFFF0]  }
0x8d: {  	(v2sf) =	vpush v4, $0x0;
	_ =	sdelay $0x3  }
0x8e: {  	vm0 =	vle.f32 v5, v3  }
0x8f: {  	v4 =	vmpcnt.ones.xlane vm0;
	_ =	sdelay $0x1  }
0x90: {  	(v2sf) =	vpush v4, $0x0;
	_ =	sdelay $0x7  }
0x91: {  	s25 =	sadd.s32 $0x30, s21;
	s26 =	spop (v2sf)  }
0x92: {  	v4 =	vor.u32 s25, v0;
	s24 =	sadd.s32 s24, s26  }
0x93: {  	[tilespmem:s24+$0x8000] =	vst.msk vm0, v4  }
0x94: {  	v4 =	vld [tilespmem:s20+$0x0];
	_ =	sdelay $0x3  }
0x95: {  	s25 =	sadd.s32 $0x40, s21;
	s26 =	spop (v2sf)  }
0x96: {  	s24 =	sadd.s32 s24, s26;
	vm0 =	vle.f32 v4, v3;
	v4 =	vor.u32 s25, v0  }
0x97: {  	[tilespmem:s24+$0x8000] =	vst.msk vm0, v4;
	v4 =	vmpcnt.ones.xlane vm0  }
0x98: {  	v5 =	vld [tilespmem:s20+$0x10]  }
0x99: {  	(v2sf) =	vpush v4, $0x0;
	_ =	sdelay $0x3  }
0x9a: {  	vm0 =	vle.f32 v5, v3  }
0x9b: {  	v4 =	vmpcnt.ones.xlane vm0;
	_ =	sdelay $0x1  }
0x9c: {  	(v2sf) =	vpush v4, $0x0;
	_ =	sdelay $0x7  }
0x9d: {  	s25 =	sadd.s32 $0x50, s21;
	s26 =	spop (v2sf)  }
0x9e: {  	v4 =	vor.u32 s25, v0;
	s24 =	sadd.s32 s24, s26  }
0x9f: {  	[tilespmem:s24+$0x8000] =	vst.msk vm0, v4  }
0xa0: {  	v4 =	vld [tilespmem:s20+$0x20];
	_ =	sdelay $0x3  }
0xa1: {  	s25 =	sadd.s32 $0x60, s21;
	s26 =	spop (v2sf)  }
0xa2: {  	s24 =	sadd.s32 s24, s26;
	vm0 =	vle.f32 v4, v3;
	v4 =	vor.u32 s25, v0  }
0xa3: {  	[tilespmem:s24+$0x8000] =	vst.msk vm0, v4;
	v4 =	vmpcnt.ones.xlane vm0  }
0xa4: {  	v5 =	vld [tilespmem:s20+$0x30]  }
0xa5: {  	(v2sf) =	vpush v4, $0x0;
	_ =	sdelay $0x3  }
0xa6: {  	vm0 =	vle.f32 v5, v3  }
0xa7: {  	v4 =	vmpcnt.ones.xlane vm0;
	_ =	sdelay $0x1  }
0xa8: {  	(v2sf) =	vpush v4, $0x0;
	_ =	sdelay $0x7  }
0xa9: {  	s21 =	sadd.s32 $0x70, s21;
	s25 =	spop (v2sf)  }
0xaa: {  	v4 =	vor.u32 s21, v0;
	s24 =	sadd.s32 s24, s25  }
0xab: {  	s20 =	sadd.s32 $0x400, s20;
	[tilespmem:s24+$0x8000] =	vst.msk vm0, v4  }
.Ltmp7:
0xac: {  	v4 =	vld [tilespmem:s20+$0xFFFFFFC0];
	(pc) =	sbr.rel @p1 .LBB2_6-.Ltmp7, $2  }
0xad: {  	_ =	sdelay $0x2  }
0xae: {  	s21 =	sadd.s32 s23, s7;
	s23 =	spop (v2sf)  }
0xaf: {  	vm0 =	vle.f32 v4, v3;
	v48 =	vor.u32 s21, v0;
	s22 =	sadd.s32 s24, s23  }
0xb0: {  	[tilespmem:s22+$0x8000] =	vst.msk vm0, v48;
	v49 =	vmpcnt.ones.xlane vm0  }
0xb1: {  	v5 =	vld [tilespmem:s20+$0xFFFFFFD0]  }
0xb2: {  	(v2sf) =	vpush v49, $0x0;
	_ =	sdelay $0x3  }
0xb3: {  	vm9 =	vle.f32 v5, v3  }
0xb4: {  	v50 =	vmpcnt.ones.xlane vm9;
	_ =	sdelay $0x1  }
0xb5: {  	(v2sf) =	vpush v50, $0x0;
	_ =	sdelay $0x7  }
0xb6: {  	s29 =	sadd.s32 $0x10, s21;
	s30 =	spop (v2sf)  }
0xb7: {  	v51 =	vor.u32 s29, v0;
	s22 =	sadd.s32 s22, s30  }
0xb8: {  	[tilespmem:s22+$0x8000] =	vst.msk vm9, v51  }
0xb9: {  	v4 =	vld [tilespmem:s20+$0xFFFFFFE0];
	_ =	sdelay $0x3  }
0xba: {  	s31 =	sadd.s32 $0x20, s21;
	s25 =	spop (v2sf)  }
0xbb: {  	v52 =	vor.u32 s31, v0;
	s22 =	sadd.s32 s22, s25;
	vm10 =	vle.f32 v4, v3  }
0xbc: {  	[tilespmem:s22+$0x8000] =	vst.msk vm10, v52;
	v53 =	vmpcnt.ones.xlane vm10  }
0xbd: {  	v54 =	vld [tilespmem:s20+$0xFFFFFFF0]  }
0xbe: {  	(v2sf) =	vpush v53, $0x0;
	_ =	sdelay $0x3  }
0xbf: {  	vm11 =	vle.f32 v54, v3  }
0xc0: {  	v55 =	vmpcnt.ones.xlane vm11;
	_ =	sdelay $0x1  }
0xc1: {  	(v2sf) =	vpush v55, $0x0;
	_ =	sdelay $0x7  }
0xc2: {  	s26 =	sadd.s32 $0x30, s21;
	s28 =	spop (v2sf)  }
0xc3: {  	v56 =	vor.u32 s26, v0;
	s22 =	sadd.s32 s22, s28  }
0xc4: {  	[tilespmem:s22+$0x8000] =	vst.msk vm11, v56  }
0xc5: {  	v4 =	vld [tilespmem:s20+$0x0];
	_ =	sdelay $0x3  }
0xc6: {  	s29 =	sadd.s32 $0x40, s21;
	s30 =	spop (v2sf)  }
0xc7: {  	v57 =	vor.u32 s29, v0;
	s22 =	sadd.s32 s22, s30;
	vm12 =	vle.f32 v4, v3  }
0xc8: {  	[tilespmem:s22+$0x8000] =	vst.msk vm12, v57;
	v58 =	vmpcnt.ones.xlane vm12  }
0xc9: {  	v59 =	vld [tilespmem:s20+$0x10]  }
0xca: {  	(v2sf) =	vpush v58, $0x0;
	_ =	sdelay $0x3  }
0xcb: {  	vm13 =	vle.f32 v59, v3  }
0xcc: {  	v60 =	vmpcnt.ones.xlane vm13;
	_ =	sdelay $0x1  }
0xcd: {  	(v2sf) =	vpush v60, $0x0;
	_ =	sdelay $0x7  }
0xce: {  	s31 =	sadd.s32 $0x50, s21;
	s25 =	spop (v2sf)  }
0xcf: {  	v61 =	vor.u32 s31, v0;
	s22 =	sadd.s32 s22, s25  }
0xd0: {  	[tilespmem:s22+$0x8000] =	vst.msk vm13, v61  }
0xd1: {  	v4 =	vld [tilespmem:s20+$0x20];
	_ =	sdelay $0x3  }
0xd2: {  	s26 =	sadd.s32 $0x60, s21;
	s28 =	spop (v2sf)  }
0xd3: {  	v62 =	vor.u32 s26, v0;
	s22 =	sadd.s32 s22, s28;
	vm14 =	vle.f32 v4, v3  }
0xd4: {  	[tilespmem:s22+$0x8000] =	vst.msk vm14, v62  }
0xd5: {  	v4 =	vld [tilespmem:s20+$0x30];
	_ =	sdelay $0x4  }
0xd6: {  	v63 =	vmpcnt.ones.xlane vm14;
	vm15 =	vle.f32 v4, v3  }
0xd7: {  	v3 =	vmpcnt.ones.xlane vm15  }
0xd8: {  	(v2sf) =	vpush v63, $0x0  }
0xd9: {  	(v2sf) =	vpush v3, $0x0;
	_ =	sdelay $0xd  }
0xda: {  	s29 =	spop (v2sf)  }
0xdb: {  	s22 =	sadd.s32 s22, s29;
	s30 =	spop (v2sf)  }
0xdc: {  	s20 =	sadd.s32 s22, s30  }
0xdd: {  	p1 =	slt.s32 s20, $0x200;
	s23 =	smov.u32 s20  }
0xde: {  	s23 =	simm.s32 @!p1 $0x200  }
0xdf: {  	s23 =	sadd.s32 $0xF, s23  }
0xe0: {  	s31 =	sadd.s32 $0x70, s21;
	s21 =	sshrl.u32 s23, $0x4  }
0xe1: {  	p1 =	seq.s32 s21, $0x0  }
.Ltmp8:
0xe2: {  	_ = 	snop;
	(pc) =	sbr.rel @p1 .LBB2_8-.Ltmp8, $3  }
0xe3: {  	_ =	sdelay $0x1  }
0xe4: {  	v3 =	vor.u32 s31, v0  }
0xe5: {  	[tilespmem:s22+$0x8000] =	vst.msk vm15, v3  }
0xe6: {  	p3 =	sne.s32 s21, $0x1  }
.Ltmp9:
0xe7: {  	v3 =	vmov s18;
	(pc) =	sbr.rel @!p3 .LBB2_10-.Ltmp9, $4  }
0xe8: {  	v3 =	vshll.u32 v3, $0x7  }
0xe9: {  	v3 =	vand.u32 $0x380, v3  }
0xea: {  	v5 =	vmov s20;
	s22 =	simm.s32 $0x8000;
	s20 =	simm.s32 $0x0;
	v3 =	vadd.s32 v2, v3  }
0xeb: {  	v4 =	vimm.f32 $+Inf;
	s21 =	sadd.s32 $0xFFFFFFFF, s21;
	p1 =	por $0x0, $0x0;
	p2 =	por $0x0, $0x0;
	v7 =	vld [tilespmem:s22+$0x0];
	v6 =	vbroadcast v3, $0x0;
	v3 =	vimm.s32 $0x0  }
0xec: {  	_ =	sdelay $0x3  }
0xed: {  	v8 =	vor.u32 s20, v0;
	v9 =	vand.u32 $0x7F, v7;
	v10 =	vshll.u32 v7, $0x3  }
0xee: {  	vm0 =	vlt.s32 v8, v5;
	v8 =	vand.u32 $0x3C00, v10;
	v9 =	vor.u32 v6, v9  }
0xef: {  	v8 =	vor.u32 v8, v9;
	_ =	sdelay $0x4  }
0xf0: {  	v8 =	vld.idx.msk [tilespmem:v8+s3+$0x0], vm0  }
0xf1: {  	p3 =	sne.s32 s21, $0x1  }
.Ltmp10:
0xf2: {  	_ = 	snop;
	(pc) =	sbr.rel @!p3 .LBB2_12-.Ltmp10, $3  }
0xf3: {  	_ =	sdelay $0x1  }
0xf4: {  	s22 =	simm.s32 $0x8010;
	v9 =	vnsel vm0, $0x7F800000, v8  }
0xf5: {  	s23 =	sadd.s32 $0xFFFFFFFF, s21;
	p1 =	por $0x1, $0x1;
	v8 =	vld [tilespmem:s22+$0x0];
	(xrf1) =	vsort.ascd.msk.f32 $0xffff, v9, v7  }
0xf6: {  	_ =	sdelay $0x3  }
0xf7: {  	s21 =	simm.s32 $0x10  }
0xf8: {  	v7 =	vor.u32 s21, v0;
	v9 =	vand.u32 $0x7F, v8;
	v10 =	vshll.u32 v8, $0x3  }
0xf9: {  	vm0 =	vlt.s32 v7, v5;
	v7 =	vand.u32 $0x3C00, v10;
	v9 =	vor.u32 v6, v9  }
0xfa: {  	v7 =	vor.u32 v7, v9;
	_ =	sdelay $0x4  }
0xfb: {  	v61 =	vperm.xlane v4, v1;
	v7 =	vld.idx.msk [tilespmem:v7+s3+$0x0], vm0  }
0xfc: {  	v62 =	vperm.xlane v3, v1;
	p3 =	sne.s32 s23, $0x1;
	v11, v12, _ =	vpop (xrf1)  }
.Ltmp11:
0xfd: {  	vm1 =	vle.f32 v11, v61;
	(pc) =	sbr.rel @!p3 .LBB2_15-.Ltmp11, $4  }
0xfe: {  	v9 =	vsel vm1, v11, v61;
	v10 =	vsel vm1, v12, v62  }
0xff: {  	(xrf1) =	vsort.ascd.msk.f32 $0xffff, v9, v10  }
0x100: {  	s22 =	simm.s32 $0x8020;
	v63 =	vnsel vm0, $0x7F800000, v7  }
0x101: {  	s23 =	sadd.s32 $0xFFFFFFFF, s23;
	p2 =	por $0x1, $0x1;
	v7 =	vld [tilespmem:s22+$0x0];
	(xrf1) =	vsort.ascd.msk.f32 $0xffff, v63, v8  }
.LBB2_14:
0x102: {  	p3 =	sne.s32 s23, $0x1;
	_ =	sdelay $0x2  }
0x103: {  	s21 =	sadd.s32 $0x10, s21  }
0x104: {  	v8 =	vor.u32 s21, v0;
	v9 =	vand.u32 $0x7F, v7;
	v10 =	vshll.u32 v7, $0x3  }
0x105: {  	vm0 =	vlt.s32 v8, v5;
	v8 =	vand.u32 $0x3C00, v10;
	v9 =	vor.u32 v6, v9  }
0x106: {  	v8 =	vor.u32 v8, v9;
	_ =	sdelay $0x4  }
0x107: {  	v8 =	vld.idx.msk [tilespmem:v8+s3+$0x0], vm0;
	v9, v10, _ =	vpop (xrf1)  }
0x108: {  	v9 =	vperm.xlane v9, v1  }
0x109: {  	v10 =	vperm.xlane v10, v1;
	v11, v12, _ =	vpop (xrf1)  }
.Ltmp12:
0x10a: {  	vm1 =	vle.f32 v11, v9;
	(pc) =	sbr.rel @p3 .LBB2_14-.Ltmp12, $4  }
0x10b: {  	v9 =	vsel vm1, v11, v9;
	v10 =	vsel vm1, v12, v10  }
0x10c: {  	(xrf1) =	vsort.ascd.msk.f32 $0xffff, v9, v10  }
0x10d: {  	s22 =	sadd.s32 $0x10, s22;
	v8 =	vnsel vm0, $0x7F800000, v8  }
0x10e: {  	s23 =	sadd.s32 $0xFFFFFFFF, s23;
	(xrf1) =	vsort.ascd.msk.f32 $0xffff, v8, v7;
	v7 =	vld [tilespmem:s22+$0x0]  }
.LBB2_15:
0x10f: {  	_ =	sdelay $0x4  }
0x110: {  	s21 =	sadd.s32 @p1 $0x10, s21  }
0x111: {  	s20 =	smov.u32 @p1 s21  }
0x112: {  	v8 =	vor.u32 s20, v0;
	v9 =	vand.u32 $0x7F, v7;
	v10 =	vshll.u32 v7, $0x3  }
0x113: {  	vm0 =	vlt.s32 v8, v5;
	v5 =	vand.u32 $0x3C00, v10;
	v6 =	vor.u32 v6, v9  }
0x114: {  	v5 =	vor.u32 v5, v6;
	_ =	sdelay $0x1  }
0x115: {  	v6, v8, _ =	vpop @p2 (xrf1)  }
0x116: {  	v6 =	vpsel p2, v6, v4  }
0x117: {  	v8 =	vpsel p2, v8, v3;
	v6 =	vperm.xlane @p1 v6, v1  }
0x118: {  	v5 =	vld.idx.msk [tilespmem:v5+s3+$0x0], vm0;
	v8 =	vperm.xlane @p1 v8, v1;
	v9, v10, _ =	vpop @p1 (xrf1)  }
0x119: {  	vm1 =	vle.f32 @p1 v9, v6  }
0x11a: {  	v6 =	vsel @p1 vm1, v9, v6;
	v8 =	vsel @p1 vm1, v10, v8  }
0x11b: {  	(xrf1) =	vsort.ascd.msk.f32 @p1 $0xffff, v6, v8;
	_ =	sdelay $0x1  }
0x11c: {  	v5 =	vnsel vm0, $0x7F800000, v5  }
0x11d: {  	(xrf1) =	vsort.ascd.msk.f32 $0xffff, v5, v7;
	_ =	sdelay $0xa  }
0x11e: {  	v5, v6, _ =	vpop @p1 (xrf1)  }
0x11f: {  	v4 =	vpsel p1, v5, v4  }
0x120: {  	v3 =	vpsel p1, v6, v3;
	v4 =	vperm.xlane v4, v1  }
0x121: {  	v5, v63, _ =	vpop (xrf1);
	v3 =	vperm.xlane v3, v1  }
0x122: {  	vm15 =	vle.f32 v5, v4  }
0x123: {  	v4 =	vsel vm15, v5, v4;
	v3 =	vsel vm15, v63, v3  }
0x124: {  	(xrf1) =	vsort.ascd.msk.f32 $0xffff, v4, v3;
	_ =	sdelay $0x9  }
.Ltmp13:
0x125: {  	_ = 	snop;
	(pc) =	sbr.rel .LBB2_16-.Ltmp13, $2  }
0x126: {  	_ =	sdelay $0x2  }
0x127: {  	v4, v3, _ =	vpop (xrf1)  }
.LBB2_10:
.Ltmp14:
0x128: {  	(pc) =	sbr.rel .LBB2_15-.Ltmp14, $2  }
0x129: {  	_ =	sdelay $0x2  }
0x12a: {  	s21 =	simm.s32 $0x0  }
.LBB2_12:
.Ltmp15:
0x12b: {  	_ = 	snop;
	(pc) =	sbr.rel .LBB2_15-.Ltmp15, $2  }
0x12c: {  	_ =	sdelay $0x2  }
0x12d: {  	s21 =	simm.s32 $0x0;
	v7 =	vmov v8  }
.LBB2_19:
0x12e: {  	_ =	sfence.sel $0x180000  }
0x12f: {  	[bflag:$0x0] =	sbarrier.arrive $0xFFFF  }
0x130: {  	p0 =	sne.s32 s1, $0x0;
	_ =	strace $0x9000004A  }
0x131: {  	s0 =	sadd.s32 @!p0 $0x100000, s0;
	[bflag:$0x2] =	sbarrier.arrive $0xFFFF  }
0x132: {  	[sflag:s0] =	ssyncadd.tile.s32 @!p0 $0x1;
	_ =	shalt  }
.Lfunc_end2:
_tile_overlayer_lowered:
.L_overlay_start_2:
0x133: {  	(tag) =	ssettag $0x2  }
0x134: {  	s0 =	rddreg [dreg:$0x0];
	s2 =	stileid.u32  }
0x135: {  	s1 =	rddreg [dreg:$0x1];
	p0 =	sne.s32 s2, $0x0  }
0x136: {  	s3 =	rddreg [dreg:$0x2];
	[bflag:$0x3] =	sbarrier.arrive $0xFFFF;
	s2 =	simm.s32 @!p0 $0x1C02  }
0x137: {  	[timem:s3], [sflag:s2] =	dma.local @!p0 [hbm:s0], s1  }
0x138: {  	s0 =	simm.s32 @!p0 $0x2  }
0x139: {  	_ =	swait.ge @!p0 [sflag:s0], s1  }
0x13a: {  	s1 =	ssub.s32 @!p0 $0x0, s1;
	[sflag:s0] =	ssyncset.done @!p0 $0x0  }
0x13b: {  	[sflag:s0] =	ssyncadd.s32 @!p0 s1  }
0x13c: {  	[bflag:$0x3] =	sbarrier.arrive $0xFFFF  }
0x13d: {  	_ =	shalt  }

// kernel: kernel.22.cloned.1.call-start
scs
__scs_entry_jumppad:
0x0: {  	(pc) =	sbr.rel $0x88, $3  }
0x1: {  	(tag) =	ssettag $0x0;
	lr =	simm.s32 $0x1  }
0x2: {  	[smem:$0x3F8F] =	sst lr;
	_ =	strace $0xD0000000  }
0x3: {  	_ = 	snop  }
0x4: {  	_ = 	snop  }
0x5: {  	_ = 	snop  }
0x6: {  	_ = 	snop  }
0x7: {  	_ = 	snop  }
__scs_overlays_trampoline_lowered:
0x8: {  	[smem:$0x3F9E] =	sst s0  }
0x9: {  	[smem:$0x3F9F] =	sst s1  }
0xa: {  	[smem:$0x3FA0] =	sst s2  }
0xb: {  	[smem:$0x3FA1] =	sst s3  }
0xc: {  	[smem:$0x3FA2] =	sst s4  }
0xd: {  	[smem:$0x3FA3] =	sst s5  }
0xe: {  	[smem:$0x3FA4] =	sst s6  }
0xf: {  	[smem:$0x3FA5] =	sst s7  }
0x10: {  	[smem:$0x3FA6] =	sst s8  }
0x11: {  	[smem:$0x3FA7] =	sst s9;
	s0 =	simm.s32 @!p0 $0x0  }
0x12: {  	s1 =	sld [smem:$0x3F8D];
	s0 =	simm.s32 @p0 $0x1  }
0x13: {  	[smem:$0x3FA8] =	sst s0;
	s0 =	simm.s32 @!p1 $0x0  }
0x14: {  	s2 =	sld [smem:$0x3F8C];
	s0 =	simm.s32 @p1 $0x1  }
0x15: {  	[smem:$0x3FA9] =	sst s0;
	s0 =	simm.s32 @!p2 $0x0  }
0x16: {  	s3 =	sld [smem:$0x3FDB];
	s0 =	simm.s32 @p2 $0x1  }
0x17: {  	s4 =	simm.s32 $0x1BF5;
	[smem:$0x3FAB] =	sst s0  }
0x18: {  	s0 =	sld [smem:$0x3F8E];
	_ =	swait.ge [sflag:s4], $0x0  }
0x19: {  	s7 =	sld [smem:$0x3F8F]  }
0x1a: {  	s8 =	sadd.s32 $0xFFFFE003, lr  }
0x1b: {  	s9 =	sadd.s32 $0xFFFFFEF7, lr;
	s5 =	simm.s32 $0xFFFFFFFF;
	p2 =	slt.u32 s8, $0xFFFFF086  }
0x1c: {  	p1 =	slt.u32 s9, $0xF7A;
	s5 =	simm.s32 @!p2 $0x0  }
0x1d: {  	s5 =	simm.s32 @p1 $0x1;
	p0 =	seq.s32 s7, s2  }
0x1e: {  	s7 =	smul.u32 @!p0 $0xF7A, s2;
	p2 =	seq.s32 @!p0 s5, $0x0  }
0x1f: {  	s9 =	smul.u32 $0xF7A, s1;
	s8 =	simm.s32 @!p0 $0x1BF5;
	p2 =	por !p2, p0  }
0x20: {  	[sflag:s8] =	ssyncset.s32 @!p0 $0xFFFFF086;
	s6 =	sadd.s32 @!p0 s3, s7;
	s7 =	simm.s32 @!p0 $0x108  }
0x21: {  	s3 =	sadd.s32 s3, s9;
	s6 =	sadd.s32 @!p0 $0x88, s6;
	s7 =	simm.s32 @p2 $0x1082  }
0x22: {  	[simem:s7], [sflag:s8] =	dma.local @!p0 [hbm:s6], $0xF7A  }
0x23: {  	s9 =	sor.u32 $0xD0000000, s2;
	s6 =	simm.s32 $0x108;
	_ =	swait.ge @!p0 [sflag:s8], $0x0  }
0x24: {  	s3 =	sadd.s32 $0x88, s3;
	s6 =	simm.s32 @!p1 $0x1082;
	[sflag:s4] =	ssyncset.s32 $0xFFFFF086  }
0x25: {  	[simem:s6], [sflag:s4] =	dma.local [hbm:s3], $0xF7A  }
0x26: {  	[smem:$0x3F8F] =	sst s1;
	(tag) =	ssettag s2;
	_ =	strace s9  }
0x27: {  	s1 =	sld [smem:$0x3F9F]  }
0x28: {  	s2 =	sld [smem:$0x3FA0]  }
0x29: {  	s4 =	sld [smem:$0x3FA2]  }
0x2a: {  	p0 =	seq.s32 s5, $0x0;
	s5 =	sld [smem:$0x3FA3]  }
0x2b: {  	s6 =	sld [smem:$0x3FA4]  }
0x2c: {  	s7 =	sld [smem:$0x3FA5]  }
0x2d: {  	s3 =	simm.s32 $0x108;
	s8 =	sld [smem:$0x3FA6]  }
0x2e: {  	s3 =	simm.s32 @!p0 $0x1082;
	s9 =	sld [smem:$0x3FA7]  }
0x2f: {  	lr =	sadd.s32 s0, s3;
	s0 =	sld [smem:$0x3F9E]  }
0x30: {  	s3 =	sld [smem:$0x3FA1]  }
0x31: {  	[smem:$0x3FAA] =	sst s10  }
0x32: {  	s10 =	sld [smem:$0x3FA8];
	_ =	sdelay $0x3  }
0x33: {  	p0 =	seq.s32 s10, $0x1;
	s10 =	sld [smem:$0x3FAA];
	_ =	sdelay $0x3  }
0x34: {  	[smem:$0x3FAA] =	sst s10  }
0x35: {  	s10 =	sld [smem:$0x3FA9];
	_ =	sdelay $0x3  }
0x36: {  	p1 =	seq.s32 s10, $0x1;
	s10 =	sld [smem:$0x3FAA];
	_ =	sdelay $0x3  }
0x37: {  	[smem:$0x3FAA] =	sst s10  }
0x38: {  	s10 =	sld [smem:$0x3FAB]  }
0x39: {  	_ = 	snop;
	(pc) =	sbr.ind lr, $3  }
0x3a: {  	_ = 	snop  }
0x3b: {  	_ = 	snop  }
0x3c: {  	p2 =	seq.s32 s10, $0x1;
	s10 =	sld [smem:$0x3FAA]  }
0x3d: {  	_ =	shalt  }
0x3e: {  	_ =	shalt  }
0x3f: {  	_ =	shalt  }
0x40: {  	_ =	shalt  }
0x41: {  	_ =	shalt  }
0x42: {  	_ =	shalt  }
0x43: {  	_ =	shalt  }
0x44: {  	_ =	shalt  }
0x45: {  	_ =	shalt  }
0x46: {  	_ =	shalt  }
0x47: {  	_ =	shalt  }
0x48: {  	_ =	shalt  }
0x49: {  	_ =	shalt  }
0x4a: {  	_ =	shalt  }
0x4b: {  	_ =	shalt  }
0x4c: {  	_ =	shalt  }
0x4d: {  	_ =	shalt  }
0x4e: {  	_ =	shalt  }
0x4f: {  	_ =	shalt  }
0x50: {  	_ =	shalt  }
0x51: {  	_ =	shalt  }
0x52: {  	_ =	shalt  }
0x53: {  	_ =	shalt  }
0x54: {  	_ =	shalt  }
0x55: {  	_ =	shalt  }
0x56: {  	_ =	shalt  }
0x57: {  	_ =	shalt  }
0x58: {  	_ =	shalt  }
0x59: {  	_ =	shalt  }
0x5a: {  	_ =	shalt  }
0x5b: {  	_ =	shalt  }
0x5c: {  	_ =	shalt  }
0x5d: {  	_ =	shalt  }
0x5e: {  	_ =	shalt  }
0x5f: {  	_ =	shalt  }
0x60: {  	_ =	shalt  }
0x61: {  	_ =	shalt  }
0x62: {  	_ =	shalt  }
0x63: {  	_ =	shalt  }
0x64: {  	_ =	shalt  }
0x65: {  	_ =	shalt  }
0x66: {  	_ =	shalt  }
0x67: {  	_ =	shalt  }
0x68: {  	_ =	shalt  }
0x69: {  	_ =	shalt  }
0x6a: {  	_ =	shalt  }
0x6b: {  	_ =	shalt  }
0x6c: {  	_ =	shalt  }
0x6d: {  	_ =	shalt  }
0x6e: {  	_ =	shalt  }
0x6f: {  	_ =	shalt  }
0x70: {  	_ =	shalt  }
0x71: {  	_ =	shalt  }
0x72: {  	_ =	shalt  }
0x73: {  	_ =	shalt  }
0x74: {  	_ =	shalt  }
0x75: {  	_ =	shalt  }
0x76: {  	_ =	shalt  }
0x77: {  	_ =	shalt  }
0x78: {  	_ =	shalt  }
0x79: {  	_ =	shalt  }
0x7a: {  	_ =	shalt  }
0x7b: {  	_ =	shalt  }
0x7c: {  	_ =	shalt  }
0x7d: {  	_ =	shalt  }
0x7e: {  	_ =	shalt  }
0x7f: {  	_ =	shalt  }
0x80: {  	_ =	shalt  }
0x81: {  	_ =	shalt  }
0x82: {  	_ =	shalt  }
0x83: {  	_ =	shalt  }
0x84: {  	_ =	shalt  }
0x85: {  	_ =	shalt  }
0x86: {  	_ =	shalt  }
0x87: {  	_ =	shalt  }
.Lfunc_end0:
.L_simem_size_0:
called_computation.3_lowered:
.L_overlay_start_0:
0x88: {  	s2 =	sld [smem:$0x3FD9]  }
0x89: {  	s3 =	sld [smem:$0x3FFE];
	_ =	sdelay $0x1  }
0x8a: {  	s1 =	srdreg.scid  }
0x8b: {  	s0 =	sand.u32 $0x1, s1  }
0x8c: {  	s16 =	sshll.u32 s0, $0xA;
	s2 =	sadd.s32 s3, s2  }
0x8d: {  	s2 =	sadd.s32 s2, s16  }
0x8e: {  	[smem:$0x3FB6] =	sst s2  }
0x8f: {  	_ = 	snop  }
0x90: {  	(tm) =	ssettm $0x1  }
0x91: {  	s17 =	sld [smem:$0x3FFB];
	_ =	sdelay $0x3  }
0x92: {  	_ =	strace s17  }
0x93: {  	s2 =	sld [smem:$0x3FFC];
	_ =	sdelay $0x3  }
0x94: {  	_ =	strace s2  }
0x95: {  	s2 =	sld [smem:$0x3FFD];
	_ =	sdelay $0x3  }
0x96: {  	_ =	strace s2  }
0x97: {  	_ =	strace $0x8FFFFFFF  }
0x98: {  	s18 =	sld [smem:$0x3FDB];
	_ =	sdelay $0x1  }
0x99: {  	s19 =	simm.s32 $_scs_section_size  }
0x9a: {  	s4 =	simm.s32 $_size__tile_overlayer_lowered;
	s5 =	simm.s32 $_tile_overlayer_lowered  }
0x9b: {  	s22 =	simm.s32 $0x1BFF;
	s21 =	sshll.u32 s5, $0x1;
	s2 =	sadd.s32 s19, s18  }
0x9c: {  	s6 =	simm.s32 $0x0;
	s20 =	sshll.u32 s4, $0x1;
	s4 =	sadd.s32 s21, s2  }
0x9d: {  	[timem:s6], [sflag:s22] =	dma.local [hbm:s4], s20  }
0x9e: {  	_ =	swait.ge [sflag:s22], s20  }
0x9f: {  	s3 =	ssub.s32 $0x0, s20;
	[sflag:s22] =	ssyncset.done $0x0  }
0xa0: {  	[sflag:s22] =	ssyncadd.s32 s3;
	_ =	sdelay $0x1  }
0xa1: {  	s23 =	simm.s32 $0x1B8B  }
0xa2: {  	_ =	swait.ge [sflag:s23], $0x1  }
0xa3: {  	[sflag:s23] =	ssyncset.done $0x0  }
0xa4: {  	s25 =	simm.s32 $0x1B8E;
	s24 =	sld [smem:$0x3FFE];
	[sflag:s23] =	ssyncadd.s32 $0xFFFFFFFF  }
0xa5: {  	s26 =	simm.s32 $execute0_lowered;
	[smem:$0x3FD2] =	sst s25  }
0xa6: {  	s4 =	sshll.u32 s26, $0x1;
	_ =	strace $0x8000004F;
	[dreg:$0x1] =	wrdreg $0xFFFFFFFF  }
0xa7: {  	s28 =	simm.s32 $_size_execute0_lowered;
	s2 =	sadd.s32 s2, s4;
	[dreg:$0x0] =	wrdreg $0x0  }
0xa8: {  	s4 =	sshll.u32 s28, $0x1;
	[dreg:$0x2] =	wrdreg s2  }
0xa9: {  	[dreg:$0x3] =	wrdreg s4  }
0xaa: {  	[dreg:$0x4] =	wrdreg $0xC0  }
0xab: {  	_ =	task [dreg:s6], $0x5FFFF  }
0xac: {  	[dreg:$0x1] =	wrdreg $0xFFFFFFFF  }
0xad: {  	[dreg:$0x0] =	wrdreg $0x60  }
0xae: {  	[dreg:$0x2] =	wrdreg s24  }
0xaf: {  	[dreg:$0x3] =	wrdreg $0x9  }
0xb0: {  	_ =	task.clear_ibuf [dreg:s6], $0x4FFFF;
	_ =	strace $0x9000004F  }
0xb1: {  	s29 =	simm.s32 $0x9;
	_ =	strace $0x80000051  }
0xb2: {  	_ =	swait.ge [sflag:s29], $0x1  }
0xb3: {  	[sflag:s29] =	ssyncadd.s32 $0xFFFFFFFF  }
0xb4: {  	_ =	strace $0x90000051  }
0xb5: {  	_ =	sfence  }
0xb6: {  	s30 =	sld [smem:$0x0];
	_ =	sdelay $0x2  }
0xb7: {  	s31 =	sshll.u32 s1, $0xD;
	s1 =	sshrl.u32 s1, $0x2  }
0xb8: {  	s3 =	sand.u32 $0x4000, s31;
	s1 =	sadd.s32 s1, s30  }
0xb9: {  	s0 =	sor.u32 s3, s0;
	s1 =	sshll.u32 s1, $0x11  }
0xba: {  	s0 =	sor.u32 s1, s0  }
0xbb: {  	s0 =	sadd.s32 $0x8F2B, s0  }
0xbc: {  	[sflag:s0] =	ssyncadd.remote.s32 $0x1  }
0xbd: {  	_ =	sfence.sel $0xFFFF  }
0xbe: {  	[dreg:$0x0] =	wrdreg $0xFFFFFFFF;
	(pc) =	sbr.abs _section_cstart, $3  }
0xbf: {  	[dreg:$0x1] =	wrdreg $0xFFFFFFFF  }
0xc0: {  	_ =	task.clear_ibuf [dreg:s6], $0x2FFFF;
	_ =	strace $0x9FFFFFFF  }
0xc1: {  	(tm) =	ssettm $0x7FFFFFFF  }
tec
execute0_lowered:
.L_overlay_start_1:
0x0: {  	(tag) =	ssettag $0x1  }
0x1: {  	s4 =	rddreg [dreg:$0x0]  }
0x2: {  	s0 =	rddreg [dreg:$0x1];
	s2 =	simm.s32 $0x0;
	s3 =	srdreg.scid  }
0x3: {  	s1 =	stileid.u32;
	s10 =	simm.s32 $0x0;
	[smem:$0x7FF] =	sst s2  }
0x4: {  	s5 =	sand.u32 $0x1, s3;
	s6 =	sshll.u32 s1, $0xC;
	s3 =	sadd.s32 $0x7000, s4  }
0x5: {  	s8 =	sshll.u32 s1, $0x10;
	_ =	strace $0x80000050;
	s7 =	sshll.u32 s5, $0xB  }
0x6: {  	s31 =	ssub.s32 $0x2, s5;
	s8 =	sadd.s32 s8, s4;
	s5 =	sshll.u32 s5, $0xF  }
0x7: {  	s6 =	sor.u32 s7, s6;
	s9 =	sshrl.u32 s31, $0x1;
	s5 =	sadd.s32 s5, s8  }
0x8: {  	s8 =	simm.s32 $0x80;
	s6 =	sshrl.u32 s6, $0x3;
	s7 =	ssub.s32 s31, s9  }
0x9: {  	s5 =	sadd.s32 $0x27000, s5;
	s9 =	simm.s32 $0x1;
	s6 =	sadd.s32 s6, s4  }
0xa: {  	s4 =	smax.u32 s7, $0x1;
	s7 =	simm.s32 $0x2;
	s6 =	sadd.s32 $0x5000, s6  }
.LBB2_1:
0xb: {  	s11 =	sadd.s32 $0x0, s6  }
0xc: {  	[tilespmem:s2], [sflag:$0x2] =	stream.linear.gather [hbm4b:s11+s2], $0x80, $0x38;
	[tilespmem:$0x4080] =	vst v63  }
0xd: {  	_ =	swait.ge [sflag:s7], $0x80  }
0xe: {  	[sflag:s7] =	ssyncset.done $0x0  }
0xf: {  	[sflag:s7] =	ssyncadd.s32 $0xFFFFFF80  }
0x10: {  	[tilespmem:s8], [sflag:$0x1] =	stream.indirect.gather [hbm4b:s3+s8], $0x80, s2, s8, $0xb8;
	[tilespmem:$0x4080] =	vst v63  }
0x11: {  	_ =	swait.ge [sflag:s9], $0x4000  }
0x12: {  	[sflag:s9] =	ssyncset.done $0x0  }
0x13: {  	[sflag:s9] =	ssyncadd.s32 $0xFFFFC000  }
0x14: {  	[hbm4b:s5+s2] =	stream.linear.scatter [tilespmem:s8], [sflag:$0x2], $0x4000, $0x38;
	[tilespmem:$0x4080] =	vst v63  }
0x15: {  	s12 =	simm.s32 $0x10;
	_ =	swait.ge [sflag:s7], $0x4000  }
0x16: {  	s13 =	simm.s32 $0x20;
	s11 =	sadd.s32 $0x800, s5;
	[sflag:s7] =	ssyncset.done $0x0  }
.LBB2_2:
0x17: {  	s14 =	sadd.s32 s12, s6  }
0x18: {  	[sflag:s7] =	ssyncadd.s32 $0xFFFFC000;
	s12 =	smov.u32 s13;
	s15 =	sadd.s32 $0x10, s13  }
0x19: {  	[tilespmem:s2], [sflag:$0x2] =	stream.linear.gather [hbm4b:s14+s2], $0x80, $0x38;
	[tilespmem:$0x4080] =	vst v63  }
0x1a: {  	p0 =	sne.s32 s13, $0xF0;
	_ =	swait.ge [sflag:s7], $0x80  }
0x1b: {  	[sflag:s7] =	ssyncset.done $0x0  }
0x1c: {  	[sflag:s7] =	ssyncadd.s32 $0xFFFFFF80  }
0x1d: {  	[tilespmem:s8], [sflag:$0x1] =	stream.indirect.gather [hbm4b:s3+s8], $0x80, s2, s8, $0xb8;
	[tilespmem:$0x4080] =	vst v63  }
0x1e: {  	_ =	swait.ge [sflag:s9], $0x4000  }
.Ltmp0:
0x1f: {  	[sflag:s9] =	ssyncset.done $0x0;
	(pc) =	sbr.rel @p0 .LBB2_2-.Ltmp0, $4  }
0x20: {  	[sflag:s9] =	ssyncadd.s32 $0xFFFFC000  }
0x21: {  	[hbm4b:s11+s2] =	stream.linear.scatter [tilespmem:s8], [sflag:$0x2], $0x4000, $0x38;
	[tilespmem:$0x4080] =	vst v63  }
0x22: {  	_ =	swait.ge [sflag:s7], $0x4000  }
0x23: {  	s13 =	smov.u32 s15;
	s11 =	sadd.s32 $0x800, s11;
	[sflag:s7] =	ssyncset.done $0x0  }
0x24: {  	s12 =	sadd.s32 s12, s6;
	[sflag:s7] =	ssyncadd.s32 $0xFFFFC000  }
0x25: {  	[tilespmem:s2], [sflag:$0x2] =	stream.linear.gather [hbm4b:s12+s2], $0x80, $0x38;
	[tilespmem:$0x4080] =	vst v63  }
0x26: {  	_ =	swait.ge [sflag:s7], $0x80  }
0x27: {  	[sflag:s7] =	ssyncset.done $0x0  }
0x28: {  	[sflag:s7] =	ssyncadd.s32 $0xFFFFFF80  }
0x29: {  	[tilespmem:s8], [sflag:$0x1] =	stream.indirect.gather [hbm4b:s3+s8], $0x80, s2, s8, $0xb8;
	[tilespmem:$0x4080] =	vst v63  }
0x2a: {  	s10 =	sadd.s32 $0x1, s10;
	_ =	swait.ge [sflag:s9], $0x4000  }
0x2b: {  	p0 =	sne.s32 s10, s4;
	[sflag:s9] =	ssyncset.done $0x0  }
.Ltmp1:
0x2c: {  	[sflag:s9] =	ssyncadd.s32 $0xFFFFC000;
	(pc) =	sbr.rel @p0 .LBB2_1-.Ltmp1, $4  }
0x2d: {  	[hbm4b:s11+s2] =	stream.linear.scatter [tilespmem:s8], [sflag:$0x2], $0x4000, $0x38;
	[tilespmem:$0x4080] =	vst v63  }
0x2e: {  	_ =	swait.ge [sflag:s7], $0x4000  }
0x2f: {  	[sflag:s7] =	ssyncset.done $0x0  }
0x30: {  	[sflag:s7] =	ssyncadd.s32 $0xFFFFC000  }
0x31: {  	_ =	sfence.sel $0x180000  }
0x32: {  	[bflag:$0x0] =	sbarrier.arrive $0xFFFF  }
0x33: {  	p0 =	sne.s32 s1, $0x0;
	_ =	strace $0x90000050  }
0x34: {  	s0 =	sadd.s32 @!p0 $0x100000, s0;
	[bflag:$0x2] =	sbarrier.arrive $0xFFFF  }
0x35: {  	[sflag:s0] =	ssyncadd.tile.s32 @!p0 $0x1;
	_ =	shalt  }
.Lfunc_end2:
_tile_overlayer_lowered:
.L_overlay_start_2:
0x36: {  	(tag) =	ssettag $0x2  }
0x37: {  	s0 =	rddreg [dreg:$0x0];
	s2 =	stileid.u32  }
0x38: {  	s1 =	rddreg [dreg:$0x1];
	p0 =	sne.s32 s2, $0x0  }
0x39: {  	s3 =	rddreg [dreg:$0x2];
	[bflag:$0x3] =	sbarrier.arrive $0xFFFF;
	s2 =	simm.s32 @!p0 $0x1C02  }
0x3a: {  	[timem:s3], [sflag:s2] =	dma.local @!p0 [hbm:s0], s1  }
0x3b: {  	s0 =	simm.s32 @!p0 $0x2  }
0x3c: {  	_ =	swait.ge @!p0 [sflag:s0], s1  }
0x3d: {  	s1 =	ssub.s32 @!p0 $0x0, s1;
	[sflag:s0] =	ssyncset.done @!p0 $0x0  }
0x3e: {  	[sflag:s0] =	ssyncadd.s32 @!p0 s1  }
0x3f: {  	[bflag:$0x3] =	sbarrier.arrive $0xFFFF  }
0x40: {  	_ =	shalt  }

</sc_bundles>
